<compile_context>
chip_gen: v7x
topology: tpu7x:2x2x1
jax: 0.10.2.dev20260603
libtpu: 0.0.44.dev20260713+nightly
codegen_flags: <defaults>
</compile_context>

<pallas_src>
import functools

import jax
import jax.numpy as jnp
from jax import lax
from jax.experimental import pallas as pl
from jax.experimental.pallas import tpu as pltpu
from jax.experimental.pallas import tpu_sc as plsc

N = 10000
E = 320000
L = 128

NC = 2
NS = 16
NW = NC * NS
EDGES_PER_TILE = E // NW
CHUNK = 125
NCHUNK = EDGES_PER_TILE // CHUNK
NPAD = 10240
ROWS_PER_TILE = NPAD // NS


def _sc_agg_body(h_hbm, send_hbm, recv_hbm, zero_hbm, out_hbm,
                 sendi, recvi, rows_v, agg_sh, gsem, ssem, isem):
    cid = lax.axis_index("c")
    sid = lax.axis_index("s")
    wid = cid * NS + sid

    row0 = sid * ROWS_PER_TILE
    pltpu.sync_copy(zero_hbm, agg_sh.at[pl.ds(row0, ROWS_PER_TILE)])

    NG = NCHUNK // 2

    def _ipull(g, slot):
        pltpu.async_copy(send_hbm.at[wid, pl.ds(2 * g, 2)], sendi.at[slot], isem)
        pltpu.async_copy(recv_hbm.at[wid, pl.ds(2 * g, 2)], recvi.at[slot], isem)

    def _iwait(g, slot):
        pltpu.make_async_copy(send_hbm.at[wid, pl.ds(2 * g, 2)], sendi.at[slot],
                              isem).wait()
        pltpu.make_async_copy(recv_hbm.at[wid, pl.ds(2 * g, 2)], recvi.at[slot],
                              isem).wait()

    def _gather(slot, b, buf):
        return pltpu.async_copy(h_hbm.at[sendi.at[slot, b]], rows_v.at[buf],
                                gsem)

    def _gwait(slot, b, buf):
        pltpu.make_async_copy(h_hbm.at[sendi.at[slot, b]], rows_v.at[buf],
                              gsem).wait()

    def _scatter(slot, b, buf):
        return pltpu.async_copy(rows_v.at[buf], agg_sh.at[recvi.at[slot, b]],
                                ssem, add=True)

    def _swait(slot, b, buf):
        pltpu.make_async_copy(rows_v.at[buf], agg_sh.at[recvi.at[slot, b]],
                              ssem).wait()

    pltpu.sync_copy(send_hbm.at[wid, pl.ds(0, 2)], sendi.at[0])
    pltpu.sync_copy(recv_hbm.at[wid, pl.ds(0, 2)], recvi.at[0])
    plsc.subcore_barrier()
    _gather(0, 0, 0)

    def group(g, carry):
        gb = lax.rem(g, 2)
        nb = 1 - gb
        _gwait(gb, 0, 0)

        @pl.when(g > 0)
        def _():
            _swait(nb, 1, 1)

        @pl.when(g < NG - 1)
        def _():
            _ipull(g + 1, nb)

        _scatter(gb, 0, 0)
        _gather(gb, 1, 1)
        _gwait(gb, 1, 1)
        _swait(gb, 0, 0)
        _scatter(gb, 1, 1)

        @pl.when(g < NG - 1)
        def _():
            _iwait(g + 1, nb)
            _gather(nb, 0, 0)

        return carry

    lax.fori_loop(0, NG, group, 0, unroll=False)
    _swait(lax.rem(NG - 1, 2), 1, 1)
    plsc.subcore_barrier()

    pltpu.sync_copy(agg_sh.at[pl.ds(row0, ROWS_PER_TILE)],
                    out_hbm.at[cid, pl.ds(row0, ROWS_PER_TILE)])


@functools.lru_cache(maxsize=1)
def _make_sc_agg():
    return pl.kernel(
        _sc_agg_body,
        out_type=jax.ShapeDtypeStruct((NC, NPAD, L), jnp.float32),
        mesh=plsc.VectorSubcoreMesh(core_axis_name="c", subcore_axis_name="s"),
        scratch_types=[
            pltpu.VMEM((2, 2, CHUNK), jnp.int32),
            pltpu.VMEM((2, 2, CHUNK), jnp.int32),
            pltpu.VMEM((2, CHUNK, L), jnp.float32),
            pltpu.VMEM_SHARED((NPAD, L), jnp.float32),
            pltpu.SemaphoreType.DMA,
            pltpu.SemaphoreType.DMA,
            pltpu.SemaphoreType.DMA,
        ],
    )


def _sc_agg(h, send, recv, zero):
    return _make_sc_agg()(h, send, recv, zero)


BN = 1000
GN = N // BN


def _ln(u, g, b):
    m = jnp.mean(u, axis=-1, keepdims=True)
    v = jnp.mean((u - m) * (u - m), axis=-1, keepdims=True)
    return (u - m) * lax.rsqrt(v + 1e-5) * g + b


def _split_w(w):
    hi = w.astype(jnp.bfloat16)
    lo = (w - hi.astype(jnp.float32)).astype(jnp.bfloat16)
    return jnp.stack([hi, lo])


def _dot(a, wp):
    a_hi = a.astype(jnp.bfloat16)
    a_lo = (a - a_hi.astype(jnp.float32)).astype(jnp.bfloat16)
    return (jnp.dot(a_hi, wp[0], preferred_element_type=jnp.float32)
            + jnp.dot(a_lo, wp[0], preferred_element_type=jnp.float32)
            + jnp.dot(a_hi, wp[1], preferred_element_type=jnp.float32))


def _enc_tc_body(x_ref, w0, w1, w2, w3, b0, b1, b2, b3, g, bl, out_ref):
    u = x_ref[...]
    u = jax.nn.relu(_dot(u, w0[...]) + b0[...])
    u = jax.nn.relu(_dot(u, w1[...]) + b1[...])
    u = jax.nn.relu(_dot(u, w2[...]) + b2[...])
    u = _dot(u, w3[...]) + b3[...]
    out_ref[...] = _ln(u, g[...], bl[...])


def _mp_tc_body(h_ref, p_ref, w0a, w0b, w1, w2, w3,
                b0, b1, b2, b3, g, bl, out_ref):
    h = h_ref[...]
    agg = p_ref[0] + p_ref[1]
    u = jax.nn.relu(_dot(h, w0a[...]) + _dot(agg, w0b[...]) + b0[...])
    u = jax.nn.relu(_dot(u, w1[...]) + b1[...])
    u = jax.nn.relu(_dot(u, w2[...]) + b2[...])
    u = _dot(u, w3[...]) + b3[...]
    out_ref[...] = _ln(u, g[...], bl[...])


def _dec_tc_body(h_ref, w0, w1, w2, w3, b0, b1, b2, b3, out_ref):
    u = h_ref[...]
    u = jax.nn.relu(_dot(u, w0[...]) + b0[...])
    u = jax.nn.relu(_dot(u, w1[...]) + b1[...])
    u = jax.nn.relu(_dot(u, w2[...]) + b2[...])
    out_ref[...] = _dot(u, w3[...]) + b3[...]


def _row_spec(bn, d):
    return pl.BlockSpec((bn, d), lambda i: (i, 0))


def _full_spec(shape):
    nd = len(shape)
    return pl.BlockSpec(shape, lambda i: (0,) * nd)


def _enc_tc(x, Ws, bs, g, b):
    args = [x] + [_split_w(w) for w in Ws] + [bb.reshape(1, L) for bb in bs] + [
        g.reshape(1, L), b.reshape(1, L)]
    specs = [_row_spec(BN, L)] + [_full_spec(w.shape) for w in args[1:]]
    return pl.pallas_call(
        _enc_tc_body,
        grid=(GN,),
        in_specs=specs,
        out_specs=_row_spec(BN, L),
        out_shape=jax.ShapeDtypeStruct((N, L), jnp.float32),
    )(*args)


def _mp_tc(h, p, Ws, bs, g, b):
    w0a = _split_w(Ws[0][:L])
    w0b = _split_w(Ws[0][L:])
    args = [h, p, w0a, w0b, _split_w(Ws[1]), _split_w(Ws[2]), _split_w(Ws[3])] + [
        bb.reshape(1, L) for bb in bs] + [g.reshape(1, L), b.reshape(1, L)]
    specs = ([_row_spec(BN, L),
              pl.BlockSpec((NC, BN, L), lambda i: (0, i, 0))] +
             [_full_spec(a.shape) for a in args[2:]])
    return pl.pallas_call(
        _mp_tc_body,
        grid=(GN,),
        in_specs=specs,
        out_specs=_row_spec(BN, L),
        out_shape=jax.ShapeDtypeStruct((N, L), jnp.float32),
    )(h, p, *args[2:])


def _dec_tc(h, Ws, bs):
    args = [h] + [_split_w(w) for w in Ws] + [bb.reshape(1, L) for bb in bs]
    specs = [_row_spec(BN, L)] + [_full_spec(a.shape) for a in args[1:]]
    return pl.pallas_call(
        _dec_tc_body,
        grid=(GN,),
        in_specs=specs,
        out_specs=_row_spec(BN, L),
        out_shape=jax.ShapeDtypeStruct((N, L), jnp.float32),
    )(*args)


def kernel(x, params, edge_index):
    send = edge_index[0].astype(jnp.int32).reshape(NW, NCHUNK, CHUNK)
    recv = edge_index[1].astype(jnp.int32).reshape(NW, NCHUNK, CHUNK)
    zero = jnp.zeros((ROWS_PER_TILE, L), jnp.float32)

    enc = params["enc"]
    h = _enc_tc(x, enc["Ws"], enc["bs"], enc["g"], enc["b"])
    for mp in params["mps"]:
        p = _sc_agg(h, send, recv, zero)
        h = _mp_tc(h, p, mp["Ws"], mp["bs"], mp["g"], mp["b"])
    dec = params["dec"]
    out = _dec_tc(h, dec["Ws"], dec["bs"])
    return out[:, 1:3]

# --- scband reference (transcript-rebuilt; emitter-appended) ---
"""Pipeline reference for scband-gmn-63574105915539 (READ-ONLY COPY).

The authoritative reference and input builder live on the scoring server;
editing this copy changes nothing except your own understanding.
"""

import jax, jax.numpy as jnp
import numpy as np

N = 10000
E = 320000
D = 128
L = 128
MP = 5

def _make_mlp(key, dims):
    Ws = []
    bs = []
    for i in range(len(dims) - 1):
        key, k1 = jax.random.split(key)
        Ws.append(jax.random.normal(k1, (dims[i], dims[i + 1]), dtype=jnp.float32) * (1.0 / np.sqrt(dims[i])))
        bs.append(jnp.zeros((dims[i + 1],), dtype=jnp.float32))
    return Ws, bs

def setup_inputs(seed: int = 0):
    key = jax.random.key(seed)
    kx, ke, kp = jax.random.split(key, 3)
    x = jax.random.normal(kx, (N, D), dtype=jnp.float32)
    edge_index = jax.random.randint(ke, (2, E), 0, N).astype(jnp.int64)
    keys = jax.random.split(kp, MP + 2)
    eWs, ebs = _make_mlp(keys[0], [D, L, L, L, L])
    enc = {"Ws": eWs, "bs": ebs, "g": jnp.ones((L,), dtype=jnp.float32), "b": jnp.zeros((L,), dtype=jnp.float32)}
    mps = []
    for i in range(MP):
        Ws, bs = _make_mlp(keys[1 + i], [2 * L, L, L, L, L])
        mps.append({"Ws": Ws, "bs": bs, "g": jnp.ones((L,), dtype=jnp.float32), "b": jnp.zeros((L,), dtype=jnp.float32)})
    dWs, dbs = _make_mlp(keys[MP + 1], [L, L, L, L, D])
    dec = {"Ws": dWs, "bs": dbs}
    params = {"enc": enc, "mps": mps, "dec": dec}
    return {"x": x, "params": params, "edge_index": edge_index}

def _mlp(x, Ws, bs):
    for i in range(3):
        x = jax.nn.relu(x @ Ws[i] + bs[i])
    return x @ Ws[3] + bs[3]

def _ln(x, g, b):
    m = jnp.mean(x, axis=-1, keepdims=True)
    v = jnp.var(x, axis=-1, keepdims=True)
    return (x - m) / jnp.sqrt(v + 1e-5) * g + b

def reference(x, params, edge_index):
    send = edge_index[0]
    recv = edge_index[1]
    h = _ln(_mlp(x, params["enc"]["Ws"], params["enc"]["bs"]), params["enc"]["g"], params["enc"]["b"])
    for mp in params["mps"]:
        agg = jax.ops.segment_sum(h[send], recv, num_segments=h.shape[0])
        h = _ln(_mlp(jnp.concatenate([h, agg], axis=-1), mp["Ws"], mp["bs"]), mp["g"], mp["b"])
    out = _mlp(h, params["dec"]["Ws"], params["dec"]["bs"])
    return out[:, 1:3]

if __name__ == "__main__":
    import jax
    _d = setup_inputs()
    print(jax.jit(kernel)(*tuple(_d.values())))

</pallas_src>

<mosaic_0001>
#map = affine_map<(d0, d1) -> (0, 0)>
#map1 = affine_map<(d0, d1) -> (0, 0, 0)>
module attributes {stable_mosaic.version = 14 : i64} {
  func.func @_sc_agg_body(%arg0: i32, %arg1: i32, %arg2: memref<10000x128xf32, #tpu.memory_space<hbm>>, %arg3: memref<32x80x125xi32, #tpu.memory_space<hbm>>, %arg4: memref<32x80x125xi32, #tpu.memory_space<hbm>>, %arg5: memref<640x128xf32, #tpu.memory_space<hbm>>, %arg6: memref<2x10240x128xf32, #tpu.memory_space<hbm>>, %arg7: memref<2x2x125xi32, #tpu.memory_space<vmem>>, %arg8: memref<2x2x125xi32, #tpu.memory_space<vmem>>, %arg9: memref<2x125x128xf32, #tpu.memory_space<vmem>>, %arg10: memref<10240x128xf32, #tpu.memory_space<vmem_shared>>, %arg11: memref<!tpu.dma_semaphore, #tpu.memory_space<semaphore_mem>>, %arg12: memref<!tpu.dma_semaphore, #tpu.memory_space<semaphore_mem>>, %arg13: memref<!tpu.dma_semaphore, #tpu.memory_space<semaphore_mem>>) attributes {dimension_semantics = [#tpu.dimension_semantics<core_parallel>, #tpu.dimension_semantics<subcore_parallel>], iteration_bounds = array<i64: 2, 16>, scalar_prefetch = 0 : i64, scratch_operands = 7 : i64, tpu.core_type = #tpu.core_type<sc_vector_subcore>, window_params = [{transform_indices = #map}, {transform_indices = #map1}, {transform_indices = #map1}, {transform_indices = #map}, {transform_indices = #map1}]} {
    %mul3A = arith.constant 16 : i32
    %mul3A_0 = arith.muli %arg0, %mul3A : i32
    %add3A = arith.addi %mul3A_0, %arg1 : i32
    %mul3A_1 = arith.constant 640 : i32
    %mul3A_2 = arith.muli %arg1, %mul3A_1 : i32
    "tpu.region"() ({
      %run_scoped3A_35 = tpu.sem_alloc : memref<!tpu.dma_semaphore, #tpu.memory_space<semaphore_mem>>
      %dma_start3A_36 = arith.constant 0 : i32
      %dma_start3A_37 = tpu.memref_slice %arg10[%mul3A_2, %dma_start3A_36] : memref<10240x128xf32, #tpu.memory_space<vmem_shared>> -> memref<640x128xf32, #tpu.memory_space<vmem_shared>>
      tpu.enqueue_dma source(%arg5 : memref<640x128xf32, #tpu.memory_space<hbm>>) target(%dma_start3A_37 : memref<640x128xf32, #tpu.memory_space<vmem_shared>>) target_semaphore(%run_scoped3A_35 : memref<!tpu.dma_semaphore, #tpu.memory_space<semaphore_mem>>)
      %dma_wait3A_38 = arith.constant 0 : i32
      %dma_wait3A_39 = tpu.memref_slice %arg10[%mul3A_2, %dma_wait3A_38] : memref<10240x128xf32, #tpu.memory_space<vmem_shared>> -> memref<640x128xf32, #tpu.memory_space<vmem_shared>>
      tpu.wait_dma2 semaphore(%run_scoped3A_35 : memref<!tpu.dma_semaphore, #tpu.memory_space<semaphore_mem>>) src(%arg5 : memref<640x128xf32, #tpu.memory_space<hbm>>) dst(%dma_wait3A_39 : memref<640x128xf32, #tpu.memory_space<vmem_shared>>)
      tpu.yield
    }) : () -> ()
    %run_scoped3A = arith.constant 0 : i32
    "tpu.region"() ({
      %run_scoped3A_35 = tpu.sem_alloc : memref<!tpu.dma_semaphore, #tpu.memory_space<semaphore_mem>>
      %dma_start3A_36 = arith.constant 0 : i32
      %dma_start3A_37 = arith.constant 0 : i32
      %dma_start3A_38 = tpu.memref_slice %arg7[%run_scoped3A, %dma_start3A_36, %dma_start3A_37] : memref<2x2x125xi32, #tpu.memory_space<vmem>> -> memref<1x2x125xi32, #tpu.memory_space<vmem>>
      %dma_start3A_39 = tpu.memref_squeeze %dma_start3A_38 : memref<1x2x125xi32, #tpu.memory_space<vmem>> -> memref<2x125xi32, #tpu.memory_space<vmem>>
      %dma_start3A_40 = arith.constant 0 : i32
      %dma_start3A_41 = arith.constant 0 : i32
      %dma_start3A_42 = tpu.memref_slice %arg3[%add3A, %dma_start3A_40, %dma_start3A_41] : memref<32x80x125xi32, #tpu.memory_space<hbm>> -> memref<1x2x125xi32, #tpu.memory_space<hbm>>
      %dma_start3A_43 = tpu.memref_squeeze %dma_start3A_42 : memref<1x2x125xi32, #tpu.memory_space<hbm>> -> memref<2x125xi32, #tpu.memory_space<hbm>>
      %dma_start3A_44 = arith.constant 0 : i32
      %dma_start3A_45 = arith.constant 0 : i32
      %dma_start3A_46 = tpu.memref_slice %arg7[%run_scoped3A, %dma_start3A_44, %dma_start3A_45] : memref<2x2x125xi32, #tpu.memory_space<vmem>> -> memref<1x2x125xi32, #tpu.memory_space<vmem>>
      %dma_start3A_47 = tpu.memref_squeeze %dma_start3A_46 : memref<1x2x125xi32, #tpu.memory_space<vmem>> -> memref<2x125xi32, #tpu.memory_space<vmem>>
      %dma_start3A_48 = arith.constant 0 : i32
      %dma_start3A_49 = arith.constant 0 : i32
      %dma_start3A_50 = tpu.memref_slice %arg3[%add3A, %dma_start3A_48, %dma_start3A_49] : memref<32x80x125xi32, #tpu.memory_space<hbm>> -> memref<1x2x125xi32, #tpu.memory_space<hbm>>
      %dma_start3A_51 = tpu.memref_squeeze %dma_start3A_50 : memref<1x2x125xi32, #tpu.memory_space<hbm>> -> memref<2x125xi32, #tpu.memory_space<hbm>>
      tpu.enqueue_dma source(%dma_start3A_51 : memref<2x125xi32, #tpu.memory_space<hbm>>) target(%dma_start3A_47 : memref<2x125xi32, #tpu.memory_space<vmem>>) target_semaphore(%run_scoped3A_35 : memref<!tpu.dma_semaphore, #tpu.memory_space<semaphore_mem>>)
      %dma_wait3A_52 = arith.constant 0 : i32
      %dma_wait3A_53 = arith.constant 0 : i32
      %dma_wait3A_54 = tpu.memref_slice %arg7[%run_scoped3A, %dma_wait3A_52, %dma_wait3A_53] : memref<2x2x125xi32, #tpu.memory_space<vmem>> -> memref<1x2x125xi32, #tpu.memory_space<vmem>>
      %dma_wait3A_55 = tpu.memref_squeeze %dma_wait3A_54 : memref<1x2x125xi32, #tpu.memory_space<vmem>> -> memref<2x125xi32, #tpu.memory_space<vmem>>
      %dma_wait3A_56 = arith.constant 0 : i32
      %dma_wait3A_57 = arith.constant 0 : i32
      %dma_wait3A_58 = tpu.memref_slice %arg3[%add3A, %dma_wait3A_56, %dma_wait3A_57] : memref<32x80x125xi32, #tpu.memory_space<hbm>> -> memref<1x2x125xi32, #tpu.memory_space<hbm>>
      %dma_wait3A_59 = tpu.memref_squeeze %dma_wait3A_58 : memref<1x2x125xi32, #tpu.memory_space<hbm>> -> memref<2x125xi32, #tpu.memory_space<hbm>>
      %dma_wait3A_60 = arith.constant 0 : i32
      %dma_wait3A_61 = arith.constant 0 : i32
      %dma_wait3A_62 = tpu.memref_slice %arg7[%run_scoped3A, %dma_wait3A_60, %dma_wait3A_61] : memref<2x2x125xi32, #tpu.memory_space<vmem>> -> memref<1x2x125xi32, #tpu.memory_space<vmem>>
      %dma_wait3A_63 = tpu.memref_squeeze %dma_wait3A_62 : memref<1x2x125xi32, #tpu.memory_space<vmem>> -> memref<2x125xi32, #tpu.memory_space<vmem>>
      %dma_wait3A_64 = arith.constant 0 : i32
      %dma_wait3A_65 = arith.constant 0 : i32
      %dma_wait3A_66 = tpu.memref_slice %arg3[%add3A, %dma_wait3A_64, %dma_wait3A_65] : memref<32x80x125xi32, #tpu.memory_space<hbm>> -> memref<1x2x125xi32, #tpu.memory_space<hbm>>
      %dma_wait3A_67 = tpu.memref_squeeze %dma_wait3A_66 : memref<1x2x125xi32, #tpu.memory_space<hbm>> -> memref<2x125xi32, #tpu.memory_space<hbm>>
      tpu.wait_dma2 semaphore(%run_scoped3A_35 : memref<!tpu.dma_semaphore, #tpu.memory_space<semaphore_mem>>) src(%dma_wait3A_67 : memref<2x125xi32, #tpu.memory_space<hbm>>) dst(%dma_wait3A_63 : memref<2x125xi32, #tpu.memory_space<vmem>>)
      tpu.yield
    }) : () -> ()
    %run_scoped3A_3 = arith.constant 0 : i32
    "tpu.region"() ({
      %run_scoped3A_35 = tpu.sem_alloc : memref<!tpu.dma_semaphore, #tpu.memory_space<semaphore_mem>>
      %dma_start3A_36 = arith.constant 0 : i32
      %dma_start3A_37 = arith.constant 0 : i32
      %dma_start3A_38 = tpu.memref_slice %arg8[%run_scoped3A_3, %dma_start3A_36, %dma_start3A_37] : memref<2x2x125xi32, #tpu.memory_space<vmem>> -> memref<1x2x125xi32, #tpu.memory_space<vmem>>
      %dma_start3A_39 = tpu.memref_squeeze %dma_start3A_38 : memref<1x2x125xi32, #tpu.memory_space<vmem>> -> memref<2x125xi32, #tpu.memory_space<vmem>>
      %dma_start3A_40 = arith.constant 0 : i32
      %dma_start3A_41 = arith.constant 0 : i32
      %dma_start3A_42 = tpu.memref_slice %arg4[%add3A, %dma_start3A_40, %dma_start3A_41] : memref<32x80x125xi32, #tpu.memory_space<hbm>> -> memref<1x2x125xi32, #tpu.memory_space<hbm>>
      %dma_start3A_43 = tpu.memref_squeeze %dma_start3A_42 : memref<1x2x125xi32, #tpu.memory_space<hbm>> -> memref<2x125xi32, #tpu.memory_space<hbm>>
      %dma_start3A_44 = arith.constant 0 : i32
      %dma_start3A_45 = arith.constant 0 : i32
      %dma_start3A_46 = tpu.memref_slice %arg8[%run_scoped3A_3, %dma_start3A_44, %dma_start3A_45] : memref<2x2x125xi32, #tpu.memory_space<vmem>> -> memref<1x2x125xi32, #tpu.memory_space<vmem>>
      %dma_start3A_47 = tpu.memref_squeeze %dma_start3A_46 : memref<1x2x125xi32, #tpu.memory_space<vmem>> -> memref<2x125xi32, #tpu.memory_space<vmem>>
      %dma_start3A_48 = arith.constant 0 : i32
      %dma_start3A_49 = arith.constant 0 : i32
      %dma_start3A_50 = tpu.memref_slice %arg4[%add3A, %dma_start3A_48, %dma_start3A_49] : memref<32x80x125xi32, #tpu.memory_space<hbm>> -> memref<1x2x125xi32, #tpu.memory_space<hbm>>
      %dma_start3A_51 = tpu.memref_squeeze %dma_start3A_50 : memref<1x2x125xi32, #tpu.memory_space<hbm>> -> memref<2x125xi32, #tpu.memory_space<hbm>>
      tpu.enqueue_dma source(%dma_start3A_51 : memref<2x125xi32, #tpu.memory_space<hbm>>) target(%dma_start3A_47 : memref<2x125xi32, #tpu.memory_space<vmem>>) target_semaphore(%run_scoped3A_35 : memref<!tpu.dma_semaphore, #tpu.memory_space<semaphore_mem>>)
      %dma_wait3A_52 = arith.constant 0 : i32
      %dma_wait3A_53 = arith.constant 0 : i32
      %dma_wait3A_54 = tpu.memref_slice %arg8[%run_scoped3A_3, %dma_wait3A_52, %dma_wait3A_53] : memref<2x2x125xi32, #tpu.memory_space<vmem>> -> memref<1x2x125xi32, #tpu.memory_space<vmem>>
      %dma_wait3A_55 = tpu.memref_squeeze %dma_wait3A_54 : memref<1x2x125xi32, #tpu.memory_space<vmem>> -> memref<2x125xi32, #tpu.memory_space<vmem>>
      %dma_wait3A_56 = arith.constant 0 : i32
      %dma_wait3A_57 = arith.constant 0 : i32
      %dma_wait3A_58 = tpu.memref_slice %arg4[%add3A, %dma_wait3A_56, %dma_wait3A_57] : memref<32x80x125xi32, #tpu.memory_space<hbm>> -> memref<1x2x125xi32, #tpu.memory_space<hbm>>
      %dma_wait3A_59 = tpu.memref_squeeze %dma_wait3A_58 : memref<1x2x125xi32, #tpu.memory_space<hbm>> -> memref<2x125xi32, #tpu.memory_space<hbm>>
      %dma_wait3A_60 = arith.constant 0 : i32
      %dma_wait3A_61 = arith.constant 0 : i32
      %dma_wait3A_62 = tpu.memref_slice %arg8[%run_scoped3A_3, %dma_wait3A_60, %dma_wait3A_61] : memref<2x2x125xi32, #tpu.memory_space<vmem>> -> memref<1x2x125xi32, #tpu.memory_space<vmem>>
      %dma_wait3A_63 = tpu.memref_squeeze %dma_wait3A_62 : memref<1x2x125xi32, #tpu.memory_space<vmem>> -> memref<2x125xi32, #tpu.memory_space<vmem>>
      %dma_wait3A_64 = arith.constant 0 : i32
      %dma_wait3A_65 = arith.constant 0 : i32
      %dma_wait3A_66 = tpu.memref_slice %arg4[%add3A, %dma_wait3A_64, %dma_wait3A_65] : memref<32x80x125xi32, #tpu.memory_space<hbm>> -> memref<1x2x125xi32, #tpu.memory_space<hbm>>
      %dma_wait3A_67 = tpu.memref_squeeze %dma_wait3A_66 : memref<1x2x125xi32, #tpu.memory_space<hbm>> -> memref<2x125xi32, #tpu.memory_space<hbm>>
      tpu.wait_dma2 semaphore(%run_scoped3A_35 : memref<!tpu.dma_semaphore, #tpu.memory_space<semaphore_mem>>) src(%dma_wait3A_67 : memref<2x125xi32, #tpu.memory_space<hbm>>) dst(%dma_wait3A_63 : memref<2x125xi32, #tpu.memory_space<vmem>>)
      tpu.yield
    }) : () -> ()
    %barrier3A = arith.constant 0 : index
    tpu.barrier barrier_id(%barrier3A)
    %dma_start3A = arith.constant 0 : i32
    %dma_start3A_4 = arith.constant 0 : i32
    %dma_start3A_5 = arith.constant 0 : i32
    %dma_start3A_6 = arith.constant 0 : i32
    %dma_start3A_7 = arith.constant 0 : i32
    %dma_start3A_8 = tpu.memref_slice %arg9[%dma_start3A_5, %dma_start3A_6, %dma_start3A_7] : memref<2x125x128xf32, #tpu.memory_space<vmem>> -> memref<1x125x128xf32, #tpu.memory_space<vmem>>
    %dma_start3A_9 = tpu.memref_squeeze %dma_start3A_8 : memref<1x125x128xf32, #tpu.memory_space<vmem>> -> memref<125x128xf32, #tpu.memory_space<vmem>>
    %dma_start3A_10 = arith.constant 0 : i32
    %dma_start3A_11 = tpu.memref_slice %arg7[%dma_start3A, %dma_start3A_4, %dma_start3A_10] : memref<2x2x125xi32, #tpu.memory_space<vmem>> -> memref<1x1x125xi32, #tpu.memory_space<vmem>>
    %dma_start3A_12 = tpu.memref_squeeze %dma_start3A_11 : memref<1x1x125xi32, #tpu.memory_space<vmem>> -> memref<125xi32, #tpu.memory_space<vmem>>
    %dma_start3A_13 = arith.constant 0 : i32
    %dma_start3A_14 = arith.constant 0 : i32
    %dma_start3A_15 = tpu.memref_slice %arg2[%dma_start3A_13, %dma_start3A_14] : memref<10000x128xf32, #tpu.memory_space<hbm>> -> memref<10000x128xf32, #tpu.memory_space<hbm>>
    tpu.enqueue_indirect_dma source(%dma_start3A_15 : memref<10000x128xf32, #tpu.memory_space<hbm>>) target(%dma_start3A_9 : memref<125x128xf32, #tpu.memory_space<vmem>>) offsets(%dma_start3A_12 : memref<125xi32, #tpu.memory_space<vmem>>) semaphore(%arg11 : memref<!tpu.dma_semaphore, #tpu.memory_space<semaphore_mem>>)
    %scan3A = arith.constant 0 : i32
    %scan3A_16 = arith.constant 0 : i32
    %scan3A_17 = arith.constant 40 : i32
    %scan3A_18 = arith.addi %scan3A_16, %scan3A_17 : i32
    %scan3A_19 = arith.constant 1 : i32
    scf.for %scan3A_35 = %scan3A_16 to %scan3A_18 step %scan3A_19  : i32 {
      %rem3A_36 = arith.constant 2 : i32
      %rem3A_37 = arith.remsi %scan3A_35, %rem3A_36 : i32
      %sub3A = arith.constant 1 : i32
      %sub3A_38 = arith.subi %sub3A, %rem3A_37 : i32
      %dma_wait3A_39 = arith.constant 0 : i32
      %dma_wait3A_40 = arith.constant 0 : i32
      %dma_wait3A_41 = arith.constant 0 : i32
      %dma_wait3A_42 = arith.constant 0 : i32
      %dma_wait3A_43 = tpu.memref_slice %arg9[%dma_wait3A_40, %dma_wait3A_41, %dma_wait3A_42] : memref<2x125x128xf32, #tpu.memory_space<vmem>> -> memref<1x125x128xf32, #tpu.memory_space<vmem>>
      %dma_wait3A_44 = tpu.memref_squeeze %dma_wait3A_43 : memref<1x125x128xf32, #tpu.memory_space<vmem>> -> memref<125x128xf32, #tpu.memory_space<vmem>>
      %dma_wait3A_45 = arith.constant 0 : i32
      %dma_wait3A_46 = tpu.memref_slice %arg7[%rem3A_37, %dma_wait3A_39, %dma_wait3A_45] : memref<2x2x125xi32, #tpu.memory_space<vmem>> -> memref<1x1x125xi32, #tpu.memory_space<vmem>>
      %dma_wait3A_47 = tpu.memref_squeeze %dma_wait3A_46 : memref<1x1x125xi32, #tpu.memory_space<vmem>> -> memref<125xi32, #tpu.memory_space<vmem>>
      %dma_wait3A_48 = arith.constant 0 : i32
      %dma_wait3A_49 = arith.constant 0 : i32
      %dma_wait3A_50 = tpu.memref_slice %arg2[%dma_wait3A_48, %dma_wait3A_49] : memref<10000x128xf32, #tpu.memory_space<hbm>> -> memref<10000x128xf32, #tpu.memory_space<hbm>>
      tpu.wait_indirect_dma semaphore(%arg11 : memref<!tpu.dma_semaphore, #tpu.memory_space<semaphore_mem>>) src(%dma_wait3A_50 : memref<10000x128xf32, #tpu.memory_space<hbm>>) dst(%dma_wait3A_44 : memref<125x128xf32, #tpu.memory_space<vmem>>)
      %gt3A = arith.constant 0 : i32
      %gt3A_51 = arith.cmpi sgt, %scan3A_35, %gt3A : i32
      %convert_element_type3A = arith.extui %gt3A_51 : i1 to i32
      %cond3A = arith.constant 0 : i32
      %cond3A_52 = arith.cmpi ne, %convert_element_type3A, %cond3A : i32
      scf.if %cond3A_52 {
        %dma_wait3A_122 = arith.constant 1 : i32
        %dma_wait3A_123 = arith.constant 1 : i32
        %dma_wait3A_124 = arith.constant 0 : i32
        %dma_wait3A_125 = arith.constant 0 : i32
        %dma_wait3A_126 = tpu.memref_slice %arg9[%dma_wait3A_122, %dma_wait3A_124, %dma_wait3A_125] : memref<2x125x128xf32, #tpu.memory_space<vmem>> -> memref<1x125x128xf32, #tpu.memory_space<vmem>>
        %dma_wait3A_127 = tpu.memref_squeeze %dma_wait3A_126 : memref<1x125x128xf32, #tpu.memory_space<vmem>> -> memref<125x128xf32, #tpu.memory_space<vmem>>
        %dma_wait3A_128 = arith.constant 0 : i32
        %dma_wait3A_129 = tpu.memref_slice %arg8[%sub3A_38, %dma_wait3A_123, %dma_wait3A_128] : memref<2x2x125xi32, #tpu.memory_space<vmem>> -> memref<1x1x125xi32, #tpu.memory_space<vmem>>
        %dma_wait3A_130 = tpu.memref_squeeze %dma_wait3A_129 : memref<1x1x125xi32, #tpu.memory_space<vmem>> -> memref<125xi32, #tpu.memory_space<vmem>>
        %dma_wait3A_131 = arith.constant 0 : i32
        %dma_wait3A_132 = arith.constant 0 : i32
        %dma_wait3A_133 = tpu.memref_slice %arg10[%dma_wait3A_131, %dma_wait3A_132] : memref<10240x128xf32, #tpu.memory_space<vmem_shared>> -> memref<10240x128xf32, #tpu.memory_space<vmem_shared>>
        tpu.wait_indirect_dma semaphore(%arg12 : memref<!tpu.dma_semaphore, #tpu.memory_space<semaphore_mem>>) src(%dma_wait3A_127 : memref<125x128xf32, #tpu.memory_space<vmem>>) dst(%dma_wait3A_133 : memref<10240x128xf32, #tpu.memory_space<vmem_shared>>)
      } else {
      }
      %lt3A = arith.constant 39 : i32
      %lt3A_53 = arith.cmpi slt, %scan3A_35, %lt3A : i32
      %convert_element_type3A_54 = arith.extui %lt3A_53 : i1 to i32
      %cond3A_55 = arith.constant 0 : i32
      %cond3A_56 = arith.cmpi ne, %convert_element_type3A_54, %cond3A_55 : i32
      scf.if %cond3A_56 {
        %add3A_122 = arith.constant 1 : i32
        %add3A_123 = arith.addi %scan3A_35, %add3A_122 : i32
        %mul3A_124 = arith.constant 2 : i32
        %mul3A_125 = arith.muli %mul3A_124, %add3A_123 : i32
        %dma_start3A_126 = arith.constant 0 : i32
        %dma_start3A_127 = arith.constant 0 : i32
        %dma_start3A_128 = tpu.memref_slice %arg7[%sub3A_38, %dma_start3A_126, %dma_start3A_127] : memref<2x2x125xi32, #tpu.memory_space<vmem>> -> memref<1x2x125xi32, #tpu.memory_space<vmem>>
        %dma_start3A_129 = tpu.memref_squeeze %dma_start3A_128 : memref<1x2x125xi32, #tpu.memory_space<vmem>> -> memref<2x125xi32, #tpu.memory_space<vmem>>
        %dma_start3A_130 = arith.constant 0 : i32
        %dma_start3A_131 = tpu.memref_slice %arg3[%add3A, %mul3A_125, %dma_start3A_130] : memref<32x80x125xi32, #tpu.memory_space<hbm>> -> memref<1x2x125xi32, #tpu.memory_space<hbm>>
        %dma_start3A_132 = tpu.memref_squeeze %dma_start3A_131 : memref<1x2x125xi32, #tpu.memory_space<hbm>> -> memref<2x125xi32, #tpu.memory_space<hbm>>
        %dma_start3A_133 = arith.constant 0 : i32
        %dma_start3A_134 = arith.constant 0 : i32
        %dma_start3A_135 = tpu.memref_slice %arg7[%sub3A_38, %dma_start3A_133, %dma_start3A_134] : memref<2x2x125xi32, #tpu.memory_space<vmem>> -> memref<1x2x125xi32, #tpu.memory_space<vmem>>
        %dma_start3A_136 = tpu.memref_squeeze %dma_start3A_135 : memref<1x2x125xi32, #tpu.memory_space<vmem>> -> memref<2x125xi32, #tpu.memory_space<vmem>>
        %dma_start3A_137 = arith.constant 0 : i32
        %dma_start3A_138 = tpu.memref_slice %arg3[%add3A, %mul3A_125, %dma_start3A_137] : memref<32x80x125xi32, #tpu.memory_space<hbm>> -> memref<1x2x125xi32, #tpu.memory_space<hbm>>
        %dma_start3A_139 = tpu.memref_squeeze %dma_start3A_138 : memref<1x2x125xi32, #tpu.memory_space<hbm>> -> memref<2x125xi32, #tpu.memory_space<hbm>>
        tpu.enqueue_dma source(%dma_start3A_139 : memref<2x125xi32, #tpu.memory_space<hbm>>) target(%dma_start3A_136 : memref<2x125xi32, #tpu.memory_space<vmem>>) target_semaphore(%arg13 : memref<!tpu.dma_semaphore, #tpu.memory_space<semaphore_mem>>)
        %mul3A_140 = arith.constant 2 : i32
        %mul3A_141 = arith.muli %mul3A_140, %add3A_123 : i32
        %dma_start3A_142 = arith.constant 0 : i32
        %dma_start3A_143 = arith.constant 0 : i32
        %dma_start3A_144 = tpu.memref_slice %arg8[%sub3A_38, %dma_start3A_142, %dma_start3A_143] : memref<2x2x125xi32, #tpu.memory_space<vmem>> -> memref<1x2x125xi32, #tpu.memory_space<vmem>>
        %dma_start3A_145 = tpu.memref_squeeze %dma_start3A_144 : memref<1x2x125xi32, #tpu.memory_space<vmem>> -> memref<2x125xi32, #tpu.memory_space<vmem>>
        %dma_start3A_146 = arith.constant 0 : i32
        %dma_start3A_147 = tpu.memref_slice %arg4[%add3A, %mul3A_141, %dma_start3A_146] : memref<32x80x125xi32, #tpu.memory_space<hbm>> -> memref<1x2x125xi32, #tpu.memory_space<hbm>>
        %dma_start3A_148 = tpu.memref_squeeze %dma_start3A_147 : memref<1x2x125xi32, #tpu.memory_space<hbm>> -> memref<2x125xi32, #tpu.memory_space<hbm>>
        %dma_start3A_149 = arith.constant 0 : i32
        %dma_start3A_150 = arith.constant 0 : i32
        %dma_start3A_151 = tpu.memref_slice %arg8[%sub3A_38, %dma_start3A_149, %dma_start3A_150] : memref<2x2x125xi32, #tpu.memory_space<vmem>> -> memref<1x2x125xi32, #tpu.memory_space<vmem>>
        %dma_start3A_152 = tpu.memref_squeeze %dma_start3A_151 : memref<1x2x125xi32, #tpu.memory_space<vmem>> -> memref<2x125xi32, #tpu.memory_space<vmem>>
        %dma_start3A_153 = arith.constant 0 : i32
        %dma_start3A_154 = tpu.memref_slice %arg4[%add3A, %mul3A_141, %dma_start3A_153] : memref<32x80x125xi32, #tpu.memory_space<hbm>> -> memref<1x2x125xi32, #tpu.memory_space<hbm>>
        %dma_start3A_155 = tpu.memref_squeeze %dma_start3A_154 : memref<1x2x125xi32, #tpu.memory_space<hbm>> -> memref<2x125xi32, #tpu.memory_space<hbm>>
        tpu.enqueue_dma source(%dma_start3A_155 : memref<2x125xi32, #tpu.memory_space<hbm>>) target(%dma_start3A_152 : memref<2x125xi32, #tpu.memory_space<vmem>>) target_semaphore(%arg13 : memref<!tpu.dma_semaphore, #tpu.memory_space<semaphore_mem>>)
      } else {
      }
      %dma_start3A_57 = arith.constant 0 : i32
      %dma_start3A_58 = arith.constant 0 : i32
      %dma_start3A_59 = arith.constant 0 : i32
      %dma_start3A_60 = arith.constant 0 : i32
      %dma_start3A_61 = tpu.memref_slice %arg9[%dma_start3A_57, %dma_start3A_59, %dma_start3A_60] : memref<2x125x128xf32, #tpu.memory_space<vmem>> -> memref<1x125x128xf32, #tpu.memory_space<vmem>>
      %dma_start3A_62 = tpu.memref_squeeze %dma_start3A_61 : memref<1x125x128xf32, #tpu.memory_space<vmem>> -> memref<125x128xf32, #tpu.memory_space<vmem>>
      %dma_start3A_63 = arith.constant 0 : i32
      %dma_start3A_64 = tpu.memref_slice %arg8[%rem3A_37, %dma_start3A_58, %dma_start3A_63] : memref<2x2x125xi32, #tpu.memory_space<vmem>> -> memref<1x1x125xi32, #tpu.memory_space<vmem>>
      %dma_start3A_65 = tpu.memref_squeeze %dma_start3A_64 : memref<1x1x125xi32, #tpu.memory_space<vmem>> -> memref<125xi32, #tpu.memory_space<vmem>>
      %dma_start3A_66 = arith.constant 0 : i32
      %dma_start3A_67 = arith.constant 0 : i32
      %dma_start3A_68 = tpu.memref_slice %arg10[%dma_start3A_66, %dma_start3A_67] : memref<10240x128xf32, #tpu.memory_space<vmem_shared>> -> memref<10240x128xf32, #tpu.memory_space<vmem_shared>>
      tpu.enqueue_indirect_dma source(%dma_start3A_62 : memref<125x128xf32, #tpu.memory_space<vmem>>) target(%dma_start3A_68 : memref<10240x128xf32, #tpu.memory_space<vmem_shared>>) offsets(%dma_start3A_65 : memref<125xi32, #tpu.memory_space<vmem>>) semaphore(%arg12 : memref<!tpu.dma_semaphore, #tpu.memory_space<semaphore_mem>>) {add = true}
      %dma_start3A_69 = arith.constant 1 : i32
      %dma_start3A_70 = arith.constant 1 : i32
      %dma_start3A_71 = arith.constant 0 : i32
      %dma_start3A_72 = arith.constant 0 : i32
      %dma_start3A_73 = tpu.memref_slice %arg9[%dma_start3A_70, %dma_start3A_71, %dma_start3A_72] : memref<2x125x128xf32, #tpu.memory_space<vmem>> -> memref<1x125x128xf32, #tpu.memory_space<vmem>>
      %dma_start3A_74 = tpu.memref_squeeze %dma_start3A_73 : memref<1x125x128xf32, #tpu.memory_space<vmem>> -> memref<125x128xf32, #tpu.memory_space<vmem>>
      %dma_start3A_75 = arith.constant 0 : i32
      %dma_start3A_76 = tpu.memref_slice %arg7[%rem3A_37, %dma_start3A_69, %dma_start3A_75] : memref<2x2x125xi32, #tpu.memory_space<vmem>> -> memref<1x1x125xi32, #tpu.memory_space<vmem>>
      %dma_start3A_77 = tpu.memref_squeeze %dma_start3A_76 : memref<1x1x125xi32, #tpu.memory_space<vmem>> -> memref<125xi32, #tpu.memory_space<vmem>>
      %dma_start3A_78 = arith.constant 0 : i32
      %dma_start3A_79 = arith.constant 0 : i32
      %dma_start3A_80 = tpu.memref_slice %arg2[%dma_start3A_78, %dma_start3A_79] : memref<10000x128xf32, #tpu.memory_space<hbm>> -> memref<10000x128xf32, #tpu.memory_space<hbm>>
      tpu.enqueue_indirect_dma source(%dma_start3A_80 : memref<10000x128xf32, #tpu.memory_space<hbm>>) target(%dma_start3A_74 : memref<125x128xf32, #tpu.memory_space<vmem>>) offsets(%dma_start3A_77 : memref<125xi32, #tpu.memory_space<vmem>>) semaphore(%arg11 : memref<!tpu.dma_semaphore, #tpu.memory_space<semaphore_mem>>)
      %dma_wait3A_81 = arith.constant 1 : i32
      %dma_wait3A_82 = arith.constant 1 : i32
      %dma_wait3A_83 = arith.constant 0 : i32
      %dma_wait3A_84 = arith.constant 0 : i32
      %dma_wait3A_85 = tpu.memref_slice %arg9[%dma_wait3A_82, %dma_wait3A_83, %dma_wait3A_84] : memref<2x125x128xf32, #tpu.memory_space<vmem>> -> memref<1x125x128xf32, #tpu.memory_space<vmem>>
      %dma_wait3A_86 = tpu.memref_squeeze %dma_wait3A_85 : memref<1x125x128xf32, #tpu.memory_space<vmem>> -> memref<125x128xf32, #tpu.memory_space<vmem>>
      %dma_wait3A_87 = arith.constant 0 : i32
      %dma_wait3A_88 = tpu.memref_slice %arg7[%rem3A_37, %dma_wait3A_81, %dma_wait3A_87] : memref<2x2x125xi32, #tpu.memory_space<vmem>> -> memref<1x1x125xi32, #tpu.memory_space<vmem>>
      %dma_wait3A_89 = tpu.memref_squeeze %dma_wait3A_88 : memref<1x1x125xi32, #tpu.memory_space<vmem>> -> memref<125xi32, #tpu.memory_space<vmem>>
      %dma_wait3A_90 = arith.constant 0 : i32
      %dma_wait3A_91 = arith.constant 0 : i32
      %dma_wait3A_92 = tpu.memref_slice %arg2[%dma_wait3A_90, %dma_wait3A_91] : memref<10000x128xf32, #tpu.memory_space<hbm>> -> memref<10000x128xf32, #tpu.memory_space<hbm>>
      tpu.wait_indirect_dma semaphore(%arg11 : memref<!tpu.dma_semaphore, #tpu.memory_space<semaphore_mem>>) src(%dma_wait3A_92 : memref<10000x128xf32, #tpu.memory_space<hbm>>) dst(%dma_wait3A_86 : memref<125x128xf32, #tpu.memory_space<vmem>>)
      %dma_wait3A_93 = arith.constant 0 : i32
      %dma_wait3A_94 = arith.constant 0 : i32
      %dma_wait3A_95 = arith.constant 0 : i32
      %dma_wait3A_96 = arith.constant 0 : i32
      %dma_wait3A_97 = tpu.memref_slice %arg9[%dma_wait3A_93, %dma_wait3A_95, %dma_wait3A_96] : memref<2x125x128xf32, #tpu.memory_space<vmem>> -> memref<1x125x128xf32, #tpu.memory_space<vmem>>
      %dma_wait3A_98 = tpu.memref_squeeze %dma_wait3A_97 : memref<1x125x128xf32, #tpu.memory_space<vmem>> -> memref<125x128xf32, #tpu.memory_space<vmem>>
      %dma_wait3A_99 = arith.constant 0 : i32
      %dma_wait3A_100 = tpu.memref_slice %arg8[%rem3A_37, %dma_wait3A_94, %dma_wait3A_99] : memref<2x2x125xi32, #tpu.memory_space<vmem>> -> memref<1x1x125xi32, #tpu.memory_space<vmem>>
      %dma_wait3A_101 = tpu.memref_squeeze %dma_wait3A_100 : memref<1x1x125xi32, #tpu.memory_space<vmem>> -> memref<125xi32, #tpu.memory_space<vmem>>
      %dma_wait3A_102 = arith.constant 0 : i32
      %dma_wait3A_103 = arith.constant 0 : i32
      %dma_wait3A_104 = tpu.memref_slice %arg10[%dma_wait3A_102, %dma_wait3A_103] : memref<10240x128xf32, #tpu.memory_space<vmem_shared>> -> memref<10240x128xf32, #tpu.memory_space<vmem_shared>>
      tpu.wait_indirect_dma semaphore(%arg12 : memref<!tpu.dma_semaphore, #tpu.memory_space<semaphore_mem>>) src(%dma_wait3A_98 : memref<125x128xf32, #tpu.memory_space<vmem>>) dst(%dma_wait3A_104 : memref<10240x128xf32, #tpu.memory_space<vmem_shared>>)
      %dma_start3A_105 = arith.constant 1 : i32
      %dma_start3A_106 = arith.constant 1 : i32
      %dma_start3A_107 = arith.constant 0 : i32
      %dma_start3A_108 = arith.constant 0 : i32
      %dma_start3A_109 = tpu.memref_slice %arg9[%dma_start3A_105, %dma_start3A_107, %dma_start3A_108] : memref<2x125x128xf32, #tpu.memory_space<vmem>> -> memref<1x125x128xf32, #tpu.memory_space<vmem>>
      %dma_start3A_110 = tpu.memref_squeeze %dma_start3A_109 : memref<1x125x128xf32, #tpu.memory_space<vmem>> -> memref<125x128xf32, #tpu.memory_space<vmem>>
      %dma_start3A_111 = arith.constant 0 : i32
      %dma_start3A_112 = tpu.memref_slice %arg8[%rem3A_37, %dma_start3A_106, %dma_start3A_111] : memref<2x2x125xi32, #tpu.memory_space<vmem>> -> memref<1x1x125xi32, #tpu.memory_space<vmem>>
      %dma_start3A_113 = tpu.memref_squeeze %dma_start3A_112 : memref<1x1x125xi32, #tpu.memory_space<vmem>> -> memref<125xi32, #tpu.memory_space<vmem>>
      %dma_start3A_114 = arith.constant 0 : i32
      %dma_start3A_115 = arith.constant 0 : i32
      %dma_start3A_116 = tpu.memref_slice %arg10[%dma_start3A_114, %dma_start3A_115] : memref<10240x128xf32, #tpu.memory_space<vmem_shared>> -> memref<10240x128xf32, #tpu.memory_space<vmem_shared>>
      tpu.enqueue_indirect_dma source(%dma_start3A_110 : memref<125x128xf32, #tpu.memory_space<vmem>>) target(%dma_start3A_116 : memref<10240x128xf32, #tpu.memory_space<vmem_shared>>) offsets(%dma_start3A_113 : memref<125xi32, #tpu.memory_space<vmem>>) semaphore(%arg12 : memref<!tpu.dma_semaphore, #tpu.memory_space<semaphore_mem>>) {add = true}
      %lt3A_117 = arith.constant 39 : i32
      %lt3A_118 = arith.cmpi slt, %scan3A_35, %lt3A_117 : i32
      %convert_element_type3A_119 = arith.extui %lt3A_118 : i1 to i32
      %cond3A_120 = arith.constant 0 : i32
      %cond3A_121 = arith.cmpi ne, %convert_element_type3A_119, %cond3A_120 : i32
      scf.if %cond3A_121 {
        %add3A_122 = arith.constant 1 : i32
        %add3A_123 = arith.addi %scan3A_35, %add3A_122 : i32
        %mul3A_124 = arith.constant 2 : i32
        %mul3A_125 = arith.muli %mul3A_124, %add3A_123 : i32
        %dma_wait3A_126 = arith.constant 0 : i32
        %dma_wait3A_127 = arith.constant 0 : i32
        %dma_wait3A_128 = tpu.memref_slice %arg7[%sub3A_38, %dma_wait3A_126, %dma_wait3A_127] : memref<2x2x125xi32, #tpu.memory_space<vmem>> -> memref<1x2x125xi32, #tpu.memory_space<vmem>>
        %dma_wait3A_129 = tpu.memref_squeeze %dma_wait3A_128 : memref<1x2x125xi32, #tpu.memory_space<vmem>> -> memref<2x125xi32, #tpu.memory_space<vmem>>
        %dma_wait3A_130 = arith.constant 0 : i32
        %dma_wait3A_131 = tpu.memref_slice %arg3[%add3A, %mul3A_125, %dma_wait3A_130] : memref<32x80x125xi32, #tpu.memory_space<hbm>> -> memref<1x2x125xi32, #tpu.memory_space<hbm>>
        %dma_wait3A_132 = tpu.memref_squeeze %dma_wait3A_131 : memref<1x2x125xi32, #tpu.memory_space<hbm>> -> memref<2x125xi32, #tpu.memory_space<hbm>>
        %dma_wait3A_133 = arith.constant 0 : i32
        %dma_wait3A_134 = arith.constant 0 : i32
        %dma_wait3A_135 = tpu.memref_slice %arg7[%sub3A_38, %dma_wait3A_133, %dma_wait3A_134] : memref<2x2x125xi32, #tpu.memory_space<vmem>> -> memref<1x2x125xi32, #tpu.memory_space<vmem>>
        %dma_wait3A_136 = tpu.memref_squeeze %dma_wait3A_135 : memref<1x2x125xi32, #tpu.memory_space<vmem>> -> memref<2x125xi32, #tpu.memory_space<vmem>>
        %dma_wait3A_137 = arith.constant 0 : i32
        %dma_wait3A_138 = tpu.memref_slice %arg3[%add3A, %mul3A_125, %dma_wait3A_137] : memref<32x80x125xi32, #tpu.memory_space<hbm>> -> memref<1x2x125xi32, #tpu.memory_space<hbm>>
        %dma_wait3A_139 = tpu.memref_squeeze %dma_wait3A_138 : memref<1x2x125xi32, #tpu.memory_space<hbm>> -> memref<2x125xi32, #tpu.memory_space<hbm>>
        tpu.wait_dma2 semaphore(%arg13 : memref<!tpu.dma_semaphore, #tpu.memory_space<semaphore_mem>>) src(%dma_wait3A_139 : memref<2x125xi32, #tpu.memory_space<hbm>>) dst(%dma_wait3A_136 : memref<2x125xi32, #tpu.memory_space<vmem>>)
        %mul3A_140 = arith.constant 2 : i32
        %mul3A_141 = arith.muli %mul3A_140, %add3A_123 : i32
        %dma_wait3A_142 = arith.constant 0 : i32
        %dma_wait3A_143 = arith.constant 0 : i32
        %dma_wait3A_144 = tpu.memref_slice %arg8[%sub3A_38, %dma_wait3A_142, %dma_wait3A_143] : memref<2x2x125xi32, #tpu.memory_space<vmem>> -> memref<1x2x125xi32, #tpu.memory_space<vmem>>
        %dma_wait3A_145 = tpu.memref_squeeze %dma_wait3A_144 : memref<1x2x125xi32, #tpu.memory_space<vmem>> -> memref<2x125xi32, #tpu.memory_space<vmem>>
        %dma_wait3A_146 = arith.constant 0 : i32
        %dma_wait3A_147 = tpu.memref_slice %arg4[%add3A, %mul3A_141, %dma_wait3A_146] : memref<32x80x125xi32, #tpu.memory_space<hbm>> -> memref<1x2x125xi32, #tpu.memory_space<hbm>>
        %dma_wait3A_148 = tpu.memref_squeeze %dma_wait3A_147 : memref<1x2x125xi32, #tpu.memory_space<hbm>> -> memref<2x125xi32, #tpu.memory_space<hbm>>
        %dma_wait3A_149 = arith.constant 0 : i32
        %dma_wait3A_150 = arith.constant 0 : i32
        %dma_wait3A_151 = tpu.memref_slice %arg8[%sub3A_38, %dma_wait3A_149, %dma_wait3A_150] : memref<2x2x125xi32, #tpu.memory_space<vmem>> -> memref<1x2x125xi32, #tpu.memory_space<vmem>>
        %dma_wait3A_152 = tpu.memref_squeeze %dma_wait3A_151 : memref<1x2x125xi32, #tpu.memory_space<vmem>> -> memref<2x125xi32, #tpu.memory_space<vmem>>
        %dma_wait3A_153 = arith.constant 0 : i32
        %dma_wait3A_154 = tpu.memref_slice %arg4[%add3A, %mul3A_141, %dma_wait3A_153] : memref<32x80x125xi32, #tpu.memory_space<hbm>> -> memref<1x2x125xi32, #tpu.memory_space<hbm>>
        %dma_wait3A_155 = tpu.memref_squeeze %dma_wait3A_154 : memref<1x2x125xi32, #tpu.memory_space<hbm>> -> memref<2x125xi32, #tpu.memory_space<hbm>>
        tpu.wait_dma2 semaphore(%arg13 : memref<!tpu.dma_semaphore, #tpu.memory_space<semaphore_mem>>) src(%dma_wait3A_155 : memref<2x125xi32, #tpu.memory_space<hbm>>) dst(%dma_wait3A_152 : memref<2x125xi32, #tpu.memory_space<vmem>>)
        %dma_start3A_156 = arith.constant 0 : i32
        %dma_start3A_157 = arith.constant 0 : i32
        %dma_start3A_158 = arith.constant 0 : i32
        %dma_start3A_159 = arith.constant 0 : i32
        %dma_start3A_160 = tpu.memref_slice %arg9[%dma_start3A_157, %dma_start3A_158, %dma_start3A_159] : memref<2x125x128xf32, #tpu.memory_space<vmem>> -> memref<1x125x128xf32, #tpu.memory_space<vmem>>
        %dma_start3A_161 = tpu.memref_squeeze %dma_start3A_160 : memref<1x125x128xf32, #tpu.memory_space<vmem>> -> memref<125x128xf32, #tpu.memory_space<vmem>>
        %dma_start3A_162 = arith.constant 0 : i32
        %dma_start3A_163 = tpu.memref_slice %arg7[%sub3A_38, %dma_start3A_156, %dma_start3A_162] : memref<2x2x125xi32, #tpu.memory_space<vmem>> -> memref<1x1x125xi32, #tpu.memory_space<vmem>>
        %dma_start3A_164 = tpu.memref_squeeze %dma_start3A_163 : memref<1x1x125xi32, #tpu.memory_space<vmem>> -> memref<125xi32, #tpu.memory_space<vmem>>
        %dma_start3A_165 = arith.constant 0 : i32
        %dma_start3A_166 = arith.constant 0 : i32
        %dma_start3A_167 = tpu.memref_slice %arg2[%dma_start3A_165, %dma_start3A_166] : memref<10000x128xf32, #tpu.memory_space<hbm>> -> memref<10000x128xf32, #tpu.memory_space<hbm>>
        tpu.enqueue_indirect_dma source(%dma_start3A_167 : memref<10000x128xf32, #tpu.memory_space<hbm>>) target(%dma_start3A_161 : memref<125x128xf32, #tpu.memory_space<vmem>>) offsets(%dma_start3A_164 : memref<125xi32, #tpu.memory_space<vmem>>) semaphore(%arg11 : memref<!tpu.dma_semaphore, #tpu.memory_space<semaphore_mem>>)
      } else {
      }
    }
    %scan3A_20 = arith.constant 40 : i32
    %rem3A = arith.constant 39 : i32
    %rem3A_21 = arith.constant 2 : i32
    %rem3A_22 = arith.remsi %rem3A, %rem3A_21 : i32
    %dma_wait3A = arith.constant 1 : i32
    %dma_wait3A_23 = arith.constant 1 : i32
    %dma_wait3A_24 = arith.constant 0 : i32
    %dma_wait3A_25 = arith.constant 0 : i32
    %dma_wait3A_26 = tpu.memref_slice %arg9[%dma_wait3A, %dma_wait3A_24, %dma_wait3A_25] : memref<2x125x128xf32, #tpu.memory_space<vmem>> -> memref<1x125x128xf32, #tpu.memory_space<vmem>>
    %dma_wait3A_27 = tpu.memref_squeeze %dma_wait3A_26 : memref<1x125x128xf32, #tpu.memory_space<vmem>> -> memref<125x128xf32, #tpu.memory_space<vmem>>
    %dma_wait3A_28 = arith.constant 0 : i32
    %dma_wait3A_29 = tpu.memref_slice %arg8[%rem3A_22, %dma_wait3A_23, %dma_wait3A_28] : memref<2x2x125xi32, #tpu.memory_space<vmem>> -> memref<1x1x125xi32, #tpu.memory_space<vmem>>
    %dma_wait3A_30 = tpu.memref_squeeze %dma_wait3A_29 : memref<1x1x125xi32, #tpu.memory_space<vmem>> -> memref<125xi32, #tpu.memory_space<vmem>>
    %dma_wait3A_31 = arith.constant 0 : i32
    %dma_wait3A_32 = arith.constant 0 : i32
    %dma_wait3A_33 = tpu.memref_slice %arg10[%dma_wait3A_31, %dma_wait3A_32] : memref<10240x128xf32, #tpu.memory_space<vmem_shared>> -> memref<10240x128xf32, #tpu.memory_space<vmem_shared>>
    tpu.wait_indirect_dma semaphore(%arg12 : memref<!tpu.dma_semaphore, #tpu.memory_space<semaphore_mem>>) src(%dma_wait3A_27 : memref<125x128xf32, #tpu.memory_space<vmem>>) dst(%dma_wait3A_33 : memref<10240x128xf32, #tpu.memory_space<vmem_shared>>)
    %barrier3A_34 = arith.constant 0 : index
    tpu.barrier barrier_id(%barrier3A_34)
    "tpu.region"() ({
      %run_scoped3A_35 = tpu.sem_alloc : memref<!tpu.dma_semaphore, #tpu.memory_space<semaphore_mem>>
      %dma_start3A_36 = arith.constant 0 : i32
      %dma_start3A_37 = tpu.memref_slice %arg6[%arg0, %mul3A_2, %dma_start3A_36] : memref<2x10240x128xf32, #tpu.memory_space<hbm>> -> memref<1x640x128xf32, #tpu.memory_space<hbm>>
      %dma_start3A_38 = tpu.memref_squeeze %dma_start3A_37 : memref<1x640x128xf32, #tpu.memory_space<hbm>> -> memref<640x128xf32, #tpu.memory_space<hbm>>
      %dma_start3A_39 = arith.constant 0 : i32
      %dma_start3A_40 = tpu.memref_slice %arg10[%mul3A_2, %dma_start3A_39] : memref<10240x128xf32, #tpu.memory_space<vmem_shared>> -> memref<640x128xf32, #tpu.memory_space<vmem_shared>>
      tpu.enqueue_dma source(%dma_start3A_40 : memref<640x128xf32, #tpu.memory_space<vmem_shared>>) target(%dma_start3A_38 : memref<640x128xf32, #tpu.memory_space<hbm>>) target_semaphore(%run_scoped3A_35 : memref<!tpu.dma_semaphore, #tpu.memory_space<semaphore_mem>>)
      %dma_wait3A_41 = arith.constant 0 : i32
      %dma_wait3A_42 = tpu.memref_slice %arg6[%arg0, %mul3A_2, %dma_wait3A_41] : memref<2x10240x128xf32, #tpu.memory_space<hbm>> -> memref<1x640x128xf32, #tpu.memory_space<hbm>>
      %dma_wait3A_43 = tpu.memref_squeeze %dma_wait3A_42 : memref<1x640x128xf32, #tpu.memory_space<hbm>> -> memref<640x128xf32, #tpu.memory_space<hbm>>
      %dma_wait3A_44 = arith.constant 0 : i32
      %dma_wait3A_45 = tpu.memref_slice %arg10[%mul3A_2, %dma_wait3A_44] : memref<10240x128xf32, #tpu.memory_space<vmem_shared>> -> memref<640x128xf32, #tpu.memory_space<vmem_shared>>
      tpu.wait_dma2 semaphore(%run_scoped3A_35 : memref<!tpu.dma_semaphore, #tpu.memory_space<semaphore_mem>>) src(%dma_wait3A_45 : memref<640x128xf32, #tpu.memory_space<vmem_shared>>) dst(%dma_wait3A_43 : memref<640x128xf32, #tpu.memory_space<hbm>>)
      tpu.yield
    }) : () -> ()
    return
  }
}

#map = affine_map<(d0, d1) -> (0, 0)>
#map1 = affine_map<(d0, d1) -> (0, 0, 0)>
module attributes {stable_mosaic.version = 14 : i64} {
  func.func @_sc_agg_body(%arg0: i32, %arg1: i32, %arg2: memref<10000x128xf32, #tpu.memory_space<hbm>>, %arg3: memref<32x80x125xi32, #tpu.memory_space<hbm>>, %arg4: memref<32x80x125xi32, #tpu.memory_space<hbm>>, %arg5: memref<640x128xf32, #tpu.memory_space<hbm>>, %arg6: memref<2x10240x128xf32, #tpu.memory_space<hbm>>, %arg7: memref<2x2x125xi32, #tpu.memory_space<vmem>>, %arg8: memref<2x2x125xi32, #tpu.memory_space<vmem>>, %arg9: memref<2x125x128xf32, #tpu.memory_space<vmem>>, %arg10: memref<10240x128xf32, #tpu.memory_space<vmem_shared>>, %arg11: memref<!tpu.dma_semaphore, #tpu.memory_space<semaphore_mem>>, %arg12: memref<!tpu.dma_semaphore, #tpu.memory_space<semaphore_mem>>, %arg13: memref<!tpu.dma_semaphore, #tpu.memory_space<semaphore_mem>>) attributes {dimension_semantics = [#tpu.dimension_semantics<core_parallel>, #tpu.dimension_semantics<subcore_parallel>], iteration_bounds = array<i64: 2, 16>, scalar_prefetch = 0 : i64, scratch_operands = 7 : i64, tpu.core_type = #tpu.core_type<sc_vector_subcore>, window_params = [{transform_indices = #map}, {transform_indices = #map1}, {transform_indices = #map1}, {transform_indices = #map}, {transform_indices = #map1}]} {
    %mul3A = arith.constant 16 : i32
    %mul3A_0 = arith.muli %arg0, %mul3A : i32
    %add3A = arith.addi %mul3A_0, %arg1 : i32
    %mul3A_1 = arith.constant 640 : i32
    %mul3A_2 = arith.muli %arg1, %mul3A_1 : i32
    "tpu.region"() ({
      %run_scoped3A_35 = tpu.sem_alloc : memref<!tpu.dma_semaphore, #tpu.memory_space<semaphore_mem>>
      %dma_start3A_36 = arith.constant 0 : i32
      %dma_start3A_37 = tpu.memref_slice %arg10[%mul3A_2, %dma_start3A_36] : memref<10240x128xf32, #tpu.memory_space<vmem_shared>> -> memref<640x128xf32, #tpu.memory_space<vmem_shared>>
      tpu.enqueue_dma source(%arg5 : memref<640x128xf32, #tpu.memory_space<hbm>>) target(%dma_start3A_37 : memref<640x128xf32, #tpu.memory_space<vmem_shared>>) target_semaphore(%run_scoped3A_35 : memref<!tpu.dma_semaphore, #tpu.memory_space<semaphore_mem>>)
      %dma_wait3A_38 = arith.constant 0 : i32
      %dma_wait3A_39 = tpu.memref_slice %arg10[%mul3A_2, %dma_wait3A_38] : memref<10240x128xf32, #tpu.memory_space<vmem_shared>> -> memref<640x128xf32, #tpu.memory_space<vmem_shared>>
      tpu.wait_dma2 semaphore(%run_scoped3A_35 : memref<!tpu.dma_semaphore, #tpu.memory_space<semaphore_mem>>) src(%arg5 : memref<640x128xf32, #tpu.memory_space<hbm>>) dst(%dma_wait3A_39 : memref<640x128xf32, #tpu.memory_space<vmem_shared>>)
      tpu.yield
    }) : () -> ()
    %run_scoped3A = arith.constant 0 : i32
    "tpu.region"() ({
      %run_scoped3A_35 = tpu.sem_alloc : memref<!tpu.dma_semaphore, #tpu.memory_space<semaphore_mem>>
      %dma_start3A_36 = arith.constant 0 : i32
      %dma_start3A_37 = arith.constant 0 : i32
      %dma_start3A_38 = tpu.memref_slice %arg7[%run_scoped3A, %dma_start3A_36, %dma_start3A_37] : memref<2x2x125xi32, #tpu.memory_space<vmem>> -> memref<1x2x125xi32, #tpu.memory_space<vmem>>
      %dma_start3A_39 = tpu.memref_squeeze %dma_start3A_38 : memref<1x2x125xi32, #tpu.memory_space<vmem>> -> memref<2x125xi32, #tpu.memory_space<vmem>>
      %dma_start3A_40 = arith.constant 0 : i32
      %dma_start3A_41 = arith.constant 0 : i32
      %dma_start3A_42 = tpu.memref_slice %arg3[%add3A, %dma_start3A_40, %dma_start3A_41] : memref<32x80x125xi32, #tpu.memory_space<hbm>> -> memref<1x2x125xi32, #tpu.memory_space<hbm>>
      %dma_start3A_43 = tpu.memref_squeeze %dma_start3A_42 : memref<1x2x125xi32, #tpu.memory_space<hbm>> -> memref<2x125xi32, #tpu.memory_space<hbm>>
      %dma_start3A_44 = arith.constant 0 : i32
      %dma_start3A_45 = arith.constant 0 : i32
      %dma_start3A_46 = tpu.memref_slice %arg7[%run_scoped3A, %dma_start3A_44, %dma_start3A_45] : memref<2x2x125xi32, #tpu.memory_space<vmem>> -> memref<1x2x125xi32, #tpu.memory_space<vmem>>
      %dma_start3A_47 = tpu.memref_squeeze %dma_start3A_46 : memref<1x2x125xi32, #tpu.memory_space<vmem>> -> memref<2x125xi32, #tpu.memory_space<vmem>>
      %dma_start3A_48 = arith.constant 0 : i32
      %dma_start3A_49 = arith.constant 0 : i32
      %dma_start3A_50 = tpu.memref_slice %arg3[%add3A, %dma_start3A_48, %dma_start3A_49] : memref<32x80x125xi32, #tpu.memory_space<hbm>> -> memref<1x2x125xi32, #tpu.memory_space<hbm>>
      %dma_start3A_51 = tpu.memref_squeeze %dma_start3A_50 : memref<1x2x125xi32, #tpu.memory_space<hbm>> -> memref<2x125xi32, #tpu.memory_space<hbm>>
      tpu.enqueue_dma source(%dma_start3A_51 : memref<2x125xi32, #tpu.memory_space<hbm>>) target(%dma_start3A_47 : memref<2x125xi32, #tpu.memory_space<vmem>>) target_semaphore(%run_scoped3A_35 : memref<!tpu.dma_semaphore, #tpu.memory_space<semaphore_mem>>)
      %dma_wait3A_52 = arith.constant 0 : i32
      %dma_wait3A_53 = arith.constant 0 : i32
      %dma_wait3A_54 = tpu.memref_slice %arg7[%run_scoped3A, %dma_wait3A_52, %dma_wait3A_53] : memref<2x2x125xi32, #tpu.memory_space<vmem>> -> memref<1x2x125xi32, #tpu.memory_space<vmem>>
      %dma_wait3A_55 = tpu.memref_squeeze %dma_wait3A_54 : memref<1x2x125xi32, #tpu.memory_space<vmem>> -> memref<2x125xi32, #tpu.memory_space<vmem>>
      %dma_wait3A_56 = arith.constant 0 : i32
      %dma_wait3A_57 = arith.constant 0 : i32
      %dma_wait3A_58 = tpu.memref_slice %arg3[%add3A, %dma_wait3A_56, %dma_wait3A_57] : memref<32x80x125xi32, #tpu.memory_space<hbm>> -> memref<1x2x125xi32, #tpu.memory_space<hbm>>
      %dma_wait3A_59 = tpu.memref_squeeze %dma_wait3A_58 : memref<1x2x125xi32, #tpu.memory_space<hbm>> -> memref<2x125xi32, #tpu.memory_space<hbm>>
      %dma_wait3A_60 = arith.constant 0 : i32
      %dma_wait3A_61 = arith.constant 0 : i32
      %dma_wait3A_62 = tpu.memref_slice %arg7[%run_scoped3A, %dma_wait3A_60, %dma_wait3A_61] : memref<2x2x125xi32, #tpu.memory_space<vmem>> -> memref<1x2x125xi32, #tpu.memory_space<vmem>>
      %dma_wait3A_63 = tpu.memref_squeeze %dma_wait3A_62 : memref<1x2x125xi32, #tpu.memory_space<vmem>> -> memref<2x125xi32, #tpu.memory_space<vmem>>
      %dma_wait3A_64 = arith.constant 0 : i32
      %dma_wait3A_65 = arith.constant 0 : i32
      %dma_wait3A_66 = tpu.memref_slice %arg3[%add3A, %dma_wait3A_64, %dma_wait3A_65] : memref<32x80x125xi32, #tpu.memory_space<hbm>> -> memref<1x2x125xi32, #tpu.memory_space<hbm>>
      %dma_wait3A_67 = tpu.memref_squeeze %dma_wait3A_66 : memref<1x2x125xi32, #tpu.memory_space<hbm>> -> memref<2x125xi32, #tpu.memory_space<hbm>>
      tpu.wait_dma2 semaphore(%run_scoped3A_35 : memref<!tpu.dma_semaphore, #tpu.memory_space<semaphore_mem>>) src(%dma_wait3A_67 : memref<2x125xi32, #tpu.memory_space<hbm>>) dst(%dma_wait3A_63 : memref<2x125xi32, #tpu.memory_space<vmem>>)
      tpu.yield
    }) : () -> ()
    %run_scoped3A_3 = arith.constant 0 : i32
    "tpu.region"() ({
      %run_scoped3A_35 = tpu.sem_alloc : memref<!tpu.dma_semaphore, #tpu.memory_space<semaphore_mem>>
      %dma_start3A_36 = arith.constant 0 : i32
      %dma_start3A_37 = arith.constant 0 : i32
      %dma_start3A_38 = tpu.memref_slice %arg8[%run_scoped3A_3, %dma_start3A_36, %dma_start3A_37] : memref<2x2x125xi32, #tpu.memory_space<vmem>> -> memref<1x2x125xi32, #tpu.memory_space<vmem>>
      %dma_start3A_39 = tpu.memref_squeeze %dma_start3A_38 : memref<1x2x125xi32, #tpu.memory_space<vmem>> -> memref<2x125xi32, #tpu.memory_space<vmem>>
      %dma_start3A_40 = arith.constant 0 : i32
      %dma_start3A_41 = arith.constant 0 : i32
      %dma_start3A_42 = tpu.memref_slice %arg4[%add3A, %dma_start3A_40, %dma_start3A_41] : memref<32x80x125xi32, #tpu.memory_space<hbm>> -> memref<1x2x125xi32, #tpu.memory_space<hbm>>
      %dma_start3A_43 = tpu.memref_squeeze %dma_start3A_42 : memref<1x2x125xi32, #tpu.memory_space<hbm>> -> memref<2x125xi32, #tpu.memory_space<hbm>>
      %dma_start3A_44 = arith.constant 0 : i32
      %dma_start3A_45 = arith.constant 0 : i32
      %dma_start3A_46 = tpu.memref_slice %arg8[%run_scoped3A_3, %dma_start3A_44, %dma_start3A_45] : memref<2x2x125xi32, #tpu.memory_space<vmem>> -> memref<1x2x125xi32, #tpu.memory_space<vmem>>
      %dma_start3A_47 = tpu.memref_squeeze %dma_start3A_46 : memref<1x2x125xi32, #tpu.memory_space<vmem>> -> memref<2x125xi32, #tpu.memory_space<vmem>>
      %dma_start3A_48 = arith.constant 0 : i32
      %dma_start3A_49 = arith.constant 0 : i32
      %dma_start3A_50 = tpu.memref_slice %arg4[%add3A, %dma_start3A_48, %dma_start3A_49] : memref<32x80x125xi32, #tpu.memory_space<hbm>> -> memref<1x2x125xi32, #tpu.memory_space<hbm>>
      %dma_start3A_51 = tpu.memref_squeeze %dma_start3A_50 : memref<1x2x125xi32, #tpu.memory_space<hbm>> -> memref<2x125xi32, #tpu.memory_space<hbm>>
      tpu.enqueue_dma source(%dma_start3A_51 : memref<2x125xi32, #tpu.memory_space<hbm>>) target(%dma_start3A_47 : memref<2x125xi32, #tpu.memory_space<vmem>>) target_semaphore(%run_scoped3A_35 : memref<!tpu.dma_semaphore, #tpu.memory_space<semaphore_mem>>)
      %dma_wait3A_52 = arith.constant 0 : i32
      %dma_wait3A_53 = arith.constant 0 : i32
      %dma_wait3A_54 = tpu.memref_slice %arg8[%run_scoped3A_3, %dma_wait3A_52, %dma_wait3A_53] : memref<2x2x125xi32, #tpu.memory_space<vmem>> -> memref<1x2x125xi32, #tpu.memory_space<vmem>>
      %dma_wait3A_55 = tpu.memref_squeeze %dma_wait3A_54 : memref<1x2x125xi32, #tpu.memory_space<vmem>> -> memref<2x125xi32, #tpu.memory_space<vmem>>
      %dma_wait3A_56 = arith.constant 0 : i32
      %dma_wait3A_57 = arith.constant 0 : i32
      %dma_wait3A_58 = tpu.memref_slice %arg4[%add3A, %dma_wait3A_56, %dma_wait3A_57] : memref<32x80x125xi32, #tpu.memory_space<hbm>> -> memref<1x2x125xi32, #tpu.memory_space<hbm>>
      %dma_wait3A_59 = tpu.memref_squeeze %dma_wait3A_58 : memref<1x2x125xi32, #tpu.memory_space<hbm>> -> memref<2x125xi32, #tpu.memory_space<hbm>>
      %dma_wait3A_60 = arith.constant 0 : i32
      %dma_wait3A_61 = arith.constant 0 : i32
      %dma_wait3A_62 = tpu.memref_slice %arg8[%run_scoped3A_3, %dma_wait3A_60, %dma_wait3A_61] : memref<2x2x125xi32, #tpu.memory_space<vmem>> -> memref<1x2x125xi32, #tpu.memory_space<vmem>>
      %dma_wait3A_63 = tpu.memref_squeeze %dma_wait3A_62 : memref<1x2x125xi32, #tpu.memory_space<vmem>> -> memref<2x125xi32, #tpu.memory_space<vmem>>
      %dma_wait3A_64 = arith.constant 0 : i32
      %dma_wait3A_65 = arith.constant 0 : i32
      %dma_wait3A_66 = tpu.memref_slice %arg4[%add3A, %dma_wait3A_64, %dma_wait3A_65] : memref<32x80x125xi32, #tpu.memory_space<hbm>> -> memref<1x2x125xi32, #tpu.memory_space<hbm>>
      %dma_wait3A_67 = tpu.memref_squeeze %dma_wait3A_66 : memref<1x2x125xi32, #tpu.memory_space<hbm>> -> memref<2x125xi32, #tpu.memory_space<hbm>>
      tpu.wait_dma2 semaphore(%run_scoped3A_35 : memref<!tpu.dma_semaphore, #tpu.memory_space<semaphore_mem>>) src(%dma_wait3A_67 : memref<2x125xi32, #tpu.memory_space<hbm>>) dst(%dma_wait3A_63 : memref<2x125xi32, #tpu.memory_space<vmem>>)
      tpu.yield
    }) : () -> ()
    %barrier3A = arith.constant 0 : index
    tpu.barrier barrier_id(%barrier3A)
    %dma_start3A = arith.constant 0 : i32
    %dma_start3A_4 = arith.constant 0 : i32
    %dma_start3A_5 = arith.constant 0 : i32
    %dma_start3A_6 = arith.constant 0 : i32
    %dma_start3A_7 = arith.constant 0 : i32
    %dma_start3A_8 = tpu.memref_slice %arg9[%dma_start3A_5, %dma_start3A_6, %dma_start3A_7] : memref<2x125x128xf32, #tpu.memory_space<vmem>> -> memref<1x125x128xf32, #tpu.memory_space<vmem>>
    %dma_start3A_9 = tpu.memref_squeeze %dma_start3A_8 : memref<1x125x128xf32, #tpu.memory_space<vmem>> -> memref<125x128xf32, #tpu.memory_space<vmem>>
    %dma_start3A_10 = arith.constant 0 : i32
    %dma_start3A_11 = tpu.memref_slice %arg7[%dma_start3A, %dma_start3A_4, %dma_start3A_10] : memref<2x2x125xi32, #tpu.memory_space<vmem>> -> memref<1x1x125xi32, #tpu.memory_space<vmem>>
    %dma_start3A_12 = tpu.memref_squeeze %dma_start3A_11 : memref<1x1x125xi32, #tpu.memory_space<vmem>> -> memref<125xi32, #tpu.memory_space<vmem>>
    %dma_start3A_13 = arith.constant 0 : i32
    %dma_start3A_14 = arith.constant 0 : i32
    %dma_start3A_15 = tpu.memref_slice %arg2[%dma_start3A_13, %dma_start3A_14] : memref<10000x128xf32, #tpu.memory_space<hbm>> -> memref<10000x128xf32, #tpu.memory_space<hbm>>
    tpu.enqueue_indirect_dma source(%dma_start3A_15 : memref<10000x128xf32, #tpu.memory_space<hbm>>) target(%dma_start3A_9 : memref<125x128xf32, #tpu.memory_space<vmem>>) offsets(%dma_start3A_12 : memref<125xi32, #tpu.memory_space<vmem>>) semaphore(%arg11 : memref<!tpu.dma_semaphore, #tpu.memory_space<semaphore_mem>>)
    %scan3A = arith.constant 0 : i32
    %scan3A_16 = arith.constant 0 : i32
    %scan3A_17 = arith.constant 40 : i32
    %scan3A_18 = arith.addi %scan3A_16, %scan3A_17 : i32
    %scan3A_19 = arith.constant 1 : i32
    scf.for %scan3A_35 = %scan3A_16 to %scan3A_18 step %scan3A_19  : i32 {
      %rem3A_36 = arith.constant 2 : i32
      %rem3A_37 = arith.remsi %scan3A_35, %rem3A_36 : i32
      %sub3A = arith.constant 1 : i32
      %sub3A_38 = arith.subi %sub3A, %rem3A_37 : i32
      %dma_wait3A_39 = arith.constant 0 : i32
      %dma_wait3A_40 = arith.constant 0 : i32
      %dma_wait3A_41 = arith.constant 0 : i32
      %dma_wait3A_42 = arith.constant 0 : i32
      %dma_wait3A_43 = tpu.memref_slice %arg9[%dma_wait3A_40, %dma_wait3A_41, %dma_wait3A_42] : memref<2x125x128xf32, #tpu.memory_space<vmem>> -> memref<1x125x128xf32, #tpu.memory_space<vmem>>
      %dma_wait3A_44 = tpu.memref_squeeze %dma_wait3A_43 : memref<1x125x128xf32, #tpu.memory_space<vmem>> -> memref<125x128xf32, #tpu.memory_space<vmem>>
      %dma_wait3A_45 = arith.constant 0 : i32
      %dma_wait3A_46 = tpu.memref_slice %arg7[%rem3A_37, %dma_wait3A_39, %dma_wait3A_45] : memref<2x2x125xi32, #tpu.memory_space<vmem>> -> memref<1x1x125xi32, #tpu.memory_space<vmem>>
      %dma_wait3A_47 = tpu.memref_squeeze %dma_wait3A_46 : memref<1x1x125xi32, #tpu.memory_space<vmem>> -> memref<125xi32, #tpu.memory_space<vmem>>
      %dma_wait3A_48 = arith.constant 0 : i32
      %dma_wait3A_49 = arith.constant 0 : i32
      %dma_wait3A_50 = tpu.memref_slice %arg2[%dma_wait3A_48, %dma_wait3A_49] : memref<10000x128xf32, #tpu.memory_space<hbm>> -> memref<10000x128xf32, #tpu.memory_space<hbm>>
      tpu.wait_indirect_dma semaphore(%arg11 : memref<!tpu.dma_semaphore, #tpu.memory_space<semaphore_mem>>) src(%dma_wait3A_50 : memref<10000x128xf32, #tpu.memory_space<hbm>>) dst(%dma_wait3A_44 : memref<125x128xf32, #tpu.memory_space<vmem>>)
      %gt3A = arith.constant 0 : i32
      %gt3A_51 = arith.cmpi sgt, %scan3A_35, %gt3A : i32
      %convert_element_type3A = arith.extui %gt3A_51 : i1 to i32
      %cond3A = arith.constant 0 : i32
      %cond3A_52 = arith.cmpi ne, %convert_element_type3A, %cond3A : i32
      scf.if %cond3A_52 {
        %dma_wait3A_122 = arith.constant 1 : i32
        %dma_wait3A_123 = arith.constant 1 : i32
        %dma_wait3A_124 = arith.constant 0 : i32
        %dma_wait3A_125 = arith.constant 0 : i32
        %dma_wait3A_126 = tpu.memref_slice %arg9[%dma_wait3A_122, %dma_wait3A_124, %dma_wait3A_125] : memref<2x125x128xf32, #tpu.memory_space<vmem>> -> memref<1x125x128xf32, #tpu.memory_space<vmem>>
        %dma_wait3A_127 = tpu.memref_squeeze %dma_wait3A_126 : memref<1x125x128xf32, #tpu.memory_space<vmem>> -> memref<125x128xf32, #tpu.memory_space<vmem>>
        %dma_wait3A_128 = arith.constant 0 : i32
        %dma_wait3A_129 = tpu.memref_slice %arg8[%sub3A_38, %dma_wait3A_123, %dma_wait3A_128] : memref<2x2x125xi32, #tpu.memory_space<vmem>> -> memref<1x1x125xi32, #tpu.memory_space<vmem>>
        %dma_wait3A_130 = tpu.memref_squeeze %dma_wait3A_129 : memref<1x1x125xi32, #tpu.memory_space<vmem>> -> memref<125xi32, #tpu.memory_space<vmem>>
        %dma_wait3A_131 = arith.constant 0 : i32
        %dma_wait3A_132 = arith.constant 0 : i32
        %dma_wait3A_133 = tpu.memref_slice %arg10[%dma_wait3A_131, %dma_wait3A_132] : memref<10240x128xf32, #tpu.memory_space<vmem_shared>> -> memref<10240x128xf32, #tpu.memory_space<vmem_shared>>
        tpu.wait_indirect_dma semaphore(%arg12 : memref<!tpu.dma_semaphore, #tpu.memory_space<semaphore_mem>>) src(%dma_wait3A_127 : memref<125x128xf32, #tpu.memory_space<vmem>>) dst(%dma_wait3A_133 : memref<10240x128xf32, #tpu.memory_space<vmem_shared>>)
      } else {
      }
      %lt3A = arith.constant 39 : i32
      %lt3A_53 = arith.cmpi slt, %scan3A_35, %lt3A : i32
      %convert_element_type3A_54 = arith.extui %lt3A_53 : i1 to i32
      %cond3A_55 = arith.constant 0 : i32
      %cond3A_56 = arith.cmpi ne, %convert_element_type3A_54, %cond3A_55 : i32
      scf.if %cond3A_56 {
        %add3A_122 = arith.constant 1 : i32
        %add3A_123 = arith.addi %scan3A_35, %add3A_122 : i32
        %mul3A_124 = arith.constant 2 : i32
        %mul3A_125 = arith.muli %mul3A_124, %add3A_123 : i32
        %dma_start3A_126 = arith.constant 0 : i32
        %dma_start3A_127 = arith.constant 0 : i32
        %dma_start3A_128 = tpu.memref_slice %arg7[%sub3A_38, %dma_start3A_126, %dma_start3A_127] : memref<2x2x125xi32, #tpu.memory_space<vmem>> -> memref<1x2x125xi32, #tpu.memory_space<vmem>>
        %dma_start3A_129 = tpu.memref_squeeze %dma_start3A_128 : memref<1x2x125xi32, #tpu.memory_space<vmem>> -> memref<2x125xi32, #tpu.memory_space<vmem>>
        %dma_start3A_130 = arith.constant 0 : i32
        %dma_start3A_131 = tpu.memref_slice %arg3[%add3A, %mul3A_125, %dma_start3A_130] : memref<32x80x125xi32, #tpu.memory_space<hbm>> -> memref<1x2x125xi32, #tpu.memory_space<hbm>>
        %dma_start3A_132 = tpu.memref_squeeze %dma_start3A_131 : memref<1x2x125xi32, #tpu.memory_space<hbm>> -> memref<2x125xi32, #tpu.memory_space<hbm>>
        %dma_start3A_133 = arith.constant 0 : i32
        %dma_start3A_134 = arith.constant 0 : i32
        %dma_start3A_135 = tpu.memref_slice %arg7[%sub3A_38, %dma_start3A_133, %dma_start3A_134] : memref<2x2x125xi32, #tpu.memory_space<vmem>> -> memref<1x2x125xi32, #tpu.memory_space<vmem>>
        %dma_start3A_136 = tpu.memref_squeeze %dma_start3A_135 : memref<1x2x125xi32, #tpu.memory_space<vmem>> -> memref<2x125xi32, #tpu.memory_space<vmem>>
        %dma_start3A_137 = arith.constant 0 : i32
        %dma_start3A_138 = tpu.memref_slice %arg3[%add3A, %mul3A_125, %dma_start3A_137] : memref<32x80x125xi32, #tpu.memory_space<hbm>> -> memref<1x2x125xi32, #tpu.memory_space<hbm>>
        %dma_start3A_139 = tpu.memref_squeeze %dma_start3A_138 : memref<1x2x125xi32, #tpu.memory_space<hbm>> -> memref<2x125xi32, #tpu.memory_space<hbm>>
        tpu.enqueue_dma source(%dma_start3A_139 : memref<2x125xi32, #tpu.memory_space<hbm>>) target(%dma_start3A_136 : memref<2x125xi32, #tpu.memory_space<vmem>>) target_semaphore(%arg13 : memref<!tpu.dma_semaphore, #tpu.memory_space<semaphore_mem>>)
        %mul3A_140 = arith.constant 2 : i32
        %mul3A_141 = arith.muli %mul3A_140, %add3A_123 : i32
        %dma_start3A_142 = arith.constant 0 : i32
        %dma_start3A_143 = arith.constant 0 : i32
        %dma_start3A_144 = tpu.memref_slice %arg8[%sub3A_38, %dma_start3A_142, %dma_start3A_143] : memref<2x2x125xi32, #tpu.memory_space<vmem>> -> memref<1x2x125xi32, #tpu.memory_space<vmem>>
        %dma_start3A_145 = tpu.memref_squeeze %dma_start3A_144 : memref<1x2x125xi32, #tpu.memory_space<vmem>> -> memref<2x125xi32, #tpu.memory_space<vmem>>
        %dma_start3A_146 = arith.constant 0 : i32
        %dma_start3A_147 = tpu.memref_slice %arg4[%add3A, %mul3A_141, %dma_start3A_146] : memref<32x80x125xi32, #tpu.memory_space<hbm>> -> memref<1x2x125xi32, #tpu.memory_space<hbm>>
        %dma_start3A_148 = tpu.memref_squeeze %dma_start3A_147 : memref<1x2x125xi32, #tpu.memory_space<hbm>> -> memref<2x125xi32, #tpu.memory_space<hbm>>
        %dma_start3A_149 = arith.constant 0 : i32
        %dma_start3A_150 = arith.constant 0 : i32
        %dma_start3A_151 = tpu.memref_slice %arg8[%sub3A_38, %dma_start3A_149, %dma_start3A_150] : memref<2x2x125xi32, #tpu.memory_space<vmem>> -> memref<1x2x125xi32, #tpu.memory_space<vmem>>
        %dma_start3A_152 = tpu.memref_squeeze %dma_start3A_151 : memref<1x2x125xi32, #tpu.memory_space<vmem>> -> memref<2x125xi32, #tpu.memory_space<vmem>>
        %dma_start3A_153 = arith.constant 0 : i32
        %dma_start3A_154 = tpu.memref_slice %arg4[%add3A, %mul3A_141, %dma_start3A_153] : memref<32x80x125xi32, #tpu.memory_space<hbm>> -> memref<1x2x125xi32, #tpu.memory_space<hbm>>
        %dma_start3A_155 = tpu.memref_squeeze %dma_start3A_154 : memref<1x2x125xi32, #tpu.memory_space<hbm>> -> memref<2x125xi32, #tpu.memory_space<hbm>>
        tpu.enqueue_dma source(%dma_start3A_155 : memref<2x125xi32, #tpu.memory_space<hbm>>) target(%dma_start3A_152 : memref<2x125xi32, #tpu.memory_space<vmem>>) target_semaphore(%arg13 : memref<!tpu.dma_semaphore, #tpu.memory_space<semaphore_mem>>)
      } else {
      }
      %dma_start3A_57 = arith.constant 0 : i32
      %dma_start3A_58 = arith.constant 0 : i32
      %dma_start3A_59 = arith.constant 0 : i32
      %dma_start3A_60 = arith.constant 0 : i32
      %dma_start3A_61 = tpu.memref_slice %arg9[%dma_start3A_57, %dma_start3A_59, %dma_start3A_60] : memref<2x125x128xf32, #tpu.memory_space<vmem>> -> memref<1x125x128xf32, #tpu.memory_space<vmem>>
      %dma_start3A_62 = tpu.memref_squeeze %dma_start3A_61 : memref<1x125x128xf32, #tpu.memory_space<vmem>> -> memref<125x128xf32, #tpu.memory_space<vmem>>
      %dma_start3A_63 = arith.constant 0 : i32
      %dma_start3A_64 = tpu.memref_slice %arg8[%rem3A_37, %dma_start3A_58, %dma_start3A_63] : memref<2x2x125xi32, #tpu.memory_space<vmem>> -> memref<1x1x125xi32, #tpu.memory_space<vmem>>
      %dma_start3A_65 = tpu.memref_squeeze %dma_start3A_64 : memref<1x1x125xi32, #tpu.memory_space<vmem>> -> memref<125xi32, #tpu.memory_space<vmem>>
      %dma_start3A_66 = arith.constant 0 : i32
      %dma_start3A_67 = arith.constant 0 : i32
      %dma_start3A_68 = tpu.memref_slice %arg10[%dma_start3A_66, %dma_start3A_67] : memref<10240x128xf32, #tpu.memory_space<vmem_shared>> -> memref<10240x128xf32, #tpu.memory_space<vmem_shared>>
      tpu.enqueue_indirect_dma source(%dma_start3A_62 : memref<125x128xf32, #tpu.memory_space<vmem>>) target(%dma_start3A_68 : memref<10240x128xf32, #tpu.memory_space<vmem_shared>>) offsets(%dma_start3A_65 : memref<125xi32, #tpu.memory_space<vmem>>) semaphore(%arg12 : memref<!tpu.dma_semaphore, #tpu.memory_space<semaphore_mem>>) {add = true}
      %dma_start3A_69 = arith.constant 1 : i32
      %dma_start3A_70 = arith.constant 1 : i32
      %dma_start3A_71 = arith.constant 0 : i32
      %dma_start3A_72 = arith.constant 0 : i32
      %dma_start3A_73 = tpu.memref_slice %arg9[%dma_start3A_70, %dma_start3A_71, %dma_start3A_72] : memref<2x125x128xf32, #tpu.memory_space<vmem>> -> memref<1x125x128xf32, #tpu.memory_space<vmem>>
      %dma_start3A_74 = tpu.memref_squeeze %dma_start3A_73 : memref<1x125x128xf32, #tpu.memory_space<vmem>> -> memref<125x128xf32, #tpu.memory_space<vmem>>
      %dma_start3A_75 = arith.constant 0 : i32
      %dma_start3A_76 = tpu.memref_slice %arg7[%rem3A_37, %dma_start3A_69, %dma_start3A_75] : memref<2x2x125xi32, #tpu.memory_space<vmem>> -> memref<1x1x125xi32, #tpu.memory_space<vmem>>
      %dma_start3A_77 = tpu.memref_squeeze %dma_start3A_76 : memref<1x1x125xi32, #tpu.memory_space<vmem>> -> memref<125xi32, #tpu.memory_space<vmem>>
      %dma_start3A_78 = arith.constant 0 : i32
      %dma_start3A_79 = arith.constant 0 : i32
      %dma_start3A_80 = tpu.memref_slice %arg2[%dma_start3A_78, %dma_start3A_79] : memref<10000x128xf32, #tpu.memory_space<hbm>> -> memref<10000x128xf32, #tpu.memory_space<hbm>>
      tpu.enqueue_indirect_dma source(%dma_start3A_80 : memref<10000x128xf32, #tpu.memory_space<hbm>>) target(%dma_start3A_74 : memref<125x128xf32, #tpu.memory_space<vmem>>) offsets(%dma_start3A_77 : memref<125xi32, #tpu.memory_space<vmem>>) semaphore(%arg11 : memref<!tpu.dma_semaphore, #tpu.memory_space<semaphore_mem>>)
      %dma_wait3A_81 = arith.constant 1 : i32
      %dma_wait3A_82 = arith.constant 1 : i32
      %dma_wait3A_83 = arith.constant 0 : i32
      %dma_wait3A_84 = arith.constant 0 : i32
      %dma_wait3A_85 = tpu.memref_slice %arg9[%dma_wait3A_82, %dma_wait3A_83, %dma_wait3A_84] : memref<2x125x128xf32, #tpu.memory_space<vmem>> -> memref<1x125x128xf32, #tpu.memory_space<vmem>>
      %dma_wait3A_86 = tpu.memref_squeeze %dma_wait3A_85 : memref<1x125x128xf32, #tpu.memory_space<vmem>> -> memref<125x128xf32, #tpu.memory_space<vmem>>
      %dma_wait3A_87 = arith.constant 0 : i32
      %dma_wait3A_88 = tpu.memref_slice %arg7[%rem3A_37, %dma_wait3A_81, %dma_wait3A_87] : memref<2x2x125xi32, #tpu.memory_space<vmem>> -> memref<1x1x125xi32, #tpu.memory_space<vmem>>
      %dma_wait3A_89 = tpu.memref_squeeze %dma_wait3A_88 : memref<1x1x125xi32, #tpu.memory_space<vmem>> -> memref<125xi32, #tpu.memory_space<vmem>>
      %dma_wait3A_90 = arith.constant 0 : i32
      %dma_wait3A_91 = arith.constant 0 : i32
      %dma_wait3A_92 = tpu.memref_slice %arg2[%dma_wait3A_90, %dma_wait3A_91] : memref<10000x128xf32, #tpu.memory_space<hbm>> -> memref<10000x128xf32, #tpu.memory_space<hbm>>
      tpu.wait_indirect_dma semaphore(%arg11 : memref<!tpu.dma_semaphore, #tpu.memory_space<semaphore_mem>>) src(%dma_wait3A_92 : memref<10000x128xf32, #tpu.memory_space<hbm>>) dst(%dma_wait3A_86 : memref<125x128xf32, #tpu.memory_space<vmem>>)
      %dma_wait3A_93 = arith.constant 0 : i32
      %dma_wait3A_94 = arith.constant 0 : i32
      %dma_wait3A_95 = arith.constant 0 : i32
      %dma_wait3A_96 = arith.constant 0 : i32
      %dma_wait3A_97 = tpu.memref_slice %arg9[%dma_wait3A_93, %dma_wait3A_95, %dma_wait3A_96] : memref<2x125x128xf32, #tpu.memory_space<vmem>> -> memref<1x125x128xf32, #tpu.memory_space<vmem>>
      %dma_wait3A_98 = tpu.memref_squeeze %dma_wait3A_97 : memref<1x125x128xf32, #tpu.memory_space<vmem>> -> memref<125x128xf32, #tpu.memory_space<vmem>>
      %dma_wait3A_99 = arith.constant 0 : i32
      %dma_wait3A_100 = tpu.memref_slice %arg8[%rem3A_37, %dma_wait3A_94, %dma_wait3A_99] : memref<2x2x125xi32, #tpu.memory_space<vmem>> -> memref<1x1x125xi32, #tpu.memory_space<vmem>>
      %dma_wait3A_101 = tpu.memref_squeeze %dma_wait3A_100 : memref<1x1x125xi32, #tpu.memory_space<vmem>> -> memref<125xi32, #tpu.memory_space<vmem>>
      %dma_wait3A_102 = arith.constant 0 : i32
      %dma_wait3A_103 = arith.constant 0 : i32
      %dma_wait3A_104 = tpu.memref_slice %arg10[%dma_wait3A_102, %dma_wait3A_103] : memref<10240x128xf32, #tpu.memory_space<vmem_shared>> -> memref<10240x128xf32, #tpu.memory_space<vmem_shared>>
      tpu.wait_indirect_dma semaphore(%arg12 : memref<!tpu.dma_semaphore, #tpu.memory_space<semaphore_mem>>) src(%dma_wait3A_98 : memref<125x128xf32, #tpu.memory_space<vmem>>) dst(%dma_wait3A_104 : memref<10240x128xf32, #tpu.memory_space<vmem_shared>>)
      %dma_start3A_105 = arith.constant 1 : i32
      %dma_start3A_106 = arith.constant 1 : i32
      %dma_start3A_107 = arith.constant 0 : i32
      %dma_start3A_108 = arith.constant 0 : i32
      %dma_start3A_109 = tpu.memref_slice %arg9[%dma_start3A_105, %dma_start3A_107, %dma_start3A_108] : memref<2x125x128xf32, #tpu.memory_space<vmem>> -> memref<1x125x128xf32, #tpu.memory_space<vmem>>
      %dma_start3A_110 = tpu.memref_squeeze %dma_start3A_109 : memref<1x125x128xf32, #tpu.memory_space<vmem>> -> memref<125x128xf32, #tpu.memory_space<vmem>>
      %dma_start3A_111 = arith.constant 0 : i32
      %dma_start3A_112 = tpu.memref_slice %arg8[%rem3A_37, %dma_start3A_106, %dma_start3A_111] : memref<2x2x125xi32, #tpu.memory_space<vmem>> -> memref<1x1x125xi32, #tpu.memory_space<vmem>>
      %dma_start3A_113 = tpu.memref_squeeze %dma_start3A_112 : memref<1x1x125xi32, #tpu.memory_space<vmem>> -> memref<125xi32, #tpu.memory_space<vmem>>
      %dma_start3A_114 = arith.constant 0 : i32
      %dma_start3A_115 = arith.constant 0 : i32
      %dma_start3A_116 = tpu.memref_slice %arg10[%dma_start3A_114, %dma_start3A_115] : memref<10240x128xf32, #tpu.memory_space<vmem_shared>> -> memref<10240x128xf32, #tpu.memory_space<vmem_shared>>
      tpu.enqueue_indirect_dma source(%dma_start3A_110 : memref<125x128xf32, #tpu.memory_space<vmem>>) target(%dma_start3A_116 : memref<10240x128xf32, #tpu.memory_space<vmem_shared>>) offsets(%dma_start3A_113 : memref<125xi32, #tpu.memory_space<vmem>>) semaphore(%arg12 : memref<!tpu.dma_semaphore, #tpu.memory_space<semaphore_mem>>) {add = true}
      %lt3A_117 = arith.constant 39 : i32
      %lt3A_118 = arith.cmpi slt, %scan3A_35, %lt3A_117 : i32
      %convert_element_type3A_119 = arith.extui %lt3A_118 : i1 to i32
      %cond3A_120 = arith.constant 0 : i32
      %cond3A_121 = arith.cmpi ne, %convert_element_type3A_119, %cond3A_120 : i32
      scf.if %cond3A_121 {
        %add3A_122 = arith.constant 1 : i32
        %add3A_123 = arith.addi %scan3A_35, %add3A_122 : i32
        %mul3A_124 = arith.constant 2 : i32
        %mul3A_125 = arith.muli %mul3A_124, %add3A_123 : i32
        %dma_wait3A_126 = arith.constant 0 : i32
        %dma_wait3A_127 = arith.constant 0 : i32
        %dma_wait3A_128 = tpu.memref_slice %arg7[%sub3A_38, %dma_wait3A_126, %dma_wait3A_127] : memref<2x2x125xi32, #tpu.memory_space<vmem>> -> memref<1x2x125xi32, #tpu.memory_space<vmem>>
        %dma_wait3A_129 = tpu.memref_squeeze %dma_wait3A_128 : memref<1x2x125xi32, #tpu.memory_space<vmem>> -> memref<2x125xi32, #tpu.memory_space<vmem>>
        %dma_wait3A_130 = arith.constant 0 : i32
        %dma_wait3A_131 = tpu.memref_slice %arg3[%add3A, %mul3A_125, %dma_wait3A_130] : memref<32x80x125xi32, #tpu.memory_space<hbm>> -> memref<1x2x125xi32, #tpu.memory_space<hbm>>
        %dma_wait3A_132 = tpu.memref_squeeze %dma_wait3A_131 : memref<1x2x125xi32, #tpu.memory_space<hbm>> -> memref<2x125xi32, #tpu.memory_space<hbm>>
        %dma_wait3A_133 = arith.constant 0 : i32
        %dma_wait3A_134 = arith.constant 0 : i32
        %dma_wait3A_135 = tpu.memref_slice %arg7[%sub3A_38, %dma_wait3A_133, %dma_wait3A_134] : memref<2x2x125xi32, #tpu.memory_space<vmem>> -> memref<1x2x125xi32, #tpu.memory_space<vmem>>
        %dma_wait3A_136 = tpu.memref_squeeze %dma_wait3A_135 : memref<1x2x125xi32, #tpu.memory_space<vmem>> -> memref<2x125xi32, #tpu.memory_space<vmem>>
        %dma_wait3A_137 = arith.constant 0 : i32
        %dma_wait3A_138 = tpu.memref_slice %arg3[%add3A, %mul3A_125, %dma_wait3A_137] : memref<32x80x125xi32, #tpu.memory_space<hbm>> -> memref<1x2x125xi32, #tpu.memory_space<hbm>>
        %dma_wait3A_139 = tpu.memref_squeeze %dma_wait3A_138 : memref<1x2x125xi32, #tpu.memory_space<hbm>> -> memref<2x125xi32, #tpu.memory_space<hbm>>
        tpu.wait_dma2 semaphore(%arg13 : memref<!tpu.dma_semaphore, #tpu.memory_space<semaphore_mem>>) src(%dma_wait3A_139 : memref<2x125xi32, #tpu.memory_space<hbm>>) dst(%dma_wait3A_136 : memref<2x125xi32, #tpu.memory_space<vmem>>)
        %mul3A_140 = arith.constant 2 : i32
        %mul3A_141 = arith.muli %mul3A_140, %add3A_123 : i32
        %dma_wait3A_142 = arith.constant 0 : i32
        %dma_wait3A_143 = arith.constant 0 : i32
        %dma_wait3A_144 = tpu.memref_slice %arg8[%sub3A_38, %dma_wait3A_142, %dma_wait3A_143] : memref<2x2x125xi32, #tpu.memory_space<vmem>> -> memref<1x2x125xi32, #tpu.memory_space<vmem>>
        %dma_wait3A_145 = tpu.memref_squeeze %dma_wait3A_144 : memref<1x2x125xi32, #tpu.memory_space<vmem>> -> memref<2x125xi32, #tpu.memory_space<vmem>>
        %dma_wait3A_146 = arith.constant 0 : i32
        %dma_wait3A_147 = tpu.memref_slice %arg4[%add3A, %mul3A_141, %dma_wait3A_146] : memref<32x80x125xi32, #tpu.memory_space<hbm>> -> memref<1x2x125xi32, #tpu.memory_space<hbm>>
        %dma_wait3A_148 = tpu.memref_squeeze %dma_wait3A_147 : memref<1x2x125xi32, #tpu.memory_space<hbm>> -> memref<2x125xi32, #tpu.memory_space<hbm>>
        %dma_wait3A_149 = arith.constant 0 : i32
        %dma_wait3A_150 = arith.constant 0 : i32
        %dma_wait3A_151 = tpu.memref_slice %arg8[%sub3A_38, %dma_wait3A_149, %dma_wait3A_150] : memref<2x2x125xi32, #tpu.memory_space<vmem>> -> memref<1x2x125xi32, #tpu.memory_space<vmem>>
        %dma_wait3A_152 = tpu.memref_squeeze %dma_wait3A_151 : memref<1x2x125xi32, #tpu.memory_space<vmem>> -> memref<2x125xi32, #tpu.memory_space<vmem>>
        %dma_wait3A_153 = arith.constant 0 : i32
        %dma_wait3A_154 = tpu.memref_slice %arg4[%add3A, %mul3A_141, %dma_wait3A_153] : memref<32x80x125xi32, #tpu.memory_space<hbm>> -> memref<1x2x125xi32, #tpu.memory_space<hbm>>
        %dma_wait3A_155 = tpu.memref_squeeze %dma_wait3A_154 : memref<1x2x125xi32, #tpu.memory_space<hbm>> -> memref<2x125xi32, #tpu.memory_space<hbm>>
        tpu.wait_dma2 semaphore(%arg13 : memref<!tpu.dma_semaphore, #tpu.memory_space<semaphore_mem>>) src(%dma_wait3A_155 : memref<2x125xi32, #tpu.memory_space<hbm>>) dst(%dma_wait3A_152 : memref<2x125xi32, #tpu.memory_space<vmem>>)
        %dma_start3A_156 = arith.constant 0 : i32
        %dma_start3A_157 = arith.constant 0 : i32
        %dma_start3A_158 = arith.constant 0 : i32
        %dma_start3A_159 = arith.constant 0 : i32
        %dma_start3A_160 = tpu.memref_slice %arg9[%dma_start3A_157, %dma_start3A_158, %dma_start3A_159] : memref<2x125x128xf32, #tpu.memory_space<vmem>> -> memref<1x125x128xf32, #tpu.memory_space<vmem>>
        %dma_start3A_161 = tpu.memref_squeeze %dma_start3A_160 : memref<1x125x128xf32, #tpu.memory_space<vmem>> -> memref<125x128xf32, #tpu.memory_space<vmem>>
        %dma_start3A_162 = arith.constant 0 : i32
        %dma_start3A_163 = tpu.memref_slice %arg7[%sub3A_38, %dma_start3A_156, %dma_start3A_162] : memref<2x2x125xi32, #tpu.memory_space<vmem>> -> memref<1x1x125xi32, #tpu.memory_space<vmem>>
        %dma_start3A_164 = tpu.memref_squeeze %dma_start3A_163 : memref<1x1x125xi32, #tpu.memory_space<vmem>> -> memref<125xi32, #tpu.memory_space<vmem>>
        %dma_start3A_165 = arith.constant 0 : i32
        %dma_start3A_166 = arith.constant 0 : i32
        %dma_start3A_167 = tpu.memref_slice %arg2[%dma_start3A_165, %dma_start3A_166] : memref<10000x128xf32, #tpu.memory_space<hbm>> -> memref<10000x128xf32, #tpu.memory_space<hbm>>
        tpu.enqueue_indirect_dma source(%dma_start3A_167 : memref<10000x128xf32, #tpu.memory_space<hbm>>) target(%dma_start3A_161 : memref<125x128xf32, #tpu.memory_space<vmem>>) offsets(%dma_start3A_164 : memref<125xi32, #tpu.memory_space<vmem>>) semaphore(%arg11 : memref<!tpu.dma_semaphore, #tpu.memory_space<semaphore_mem>>)
      } else {
      }
    }
    %scan3A_20 = arith.constant 40 : i32
    %rem3A = arith.constant 39 : i32
    %rem3A_21 = arith.constant 2 : i32
    %rem3A_22 = arith.remsi %rem3A, %rem3A_21 : i32
    %dma_wait3A = arith.constant 1 : i32
    %dma_wait3A_23 = arith.constant 1 : i32
    %dma_wait3A_24 = arith.constant 0 : i32
    %dma_wait3A_25 = arith.constant 0 : i32
    %dma_wait3A_26 = tpu.memref_slice %arg9[%dma_wait3A, %dma_wait3A_24, %dma_wait3A_25] : memref<2x125x128xf32, #tpu.memory_space<vmem>> -> memref<1x125x128xf32, #tpu.memory_space<vmem>>
    %dma_wait3A_27 = tpu.memref_squeeze %dma_wait3A_26 : memref<1x125x128xf32, #tpu.memory_space<vmem>> -> memref<125x128xf32, #tpu.memory_space<vmem>>
    %dma_wait3A_28 = arith.constant 0 : i32
    %dma_wait3A_29 = tpu.memref_slice %arg8[%rem3A_22, %dma_wait3A_23, %dma_wait3A_28] : memref<2x2x125xi32, #tpu.memory_space<vmem>> -> memref<1x1x125xi32, #tpu.memory_space<vmem>>
    %dma_wait3A_30 = tpu.memref_squeeze %dma_wait3A_29 : memref<1x1x125xi32, #tpu.memory_space<vmem>> -> memref<125xi32, #tpu.memory_space<vmem>>
    %dma_wait3A_31 = arith.constant 0 : i32
    %dma_wait3A_32 = arith.constant 0 : i32
    %dma_wait3A_33 = tpu.memref_slice %arg10[%dma_wait3A_31, %dma_wait3A_32] : memref<10240x128xf32, #tpu.memory_space<vmem_shared>> -> memref<10240x128xf32, #tpu.memory_space<vmem_shared>>
    tpu.wait_indirect_dma semaphore(%arg12 : memref<!tpu.dma_semaphore, #tpu.memory_space<semaphore_mem>>) src(%dma_wait3A_27 : memref<125x128xf32, #tpu.memory_space<vmem>>) dst(%dma_wait3A_33 : memref<10240x128xf32, #tpu.memory_space<vmem_shared>>)
    %barrier3A_34 = arith.constant 0 : index
    tpu.barrier barrier_id(%barrier3A_34)
    "tpu.region"() ({
      %run_scoped3A_35 = tpu.sem_alloc : memref<!tpu.dma_semaphore, #tpu.memory_space<semaphore_mem>>
      %dma_start3A_36 = arith.constant 0 : i32
      %dma_start3A_37 = tpu.memref_slice %arg6[%arg0, %mul3A_2, %dma_start3A_36] : memref<2x10240x128xf32, #tpu.memory_space<hbm>> -> memref<1x640x128xf32, #tpu.memory_space<hbm>>
      %dma_start3A_38 = tpu.memref_squeeze %dma_start3A_37 : memref<1x640x128xf32, #tpu.memory_space<hbm>> -> memref<640x128xf32, #tpu.memory_space<hbm>>
      %dma_start3A_39 = arith.constant 0 : i32
      %dma_start3A_40 = tpu.memref_slice %arg10[%mul3A_2, %dma_start3A_39] : memref<10240x128xf32, #tpu.memory_space<vmem_shared>> -> memref<640x128xf32, #tpu.memory_space<vmem_shared>>
      tpu.enqueue_dma source(%dma_start3A_40 : memref<640x128xf32, #tpu.memory_space<vmem_shared>>) target(%dma_start3A_38 : memref<640x128xf32, #tpu.memory_space<hbm>>) target_semaphore(%run_scoped3A_35 : memref<!tpu.dma_semaphore, #tpu.memory_space<semaphore_mem>>)
      %dma_wait3A_41 = arith.constant 0 : i32
      %dma_wait3A_42 = tpu.memref_slice %arg6[%arg0, %mul3A_2, %dma_wait3A_41] : memref<2x10240x128xf32, #tpu.memory_space<hbm>> -> memref<1x640x128xf32, #tpu.memory_space<hbm>>
      %dma_wait3A_43 = tpu.memref_squeeze %dma_wait3A_42 : memref<1x640x128xf32, #tpu.memory_space<hbm>> -> memref<640x128xf32, #tpu.memory_space<hbm>>
      %dma_wait3A_44 = arith.constant 0 : i32
      %dma_wait3A_45 = tpu.memref_slice %arg10[%mul3A_2, %dma_wait3A_44] : memref<10240x128xf32, #tpu.memory_space<vmem_shared>> -> memref<640x128xf32, #tpu.memory_space<vmem_shared>>
      tpu.wait_dma2 semaphore(%run_scoped3A_35 : memref<!tpu.dma_semaphore, #tpu.memory_space<semaphore_mem>>) src(%dma_wait3A_45 : memref<640x128xf32, #tpu.memory_space<vmem_shared>>) dst(%dma_wait3A_43 : memref<640x128xf32, #tpu.memory_space<hbm>>)
      tpu.yield
    }) : () -> ()
    return
  }
}

#map = affine_map<(d0, d1) -> (0, 0)>
#map1 = affine_map<(d0, d1) -> (0, 0, 0)>
module attributes {stable_mosaic.version = 14 : i64} {
  func.func @_sc_agg_body(%arg0: i32, %arg1: i32, %arg2: memref<10000x128xf32, #tpu.memory_space<hbm>>, %arg3: memref<32x80x125xi32, #tpu.memory_space<hbm>>, %arg4: memref<32x80x125xi32, #tpu.memory_space<hbm>>, %arg5: memref<640x128xf32, #tpu.memory_space<hbm>>, %arg6: memref<2x10240x128xf32, #tpu.memory_space<hbm>>, %arg7: memref<2x2x125xi32, #tpu.memory_space<vmem>>, %arg8: memref<2x2x125xi32, #tpu.memory_space<vmem>>, %arg9: memref<2x125x128xf32, #tpu.memory_space<vmem>>, %arg10: memref<10240x128xf32, #tpu.memory_space<vmem_shared>>, %arg11: memref<!tpu.dma_semaphore, #tpu.memory_space<semaphore_mem>>, %arg12: memref<!tpu.dma_semaphore, #tpu.memory_space<semaphore_mem>>, %arg13: memref<!tpu.dma_semaphore, #tpu.memory_space<semaphore_mem>>) attributes {dimension_semantics = [#tpu.dimension_semantics<core_parallel>, #tpu.dimension_semantics<subcore_parallel>], iteration_bounds = array<i64: 2, 16>, scalar_prefetch = 0 : i64, scratch_operands = 7 : i64, tpu.core_type = #tpu.core_type<sc_vector_subcore>, window_params = [{transform_indices = #map}, {transform_indices = #map1}, {transform_indices = #map1}, {transform_indices = #map}, {transform_indices = #map1}]} {
    %mul3A = arith.constant 16 : i32
    %mul3A_0 = arith.muli %arg0, %mul3A : i32
    %add3A = arith.addi %mul3A_0, %arg1 : i32
    %mul3A_1 = arith.constant 640 : i32
    %mul3A_2 = arith.muli %arg1, %mul3A_1 : i32
    "tpu.region"() ({
      %run_scoped3A_35 = tpu.sem_alloc : memref<!tpu.dma_semaphore, #tpu.memory_space<semaphore_mem>>
      %dma_start3A_36 = arith.constant 0 : i32
      %dma_start3A_37 = tpu.memref_slice %arg10[%mul3A_2, %dma_start3A_36] : memref<10240x128xf32, #tpu.memory_space<vmem_shared>> -> memref<640x128xf32, #tpu.memory_space<vmem_shared>>
      tpu.enqueue_dma source(%arg5 : memref<640x128xf32, #tpu.memory_space<hbm>>) target(%dma_start3A_37 : memref<640x128xf32, #tpu.memory_space<vmem_shared>>) target_semaphore(%run_scoped3A_35 : memref<!tpu.dma_semaphore, #tpu.memory_space<semaphore_mem>>)
      %dma_wait3A_38 = arith.constant 0 : i32
      %dma_wait3A_39 = tpu.memref_slice %arg10[%mul3A_2, %dma_wait3A_38] : memref<10240x128xf32, #tpu.memory_space<vmem_shared>> -> memref<640x128xf32, #tpu.memory_space<vmem_shared>>
      tpu.wait_dma2 semaphore(%run_scoped3A_35 : memref<!tpu.dma_semaphore, #tpu.memory_space<semaphore_mem>>) src(%arg5 : memref<640x128xf32, #tpu.memory_space<hbm>>) dst(%dma_wait3A_39 : memref<640x128xf32, #tpu.memory_space<vmem_shared>>)
      tpu.yield
    }) : () -> ()
    %run_scoped3A = arith.constant 0 : i32
    "tpu.region"() ({
      %run_scoped3A_35 = tpu.sem_alloc : memref<!tpu.dma_semaphore, #tpu.memory_space<semaphore_mem>>
      %dma_start3A_36 = arith.constant 0 : i32
      %dma_start3A_37 = arith.constant 0 : i32
      %dma_start3A_38 = tpu.memref_slice %arg7[%run_scoped3A, %dma_start3A_36, %dma_start3A_37] : memref<2x2x125xi32, #tpu.memory_space<vmem>> -> memref<1x2x125xi32, #tpu.memory_space<vmem>>
      %dma_start3A_39 = tpu.memref_squeeze %dma_start3A_38 : memref<1x2x125xi32, #tpu.memory_space<vmem>> -> memref<2x125xi32, #tpu.memory_space<vmem>>
      %dma_start3A_40 = arith.constant 0 : i32
      %dma_start3A_41 = arith.constant 0 : i32
      %dma_start3A_42 = tpu.memref_slice %arg3[%add3A, %dma_start3A_40, %dma_start3A_41] : memref<32x80x125xi32, #tpu.memory_space<hbm>> -> memref<1x2x125xi32, #tpu.memory_space<hbm>>
      %dma_start3A_43 = tpu.memref_squeeze %dma_start3A_42 : memref<1x2x125xi32, #tpu.memory_space<hbm>> -> memref<2x125xi32, #tpu.memory_space<hbm>>
      %dma_start3A_44 = arith.constant 0 : i32
      %dma_start3A_45 = arith.constant 0 : i32
      %dma_start3A_46 = tpu.memref_slice %arg7[%run_scoped3A, %dma_start3A_44, %dma_start3A_45] : memref<2x2x125xi32, #tpu.memory_space<vmem>> -> memref<1x2x125xi32, #tpu.memory_space<vmem>>
      %dma_start3A_47 = tpu.memref_squeeze %dma_start3A_46 : memref<1x2x125xi32, #tpu.memory_space<vmem>> -> memref<2x125xi32, #tpu.memory_space<vmem>>
      %dma_start3A_48 = arith.constant 0 : i32
      %dma_start3A_49 = arith.constant 0 : i32
      %dma_start3A_50 = tpu.memref_slice %arg3[%add3A, %dma_start3A_48, %dma_start3A_49] : memref<32x80x125xi32, #tpu.memory_space<hbm>> -> memref<1x2x125xi32, #tpu.memory_space<hbm>>
      %dma_start3A_51 = tpu.memref_squeeze %dma_start3A_50 : memref<1x2x125xi32, #tpu.memory_space<hbm>> -> memref<2x125xi32, #tpu.memory_space<hbm>>
      tpu.enqueue_dma source(%dma_start3A_51 : memref<2x125xi32, #tpu.memory_space<hbm>>) target(%dma_start3A_47 : memref<2x125xi32, #tpu.memory_space<vmem>>) target_semaphore(%run_scoped3A_35 : memref<!tpu.dma_semaphore, #tpu.memory_space<semaphore_mem>>)
      %dma_wait3A_52 = arith.constant 0 : i32
      %dma_wait3A_53 = arith.constant 0 : i32
      %dma_wait3A_54 = tpu.memref_slice %arg7[%run_scoped3A, %dma_wait3A_52, %dma_wait3A_53] : memref<2x2x125xi32, #tpu.memory_space<vmem>> -> memref<1x2x125xi32, #tpu.memory_space<vmem>>
      %dma_wait3A_55 = tpu.memref_squeeze %dma_wait3A_54 : memref<1x2x125xi32, #tpu.memory_space<vmem>> -> memref<2x125xi32, #tpu.memory_space<vmem>>
      %dma_wait3A_56 = arith.constant 0 : i32
      %dma_wait3A_57 = arith.constant 0 : i32
      %dma_wait3A_58 = tpu.memref_slice %arg3[%add3A, %dma_wait3A_56, %dma_wait3A_57] : memref<32x80x125xi32, #tpu.memory_space<hbm>> -> memref<1x2x125xi32, #tpu.memory_space<hbm>>
      %dma_wait3A_59 = tpu.memref_squeeze %dma_wait3A_58 : memref<1x2x125xi32, #tpu.memory_space<hbm>> -> memref<2x125xi32, #tpu.memory_space<hbm>>
      %dma_wait3A_60 = arith.constant 0 : i32
      %dma_wait3A_61 = arith.constant 0 : i32
      %dma_wait3A_62 = tpu.memref_slice %arg7[%run_scoped3A, %dma_wait3A_60, %dma_wait3A_61] : memref<2x2x125xi32, #tpu.memory_space<vmem>> -> memref<1x2x125xi32, #tpu.memory_space<vmem>>
      %dma_wait3A_63 = tpu.memref_squeeze %dma_wait3A_62 : memref<1x2x125xi32, #tpu.memory_space<vmem>> -> memref<2x125xi32, #tpu.memory_space<vmem>>
      %dma_wait3A_64 = arith.constant 0 : i32
      %dma_wait3A_65 = arith.constant 0 : i32
      %dma_wait3A_66 = tpu.memref_slice %arg3[%add3A, %dma_wait3A_64, %dma_wait3A_65] : memref<32x80x125xi32, #tpu.memory_space<hbm>> -> memref<1x2x125xi32, #tpu.memory_space<hbm>>
      %dma_wait3A_67 = tpu.memref_squeeze %dma_wait3A_66 : memref<1x2x125xi32, #tpu.memory_space<hbm>> -> memref<2x125xi32, #tpu.memory_space<hbm>>
      tpu.wait_dma2 semaphore(%run_scoped3A_35 : memref<!tpu.dma_semaphore, #tpu.memory_space<semaphore_mem>>) src(%dma_wait3A_67 : memref<2x125xi32, #tpu.memory_space<hbm>>) dst(%dma_wait3A_63 : memref<2x125xi32, #tpu.memory_space<vmem>>)
      tpu.yield
    }) : () -> ()
    %run_scoped3A_3 = arith.constant 0 : i32
    "tpu.region"() ({
      %run_scoped3A_35 = tpu.sem_alloc : memref<!tpu.dma_semaphore, #tpu.memory_space<semaphore_mem>>
      %dma_start3A_36 = arith.constant 0 : i32
      %dma_start3A_37 = arith.constant 0 : i32
      %dma_start3A_38 = tpu.memref_slice %arg8[%run_scoped3A_3, %dma_start3A_36, %dma_start3A_37] : memref<2x2x125xi32, #tpu.memory_space<vmem>> -> memref<1x2x125xi32, #tpu.memory_space<vmem>>
      %dma_start3A_39 = tpu.memref_squeeze %dma_start3A_38 : memref<1x2x125xi32, #tpu.memory_space<vmem>> -> memref<2x125xi32, #tpu.memory_space<vmem>>
      %dma_start3A_40 = arith.constant 0 : i32
      %dma_start3A_41 = arith.constant 0 : i32
      %dma_start3A_42 = tpu.memref_slice %arg4[%add3A, %dma_start3A_40, %dma_start3A_41] : memref<32x80x125xi32, #tpu.memory_space<hbm>> -> memref<1x2x125xi32, #tpu.memory_space<hbm>>
      %dma_start3A_43 = tpu.memref_squeeze %dma_start3A_42 : memref<1x2x125xi32, #tpu.memory_space<hbm>> -> memref<2x125xi32, #tpu.memory_space<hbm>>
      %dma_start3A_44 = arith.constant 0 : i32
      %dma_start3A_45 = arith.constant 0 : i32
      %dma_start3A_46 = tpu.memref_slice %arg8[%run_scoped3A_3, %dma_start3A_44, %dma_start3A_45] : memref<2x2x125xi32, #tpu.memory_space<vmem>> -> memref<1x2x125xi32, #tpu.memory_space<vmem>>
      %dma_start3A_47 = tpu.memref_squeeze %dma_start3A_46 : memref<1x2x125xi32, #tpu.memory_space<vmem>> -> memref<2x125xi32, #tpu.memory_space<vmem>>
      %dma_start3A_48 = arith.constant 0 : i32
      %dma_start3A_49 = arith.constant 0 : i32
      %dma_start3A_50 = tpu.memref_slice %arg4[%add3A, %dma_start3A_48, %dma_start3A_49] : memref<32x80x125xi32, #tpu.memory_space<hbm>> -> memref<1x2x125xi32, #tpu.memory_space<hbm>>
      %dma_start3A_51 = tpu.memref_squeeze %dma_start3A_50 : memref<1x2x125xi32, #tpu.memory_space<hbm>> -> memref<2x125xi32, #tpu.memory_space<hbm>>
      tpu.enqueue_dma source(%dma_start3A_51 : memref<2x125xi32, #tpu.memory_space<hbm>>) target(%dma_start3A_47 : memref<2x125xi32, #tpu.memory_space<vmem>>) target_semaphore(%run_scoped3A_35 : memref<!tpu.dma_semaphore, #tpu.memory_space<semaphore_mem>>)
      %dma_wait3A_52 = arith.constant 0 : i32
      %dma_wait3A_53 = arith.constant 0 : i32
      %dma_wait3A_54 = tpu.memref_slice %arg8[%run_scoped3A_3, %dma_wait3A_52, %dma_wait3A_53] : memref<2x2x125xi32, #tpu.memory_space<vmem>> -> memref<1x2x125xi32, #tpu.memory_space<vmem>>
      %dma_wait3A_55 = tpu.memref_squeeze %dma_wait3A_54 : memref<1x2x125xi32, #tpu.memory_space<vmem>> -> memref<2x125xi32, #tpu.memory_space<vmem>>
      %dma_wait3A_56 = arith.constant 0 : i32
      %dma_wait3A_57 = arith.constant 0 : i32
      %dma_wait3A_58 = tpu.memref_slice %arg4[%add3A, %dma_wait3A_56, %dma_wait3A_57] : memref<32x80x125xi32, #tpu.memory_space<hbm>> -> memref<1x2x125xi32, #tpu.memory_space<hbm>>
      %dma_wait3A_59 = tpu.memref_squeeze %dma_wait3A_58 : memref<1x2x125xi32, #tpu.memory_space<hbm>> -> memref<2x125xi32, #tpu.memory_space<hbm>>
      %dma_wait3A_60 = arith.constant 0 : i32
      %dma_wait3A_61 = arith.constant 0 : i32
      %dma_wait3A_62 = tpu.memref_slice %arg8[%run_scoped3A_3, %dma_wait3A_60, %dma_wait3A_61] : memref<2x2x125xi32, #tpu.memory_space<vmem>> -> memref<1x2x125xi32, #tpu.memory_space<vmem>>
      %dma_wait3A_63 = tpu.memref_squeeze %dma_wait3A_62 : memref<1x2x125xi32, #tpu.memory_space<vmem>> -> memref<2x125xi32, #tpu.memory_space<vmem>>
      %dma_wait3A_64 = arith.constant 0 : i32
      %dma_wait3A_65 = arith.constant 0 : i32
      %dma_wait3A_66 = tpu.memref_slice %arg4[%add3A, %dma_wait3A_64, %dma_wait3A_65] : memref<32x80x125xi32, #tpu.memory_space<hbm>> -> memref<1x2x125xi32, #tpu.memory_space<hbm>>
      %dma_wait3A_67 = tpu.memref_squeeze %dma_wait3A_66 : memref<1x2x125xi32, #tpu.memory_space<hbm>> -> memref<2x125xi32, #tpu.memory_space<hbm>>
      tpu.wait_dma2 semaphore(%run_scoped3A_35 : memref<!tpu.dma_semaphore, #tpu.memory_space<semaphore_mem>>) src(%dma_wait3A_67 : memref<2x125xi32, #tpu.memory_space<hbm>>) dst(%dma_wait3A_63 : memref<2x125xi32, #tpu.memory_space<vmem>>)
      tpu.yield
    }) : () -> ()
    %barrier3A = arith.constant 0 : index
    tpu.barrier barrier_id(%barrier3A)
    %dma_start3A = arith.constant 0 : i32
    %dma_start3A_4 = arith.constant 0 : i32
    %dma_start3A_5 = arith.constant 0 : i32
    %dma_start3A_6 = arith.constant 0 : i32
    %dma_start3A_7 = arith.constant 0 : i32
    %dma_start3A_8 = tpu.memref_slice %arg9[%dma_start3A_5, %dma_start3A_6, %dma_start3A_7] : memref<2x125x128xf32, #tpu.memory_space<vmem>> -> memref<1x125x128xf32, #tpu.memory_space<vmem>>
    %dma_start3A_9 = tpu.memref_squeeze %dma_start3A_8 : memref<1x125x128xf32, #tpu.memory_space<vmem>> -> memref<125x128xf32, #tpu.memory_space<vmem>>
    %dma_start3A_10 = arith.constant 0 : i32
    %dma_start3A_11 = tpu.memref_slice %arg7[%dma_start3A, %dma_start3A_4, %dma_start3A_10] : memref<2x2x125xi32, #tpu.memory_space<vmem>> -> memref<1x1x125xi32, #tpu.memory_space<vmem>>
    %dma_start3A_12 = tpu.memref_squeeze %dma_start3A_11 : memref<1x1x125xi32, #tpu.memory_space<vmem>> -> memref<125xi32, #tpu.memory_space<vmem>>
    %dma_start3A_13 = arith.constant 0 : i32
    %dma_start3A_14 = arith.constant 0 : i32
    %dma_start3A_15 = tpu.memref_slice %arg2[%dma_start3A_13, %dma_start3A_14] : memref<10000x128xf32, #tpu.memory_space<hbm>> -> memref<10000x128xf32, #tpu.memory_space<hbm>>
    tpu.enqueue_indirect_dma source(%dma_start3A_15 : memref<10000x128xf32, #tpu.memory_space<hbm>>) target(%dma_start3A_9 : memref<125x128xf32, #tpu.memory_space<vmem>>) offsets(%dma_start3A_12 : memref<125xi32, #tpu.memory_space<vmem>>) semaphore(%arg11 : memref<!tpu.dma_semaphore, #tpu.memory_space<semaphore_mem>>)
    %scan3A = arith.constant 0 : i32
    %scan3A_16 = arith.constant 0 : i32
    %scan3A_17 = arith.constant 40 : i32
    %scan3A_18 = arith.addi %scan3A_16, %scan3A_17 : i32
    %scan3A_19 = arith.constant 1 : i32
    scf.for %scan3A_35 = %scan3A_16 to %scan3A_18 step %scan3A_19  : i32 {
      %rem3A_36 = arith.constant 2 : i32
      %rem3A_37 = arith.remsi %scan3A_35, %rem3A_36 : i32
      %sub3A = arith.constant 1 : i32
      %sub3A_38 = arith.subi %sub3A, %rem3A_37 : i32
      %dma_wait3A_39 = arith.constant 0 : i32
      %dma_wait3A_40 = arith.constant 0 : i32
      %dma_wait3A_41 = arith.constant 0 : i32
      %dma_wait3A_42 = arith.constant 0 : i32
      %dma_wait3A_43 = tpu.memref_slice %arg9[%dma_wait3A_40, %dma_wait3A_41, %dma_wait3A_42] : memref<2x125x128xf32, #tpu.memory_space<vmem>> -> memref<1x125x128xf32, #tpu.memory_space<vmem>>
      %dma_wait3A_44 = tpu.memref_squeeze %dma_wait3A_43 : memref<1x125x128xf32, #tpu.memory_space<vmem>> -> memref<125x128xf32, #tpu.memory_space<vmem>>
      %dma_wait3A_45 = arith.constant 0 : i32
      %dma_wait3A_46 = tpu.memref_slice %arg7[%rem3A_37, %dma_wait3A_39, %dma_wait3A_45] : memref<2x2x125xi32, #tpu.memory_space<vmem>> -> memref<1x1x125xi32, #tpu.memory_space<vmem>>
      %dma_wait3A_47 = tpu.memref_squeeze %dma_wait3A_46 : memref<1x1x125xi32, #tpu.memory_space<vmem>> -> memref<125xi32, #tpu.memory_space<vmem>>
      %dma_wait3A_48 = arith.constant 0 : i32
      %dma_wait3A_49 = arith.constant 0 : i32
      %dma_wait3A_50 = tpu.memref_slice %arg2[%dma_wait3A_48, %dma_wait3A_49] : memref<10000x128xf32, #tpu.memory_space<hbm>> -> memref<10000x128xf32, #tpu.memory_space<hbm>>
      tpu.wait_indirect_dma semaphore(%arg11 : memref<!tpu.dma_semaphore, #tpu.memory_space<semaphore_mem>>) src(%dma_wait3A_50 : memref<10000x128xf32, #tpu.memory_space<hbm>>) dst(%dma_wait3A_44 : memref<125x128xf32, #tpu.memory_space<vmem>>)
      %gt3A = arith.constant 0 : i32
      %gt3A_51 = arith.cmpi sgt, %scan3A_35, %gt3A : i32
      %convert_element_type3A = arith.extui %gt3A_51 : i1 to i32
      %cond3A = arith.constant 0 : i32
      %cond3A_52 = arith.cmpi ne, %convert_element_type3A, %cond3A : i32
      scf.if %cond3A_52 {
        %dma_wait3A_122 = arith.constant 1 : i32
        %dma_wait3A_123 = arith.constant 1 : i32
        %dma_wait3A_124 = arith.constant 0 : i32
        %dma_wait3A_125 = arith.constant 0 : i32
        %dma_wait3A_126 = tpu.memref_slice %arg9[%dma_wait3A_122, %dma_wait3A_124, %dma_wait3A_125] : memref<2x125x128xf32, #tpu.memory_space<vmem>> -> memref<1x125x128xf32, #tpu.memory_space<vmem>>
        %dma_wait3A_127 = tpu.memref_squeeze %dma_wait3A_126 : memref<1x125x128xf32, #tpu.memory_space<vmem>> -> memref<125x128xf32, #tpu.memory_space<vmem>>
        %dma_wait3A_128 = arith.constant 0 : i32
        %dma_wait3A_129 = tpu.memref_slice %arg8[%sub3A_38, %dma_wait3A_123, %dma_wait3A_128] : memref<2x2x125xi32, #tpu.memory_space<vmem>> -> memref<1x1x125xi32, #tpu.memory_space<vmem>>
        %dma_wait3A_130 = tpu.memref_squeeze %dma_wait3A_129 : memref<1x1x125xi32, #tpu.memory_space<vmem>> -> memref<125xi32, #tpu.memory_space<vmem>>
        %dma_wait3A_131 = arith.constant 0 : i32
        %dma_wait3A_132 = arith.constant 0 : i32
        %dma_wait3A_133 = tpu.memref_slice %arg10[%dma_wait3A_131, %dma_wait3A_132] : memref<10240x128xf32, #tpu.memory_space<vmem_shared>> -> memref<10240x128xf32, #tpu.memory_space<vmem_shared>>
        tpu.wait_indirect_dma semaphore(%arg12 : memref<!tpu.dma_semaphore, #tpu.memory_space<semaphore_mem>>) src(%dma_wait3A_127 : memref<125x128xf32, #tpu.memory_space<vmem>>) dst(%dma_wait3A_133 : memref<10240x128xf32, #tpu.memory_space<vmem_shared>>)
      } else {
      }
      %lt3A = arith.constant 39 : i32
      %lt3A_53 = arith.cmpi slt, %scan3A_35, %lt3A : i32
      %convert_element_type3A_54 = arith.extui %lt3A_53 : i1 to i32
      %cond3A_55 = arith.constant 0 : i32
      %cond3A_56 = arith.cmpi ne, %convert_element_type3A_54, %cond3A_55 : i32
      scf.if %cond3A_56 {
        %add3A_122 = arith.constant 1 : i32
        %add3A_123 = arith.addi %scan3A_35, %add3A_122 : i32
        %mul3A_124 = arith.constant 2 : i32
        %mul3A_125 = arith.muli %mul3A_124, %add3A_123 : i32
        %dma_start3A_126 = arith.constant 0 : i32
        %dma_start3A_127 = arith.constant 0 : i32
        %dma_start3A_128 = tpu.memref_slice %arg7[%sub3A_38, %dma_start3A_126, %dma_start3A_127] : memref<2x2x125xi32, #tpu.memory_space<vmem>> -> memref<1x2x125xi32, #tpu.memory_space<vmem>>
        %dma_start3A_129 = tpu.memref_squeeze %dma_start3A_128 : memref<1x2x125xi32, #tpu.memory_space<vmem>> -> memref<2x125xi32, #tpu.memory_space<vmem>>
        %dma_start3A_130 = arith.constant 0 : i32
        %dma_start3A_131 = tpu.memref_slice %arg3[%add3A, %mul3A_125, %dma_start3A_130] : memref<32x80x125xi32, #tpu.memory_space<hbm>> -> memref<1x2x125xi32, #tpu.memory_space<hbm>>
        %dma_start3A_132 = tpu.memref_squeeze %dma_start3A_131 : memref<1x2x125xi32, #tpu.memory_space<hbm>> -> memref<2x125xi32, #tpu.memory_space<hbm>>
        %dma_start3A_133 = arith.constant 0 : i32
        %dma_start3A_134 = arith.constant 0 : i32
        %dma_start3A_135 = tpu.memref_slice %arg7[%sub3A_38, %dma_start3A_133, %dma_start3A_134] : memref<2x2x125xi32, #tpu.memory_space<vmem>> -> memref<1x2x125xi32, #tpu.memory_space<vmem>>
        %dma_start3A_136 = tpu.memref_squeeze %dma_start3A_135 : memref<1x2x125xi32, #tpu.memory_space<vmem>> -> memref<2x125xi32, #tpu.memory_space<vmem>>
        %dma_start3A_137 = arith.constant 0 : i32
        %dma_start3A_138 = tpu.memref_slice %arg3[%add3A, %mul3A_125, %dma_start3A_137] : memref<32x80x125xi32, #tpu.memory_space<hbm>> -> memref<1x2x125xi32, #tpu.memory_space<hbm>>
        %dma_start3A_139 = tpu.memref_squeeze %dma_start3A_138 : memref<1x2x125xi32, #tpu.memory_space<hbm>> -> memref<2x125xi32, #tpu.memory_space<hbm>>
        tpu.enqueue_dma source(%dma_start3A_139 : memref<2x125xi32, #tpu.memory_space<hbm>>) target(%dma_start3A_136 : memref<2x125xi32, #tpu.memory_space<vmem>>) target_semaphore(%arg13 : memref<!tpu.dma_semaphore, #tpu.memory_space<semaphore_mem>>)
        %mul3A_140 = arith.constant 2 : i32
        %mul3A_141 = arith.muli %mul3A_140, %add3A_123 : i32
        %dma_start3A_142 = arith.constant 0 : i32
        %dma_start3A_143 = arith.constant 0 : i32
        %dma_start3A_144 = tpu.memref_slice %arg8[%sub3A_38, %dma_start3A_142, %dma_start3A_143] : memref<2x2x125xi32, #tpu.memory_space<vmem>> -> memref<1x2x125xi32, #tpu.memory_space<vmem>>
        %dma_start3A_145 = tpu.memref_squeeze %dma_start3A_144 : memref<1x2x125xi32, #tpu.memory_space<vmem>> -> memref<2x125xi32, #tpu.memory_space<vmem>>
        %dma_start3A_146 = arith.constant 0 : i32
        %dma_start3A_147 = tpu.memref_slice %arg4[%add3A, %mul3A_141, %dma_start3A_146] : memref<32x80x125xi32, #tpu.memory_space<hbm>> -> memref<1x2x125xi32, #tpu.memory_space<hbm>>
        %dma_start3A_148 = tpu.memref_squeeze %dma_start3A_147 : memref<1x2x125xi32, #tpu.memory_space<hbm>> -> memref<2x125xi32, #tpu.memory_space<hbm>>
        %dma_start3A_149 = arith.constant 0 : i32
        %dma_start3A_150 = arith.constant 0 : i32
        %dma_start3A_151 = tpu.memref_slice %arg8[%sub3A_38, %dma_start3A_149, %dma_start3A_150] : memref<2x2x125xi32, #tpu.memory_space<vmem>> -> memref<1x2x125xi32, #tpu.memory_space<vmem>>
        %dma_start3A_152 = tpu.memref_squeeze %dma_start3A_151 : memref<1x2x125xi32, #tpu.memory_space<vmem>> -> memref<2x125xi32, #tpu.memory_space<vmem>>
        %dma_start3A_153 = arith.constant 0 : i32
        %dma_start3A_154 = tpu.memref_slice %arg4[%add3A, %mul3A_141, %dma_start3A_153] : memref<32x80x125xi32, #tpu.memory_space<hbm>> -> memref<1x2x125xi32, #tpu.memory_space<hbm>>
        %dma_start3A_155 = tpu.memref_squeeze %dma_start3A_154 : memref<1x2x125xi32, #tpu.memory_space<hbm>> -> memref<2x125xi32, #tpu.memory_space<hbm>>
        tpu.enqueue_dma source(%dma_start3A_155 : memref<2x125xi32, #tpu.memory_space<hbm>>) target(%dma_start3A_152 : memref<2x125xi32, #tpu.memory_space<vmem>>) target_semaphore(%arg13 : memref<!tpu.dma_semaphore, #tpu.memory_space<semaphore_mem>>)
      } else {
      }
      %dma_start3A_57 = arith.constant 0 : i32
      %dma_start3A_58 = arith.constant 0 : i32
      %dma_start3A_59 = arith.constant 0 : i32
      %dma_start3A_60 = arith.constant 0 : i32
      %dma_start3A_61 = tpu.memref_slice %arg9[%dma_start3A_57, %dma_start3A_59, %dma_start3A_60] : memref<2x125x128xf32, #tpu.memory_space<vmem>> -> memref<1x125x128xf32, #tpu.memory_space<vmem>>
      %dma_start3A_62 = tpu.memref_squeeze %dma_start3A_61 : memref<1x125x128xf32, #tpu.memory_space<vmem>> -> memref<125x128xf32, #tpu.memory_space<vmem>>
      %dma_start3A_63 = arith.constant 0 : i32
      %dma_start3A_64 = tpu.memref_slice %arg8[%rem3A_37, %dma_start3A_58, %dma_start3A_63] : memref<2x2x125xi32, #tpu.memory_space<vmem>> -> memref<1x1x125xi32, #tpu.memory_space<vmem>>
      %dma_start3A_65 = tpu.memref_squeeze %dma_start3A_64 : memref<1x1x125xi32, #tpu.memory_space<vmem>> -> memref<125xi32, #tpu.memory_space<vmem>>
      %dma_start3A_66 = arith.constant 0 : i32
      %dma_start3A_67 = arith.constant 0 : i32
      %dma_start3A_68 = tpu.memref_slice %arg10[%dma_start3A_66, %dma_start3A_67] : memref<10240x128xf32, #tpu.memory_space<vmem_shared>> -> memref<10240x128xf32, #tpu.memory_space<vmem_shared>>
      tpu.enqueue_indirect_dma source(%dma_start3A_62 : memref<125x128xf32, #tpu.memory_space<vmem>>) target(%dma_start3A_68 : memref<10240x128xf32, #tpu.memory_space<vmem_shared>>) offsets(%dma_start3A_65 : memref<125xi32, #tpu.memory_space<vmem>>) semaphore(%arg12 : memref<!tpu.dma_semaphore, #tpu.memory_space<semaphore_mem>>) {add = true}
      %dma_start3A_69 = arith.constant 1 : i32
      %dma_start3A_70 = arith.constant 1 : i32
      %dma_start3A_71 = arith.constant 0 : i32
      %dma_start3A_72 = arith.constant 0 : i32
      %dma_start3A_73 = tpu.memref_slice %arg9[%dma_start3A_70, %dma_start3A_71, %dma_start3A_72] : memref<2x125x128xf32, #tpu.memory_space<vmem>> -> memref<1x125x128xf32, #tpu.memory_space<vmem>>
      %dma_start3A_74 = tpu.memref_squeeze %dma_start3A_73 : memref<1x125x128xf32, #tpu.memory_space<vmem>> -> memref<125x128xf32, #tpu.memory_space<vmem>>
      %dma_start3A_75 = arith.constant 0 : i32
      %dma_start3A_76 = tpu.memref_slice %arg7[%rem3A_37, %dma_start3A_69, %dma_start3A_75] : memref<2x2x125xi32, #tpu.memory_space<vmem>> -> memref<1x1x125xi32, #tpu.memory_space<vmem>>
      %dma_start3A_77 = tpu.memref_squeeze %dma_start3A_76 : memref<1x1x125xi32, #tpu.memory_space<vmem>> -> memref<125xi32, #tpu.memory_space<vmem>>
      %dma_start3A_78 = arith.constant 0 : i32
      %dma_start3A_79 = arith.constant 0 : i32
      %dma_start3A_80 = tpu.memref_slice %arg2[%dma_start3A_78, %dma_start3A_79] : memref<10000x128xf32, #tpu.memory_space<hbm>> -> memref<10000x128xf32, #tpu.memory_space<hbm>>
      tpu.enqueue_indirect_dma source(%dma_start3A_80 : memref<10000x128xf32, #tpu.memory_space<hbm>>) target(%dma_start3A_74 : memref<125x128xf32, #tpu.memory_space<vmem>>) offsets(%dma_start3A_77 : memref<125xi32, #tpu.memory_space<vmem>>) semaphore(%arg11 : memref<!tpu.dma_semaphore, #tpu.memory_space<semaphore_mem>>)
      %dma_wait3A_81 = arith.constant 1 : i32
      %dma_wait3A_82 = arith.constant 1 : i32
      %dma_wait3A_83 = arith.constant 0 : i32
      %dma_wait3A_84 = arith.constant 0 : i32
      %dma_wait3A_85 = tpu.memref_slice %arg9[%dma_wait3A_82, %dma_wait3A_83, %dma_wait3A_84] : memref<2x125x128xf32, #tpu.memory_space<vmem>> -> memref<1x125x128xf32, #tpu.memory_space<vmem>>
      %dma_wait3A_86 = tpu.memref_squeeze %dma_wait3A_85 : memref<1x125x128xf32, #tpu.memory_space<vmem>> -> memref<125x128xf32, #tpu.memory_space<vmem>>
      %dma_wait3A_87 = arith.constant 0 : i32
      %dma_wait3A_88 = tpu.memref_slice %arg7[%rem3A_37, %dma_wait3A_81, %dma_wait3A_87] : memref<2x2x125xi32, #tpu.memory_space<vmem>> -> memref<1x1x125xi32, #tpu.memory_space<vmem>>
      %dma_wait3A_89 = tpu.memref_squeeze %dma_wait3A_88 : memref<1x1x125xi32, #tpu.memory_space<vmem>> -> memref<125xi32, #tpu.memory_space<vmem>>
      %dma_wait3A_90 = arith.constant 0 : i32
      %dma_wait3A_91 = arith.constant 0 : i32
      %dma_wait3A_92 = tpu.memref_slice %arg2[%dma_wait3A_90, %dma_wait3A_91] : memref<10000x128xf32, #tpu.memory_space<hbm>> -> memref<10000x128xf32, #tpu.memory_space<hbm>>
      tpu.wait_indirect_dma semaphore(%arg11 : memref<!tpu.dma_semaphore, #tpu.memory_space<semaphore_mem>>) src(%dma_wait3A_92 : memref<10000x128xf32, #tpu.memory_space<hbm>>) dst(%dma_wait3A_86 : memref<125x128xf32, #tpu.memory_space<vmem>>)
      %dma_wait3A_93 = arith.constant 0 : i32
      %dma_wait3A_94 = arith.constant 0 : i32
      %dma_wait3A_95 = arith.constant 0 : i32
      %dma_wait3A_96 = arith.constant 0 : i32
      %dma_wait3A_97 = tpu.memref_slice %arg9[%dma_wait3A_93, %dma_wait3A_95, %dma_wait3A_96] : memref<2x125x128xf32, #tpu.memory_space<vmem>> -> memref<1x125x128xf32, #tpu.memory_space<vmem>>
      %dma_wait3A_98 = tpu.memref_squeeze %dma_wait3A_97 : memref<1x125x128xf32, #tpu.memory_space<vmem>> -> memref<125x128xf32, #tpu.memory_space<vmem>>
      %dma_wait3A_99 = arith.constant 0 : i32
      %dma_wait3A_100 = tpu.memref_slice %arg8[%rem3A_37, %dma_wait3A_94, %dma_wait3A_99] : memref<2x2x125xi32, #tpu.memory_space<vmem>> -> memref<1x1x125xi32, #tpu.memory_space<vmem>>
      %dma_wait3A_101 = tpu.memref_squeeze %dma_wait3A_100 : memref<1x1x125xi32, #tpu.memory_space<vmem>> -> memref<125xi32, #tpu.memory_space<vmem>>
      %dma_wait3A_102 = arith.constant 0 : i32
      %dma_wait3A_103 = arith.constant 0 : i32
      %dma_wait3A_104 = tpu.memref_slice %arg10[%dma_wait3A_102, %dma_wait3A_103] : memref<10240x128xf32, #tpu.memory_space<vmem_shared>> -> memref<10240x128xf32, #tpu.memory_space<vmem_shared>>
      tpu.wait_indirect_dma semaphore(%arg12 : memref<!tpu.dma_semaphore, #tpu.memory_space<semaphore_mem>>) src(%dma_wait3A_98 : memref<125x128xf32, #tpu.memory_space<vmem>>) dst(%dma_wait3A_104 : memref<10240x128xf32, #tpu.memory_space<vmem_shared>>)
      %dma_start3A_105 = arith.constant 1 : i32
      %dma_start3A_106 = arith.constant 1 : i32
      %dma_start3A_107 = arith.constant 0 : i32
      %dma_start3A_108 = arith.constant 0 : i32
      %dma_start3A_109 = tpu.memref_slice %arg9[%dma_start3A_105, %dma_start3A_107, %dma_start3A_108] : memref<2x125x128xf32, #tpu.memory_space<vmem>> -> memref<1x125x128xf32, #tpu.memory_space<vmem>>
      %dma_start3A_110 = tpu.memref_squeeze %dma_start3A_109 : memref<1x125x128xf32, #tpu.memory_space<vmem>> -> memref<125x128xf32, #tpu.memory_space<vmem>>
      %dma_start3A_111 = arith.constant 0 : i32
      %dma_start3A_112 = tpu.memref_slice %arg8[%rem3A_37, %dma_start3A_106, %dma_start3A_111] : memref<2x2x125xi32, #tpu.memory_space<vmem>> -> memref<1x1x125xi32, #tpu.memory_space<vmem>>
      %dma_start3A_113 = tpu.memref_squeeze %dma_start3A_112 : memref<1x1x125xi32, #tpu.memory_space<vmem>> -> memref<125xi32, #tpu.memory_space<vmem>>
      %dma_start3A_114 = arith.constant 0 : i32
      %dma_start3A_115 = arith.constant 0 : i32
      %dma_start3A_116 = tpu.memref_slice %arg10[%dma_start3A_114, %dma_start3A_115] : memref<10240x128xf32, #tpu.memory_space<vmem_shared>> -> memref<10240x128xf32, #tpu.memory_space<vmem_shared>>
      tpu.enqueue_indirect_dma source(%dma_start3A_110 : memref<125x128xf32, #tpu.memory_space<vmem>>) target(%dma_start3A_116 : memref<10240x128xf32, #tpu.memory_space<vmem_shared>>) offsets(%dma_start3A_113 : memref<125xi32, #tpu.memory_space<vmem>>) semaphore(%arg12 : memref<!tpu.dma_semaphore, #tpu.memory_space<semaphore_mem>>) {add = true}
      %lt3A_117 = arith.constant 39 : i32
      %lt3A_118 = arith.cmpi slt, %scan3A_35, %lt3A_117 : i32
      %convert_element_type3A_119 = arith.extui %lt3A_118 : i1 to i32
      %cond3A_120 = arith.constant 0 : i32
      %cond3A_121 = arith.cmpi ne, %convert_element_type3A_119, %cond3A_120 : i32
      scf.if %cond3A_121 {
        %add3A_122 = arith.constant 1 : i32
        %add3A_123 = arith.addi %scan3A_35, %add3A_122 : i32
        %mul3A_124 = arith.constant 2 : i32
        %mul3A_125 = arith.muli %mul3A_124, %add3A_123 : i32
        %dma_wait3A_126 = arith.constant 0 : i32
        %dma_wait3A_127 = arith.constant 0 : i32
        %dma_wait3A_128 = tpu.memref_slice %arg7[%sub3A_38, %dma_wait3A_126, %dma_wait3A_127] : memref<2x2x125xi32, #tpu.memory_space<vmem>> -> memref<1x2x125xi32, #tpu.memory_space<vmem>>
        %dma_wait3A_129 = tpu.memref_squeeze %dma_wait3A_128 : memref<1x2x125xi32, #tpu.memory_space<vmem>> -> memref<2x125xi32, #tpu.memory_space<vmem>>
        %dma_wait3A_130 = arith.constant 0 : i32
        %dma_wait3A_131 = tpu.memref_slice %arg3[%add3A, %mul3A_125, %dma_wait3A_130] : memref<32x80x125xi32, #tpu.memory_space<hbm>> -> memref<1x2x125xi32, #tpu.memory_space<hbm>>
        %dma_wait3A_132 = tpu.memref_squeeze %dma_wait3A_131 : memref<1x2x125xi32, #tpu.memory_space<hbm>> -> memref<2x125xi32, #tpu.memory_space<hbm>>
        %dma_wait3A_133 = arith.constant 0 : i32
        %dma_wait3A_134 = arith.constant 0 : i32
        %dma_wait3A_135 = tpu.memref_slice %arg7[%sub3A_38, %dma_wait3A_133, %dma_wait3A_134] : memref<2x2x125xi32, #tpu.memory_space<vmem>> -> memref<1x2x125xi32, #tpu.memory_space<vmem>>
        %dma_wait3A_136 = tpu.memref_squeeze %dma_wait3A_135 : memref<1x2x125xi32, #tpu.memory_space<vmem>> -> memref<2x125xi32, #tpu.memory_space<vmem>>
        %dma_wait3A_137 = arith.constant 0 : i32
        %dma_wait3A_138 = tpu.memref_slice %arg3[%add3A, %mul3A_125, %dma_wait3A_137] : memref<32x80x125xi32, #tpu.memory_space<hbm>> -> memref<1x2x125xi32, #tpu.memory_space<hbm>>
        %dma_wait3A_139 = tpu.memref_squeeze %dma_wait3A_138 : memref<1x2x125xi32, #tpu.memory_space<hbm>> -> memref<2x125xi32, #tpu.memory_space<hbm>>
        tpu.wait_dma2 semaphore(%arg13 : memref<!tpu.dma_semaphore, #tpu.memory_space<semaphore_mem>>) src(%dma_wait3A_139 : memref<2x125xi32, #tpu.memory_space<hbm>>) dst(%dma_wait3A_136 : memref<2x125xi32, #tpu.memory_space<vmem>>)
        %mul3A_140 = arith.constant 2 : i32
        %mul3A_141 = arith.muli %mul3A_140, %add3A_123 : i32
        %dma_wait3A_142 = arith.constant 0 : i32
        %dma_wait3A_143 = arith.constant 0 : i32
        %dma_wait3A_144 = tpu.memref_slice %arg8[%sub3A_38, %dma_wait3A_142, %dma_wait3A_143] : memref<2x2x125xi32, #tpu.memory_space<vmem>> -> memref<1x2x125xi32, #tpu.memory_space<vmem>>
        %dma_wait3A_145 = tpu.memref_squeeze %dma_wait3A_144 : memref<1x2x125xi32, #tpu.memory_space<vmem>> -> memref<2x125xi32, #tpu.memory_space<vmem>>
        %dma_wait3A_146 = arith.constant 0 : i32
        %dma_wait3A_147 = tpu.memref_slice %arg4[%add3A, %mul3A_141, %dma_wait3A_146] : memref<32x80x125xi32, #tpu.memory_space<hbm>> -> memref<1x2x125xi32, #tpu.memory_space<hbm>>
        %dma_wait3A_148 = tpu.memref_squeeze %dma_wait3A_147 : memref<1x2x125xi32, #tpu.memory_space<hbm>> -> memref<2x125xi32, #tpu.memory_space<hbm>>
        %dma_wait3A_149 = arith.constant 0 : i32
        %dma_wait3A_150 = arith.constant 0 : i32
        %dma_wait3A_151 = tpu.memref_slice %arg8[%sub3A_38, %dma_wait3A_149, %dma_wait3A_150] : memref<2x2x125xi32, #tpu.memory_space<vmem>> -> memref<1x2x125xi32, #tpu.memory_space<vmem>>
        %dma_wait3A_152 = tpu.memref_squeeze %dma_wait3A_151 : memref<1x2x125xi32, #tpu.memory_space<vmem>> -> memref<2x125xi32, #tpu.memory_space<vmem>>
        %dma_wait3A_153 = arith.constant 0 : i32
        %dma_wait3A_154 = tpu.memref_slice %arg4[%add3A, %mul3A_141, %dma_wait3A_153] : memref<32x80x125xi32, #tpu.memory_space<hbm>> -> memref<1x2x125xi32, #tpu.memory_space<hbm>>
        %dma_wait3A_155 = tpu.memref_squeeze %dma_wait3A_154 : memref<1x2x125xi32, #tpu.memory_space<hbm>> -> memref<2x125xi32, #tpu.memory_space<hbm>>
        tpu.wait_dma2 semaphore(%arg13 : memref<!tpu.dma_semaphore, #tpu.memory_space<semaphore_mem>>) src(%dma_wait3A_155 : memref<2x125xi32, #tpu.memory_space<hbm>>) dst(%dma_wait3A_152 : memref<2x125xi32, #tpu.memory_space<vmem>>)
        %dma_start3A_156 = arith.constant 0 : i32
        %dma_start3A_157 = arith.constant 0 : i32
        %dma_start3A_158 = arith.constant 0 : i32
        %dma_start3A_159 = arith.constant 0 : i32
        %dma_start3A_160 = tpu.memref_slice %arg9[%dma_start3A_157, %dma_start3A_158, %dma_start3A_159] : memref<2x125x128xf32, #tpu.memory_space<vmem>> -> memref<1x125x128xf32, #tpu.memory_space<vmem>>
        %dma_start3A_161 = tpu.memref_squeeze %dma_start3A_160 : memref<1x125x128xf32, #tpu.memory_space<vmem>> -> memref<125x128xf32, #tpu.memory_space<vmem>>
        %dma_start3A_162 = arith.constant 0 : i32
        %dma_start3A_163 = tpu.memref_slice %arg7[%sub3A_38, %dma_start3A_156, %dma_start3A_162] : memref<2x2x125xi32, #tpu.memory_space<vmem>> -> memref<1x1x125xi32, #tpu.memory_space<vmem>>
        %dma_start3A_164 = tpu.memref_squeeze %dma_start3A_163 : memref<1x1x125xi32, #tpu.memory_space<vmem>> -> memref<125xi32, #tpu.memory_space<vmem>>
        %dma_start3A_165 = arith.constant 0 : i32
        %dma_start3A_166 = arith.constant 0 : i32
        %dma_start3A_167 = tpu.memref_slice %arg2[%dma_start3A_165, %dma_start3A_166] : memref<10000x128xf32, #tpu.memory_space<hbm>> -> memref<10000x128xf32, #tpu.memory_space<hbm>>
        tpu.enqueue_indirect_dma source(%dma_start3A_167 : memref<10000x128xf32, #tpu.memory_space<hbm>>) target(%dma_start3A_161 : memref<125x128xf32, #tpu.memory_space<vmem>>) offsets(%dma_start3A_164 : memref<125xi32, #tpu.memory_space<vmem>>) semaphore(%arg11 : memref<!tpu.dma_semaphore, #tpu.memory_space<semaphore_mem>>)
      } else {
      }
    }
    %scan3A_20 = arith.constant 40 : i32
    %rem3A = arith.constant 39 : i32
    %rem3A_21 = arith.constant 2 : i32
    %rem3A_22 = arith.remsi %rem3A, %rem3A_21 : i32
    %dma_wait3A = arith.constant 1 : i32
    %dma_wait3A_23 = arith.constant 1 : i32
    %dma_wait3A_24 = arith.constant 0 : i32
    %dma_wait3A_25 = arith.constant 0 : i32
    %dma_wait3A_26 = tpu.memref_slice %arg9[%dma_wait3A, %dma_wait3A_24, %dma_wait3A_25] : memref<2x125x128xf32, #tpu.memory_space<vmem>> -> memref<1x125x128xf32, #tpu.memory_space<vmem>>
    %dma_wait3A_27 = tpu.memref_squeeze %dma_wait3A_26 : memref<1x125x128xf32, #tpu.memory_space<vmem>> -> memref<125x128xf32, #tpu.memory_space<vmem>>
    %dma_wait3A_28 = arith.constant 0 : i32
    %dma_wait3A_29 = tpu.memref_slice %arg8[%rem3A_22, %dma_wait3A_23, %dma_wait3A_28] : memref<2x2x125xi32, #tpu.memory_space<vmem>> -> memref<1x1x125xi32, #tpu.memory_space<vmem>>
    %dma_wait3A_30 = tpu.memref_squeeze %dma_wait3A_29 : memref<1x1x125xi32, #tpu.memory_space<vmem>> -> memref<125xi32, #tpu.memory_space<vmem>>
    %dma_wait3A_31 = arith.constant 0 : i32
    %dma_wait3A_32 = arith.constant 0 : i32
    %dma_wait3A_33 = tpu.memref_slice %arg10[%dma_wait3A_31, %dma_wait3A_32] : memref<10240x128xf32, #tpu.memory_space<vmem_shared>> -> memref<10240x128xf32, #tpu.memory_space<vmem_shared>>
    tpu.wait_indirect_dma semaphore(%arg12 : memref<!tpu.dma_semaphore, #tpu.memory_space<semaphore_mem>>) src(%dma_wait3A_27 : memref<125x128xf32, #tpu.memory_space<vmem>>) dst(%dma_wait3A_33 : memref<10240x128xf32, #tpu.memory_space<vmem_shared>>)
    %barrier3A_34 = arith.constant 0 : index
    tpu.barrier barrier_id(%barrier3A_34)
    "tpu.region"() ({
      %run_scoped3A_35 = tpu.sem_alloc : memref<!tpu.dma_semaphore, #tpu.memory_space<semaphore_mem>>
      %dma_start3A_36 = arith.constant 0 : i32
      %dma_start3A_37 = tpu.memref_slice %arg6[%arg0, %mul3A_2, %dma_start3A_36] : memref<2x10240x128xf32, #tpu.memory_space<hbm>> -> memref<1x640x128xf32, #tpu.memory_space<hbm>>
      %dma_start3A_38 = tpu.memref_squeeze %dma_start3A_37 : memref<1x640x128xf32, #tpu.memory_space<hbm>> -> memref<640x128xf32, #tpu.memory_space<hbm>>
      %dma_start3A_39 = arith.constant 0 : i32
      %dma_start3A_40 = tpu.memref_slice %arg10[%mul3A_2, %dma_start3A_39] : memref<10240x128xf32, #tpu.memory_space<vmem_shared>> -> memref<640x128xf32, #tpu.memory_space<vmem_shared>>
      tpu.enqueue_dma source(%dma_start3A_40 : memref<640x128xf32, #tpu.memory_space<vmem_shared>>) target(%dma_start3A_38 : memref<640x128xf32, #tpu.memory_space<hbm>>) target_semaphore(%run_scoped3A_35 : memref<!tpu.dma_semaphore, #tpu.memory_space<semaphore_mem>>)
      %dma_wait3A_41 = arith.constant 0 : i32
      %dma_wait3A_42 = tpu.memref_slice %arg6[%arg0, %mul3A_2, %dma_wait3A_41] : memref<2x10240x128xf32, #tpu.memory_space<hbm>> -> memref<1x640x128xf32, #tpu.memory_space<hbm>>
      %dma_wait3A_43 = tpu.memref_squeeze %dma_wait3A_42 : memref<1x640x128xf32, #tpu.memory_space<hbm>> -> memref<640x128xf32, #tpu.memory_space<hbm>>
      %dma_wait3A_44 = arith.constant 0 : i32
      %dma_wait3A_45 = tpu.memref_slice %arg10[%mul3A_2, %dma_wait3A_44] : memref<10240x128xf32, #tpu.memory_space<vmem_shared>> -> memref<640x128xf32, #tpu.memory_space<vmem_shared>>
      tpu.wait_dma2 semaphore(%run_scoped3A_35 : memref<!tpu.dma_semaphore, #tpu.memory_space<semaphore_mem>>) src(%dma_wait3A_45 : memref<640x128xf32, #tpu.memory_space<vmem_shared>>) dst(%dma_wait3A_43 : memref<640x128xf32, #tpu.memory_space<hbm>>)
      tpu.yield
    }) : () -> ()
    return
  }
}

#map = affine_map<(d0, d1) -> (0, 0)>
#map1 = affine_map<(d0, d1) -> (0, 0, 0)>
module attributes {stable_mosaic.version = 14 : i64} {
  func.func @_sc_agg_body(%arg0: i32, %arg1: i32, %arg2: memref<10000x128xf32, #tpu.memory_space<hbm>>, %arg3: memref<32x80x125xi32, #tpu.memory_space<hbm>>, %arg4: memref<32x80x125xi32, #tpu.memory_space<hbm>>, %arg5: memref<640x128xf32, #tpu.memory_space<hbm>>, %arg6: memref<2x10240x128xf32, #tpu.memory_space<hbm>>, %arg7: memref<2x2x125xi32, #tpu.memory_space<vmem>>, %arg8: memref<2x2x125xi32, #tpu.memory_space<vmem>>, %arg9: memref<2x125x128xf32, #tpu.memory_space<vmem>>, %arg10: memref<10240x128xf32, #tpu.memory_space<vmem_shared>>, %arg11: memref<!tpu.dma_semaphore, #tpu.memory_space<semaphore_mem>>, %arg12: memref<!tpu.dma_semaphore, #tpu.memory_space<semaphore_mem>>, %arg13: memref<!tpu.dma_semaphore, #tpu.memory_space<semaphore_mem>>) attributes {dimension_semantics = [#tpu.dimension_semantics<core_parallel>, #tpu.dimension_semantics<subcore_parallel>], iteration_bounds = array<i64: 2, 16>, scalar_prefetch = 0 : i64, scratch_operands = 7 : i64, tpu.core_type = #tpu.core_type<sc_vector_subcore>, window_params = [{transform_indices = #map}, {transform_indices = #map1}, {transform_indices = #map1}, {transform_indices = #map}, {transform_indices = #map1}]} {
    %mul3A = arith.constant 16 : i32
    %mul3A_0 = arith.muli %arg0, %mul3A : i32
    %add3A = arith.addi %mul3A_0, %arg1 : i32
    %mul3A_1 = arith.constant 640 : i32
    %mul3A_2 = arith.muli %arg1, %mul3A_1 : i32
    "tpu.region"() ({
      %run_scoped3A_35 = tpu.sem_alloc : memref<!tpu.dma_semaphore, #tpu.memory_space<semaphore_mem>>
      %dma_start3A_36 = arith.constant 0 : i32
      %dma_start3A_37 = tpu.memref_slice %arg10[%mul3A_2, %dma_start3A_36] : memref<10240x128xf32, #tpu.memory_space<vmem_shared>> -> memref<640x128xf32, #tpu.memory_space<vmem_shared>>
      tpu.enqueue_dma source(%arg5 : memref<640x128xf32, #tpu.memory_space<hbm>>) target(%dma_start3A_37 : memref<640x128xf32, #tpu.memory_space<vmem_shared>>) target_semaphore(%run_scoped3A_35 : memref<!tpu.dma_semaphore, #tpu.memory_space<semaphore_mem>>)
      %dma_wait3A_38 = arith.constant 0 : i32
      %dma_wait3A_39 = tpu.memref_slice %arg10[%mul3A_2, %dma_wait3A_38] : memref<10240x128xf32, #tpu.memory_space<vmem_shared>> -> memref<640x128xf32, #tpu.memory_space<vmem_shared>>
      tpu.wait_dma2 semaphore(%run_scoped3A_35 : memref<!tpu.dma_semaphore, #tpu.memory_space<semaphore_mem>>) src(%arg5 : memref<640x128xf32, #tpu.memory_space<hbm>>) dst(%dma_wait3A_39 : memref<640x128xf32, #tpu.memory_space<vmem_shared>>)
      tpu.yield
    }) : () -> ()
    %run_scoped3A = arith.constant 0 : i32
    "tpu.region"() ({
      %run_scoped3A_35 = tpu.sem_alloc : memref<!tpu.dma_semaphore, #tpu.memory_space<semaphore_mem>>
      %dma_start3A_36 = arith.constant 0 : i32
      %dma_start3A_37 = arith.constant 0 : i32
      %dma_start3A_38 = tpu.memref_slice %arg7[%run_scoped3A, %dma_start3A_36, %dma_start3A_37] : memref<2x2x125xi32, #tpu.memory_space<vmem>> -> memref<1x2x125xi32, #tpu.memory_space<vmem>>
      %dma_start3A_39 = tpu.memref_squeeze %dma_start3A_38 : memref<1x2x125xi32, #tpu.memory_space<vmem>> -> memref<2x125xi32, #tpu.memory_space<vmem>>
      %dma_start3A_40 = arith.constant 0 : i32
      %dma_start3A_41 = arith.constant 0 : i32
      %dma_start3A_42 = tpu.memref_slice %arg3[%add3A, %dma_start3A_40, %dma_start3A_41] : memref<32x80x125xi32, #tpu.memory_space<hbm>> -> memref<1x2x125xi32, #tpu.memory_space<hbm>>
      %dma_start3A_43 = tpu.memref_squeeze %dma_start3A_42 : memref<1x2x125xi32, #tpu.memory_space<hbm>> -> memref<2x125xi32, #tpu.memory_space<hbm>>
      %dma_start3A_44 = arith.constant 0 : i32
      %dma_start3A_45 = arith.constant 0 : i32
      %dma_start3A_46 = tpu.memref_slice %arg7[%run_scoped3A, %dma_start3A_44, %dma_start3A_45] : memref<2x2x125xi32, #tpu.memory_space<vmem>> -> memref<1x2x125xi32, #tpu.memory_space<vmem>>
      %dma_start3A_47 = tpu.memref_squeeze %dma_start3A_46 : memref<1x2x125xi32, #tpu.memory_space<vmem>> -> memref<2x125xi32, #tpu.memory_space<vmem>>
      %dma_start3A_48 = arith.constant 0 : i32
      %dma_start3A_49 = arith.constant 0 : i32
      %dma_start3A_50 = tpu.memref_slice %arg3[%add3A, %dma_start3A_48, %dma_start3A_49] : memref<32x80x125xi32, #tpu.memory_space<hbm>> -> memref<1x2x125xi32, #tpu.memory_space<hbm>>
      %dma_start3A_51 = tpu.memref_squeeze %dma_start3A_50 : memref<1x2x125xi32, #tpu.memory_space<hbm>> -> memref<2x125xi32, #tpu.memory_space<hbm>>
      tpu.enqueue_dma source(%dma_start3A_51 : memref<2x125xi32, #tpu.memory_space<hbm>>) target(%dma_start3A_47 : memref<2x125xi32, #tpu.memory_space<vmem>>) target_semaphore(%run_scoped3A_35 : memref<!tpu.dma_semaphore, #tpu.memory_space<semaphore_mem>>)
      %dma_wait3A_52 = arith.constant 0 : i32
      %dma_wait3A_53 = arith.constant 0 : i32
      %dma_wait3A_54 = tpu.memref_slice %arg7[%run_scoped3A, %dma_wait3A_52, %dma_wait3A_53] : memref<2x2x125xi32, #tpu.memory_space<vmem>> -> memref<1x2x125xi32, #tpu.memory_space<vmem>>
      %dma_wait3A_55 = tpu.memref_squeeze %dma_wait3A_54 : memref<1x2x125xi32, #tpu.memory_space<vmem>> -> memref<2x125xi32, #tpu.memory_space<vmem>>
      %dma_wait3A_56 = arith.constant 0 : i32
      %dma_wait3A_57 = arith.constant 0 : i32
      %dma_wait3A_58 = tpu.memref_slice %arg3[%add3A, %dma_wait3A_56, %dma_wait3A_57] : memref<32x80x125xi32, #tpu.memory_space<hbm>> -> memref<1x2x125xi32, #tpu.memory_space<hbm>>
      %dma_wait3A_59 = tpu.memref_squeeze %dma_wait3A_58 : memref<1x2x125xi32, #tpu.memory_space<hbm>> -> memref<2x125xi32, #tpu.memory_space<hbm>>
      %dma_wait3A_60 = arith.constant 0 : i32
      %dma_wait3A_61 = arith.constant 0 : i32
      %dma_wait3A_62 = tpu.memref_slice %arg7[%run_scoped3A, %dma_wait3A_60, %dma_wait3A_61] : memref<2x2x125xi32, #tpu.memory_space<vmem>> -> memref<1x2x125xi32, #tpu.memory_space<vmem>>
      %dma_wait3A_63 = tpu.memref_squeeze %dma_wait3A_62 : memref<1x2x125xi32, #tpu.memory_space<vmem>> -> memref<2x125xi32, #tpu.memory_space<vmem>>
      %dma_wait3A_64 = arith.constant 0 : i32
      %dma_wait3A_65 = arith.constant 0 : i32
      %dma_wait3A_66 = tpu.memref_slice %arg3[%add3A, %dma_wait3A_64, %dma_wait3A_65] : memref<32x80x125xi32, #tpu.memory_space<hbm>> -> memref<1x2x125xi32, #tpu.memory_space<hbm>>
      %dma_wait3A_67 = tpu.memref_squeeze %dma_wait3A_66 : memref<1x2x125xi32, #tpu.memory_space<hbm>> -> memref<2x125xi32, #tpu.memory_space<hbm>>
      tpu.wait_dma2 semaphore(%run_scoped3A_35 : memref<!tpu.dma_semaphore, #tpu.memory_space<semaphore_mem>>) src(%dma_wait3A_67 : memref<2x125xi32, #tpu.memory_space<hbm>>) dst(%dma_wait3A_63 : memref<2x125xi32, #tpu.memory_space<vmem>>)
      tpu.yield
    }) : () -> ()
    %run_scoped3A_3 = arith.constant 0 : i32
    "tpu.region"() ({
      %run_scoped3A_35 = tpu.sem_alloc : memref<!tpu.dma_semaphore, #tpu.memory_space<semaphore_mem>>
      %dma_start3A_36 = arith.constant 0 : i32
      %dma_start3A_37 = arith.constant 0 : i32
      %dma_start3A_38 = tpu.memref_slice %arg8[%run_scoped3A_3, %dma_start3A_36, %dma_start3A_37] : memref<2x2x125xi32, #tpu.memory_space<vmem>> -> memref<1x2x125xi32, #tpu.memory_space<vmem>>
      %dma_start3A_39 = tpu.memref_squeeze %dma_start3A_38 : memref<1x2x125xi32, #tpu.memory_space<vmem>> -> memref<2x125xi32, #tpu.memory_space<vmem>>
      %dma_start3A_40 = arith.constant 0 : i32
      %dma_start3A_41 = arith.constant 0 : i32
      %dma_start3A_42 = tpu.memref_slice %arg4[%add3A, %dma_start3A_40, %dma_start3A_41] : memref<32x80x125xi32, #tpu.memory_space<hbm>> -> memref<1x2x125xi32, #tpu.memory_space<hbm>>
      %dma_start3A_43 = tpu.memref_squeeze %dma_start3A_42 : memref<1x2x125xi32, #tpu.memory_space<hbm>> -> memref<2x125xi32, #tpu.memory_space<hbm>>
      %dma_start3A_44 = arith.constant 0 : i32
      %dma_start3A_45 = arith.constant 0 : i32
      %dma_start3A_46 = tpu.memref_slice %arg8[%run_scoped3A_3, %dma_start3A_44, %dma_start3A_45] : memref<2x2x125xi32, #tpu.memory_space<vmem>> -> memref<1x2x125xi32, #tpu.memory_space<vmem>>
      %dma_start3A_47 = tpu.memref_squeeze %dma_start3A_46 : memref<1x2x125xi32, #tpu.memory_space<vmem>> -> memref<2x125xi32, #tpu.memory_space<vmem>>
      %dma_start3A_48 = arith.constant 0 : i32
      %dma_start3A_49 = arith.constant 0 : i32
      %dma_start3A_50 = tpu.memref_slice %arg4[%add3A, %dma_start3A_48, %dma_start3A_49] : memref<32x80x125xi32, #tpu.memory_space<hbm>> -> memref<1x2x125xi32, #tpu.memory_space<hbm>>
      %dma_start3A_51 = tpu.memref_squeeze %dma_start3A_50 : memref<1x2x125xi32, #tpu.memory_space<hbm>> -> memref<2x125xi32, #tpu.memory_space<hbm>>
      tpu.enqueue_dma source(%dma_start3A_51 : memref<2x125xi32, #tpu.memory_space<hbm>>) target(%dma_start3A_47 : memref<2x125xi32, #tpu.memory_space<vmem>>) target_semaphore(%run_scoped3A_35 : memref<!tpu.dma_semaphore, #tpu.memory_space<semaphore_mem>>)
      %dma_wait3A_52 = arith.constant 0 : i32
      %dma_wait3A_53 = arith.constant 0 : i32
      %dma_wait3A_54 = tpu.memref_slice %arg8[%run_scoped3A_3, %dma_wait3A_52, %dma_wait3A_53] : memref<2x2x125xi32, #tpu.memory_space<vmem>> -> memref<1x2x125xi32, #tpu.memory_space<vmem>>
      %dma_wait3A_55 = tpu.memref_squeeze %dma_wait3A_54 : memref<1x2x125xi32, #tpu.memory_space<vmem>> -> memref<2x125xi32, #tpu.memory_space<vmem>>
      %dma_wait3A_56 = arith.constant 0 : i32
      %dma_wait3A_57 = arith.constant 0 : i32
      %dma_wait3A_58 = tpu.memref_slice %arg4[%add3A, %dma_wait3A_56, %dma_wait3A_57] : memref<32x80x125xi32, #tpu.memory_space<hbm>> -> memref<1x2x125xi32, #tpu.memory_space<hbm>>
      %dma_wait3A_59 = tpu.memref_squeeze %dma_wait3A_58 : memref<1x2x125xi32, #tpu.memory_space<hbm>> -> memref<2x125xi32, #tpu.memory_space<hbm>>
      %dma_wait3A_60 = arith.constant 0 : i32
      %dma_wait3A_61 = arith.constant 0 : i32
      %dma_wait3A_62 = tpu.memref_slice %arg8[%run_scoped3A_3, %dma_wait3A_60, %dma_wait3A_61] : memref<2x2x125xi32, #tpu.memory_space<vmem>> -> memref<1x2x125xi32, #tpu.memory_space<vmem>>
      %dma_wait3A_63 = tpu.memref_squeeze %dma_wait3A_62 : memref<1x2x125xi32, #tpu.memory_space<vmem>> -> memref<2x125xi32, #tpu.memory_space<vmem>>
      %dma_wait3A_64 = arith.constant 0 : i32
      %dma_wait3A_65 = arith.constant 0 : i32
      %dma_wait3A_66 = tpu.memref_slice %arg4[%add3A, %dma_wait3A_64, %dma_wait3A_65] : memref<32x80x125xi32, #tpu.memory_space<hbm>> -> memref<1x2x125xi32, #tpu.memory_space<hbm>>
      %dma_wait3A_67 = tpu.memref_squeeze %dma_wait3A_66 : memref<1x2x125xi32, #tpu.memory_space<hbm>> -> memref<2x125xi32, #tpu.memory_space<hbm>>
      tpu.wait_dma2 semaphore(%run_scoped3A_35 : memref<!tpu.dma_semaphore, #tpu.memory_space<semaphore_mem>>) src(%dma_wait3A_67 : memref<2x125xi32, #tpu.memory_space<hbm>>) dst(%dma_wait3A_63 : memref<2x125xi32, #tpu.memory_space<vmem>>)
      tpu.yield
    }) : () -> ()
    %barrier3A = arith.constant 0 : index
    tpu.barrier barrier_id(%barrier3A)
    %dma_start3A = arith.constant 0 : i32
    %dma_start3A_4 = arith.constant 0 : i32
    %dma_start3A_5 = arith.constant 0 : i32
    %dma_start3A_6 = arith.constant 0 : i32
    %dma_start3A_7 = arith.constant 0 : i32
    %dma_start3A_8 = tpu.memref_slice %arg9[%dma_start3A_5, %dma_start3A_6, %dma_start3A_7] : memref<2x125x128xf32, #tpu.memory_space<vmem>> -> memref<1x125x128xf32, #tpu.memory_space<vmem>>
    %dma_start3A_9 = tpu.memref_squeeze %dma_start3A_8 : memref<1x125x128xf32, #tpu.memory_space<vmem>> -> memref<125x128xf32, #tpu.memory_space<vmem>>
    %dma_start3A_10 = arith.constant 0 : i32
    %dma_start3A_11 = tpu.memref_slice %arg7[%dma_start3A, %dma_start3A_4, %dma_start3A_10] : memref<2x2x125xi32, #tpu.memory_space<vmem>> -> memref<1x1x125xi32, #tpu.memory_space<vmem>>
    %dma_start3A_12 = tpu.memref_squeeze %dma_start3A_11 : memref<1x1x125xi32, #tpu.memory_space<vmem>> -> memref<125xi32, #tpu.memory_space<vmem>>
    %dma_start3A_13 = arith.constant 0 : i32
    %dma_start3A_14 = arith.constant 0 : i32
    %dma_start3A_15 = tpu.memref_slice %arg2[%dma_start3A_13, %dma_start3A_14] : memref<10000x128xf32, #tpu.memory_space<hbm>> -> memref<10000x128xf32, #tpu.memory_space<hbm>>
    tpu.enqueue_indirect_dma source(%dma_start3A_15 : memref<10000x128xf32, #tpu.memory_space<hbm>>) target(%dma_start3A_9 : memref<125x128xf32, #tpu.memory_space<vmem>>) offsets(%dma_start3A_12 : memref<125xi32, #tpu.memory_space<vmem>>) semaphore(%arg11 : memref<!tpu.dma_semaphore, #tpu.memory_space<semaphore_mem>>)
    %scan3A = arith.constant 0 : i32
    %scan3A_16 = arith.constant 0 : i32
    %scan3A_17 = arith.constant 40 : i32
    %scan3A_18 = arith.addi %scan3A_16, %scan3A_17 : i32
    %scan3A_19 = arith.constant 1 : i32
    scf.for %scan3A_35 = %scan3A_16 to %scan3A_18 step %scan3A_19  : i32 {
      %rem3A_36 = arith.constant 2 : i32
      %rem3A_37 = arith.remsi %scan3A_35, %rem3A_36 : i32
      %sub3A = arith.constant 1 : i32
      %sub3A_38 = arith.subi %sub3A, %rem3A_37 : i32
      %dma_wait3A_39 = arith.constant 0 : i32
      %dma_wait3A_40 = arith.constant 0 : i32
      %dma_wait3A_41 = arith.constant 0 : i32
      %dma_wait3A_42 = arith.constant 0 : i32
      %dma_wait3A_43 = tpu.memref_slice %arg9[%dma_wait3A_40, %dma_wait3A_41, %dma_wait3A_42] : memref<2x125x128xf32, #tpu.memory_space<vmem>> -> memref<1x125x128xf32, #tpu.memory_space<vmem>>
      %dma_wait3A_44 = tpu.memref_squeeze %dma_wait3A_43 : memref<1x125x128xf32, #tpu.memory_space<vmem>> -> memref<125x128xf32, #tpu.memory_space<vmem>>
      %dma_wait3A_45 = arith.constant 0 : i32
      %dma_wait3A_46 = tpu.memref_slice %arg7[%rem3A_37, %dma_wait3A_39, %dma_wait3A_45] : memref<2x2x125xi32, #tpu.memory_space<vmem>> -> memref<1x1x125xi32, #tpu.memory_space<vmem>>
      %dma_wait3A_47 = tpu.memref_squeeze %dma_wait3A_46 : memref<1x1x125xi32, #tpu.memory_space<vmem>> -> memref<125xi32, #tpu.memory_space<vmem>>
      %dma_wait3A_48 = arith.constant 0 : i32
      %dma_wait3A_49 = arith.constant 0 : i32
      %dma_wait3A_50 = tpu.memref_slice %arg2[%dma_wait3A_48, %dma_wait3A_49] : memref<10000x128xf32, #tpu.memory_space<hbm>> -> memref<10000x128xf32, #tpu.memory_space<hbm>>
      tpu.wait_indirect_dma semaphore(%arg11 : memref<!tpu.dma_semaphore, #tpu.memory_space<semaphore_mem>>) src(%dma_wait3A_50 : memref<10000x128xf32, #tpu.memory_space<hbm>>) dst(%dma_wait3A_44 : memref<125x128xf32, #tpu.memory_space<vmem>>)
      %gt3A = arith.constant 0 : i32
      %gt3A_51 = arith.cmpi sgt, %scan3A_35, %gt3A : i32
      %convert_element_type3A = arith.extui %gt3A_51 : i1 to i32
      %cond3A = arith.constant 0 : i32
      %cond3A_52 = arith.cmpi ne, %convert_element_type3A, %cond3A : i32
      scf.if %cond3A_52 {
        %dma_wait3A_122 = arith.constant 1 : i32
        %dma_wait3A_123 = arith.constant 1 : i32
        %dma_wait3A_124 = arith.constant 0 : i32
        %dma_wait3A_125 = arith.constant 0 : i32
        %dma_wait3A_126 = tpu.memref_slice %arg9[%dma_wait3A_122, %dma_wait3A_124, %dma_wait3A_125] : memref<2x125x128xf32, #tpu.memory_space<vmem>> -> memref<1x125x128xf32, #tpu.memory_space<vmem>>
        %dma_wait3A_127 = tpu.memref_squeeze %dma_wait3A_126 : memref<1x125x128xf32, #tpu.memory_space<vmem>> -> memref<125x128xf32, #tpu.memory_space<vmem>>
        %dma_wait3A_128 = arith.constant 0 : i32
        %dma_wait3A_129 = tpu.memref_slice %arg8[%sub3A_38, %dma_wait3A_123, %dma_wait3A_128] : memref<2x2x125xi32, #tpu.memory_space<vmem>> -> memref<1x1x125xi32, #tpu.memory_space<vmem>>
        %dma_wait3A_130 = tpu.memref_squeeze %dma_wait3A_129 : memref<1x1x125xi32, #tpu.memory_space<vmem>> -> memref<125xi32, #tpu.memory_space<vmem>>
        %dma_wait3A_131 = arith.constant 0 : i32
        %dma_wait3A_132 = arith.constant 0 : i32
        %dma_wait3A_133 = tpu.memref_slice %arg10[%dma_wait3A_131, %dma_wait3A_132] : memref<10240x128xf32, #tpu.memory_space<vmem_shared>> -> memref<10240x128xf32, #tpu.memory_space<vmem_shared>>
        tpu.wait_indirect_dma semaphore(%arg12 : memref<!tpu.dma_semaphore, #tpu.memory_space<semaphore_mem>>) src(%dma_wait3A_127 : memref<125x128xf32, #tpu.memory_space<vmem>>) dst(%dma_wait3A_133 : memref<10240x128xf32, #tpu.memory_space<vmem_shared>>)
      } else {
      }
      %lt3A = arith.constant 39 : i32
      %lt3A_53 = arith.cmpi slt, %scan3A_35, %lt3A : i32
      %convert_element_type3A_54 = arith.extui %lt3A_53 : i1 to i32
      %cond3A_55 = arith.constant 0 : i32
      %cond3A_56 = arith.cmpi ne, %convert_element_type3A_54, %cond3A_55 : i32
      scf.if %cond3A_56 {
        %add3A_122 = arith.constant 1 : i32
        %add3A_123 = arith.addi %scan3A_35, %add3A_122 : i32
        %mul3A_124 = arith.constant 2 : i32
        %mul3A_125 = arith.muli %mul3A_124, %add3A_123 : i32
        %dma_start3A_126 = arith.constant 0 : i32
        %dma_start3A_127 = arith.constant 0 : i32
        %dma_start3A_128 = tpu.memref_slice %arg7[%sub3A_38, %dma_start3A_126, %dma_start3A_127] : memref<2x2x125xi32, #tpu.memory_space<vmem>> -> memref<1x2x125xi32, #tpu.memory_space<vmem>>
        %dma_start3A_129 = tpu.memref_squeeze %dma_start3A_128 : memref<1x2x125xi32, #tpu.memory_space<vmem>> -> memref<2x125xi32, #tpu.memory_space<vmem>>
        %dma_start3A_130 = arith.constant 0 : i32
        %dma_start3A_131 = tpu.memref_slice %arg3[%add3A, %mul3A_125, %dma_start3A_130] : memref<32x80x125xi32, #tpu.memory_space<hbm>> -> memref<1x2x125xi32, #tpu.memory_space<hbm>>
        %dma_start3A_132 = tpu.memref_squeeze %dma_start3A_131 : memref<1x2x125xi32, #tpu.memory_space<hbm>> -> memref<2x125xi32, #tpu.memory_space<hbm>>
        %dma_start3A_133 = arith.constant 0 : i32
        %dma_start3A_134 = arith.constant 0 : i32
        %dma_start3A_135 = tpu.memref_slice %arg7[%sub3A_38, %dma_start3A_133, %dma_start3A_134] : memref<2x2x125xi32, #tpu.memory_space<vmem>> -> memref<1x2x125xi32, #tpu.memory_space<vmem>>
        %dma_start3A_136 = tpu.memref_squeeze %dma_start3A_135 : memref<1x2x125xi32, #tpu.memory_space<vmem>> -> memref<2x125xi32, #tpu.memory_space<vmem>>
        %dma_start3A_137 = arith.constant 0 : i32
        %dma_start3A_138 = tpu.memref_slice %arg3[%add3A, %mul3A_125, %dma_start3A_137] : memref<32x80x125xi32, #tpu.memory_space<hbm>> -> memref<1x2x125xi32, #tpu.memory_space<hbm>>
        %dma_start3A_139 = tpu.memref_squeeze %dma_start3A_138 : memref<1x2x125xi32, #tpu.memory_space<hbm>> -> memref<2x125xi32, #tpu.memory_space<hbm>>
        tpu.enqueue_dma source(%dma_start3A_139 : memref<2x125xi32, #tpu.memory_space<hbm>>) target(%dma_start3A_136 : memref<2x125xi32, #tpu.memory_space<vmem>>) target_semaphore(%arg13 : memref<!tpu.dma_semaphore, #tpu.memory_space<semaphore_mem>>)
        %mul3A_140 = arith.constant 2 : i32
        %mul3A_141 = arith.muli %mul3A_140, %add3A_123 : i32
        %dma_start3A_142 = arith.constant 0 : i32
        %dma_start3A_143 = arith.constant 0 : i32
        %dma_start3A_144 = tpu.memref_slice %arg8[%sub3A_38, %dma_start3A_142, %dma_start3A_143] : memref<2x2x125xi32, #tpu.memory_space<vmem>> -> memref<1x2x125xi32, #tpu.memory_space<vmem>>
        %dma_start3A_145 = tpu.memref_squeeze %dma_start3A_144 : memref<1x2x125xi32, #tpu.memory_space<vmem>> -> memref<2x125xi32, #tpu.memory_space<vmem>>
        %dma_start3A_146 = arith.constant 0 : i32
        %dma_start3A_147 = tpu.memref_slice %arg4[%add3A, %mul3A_141, %dma_start3A_146] : memref<32x80x125xi32, #tpu.memory_space<hbm>> -> memref<1x2x125xi32, #tpu.memory_space<hbm>>
        %dma_start3A_148 = tpu.memref_squeeze %dma_start3A_147 : memref<1x2x125xi32, #tpu.memory_space<hbm>> -> memref<2x125xi32, #tpu.memory_space<hbm>>
        %dma_start3A_149 = arith.constant 0 : i32
        %dma_start3A_150 = arith.constant 0 : i32
        %dma_start3A_151 = tpu.memref_slice %arg8[%sub3A_38, %dma_start3A_149, %dma_start3A_150] : memref<2x2x125xi32, #tpu.memory_space<vmem>> -> memref<1x2x125xi32, #tpu.memory_space<vmem>>
        %dma_start3A_152 = tpu.memref_squeeze %dma_start3A_151 : memref<1x2x125xi32, #tpu.memory_space<vmem>> -> memref<2x125xi32, #tpu.memory_space<vmem>>
        %dma_start3A_153 = arith.constant 0 : i32
        %dma_start3A_154 = tpu.memref_slice %arg4[%add3A, %mul3A_141, %dma_start3A_153] : memref<32x80x125xi32, #tpu.memory_space<hbm>> -> memref<1x2x125xi32, #tpu.memory_space<hbm>>
        %dma_start3A_155 = tpu.memref_squeeze %dma_start3A_154 : memref<1x2x125xi32, #tpu.memory_space<hbm>> -> memref<2x125xi32, #tpu.memory_space<hbm>>
        tpu.enqueue_dma source(%dma_start3A_155 : memref<2x125xi32, #tpu.memory_space<hbm>>) target(%dma_start3A_152 : memref<2x125xi32, #tpu.memory_space<vmem>>) target_semaphore(%arg13 : memref<!tpu.dma_semaphore, #tpu.memory_space<semaphore_mem>>)
      } else {
      }
      %dma_start3A_57 = arith.constant 0 : i32
      %dma_start3A_58 = arith.constant 0 : i32
      %dma_start3A_59 = arith.constant 0 : i32
      %dma_start3A_60 = arith.constant 0 : i32
      %dma_start3A_61 = tpu.memref_slice %arg9[%dma_start3A_57, %dma_start3A_59, %dma_start3A_60] : memref<2x125x128xf32, #tpu.memory_space<vmem>> -> memref<1x125x128xf32, #tpu.memory_space<vmem>>
      %dma_start3A_62 = tpu.memref_squeeze %dma_start3A_61 : memref<1x125x128xf32, #tpu.memory_space<vmem>> -> memref<125x128xf32, #tpu.memory_space<vmem>>
      %dma_start3A_63 = arith.constant 0 : i32
      %dma_start3A_64 = tpu.memref_slice %arg8[%rem3A_37, %dma_start3A_58, %dma_start3A_63] : memref<2x2x125xi32, #tpu.memory_space<vmem>> -> memref<1x1x125xi32, #tpu.memory_space<vmem>>
      %dma_start3A_65 = tpu.memref_squeeze %dma_start3A_64 : memref<1x1x125xi32, #tpu.memory_space<vmem>> -> memref<125xi32, #tpu.memory_space<vmem>>
      %dma_start3A_66 = arith.constant 0 : i32
      %dma_start3A_67 = arith.constant 0 : i32
      %dma_start3A_68 = tpu.memref_slice %arg10[%dma_start3A_66, %dma_start3A_67] : memref<10240x128xf32, #tpu.memory_space<vmem_shared>> -> memref<10240x128xf32, #tpu.memory_space<vmem_shared>>
      tpu.enqueue_indirect_dma source(%dma_start3A_62 : memref<125x128xf32, #tpu.memory_space<vmem>>) target(%dma_start3A_68 : memref<10240x128xf32, #tpu.memory_space<vmem_shared>>) offsets(%dma_start3A_65 : memref<125xi32, #tpu.memory_space<vmem>>) semaphore(%arg12 : memref<!tpu.dma_semaphore, #tpu.memory_space<semaphore_mem>>) {add = true}
      %dma_start3A_69 = arith.constant 1 : i32
      %dma_start3A_70 = arith.constant 1 : i32
      %dma_start3A_71 = arith.constant 0 : i32
      %dma_start3A_72 = arith.constant 0 : i32
      %dma_start3A_73 = tpu.memref_slice %arg9[%dma_start3A_70, %dma_start3A_71, %dma_start3A_72] : memref<2x125x128xf32, #tpu.memory_space<vmem>> -> memref<1x125x128xf32, #tpu.memory_space<vmem>>
      %dma_start3A_74 = tpu.memref_squeeze %dma_start3A_73 : memref<1x125x128xf32, #tpu.memory_space<vmem>> -> memref<125x128xf32, #tpu.memory_space<vmem>>
      %dma_start3A_75 = arith.constant 0 : i32
      %dma_start3A_76 = tpu.memref_slice %arg7[%rem3A_37, %dma_start3A_69, %dma_start3A_75] : memref<2x2x125xi32, #tpu.memory_space<vmem>> -> memref<1x1x125xi32, #tpu.memory_space<vmem>>
      %dma_start3A_77 = tpu.memref_squeeze %dma_start3A_76 : memref<1x1x125xi32, #tpu.memory_space<vmem>> -> memref<125xi32, #tpu.memory_space<vmem>>
      %dma_start3A_78 = arith.constant 0 : i32
      %dma_start3A_79 = arith.constant 0 : i32
      %dma_start3A_80 = tpu.memref_slice %arg2[%dma_start3A_78, %dma_start3A_79] : memref<10000x128xf32, #tpu.memory_space<hbm>> -> memref<10000x128xf32, #tpu.memory_space<hbm>>
      tpu.enqueue_indirect_dma source(%dma_start3A_80 : memref<10000x128xf32, #tpu.memory_space<hbm>>) target(%dma_start3A_74 : memref<125x128xf32, #tpu.memory_space<vmem>>) offsets(%dma_start3A_77 : memref<125xi32, #tpu.memory_space<vmem>>) semaphore(%arg11 : memref<!tpu.dma_semaphore, #tpu.memory_space<semaphore_mem>>)
      %dma_wait3A_81 = arith.constant 1 : i32
      %dma_wait3A_82 = arith.constant 1 : i32
      %dma_wait3A_83 = arith.constant 0 : i32
      %dma_wait3A_84 = arith.constant 0 : i32
      %dma_wait3A_85 = tpu.memref_slice %arg9[%dma_wait3A_82, %dma_wait3A_83, %dma_wait3A_84] : memref<2x125x128xf32, #tpu.memory_space<vmem>> -> memref<1x125x128xf32, #tpu.memory_space<vmem>>
      %dma_wait3A_86 = tpu.memref_squeeze %dma_wait3A_85 : memref<1x125x128xf32, #tpu.memory_space<vmem>> -> memref<125x128xf32, #tpu.memory_space<vmem>>
      %dma_wait3A_87 = arith.constant 0 : i32
      %dma_wait3A_88 = tpu.memref_slice %arg7[%rem3A_37, %dma_wait3A_81, %dma_wait3A_87] : memref<2x2x125xi32, #tpu.memory_space<vmem>> -> memref<1x1x125xi32, #tpu.memory_space<vmem>>
      %dma_wait3A_89 = tpu.memref_squeeze %dma_wait3A_88 : memref<1x1x125xi32, #tpu.memory_space<vmem>> -> memref<125xi32, #tpu.memory_space<vmem>>
      %dma_wait3A_90 = arith.constant 0 : i32
      %dma_wait3A_91 = arith.constant 0 : i32
      %dma_wait3A_92 = tpu.memref_slice %arg2[%dma_wait3A_90, %dma_wait3A_91] : memref<10000x128xf32, #tpu.memory_space<hbm>> -> memref<10000x128xf32, #tpu.memory_space<hbm>>
      tpu.wait_indirect_dma semaphore(%arg11 : memref<!tpu.dma_semaphore, #tpu.memory_space<semaphore_mem>>) src(%dma_wait3A_92 : memref<10000x128xf32, #tpu.memory_space<hbm>>) dst(%dma_wait3A_86 : memref<125x128xf32, #tpu.memory_space<vmem>>)
      %dma_wait3A_93 = arith.constant 0 : i32
      %dma_wait3A_94 = arith.constant 0 : i32
      %dma_wait3A_95 = arith.constant 0 : i32
      %dma_wait3A_96 = arith.constant 0 : i32
      %dma_wait3A_97 = tpu.memref_slice %arg9[%dma_wait3A_93, %dma_wait3A_95, %dma_wait3A_96] : memref<2x125x128xf32, #tpu.memory_space<vmem>> -> memref<1x125x128xf32, #tpu.memory_space<vmem>>
      %dma_wait3A_98 = tpu.memref_squeeze %dma_wait3A_97 : memref<1x125x128xf32, #tpu.memory_space<vmem>> -> memref<125x128xf32, #tpu.memory_space<vmem>>
      %dma_wait3A_99 = arith.constant 0 : i32
      %dma_wait3A_100 = tpu.memref_slice %arg8[%rem3A_37, %dma_wait3A_94, %dma_wait3A_99] : memref<2x2x125xi32, #tpu.memory_space<vmem>> -> memref<1x1x125xi32, #tpu.memory_space<vmem>>
      %dma_wait3A_101 = tpu.memref_squeeze %dma_wait3A_100 : memref<1x1x125xi32, #tpu.memory_space<vmem>> -> memref<125xi32, #tpu.memory_space<vmem>>
      %dma_wait3A_102 = arith.constant 0 : i32
      %dma_wait3A_103 = arith.constant 0 : i32
      %dma_wait3A_104 = tpu.memref_slice %arg10[%dma_wait3A_102, %dma_wait3A_103] : memref<10240x128xf32, #tpu.memory_space<vmem_shared>> -> memref<10240x128xf32, #tpu.memory_space<vmem_shared>>
      tpu.wait_indirect_dma semaphore(%arg12 : memref<!tpu.dma_semaphore, #tpu.memory_space<semaphore_mem>>) src(%dma_wait3A_98 : memref<125x128xf32, #tpu.memory_space<vmem>>) dst(%dma_wait3A_104 : memref<10240x128xf32, #tpu.memory_space<vmem_shared>>)
      %dma_start3A_105 = arith.constant 1 : i32
      %dma_start3A_106 = arith.constant 1 : i32
      %dma_start3A_107 = arith.constant 0 : i32
      %dma_start3A_108 = arith.constant 0 : i32
      %dma_start3A_109 = tpu.memref_slice %arg9[%dma_start3A_105, %dma_start3A_107, %dma_start3A_108] : memref<2x125x128xf32, #tpu.memory_space<vmem>> -> memref<1x125x128xf32, #tpu.memory_space<vmem>>
      %dma_start3A_110 = tpu.memref_squeeze %dma_start3A_109 : memref<1x125x128xf32, #tpu.memory_space<vmem>> -> memref<125x128xf32, #tpu.memory_space<vmem>>
      %dma_start3A_111 = arith.constant 0 : i32
      %dma_start3A_112 = tpu.memref_slice %arg8[%rem3A_37, %dma_start3A_106, %dma_start3A_111] : memref<2x2x125xi32, #tpu.memory_space<vmem>> -> memref<1x1x125xi32, #tpu.memory_space<vmem>>
      %dma_start3A_113 = tpu.memref_squeeze %dma_start3A_112 : memref<1x1x125xi32, #tpu.memory_space<vmem>> -> memref<125xi32, #tpu.memory_space<vmem>>
      %dma_start3A_114 = arith.constant 0 : i32
      %dma_start3A_115 = arith.constant 0 : i32
      %dma_start3A_116 = tpu.memref_slice %arg10[%dma_start3A_114, %dma_start3A_115] : memref<10240x128xf32, #tpu.memory_space<vmem_shared>> -> memref<10240x128xf32, #tpu.memory_space<vmem_shared>>
      tpu.enqueue_indirect_dma source(%dma_start3A_110 : memref<125x128xf32, #tpu.memory_space<vmem>>) target(%dma_start3A_116 : memref<10240x128xf32, #tpu.memory_space<vmem_shared>>) offsets(%dma_start3A_113 : memref<125xi32, #tpu.memory_space<vmem>>) semaphore(%arg12 : memref<!tpu.dma_semaphore, #tpu.memory_space<semaphore_mem>>) {add = true}
      %lt3A_117 = arith.constant 39 : i32
      %lt3A_118 = arith.cmpi slt, %scan3A_35, %lt3A_117 : i32
      %convert_element_type3A_119 = arith.extui %lt3A_118 : i1 to i32
      %cond3A_120 = arith.constant 0 : i32
      %cond3A_121 = arith.cmpi ne, %convert_element_type3A_119, %cond3A_120 : i32
      scf.if %cond3A_121 {
        %add3A_122 = arith.constant 1 : i32
        %add3A_123 = arith.addi %scan3A_35, %add3A_122 : i32
        %mul3A_124 = arith.constant 2 : i32
        %mul3A_125 = arith.muli %mul3A_124, %add3A_123 : i32
        %dma_wait3A_126 = arith.constant 0 : i32
        %dma_wait3A_127 = arith.constant 0 : i32
        %dma_wait3A_128 = tpu.memref_slice %arg7[%sub3A_38, %dma_wait3A_126, %dma_wait3A_127] : memref<2x2x125xi32, #tpu.memory_space<vmem>> -> memref<1x2x125xi32, #tpu.memory_space<vmem>>
        %dma_wait3A_129 = tpu.memref_squeeze %dma_wait3A_128 : memref<1x2x125xi32, #tpu.memory_space<vmem>> -> memref<2x125xi32, #tpu.memory_space<vmem>>
        %dma_wait3A_130 = arith.constant 0 : i32
        %dma_wait3A_131 = tpu.memref_slice %arg3[%add3A, %mul3A_125, %dma_wait3A_130] : memref<32x80x125xi32, #tpu.memory_space<hbm>> -> memref<1x2x125xi32, #tpu.memory_space<hbm>>
        %dma_wait3A_132 = tpu.memref_squeeze %dma_wait3A_131 : memref<1x2x125xi32, #tpu.memory_space<hbm>> -> memref<2x125xi32, #tpu.memory_space<hbm>>
        %dma_wait3A_133 = arith.constant 0 : i32
        %dma_wait3A_134 = arith.constant 0 : i32
        %dma_wait3A_135 = tpu.memref_slice %arg7[%sub3A_38, %dma_wait3A_133, %dma_wait3A_134] : memref<2x2x125xi32, #tpu.memory_space<vmem>> -> memref<1x2x125xi32, #tpu.memory_space<vmem>>
        %dma_wait3A_136 = tpu.memref_squeeze %dma_wait3A_135 : memref<1x2x125xi32, #tpu.memory_space<vmem>> -> memref<2x125xi32, #tpu.memory_space<vmem>>
        %dma_wait3A_137 = arith.constant 0 : i32
        %dma_wait3A_138 = tpu.memref_slice %arg3[%add3A, %mul3A_125, %dma_wait3A_137] : memref<32x80x125xi32, #tpu.memory_space<hbm>> -> memref<1x2x125xi32, #tpu.memory_space<hbm>>
        %dma_wait3A_139 = tpu.memref_squeeze %dma_wait3A_138 : memref<1x2x125xi32, #tpu.memory_space<hbm>> -> memref<2x125xi32, #tpu.memory_space<hbm>>
        tpu.wait_dma2 semaphore(%arg13 : memref<!tpu.dma_semaphore, #tpu.memory_space<semaphore_mem>>) src(%dma_wait3A_139 : memref<2x125xi32, #tpu.memory_space<hbm>>) dst(%dma_wait3A_136 : memref<2x125xi32, #tpu.memory_space<vmem>>)
        %mul3A_140 = arith.constant 2 : i32
        %mul3A_141 = arith.muli %mul3A_140, %add3A_123 : i32
        %dma_wait3A_142 = arith.constant 0 : i32
        %dma_wait3A_143 = arith.constant 0 : i32
        %dma_wait3A_144 = tpu.memref_slice %arg8[%sub3A_38, %dma_wait3A_142, %dma_wait3A_143] : memref<2x2x125xi32, #tpu.memory_space<vmem>> -> memref<1x2x125xi32, #tpu.memory_space<vmem>>
        %dma_wait3A_145 = tpu.memref_squeeze %dma_wait3A_144 : memref<1x2x125xi32, #tpu.memory_space<vmem>> -> memref<2x125xi32, #tpu.memory_space<vmem>>
        %dma_wait3A_146 = arith.constant 0 : i32
        %dma_wait3A_147 = tpu.memref_slice %arg4[%add3A, %mul3A_141, %dma_wait3A_146] : memref<32x80x125xi32, #tpu.memory_space<hbm>> -> memref<1x2x125xi32, #tpu.memory_space<hbm>>
        %dma_wait3A_148 = tpu.memref_squeeze %dma_wait3A_147 : memref<1x2x125xi32, #tpu.memory_space<hbm>> -> memref<2x125xi32, #tpu.memory_space<hbm>>
        %dma_wait3A_149 = arith.constant 0 : i32
        %dma_wait3A_150 = arith.constant 0 : i32
        %dma_wait3A_151 = tpu.memref_slice %arg8[%sub3A_38, %dma_wait3A_149, %dma_wait3A_150] : memref<2x2x125xi32, #tpu.memory_space<vmem>> -> memref<1x2x125xi32, #tpu.memory_space<vmem>>
        %dma_wait3A_152 = tpu.memref_squeeze %dma_wait3A_151 : memref<1x2x125xi32, #tpu.memory_space<vmem>> -> memref<2x125xi32, #tpu.memory_space<vmem>>
        %dma_wait3A_153 = arith.constant 0 : i32
        %dma_wait3A_154 = tpu.memref_slice %arg4[%add3A, %mul3A_141, %dma_wait3A_153] : memref<32x80x125xi32, #tpu.memory_space<hbm>> -> memref<1x2x125xi32, #tpu.memory_space<hbm>>
        %dma_wait3A_155 = tpu.memref_squeeze %dma_wait3A_154 : memref<1x2x125xi32, #tpu.memory_space<hbm>> -> memref<2x125xi32, #tpu.memory_space<hbm>>
        tpu.wait_dma2 semaphore(%arg13 : memref<!tpu.dma_semaphore, #tpu.memory_space<semaphore_mem>>) src(%dma_wait3A_155 : memref<2x125xi32, #tpu.memory_space<hbm>>) dst(%dma_wait3A_152 : memref<2x125xi32, #tpu.memory_space<vmem>>)
        %dma_start3A_156 = arith.constant 0 : i32
        %dma_start3A_157 = arith.constant 0 : i32
        %dma_start3A_158 = arith.constant 0 : i32
        %dma_start3A_159 = arith.constant 0 : i32
        %dma_start3A_160 = tpu.memref_slice %arg9[%dma_start3A_157, %dma_start3A_158, %dma_start3A_159] : memref<2x125x128xf32, #tpu.memory_space<vmem>> -> memref<1x125x128xf32, #tpu.memory_space<vmem>>
        %dma_start3A_161 = tpu.memref_squeeze %dma_start3A_160 : memref<1x125x128xf32, #tpu.memory_space<vmem>> -> memref<125x128xf32, #tpu.memory_space<vmem>>
        %dma_start3A_162 = arith.constant 0 : i32
        %dma_start3A_163 = tpu.memref_slice %arg7[%sub3A_38, %dma_start3A_156, %dma_start3A_162] : memref<2x2x125xi32, #tpu.memory_space<vmem>> -> memref<1x1x125xi32, #tpu.memory_space<vmem>>
        %dma_start3A_164 = tpu.memref_squeeze %dma_start3A_163 : memref<1x1x125xi32, #tpu.memory_space<vmem>> -> memref<125xi32, #tpu.memory_space<vmem>>
        %dma_start3A_165 = arith.constant 0 : i32
        %dma_start3A_166 = arith.constant 0 : i32
        %dma_start3A_167 = tpu.memref_slice %arg2[%dma_start3A_165, %dma_start3A_166] : memref<10000x128xf32, #tpu.memory_space<hbm>> -> memref<10000x128xf32, #tpu.memory_space<hbm>>
        tpu.enqueue_indirect_dma source(%dma_start3A_167 : memref<10000x128xf32, #tpu.memory_space<hbm>>) target(%dma_start3A_161 : memref<125x128xf32, #tpu.memory_space<vmem>>) offsets(%dma_start3A_164 : memref<125xi32, #tpu.memory_space<vmem>>) semaphore(%arg11 : memref<!tpu.dma_semaphore, #tpu.memory_space<semaphore_mem>>)
      } else {
      }
    }
    %scan3A_20 = arith.constant 40 : i32
    %rem3A = arith.constant 39 : i32
    %rem3A_21 = arith.constant 2 : i32
    %rem3A_22 = arith.remsi %rem3A, %rem3A_21 : i32
    %dma_wait3A = arith.constant 1 : i32
    %dma_wait3A_23 = arith.constant 1 : i32
    %dma_wait3A_24 = arith.constant 0 : i32
    %dma_wait3A_25 = arith.constant 0 : i32
    %dma_wait3A_26 = tpu.memref_slice %arg9[%dma_wait3A, %dma_wait3A_24, %dma_wait3A_25] : memref<2x125x128xf32, #tpu.memory_space<vmem>> -> memref<1x125x128xf32, #tpu.memory_space<vmem>>
    %dma_wait3A_27 = tpu.memref_squeeze %dma_wait3A_26 : memref<1x125x128xf32, #tpu.memory_space<vmem>> -> memref<125x128xf32, #tpu.memory_space<vmem>>
    %dma_wait3A_28 = arith.constant 0 : i32
    %dma_wait3A_29 = tpu.memref_slice %arg8[%rem3A_22, %dma_wait3A_23, %dma_wait3A_28] : memref<2x2x125xi32, #tpu.memory_space<vmem>> -> memref<1x1x125xi32, #tpu.memory_space<vmem>>
    %dma_wait3A_30 = tpu.memref_squeeze %dma_wait3A_29 : memref<1x1x125xi32, #tpu.memory_space<vmem>> -> memref<125xi32, #tpu.memory_space<vmem>>
    %dma_wait3A_31 = arith.constant 0 : i32
    %dma_wait3A_32 = arith.constant 0 : i32
    %dma_wait3A_33 = tpu.memref_slice %arg10[%dma_wait3A_31, %dma_wait3A_32] : memref<10240x128xf32, #tpu.memory_space<vmem_shared>> -> memref<10240x128xf32, #tpu.memory_space<vmem_shared>>
    tpu.wait_indirect_dma semaphore(%arg12 : memref<!tpu.dma_semaphore, #tpu.memory_space<semaphore_mem>>) src(%dma_wait3A_27 : memref<125x128xf32, #tpu.memory_space<vmem>>) dst(%dma_wait3A_33 : memref<10240x128xf32, #tpu.memory_space<vmem_shared>>)
    %barrier3A_34 = arith.constant 0 : index
    tpu.barrier barrier_id(%barrier3A_34)
    "tpu.region"() ({
      %run_scoped3A_35 = tpu.sem_alloc : memref<!tpu.dma_semaphore, #tpu.memory_space<semaphore_mem>>
      %dma_start3A_36 = arith.constant 0 : i32
      %dma_start3A_37 = tpu.memref_slice %arg6[%arg0, %mul3A_2, %dma_start3A_36] : memref<2x10240x128xf32, #tpu.memory_space<hbm>> -> memref<1x640x128xf32, #tpu.memory_space<hbm>>
      %dma_start3A_38 = tpu.memref_squeeze %dma_start3A_37 : memref<1x640x128xf32, #tpu.memory_space<hbm>> -> memref<640x128xf32, #tpu.memory_space<hbm>>
      %dma_start3A_39 = arith.constant 0 : i32
      %dma_start3A_40 = tpu.memref_slice %arg10[%mul3A_2, %dma_start3A_39] : memref<10240x128xf32, #tpu.memory_space<vmem_shared>> -> memref<640x128xf32, #tpu.memory_space<vmem_shared>>
      tpu.enqueue_dma source(%dma_start3A_40 : memref<640x128xf32, #tpu.memory_space<vmem_shared>>) target(%dma_start3A_38 : memref<640x128xf32, #tpu.memory_space<hbm>>) target_semaphore(%run_scoped3A_35 : memref<!tpu.dma_semaphore, #tpu.memory_space<semaphore_mem>>)
      %dma_wait3A_41 = arith.constant 0 : i32
      %dma_wait3A_42 = tpu.memref_slice %arg6[%arg0, %mul3A_2, %dma_wait3A_41] : memref<2x10240x128xf32, #tpu.memory_space<hbm>> -> memref<1x640x128xf32, #tpu.memory_space<hbm>>
      %dma_wait3A_43 = tpu.memref_squeeze %dma_wait3A_42 : memref<1x640x128xf32, #tpu.memory_space<hbm>> -> memref<640x128xf32, #tpu.memory_space<hbm>>
      %dma_wait3A_44 = arith.constant 0 : i32
      %dma_wait3A_45 = tpu.memref_slice %arg10[%mul3A_2, %dma_wait3A_44] : memref<10240x128xf32, #tpu.memory_space<vmem_shared>> -> memref<640x128xf32, #tpu.memory_space<vmem_shared>>
      tpu.wait_dma2 semaphore(%run_scoped3A_35 : memref<!tpu.dma_semaphore, #tpu.memory_space<semaphore_mem>>) src(%dma_wait3A_45 : memref<640x128xf32, #tpu.memory_space<vmem_shared>>) dst(%dma_wait3A_43 : memref<640x128xf32, #tpu.memory_space<hbm>>)
      tpu.yield
    }) : () -> ()
    return
  }
}

#map = affine_map<(d0, d1) -> (0, 0)>
#map1 = affine_map<(d0, d1) -> (0, 0, 0)>
module attributes {stable_mosaic.version = 14 : i64} {
  func.func @_sc_agg_body(%arg0: i32, %arg1: i32, %arg2: memref<10000x128xf32, #tpu.memory_space<hbm>>, %arg3: memref<32x80x125xi32, #tpu.memory_space<hbm>>, %arg4: memref<32x80x125xi32, #tpu.memory_space<hbm>>, %arg5: memref<640x128xf32, #tpu.memory_space<hbm>>, %arg6: memref<2x10240x128xf32, #tpu.memory_space<hbm>>, %arg7: memref<2x2x125xi32, #tpu.memory_space<vmem>>, %arg8: memref<2x2x125xi32, #tpu.memory_space<vmem>>, %arg9: memref<2x125x128xf32, #tpu.memory_space<vmem>>, %arg10: memref<10240x128xf32, #tpu.memory_space<vmem_shared>>, %arg11: memref<!tpu.dma_semaphore, #tpu.memory_space<semaphore_mem>>, %arg12: memref<!tpu.dma_semaphore, #tpu.memory_space<semaphore_mem>>, %arg13: memref<!tpu.dma_semaphore, #tpu.memory_space<semaphore_mem>>) attributes {dimension_semantics = [#tpu.dimension_semantics<core_parallel>, #tpu.dimension_semantics<subcore_parallel>], iteration_bounds = array<i64: 2, 16>, scalar_prefetch = 0 : i64, scratch_operands = 7 : i64, tpu.core_type = #tpu.core_type<sc_vector_subcore>, window_params = [{transform_indices = #map}, {transform_indices = #map1}, {transform_indices = #map1}, {transform_indices = #map}, {transform_indices = #map1}]} {
    %mul3A = arith.constant 16 : i32
    %mul3A_0 = arith.muli %arg0, %mul3A : i32
    %add3A = arith.addi %mul3A_0, %arg1 : i32
    %mul3A_1 = arith.constant 640 : i32
    %mul3A_2 = arith.muli %arg1, %mul3A_1 : i32
    "tpu.region"() ({
      %run_scoped3A_35 = tpu.sem_alloc : memref<!tpu.dma_semaphore, #tpu.memory_space<semaphore_mem>>
      %dma_start3A_36 = arith.constant 0 : i32
      %dma_start3A_37 = tpu.memref_slice %arg10[%mul3A_2, %dma_start3A_36] : memref<10240x128xf32, #tpu.memory_space<vmem_shared>> -> memref<640x128xf32, #tpu.memory_space<vmem_shared>>
      tpu.enqueue_dma source(%arg5 : memref<640x128xf32, #tpu.memory_space<hbm>>) target(%dma_start3A_37 : memref<640x128xf32, #tpu.memory_space<vmem_shared>>) target_semaphore(%run_scoped3A_35 : memref<!tpu.dma_semaphore, #tpu.memory_space<semaphore_mem>>)
      %dma_wait3A_38 = arith.constant 0 : i32
      %dma_wait3A_39 = tpu.memref_slice %arg10[%mul3A_2, %dma_wait3A_38] : memref<10240x128xf32, #tpu.memory_space<vmem_shared>> -> memref<640x128xf32, #tpu.memory_space<vmem_shared>>
      tpu.wait_dma2 semaphore(%run_scoped3A_35 : memref<!tpu.dma_semaphore, #tpu.memory_space<semaphore_mem>>) src(%arg5 : memref<640x128xf32, #tpu.memory_space<hbm>>) dst(%dma_wait3A_39 : memref<640x128xf32, #tpu.memory_space<vmem_shared>>)
      tpu.yield
    }) : () -> ()
    %run_scoped3A = arith.constant 0 : i32
    "tpu.region"() ({
      %run_scoped3A_35 = tpu.sem_alloc : memref<!tpu.dma_semaphore, #tpu.memory_space<semaphore_mem>>
      %dma_start3A_36 = arith.constant 0 : i32
      %dma_start3A_37 = arith.constant 0 : i32
      %dma_start3A_38 = tpu.memref_slice %arg7[%run_scoped3A, %dma_start3A_36, %dma_start3A_37] : memref<2x2x125xi32, #tpu.memory_space<vmem>> -> memref<1x2x125xi32, #tpu.memory_space<vmem>>
      %dma_start3A_39 = tpu.memref_squeeze %dma_start3A_38 : memref<1x2x125xi32, #tpu.memory_space<vmem>> -> memref<2x125xi32, #tpu.memory_space<vmem>>
      %dma_start3A_40 = arith.constant 0 : i32
      %dma_start3A_41 = arith.constant 0 : i32
      %dma_start3A_42 = tpu.memref_slice %arg3[%add3A, %dma_start3A_40, %dma_start3A_41] : memref<32x80x125xi32, #tpu.memory_space<hbm>> -> memref<1x2x125xi32, #tpu.memory_space<hbm>>
      %dma_start3A_43 = tpu.memref_squeeze %dma_start3A_42 : memref<1x2x125xi32, #tpu.memory_space<hbm>> -> memref<2x125xi32, #tpu.memory_space<hbm>>
      %dma_start3A_44 = arith.constant 0 : i32
      %dma_start3A_45 = arith.constant 0 : i32
      %dma_start3A_46 = tpu.memref_slice %arg7[%run_scoped3A, %dma_start3A_44, %dma_start3A_45] : memref<2x2x125xi32, #tpu.memory_space<vmem>> -> memref<1x2x125xi32, #tpu.memory_space<vmem>>
      %dma_start3A_47 = tpu.memref_squeeze %dma_start3A_46 : memref<1x2x125xi32, #tpu.memory_space<vmem>> -> memref<2x125xi32, #tpu.memory_space<vmem>>
      %dma_start3A_48 = arith.constant 0 : i32
      %dma_start3A_49 = arith.constant 0 : i32
      %dma_start3A_50 = tpu.memref_slice %arg3[%add3A, %dma_start3A_48, %dma_start3A_49] : memref<32x80x125xi32, #tpu.memory_space<hbm>> -> memref<1x2x125xi32, #tpu.memory_space<hbm>>
      %dma_start3A_51 = tpu.memref_squeeze %dma_start3A_50 : memref<1x2x125xi32, #tpu.memory_space<hbm>> -> memref<2x125xi32, #tpu.memory_space<hbm>>
      tpu.enqueue_dma source(%dma_start3A_51 : memref<2x125xi32, #tpu.memory_space<hbm>>) target(%dma_start3A_47 : memref<2x125xi32, #tpu.memory_space<vmem>>) target_semaphore(%run_scoped3A_35 : memref<!tpu.dma_semaphore, #tpu.memory_space<semaphore_mem>>)
      %dma_wait3A_52 = arith.constant 0 : i32
      %dma_wait3A_53 = arith.constant 0 : i32
      %dma_wait3A_54 = tpu.memref_slice %arg7[%run_scoped3A, %dma_wait3A_52, %dma_wait3A_53] : memref<2x2x125xi32, #tpu.memory_space<vmem>> -> memref<1x2x125xi32, #tpu.memory_space<vmem>>
      %dma_wait3A_55 = tpu.memref_squeeze %dma_wait3A_54 : memref<1x2x125xi32, #tpu.memory_space<vmem>> -> memref<2x125xi32, #tpu.memory_space<vmem>>
      %dma_wait3A_56 = arith.constant 0 : i32
      %dma_wait3A_57 = arith.constant 0 : i32
      %dma_wait3A_58 = tpu.memref_slice %arg3[%add3A, %dma_wait3A_56, %dma_wait3A_57] : memref<32x80x125xi32, #tpu.memory_space<hbm>> -> memref<1x2x125xi32, #tpu.memory_space<hbm>>
      %dma_wait3A_59 = tpu.memref_squeeze %dma_wait3A_58 : memref<1x2x125xi32, #tpu.memory_space<hbm>> -> memref<2x125xi32, #tpu.memory_space<hbm>>
      %dma_wait3A_60 = arith.constant 0 : i32
      %dma_wait3A_61 = arith.constant 0 : i32
      %dma_wait3A_62 = tpu.memref_slice %arg7[%run_scoped3A, %dma_wait3A_60, %dma_wait3A_61] : memref<2x2x125xi32, #tpu.memory_space<vmem>> -> memref<1x2x125xi32, #tpu.memory_space<vmem>>
      %dma_wait3A_63 = tpu.memref_squeeze %dma_wait3A_62 : memref<1x2x125xi32, #tpu.memory_space<vmem>> -> memref<2x125xi32, #tpu.memory_space<vmem>>
      %dma_wait3A_64 = arith.constant 0 : i32
      %dma_wait3A_65 = arith.constant 0 : i32
      %dma_wait3A_66 = tpu.memref_slice %arg3[%add3A, %dma_wait3A_64, %dma_wait3A_65] : memref<32x80x125xi32, #tpu.memory_space<hbm>> -> memref<1x2x125xi32, #tpu.memory_space<hbm>>
      %dma_wait3A_67 = tpu.memref_squeeze %dma_wait3A_66 : memref<1x2x125xi32, #tpu.memory_space<hbm>> -> memref<2x125xi32, #tpu.memory_space<hbm>>
      tpu.wait_dma2 semaphore(%run_scoped3A_35 : memref<!tpu.dma_semaphore, #tpu.memory_space<semaphore_mem>>) src(%dma_wait3A_67 : memref<2x125xi32, #tpu.memory_space<hbm>>) dst(%dma_wait3A_63 : memref<2x125xi32, #tpu.memory_space<vmem>>)
      tpu.yield
    }) : () -> ()
    %run_scoped3A_3 = arith.constant 0 : i32
    "tpu.region"() ({
      %run_scoped3A_35 = tpu.sem_alloc : memref<!tpu.dma_semaphore, #tpu.memory_space<semaphore_mem>>
      %dma_start3A_36 = arith.constant 0 : i32
      %dma_start3A_37 = arith.constant 0 : i32
      %dma_start3A_38 = tpu.memref_slice %arg8[%run_scoped3A_3, %dma_start3A_36, %dma_start3A_37] : memref<2x2x125xi32, #tpu.memory_space<vmem>> -> memref<1x2x125xi32, #tpu.memory_space<vmem>>
      %dma_start3A_39 = tpu.memref_squeeze %dma_start3A_38 : memref<1x2x125xi32, #tpu.memory_space<vmem>> -> memref<2x125xi32, #tpu.memory_space<vmem>>
      %dma_start3A_40 = arith.constant 0 : i32
      %dma_start3A_41 = arith.constant 0 : i32
      %dma_start3A_42 = tpu.memref_slice %arg4[%add3A, %dma_start3A_40, %dma_start3A_41] : memref<32x80x125xi32, #tpu.memory_space<hbm>> -> memref<1x2x125xi32, #tpu.memory_space<hbm>>
      %dma_start3A_43 = tpu.memref_squeeze %dma_start3A_42 : memref<1x2x125xi32, #tpu.memory_space<hbm>> -> memref<2x125xi32, #tpu.memory_space<hbm>>
      %dma_start3A_44 = arith.constant 0 : i32
      %dma_start3A_45 = arith.constant 0 : i32
      %dma_start3A_46 = tpu.memref_slice %arg8[%run_scoped3A_3, %dma_start3A_44, %dma_start3A_45] : memref<2x2x125xi32, #tpu.memory_space<vmem>> -> memref<1x2x125xi32, #tpu.memory_space<vmem>>
      %dma_start3A_47 = tpu.memref_squeeze %dma_start3A_46 : memref<1x2x125xi32, #tpu.memory_space<vmem>> -> memref<2x125xi32, #tpu.memory_space<vmem>>
      %dma_start3A_48 = arith.constant 0 : i32
      %dma_start3A_49 = arith.constant 0 : i32
      %dma_start3A_50 = tpu.memref_slice %arg4[%add3A, %dma_start3A_48, %dma_start3A_49] : memref<32x80x125xi32, #tpu.memory_space<hbm>> -> memref<1x2x125xi32, #tpu.memory_space<hbm>>
      %dma_start3A_51 = tpu.memref_squeeze %dma_start3A_50 : memref<1x2x125xi32, #tpu.memory_space<hbm>> -> memref<2x125xi32, #tpu.memory_space<hbm>>
      tpu.enqueue_dma source(%dma_start3A_51 : memref<2x125xi32, #tpu.memory_space<hbm>>) target(%dma_start3A_47 : memref<2x125xi32, #tpu.memory_space<vmem>>) target_semaphore(%run_scoped3A_35 : memref<!tpu.dma_semaphore, #tpu.memory_space<semaphore_mem>>)
      %dma_wait3A_52 = arith.constant 0 : i32
      %dma_wait3A_53 = arith.constant 0 : i32
      %dma_wait3A_54 = tpu.memref_slice %arg8[%run_scoped3A_3, %dma_wait3A_52, %dma_wait3A_53] : memref<2x2x125xi32, #tpu.memory_space<vmem>> -> memref<1x2x125xi32, #tpu.memory_space<vmem>>
      %dma_wait3A_55 = tpu.memref_squeeze %dma_wait3A_54 : memref<1x2x125xi32, #tpu.memory_space<vmem>> -> memref<2x125xi32, #tpu.memory_space<vmem>>
      %dma_wait3A_56 = arith.constant 0 : i32
      %dma_wait3A_57 = arith.constant 0 : i32
      %dma_wait3A_58 = tpu.memref_slice %arg4[%add3A, %dma_wait3A_56, %dma_wait3A_57] : memref<32x80x125xi32, #tpu.memory_space<hbm>> -> memref<1x2x125xi32, #tpu.memory_space<hbm>>
      %dma_wait3A_59 = tpu.memref_squeeze %dma_wait3A_58 : memref<1x2x125xi32, #tpu.memory_space<hbm>> -> memref<2x125xi32, #tpu.memory_space<hbm>>
      %dma_wait3A_60 = arith.constant 0 : i32
      %dma_wait3A_61 = arith.constant 0 : i32
      %dma_wait3A_62 = tpu.memref_slice %arg8[%run_scoped3A_3, %dma_wait3A_60, %dma_wait3A_61] : memref<2x2x125xi32, #tpu.memory_space<vmem>> -> memref<1x2x125xi32, #tpu.memory_space<vmem>>
      %dma_wait3A_63 = tpu.memref_squeeze %dma_wait3A_62 : memref<1x2x125xi32, #tpu.memory_space<vmem>> -> memref<2x125xi32, #tpu.memory_space<vmem>>
      %dma_wait3A_64 = arith.constant 0 : i32
      %dma_wait3A_65 = arith.constant 0 : i32
      %dma_wait3A_66 = tpu.memref_slice %arg4[%add3A, %dma_wait3A_64, %dma_wait3A_65] : memref<32x80x125xi32, #tpu.memory_space<hbm>> -> memref<1x2x125xi32, #tpu.memory_space<hbm>>
      %dma_wait3A_67 = tpu.memref_squeeze %dma_wait3A_66 : memref<1x2x125xi32, #tpu.memory_space<hbm>> -> memref<2x125xi32, #tpu.memory_space<hbm>>
      tpu.wait_dma2 semaphore(%run_scoped3A_35 : memref<!tpu.dma_semaphore, #tpu.memory_space<semaphore_mem>>) src(%dma_wait3A_67 : memref<2x125xi32, #tpu.memory_space<hbm>>) dst(%dma_wait3A_63 : memref<2x125xi32, #tpu.memory_space<vmem>>)
      tpu.yield
    }) : () -> ()
    %barrier3A = arith.constant 0 : index
    tpu.barrier barrier_id(%barrier3A)
    %dma_start3A = arith.constant 0 : i32
    %dma_start3A_4 = arith.constant 0 : i32
    %dma_start3A_5 = arith.constant 0 : i32
    %dma_start3A_6 = arith.constant 0 : i32
    %dma_start3A_7 = arith.constant 0 : i32
    %dma_start3A_8 = tpu.memref_slice %arg9[%dma_start3A_5, %dma_start3A_6, %dma_start3A_7] : memref<2x125x128xf32, #tpu.memory_space<vmem>> -> memref<1x125x128xf32, #tpu.memory_space<vmem>>
    %dma_start3A_9 = tpu.memref_squeeze %dma_start3A_8 : memref<1x125x128xf32, #tpu.memory_space<vmem>> -> memref<125x128xf32, #tpu.memory_space<vmem>>
    %dma_start3A_10 = arith.constant 0 : i32
    %dma_start3A_11 = tpu.memref_slice %arg7[%dma_start3A, %dma_start3A_4, %dma_start3A_10] : memref<2x2x125xi32, #tpu.memory_space<vmem>> -> memref<1x1x125xi32, #tpu.memory_space<vmem>>
    %dma_start3A_12 = tpu.memref_squeeze %dma_start3A_11 : memref<1x1x125xi32, #tpu.memory_space<vmem>> -> memref<125xi32, #tpu.memory_space<vmem>>
    %dma_start3A_13 = arith.constant 0 : i32
    %dma_start3A_14 = arith.constant 0 : i32
    %dma_start3A_15 = tpu.memref_slice %arg2[%dma_start3A_13, %dma_start3A_14] : memref<10000x128xf32, #tpu.memory_space<hbm>> -> memref<10000x128xf32, #tpu.memory_space<hbm>>
    tpu.enqueue_indirect_dma source(%dma_start3A_15 : memref<10000x128xf32, #tpu.memory_space<hbm>>) target(%dma_start3A_9 : memref<125x128xf32, #tpu.memory_space<vmem>>) offsets(%dma_start3A_12 : memref<125xi32, #tpu.memory_space<vmem>>) semaphore(%arg11 : memref<!tpu.dma_semaphore, #tpu.memory_space<semaphore_mem>>)
    %scan3A = arith.constant 0 : i32
    %scan3A_16 = arith.constant 0 : i32
    %scan3A_17 = arith.constant 40 : i32
    %scan3A_18 = arith.addi %scan3A_16, %scan3A_17 : i32
    %scan3A_19 = arith.constant 1 : i32
    scf.for %scan3A_35 = %scan3A_16 to %scan3A_18 step %scan3A_19  : i32 {
      %rem3A_36 = arith.constant 2 : i32
      %rem3A_37 = arith.remsi %scan3A_35, %rem3A_36 : i32
      %sub3A = arith.constant 1 : i32
      %sub3A_38 = arith.subi %sub3A, %rem3A_37 : i32
      %dma_wait3A_39 = arith.constant 0 : i32
      %dma_wait3A_40 = arith.constant 0 : i32
      %dma_wait3A_41 = arith.constant 0 : i32
      %dma_wait3A_42 = arith.constant 0 : i32
      %dma_wait3A_43 = tpu.memref_slice %arg9[%dma_wait3A_40, %dma_wait3A_41, %dma_wait3A_42] : memref<2x125x128xf32, #tpu.memory_space<vmem>> -> memref<1x125x128xf32, #tpu.memory_space<vmem>>
      %dma_wait3A_44 = tpu.memref_squeeze %dma_wait3A_43 : memref<1x125x128xf32, #tpu.memory_space<vmem>> -> memref<125x128xf32, #tpu.memory_space<vmem>>
      %dma_wait3A_45 = arith.constant 0 : i32
      %dma_wait3A_46 = tpu.memref_slice %arg7[%rem3A_37, %dma_wait3A_39, %dma_wait3A_45] : memref<2x2x125xi32, #tpu.memory_space<vmem>> -> memref<1x1x125xi32, #tpu.memory_space<vmem>>
      %dma_wait3A_47 = tpu.memref_squeeze %dma_wait3A_46 : memref<1x1x125xi32, #tpu.memory_space<vmem>> -> memref<125xi32, #tpu.memory_space<vmem>>
      %dma_wait3A_48 = arith.constant 0 : i32
      %dma_wait3A_49 = arith.constant 0 : i32
      %dma_wait3A_50 = tpu.memref_slice %arg2[%dma_wait3A_48, %dma_wait3A_49] : memref<10000x128xf32, #tpu.memory_space<hbm>> -> memref<10000x128xf32, #tpu.memory_space<hbm>>
      tpu.wait_indirect_dma semaphore(%arg11 : memref<!tpu.dma_semaphore, #tpu.memory_space<semaphore_mem>>) src(%dma_wait3A_50 : memref<10000x128xf32, #tpu.memory_space<hbm>>) dst(%dma_wait3A_44 : memref<125x128xf32, #tpu.memory_space<vmem>>)
      %gt3A = arith.constant 0 : i32
      %gt3A_51 = arith.cmpi sgt, %scan3A_35, %gt3A : i32
      %convert_element_type3A = arith.extui %gt3A_51 : i1 to i32
      %cond3A = arith.constant 0 : i32
      %cond3A_52 = arith.cmpi ne, %convert_element_type3A, %cond3A : i32
      scf.if %cond3A_52 {
        %dma_wait3A_122 = arith.constant 1 : i32
        %dma_wait3A_123 = arith.constant 1 : i32
        %dma_wait3A_124 = arith.constant 0 : i32
        %dma_wait3A_125 = arith.constant 0 : i32
        %dma_wait3A_126 = tpu.memref_slice %arg9[%dma_wait3A_122, %dma_wait3A_124, %dma_wait3A_125] : memref<2x125x128xf32, #tpu.memory_space<vmem>> -> memref<1x125x128xf32, #tpu.memory_space<vmem>>
        %dma_wait3A_127 = tpu.memref_squeeze %dma_wait3A_126 : memref<1x125x128xf32, #tpu.memory_space<vmem>> -> memref<125x128xf32, #tpu.memory_space<vmem>>
        %dma_wait3A_128 = arith.constant 0 : i32
        %dma_wait3A_129 = tpu.memref_slice %arg8[%sub3A_38, %dma_wait3A_123, %dma_wait3A_128] : memref<2x2x125xi32, #tpu.memory_space<vmem>> -> memref<1x1x125xi32, #tpu.memory_space<vmem>>
        %dma_wait3A_130 = tpu.memref_squeeze %dma_wait3A_129 : memref<1x1x125xi32, #tpu.memory_space<vmem>> -> memref<125xi32, #tpu.memory_space<vmem>>
        %dma_wait3A_131 = arith.constant 0 : i32
        %dma_wait3A_132 = arith.constant 0 : i32
        %dma_wait3A_133 = tpu.memref_slice %arg10[%dma_wait3A_131, %dma_wait3A_132] : memref<10240x128xf32, #tpu.memory_space<vmem_shared>> -> memref<10240x128xf32, #tpu.memory_space<vmem_shared>>
        tpu.wait_indirect_dma semaphore(%arg12 : memref<!tpu.dma_semaphore, #tpu.memory_space<semaphore_mem>>) src(%dma_wait3A_127 : memref<125x128xf32, #tpu.memory_space<vmem>>) dst(%dma_wait3A_133 : memref<10240x128xf32, #tpu.memory_space<vmem_shared>>)
      } else {
      }
      %lt3A = arith.constant 39 : i32
      %lt3A_53 = arith.cmpi slt, %scan3A_35, %lt3A : i32
      %convert_element_type3A_54 = arith.extui %lt3A_53 : i1 to i32
      %cond3A_55 = arith.constant 0 : i32
      %cond3A_56 = arith.cmpi ne, %convert_element_type3A_54, %cond3A_55 : i32
      scf.if %cond3A_56 {
        %add3A_122 = arith.constant 1 : i32
        %add3A_123 = arith.addi %scan3A_35, %add3A_122 : i32
        %mul3A_124 = arith.constant 2 : i32
        %mul3A_125 = arith.muli %mul3A_124, %add3A_123 : i32
        %dma_start3A_126 = arith.constant 0 : i32
        %dma_start3A_127 = arith.constant 0 : i32
        %dma_start3A_128 = tpu.memref_slice %arg7[%sub3A_38, %dma_start3A_126, %dma_start3A_127] : memref<2x2x125xi32, #tpu.memory_space<vmem>> -> memref<1x2x125xi32, #tpu.memory_space<vmem>>
        %dma_start3A_129 = tpu.memref_squeeze %dma_start3A_128 : memref<1x2x125xi32, #tpu.memory_space<vmem>> -> memref<2x125xi32, #tpu.memory_space<vmem>>
        %dma_start3A_130 = arith.constant 0 : i32
        %dma_start3A_131 = tpu.memref_slice %arg3[%add3A, %mul3A_125, %dma_start3A_130] : memref<32x80x125xi32, #tpu.memory_space<hbm>> -> memref<1x2x125xi32, #tpu.memory_space<hbm>>
        %dma_start3A_132 = tpu.memref_squeeze %dma_start3A_131 : memref<1x2x125xi32, #tpu.memory_space<hbm>> -> memref<2x125xi32, #tpu.memory_space<hbm>>
        %dma_start3A_133 = arith.constant 0 : i32
        %dma_start3A_134 = arith.constant 0 : i32
        %dma_start3A_135 = tpu.memref_slice %arg7[%sub3A_38, %dma_start3A_133, %dma_start3A_134] : memref<2x2x125xi32, #tpu.memory_space<vmem>> -> memref<1x2x125xi32, #tpu.memory_space<vmem>>
        %dma_start3A_136 = tpu.memref_squeeze %dma_start3A_135 : memref<1x2x125xi32, #tpu.memory_space<vmem>> -> memref<2x125xi32, #tpu.memory_space<vmem>>
        %dma_start3A_137 = arith.constant 0 : i32
        %dma_start3A_138 = tpu.memref_slice %arg3[%add3A, %mul3A_125, %dma_start3A_137] : memref<32x80x125xi32, #tpu.memory_space<hbm>> -> memref<1x2x125xi32, #tpu.memory_space<hbm>>
        %dma_start3A_139 = tpu.memref_squeeze %dma_start3A_138 : memref<1x2x125xi32, #tpu.memory_space<hbm>> -> memref<2x125xi32, #tpu.memory_space<hbm>>
        tpu.enqueue_dma source(%dma_start3A_139 : memref<2x125xi32, #tpu.memory_space<hbm>>) target(%dma_start3A_136 : memref<2x125xi32, #tpu.memory_space<vmem>>) target_semaphore(%arg13 : memref<!tpu.dma_semaphore, #tpu.memory_space<semaphore_mem>>)
        %mul3A_140 = arith.constant 2 : i32
        %mul3A_141 = arith.muli %mul3A_140, %add3A_123 : i32
        %dma_start3A_142 = arith.constant 0 : i32
        %dma_start3A_143 = arith.constant 0 : i32
        %dma_start3A_144 = tpu.memref_slice %arg8[%sub3A_38, %dma_start3A_142, %dma_start3A_143] : memref<2x2x125xi32, #tpu.memory_space<vmem>> -> memref<1x2x125xi32, #tpu.memory_space<vmem>>
        %dma_start3A_145 = tpu.memref_squeeze %dma_start3A_144 : memref<1x2x125xi32, #tpu.memory_space<vmem>> -> memref<2x125xi32, #tpu.memory_space<vmem>>
        %dma_start3A_146 = arith.constant 0 : i32
        %dma_start3A_147 = tpu.memref_slice %arg4[%add3A, %mul3A_141, %dma_start3A_146] : memref<32x80x125xi32, #tpu.memory_space<hbm>> -> memref<1x2x125xi32, #tpu.memory_space<hbm>>
        %dma_start3A_148 = tpu.memref_squeeze %dma_start3A_147 : memref<1x2x125xi32, #tpu.memory_space<hbm>> -> memref<2x125xi32, #tpu.memory_space<hbm>>
        %dma_start3A_149 = arith.constant 0 : i32
        %dma_start3A_150 = arith.constant 0 : i32
        %dma_start3A_151 = tpu.memref_slice %arg8[%sub3A_38, %dma_start3A_149, %dma_start3A_150] : memref<2x2x125xi32, #tpu.memory_space<vmem>> -> memref<1x2x125xi32, #tpu.memory_space<vmem>>
        %dma_start3A_152 = tpu.memref_squeeze %dma_start3A_151 : memref<1x2x125xi32, #tpu.memory_space<vmem>> -> memref<2x125xi32, #tpu.memory_space<vmem>>
        %dma_start3A_153 = arith.constant 0 : i32
        %dma_start3A_154 = tpu.memref_slice %arg4[%add3A, %mul3A_141, %dma_start3A_153] : memref<32x80x125xi32, #tpu.memory_space<hbm>> -> memref<1x2x125xi32, #tpu.memory_space<hbm>>
        %dma_start3A_155 = tpu.memref_squeeze %dma_start3A_154 : memref<1x2x125xi32, #tpu.memory_space<hbm>> -> memref<2x125xi32, #tpu.memory_space<hbm>>
        tpu.enqueue_dma source(%dma_start3A_155 : memref<2x125xi32, #tpu.memory_space<hbm>>) target(%dma_start3A_152 : memref<2x125xi32, #tpu.memory_space<vmem>>) target_semaphore(%arg13 : memref<!tpu.dma_semaphore, #tpu.memory_space<semaphore_mem>>)
      } else {
      }
      %dma_start3A_57 = arith.constant 0 : i32
      %dma_start3A_58 = arith.constant 0 : i32
      %dma_start3A_59 = arith.constant 0 : i32
      %dma_start3A_60 = arith.constant 0 : i32
      %dma_start3A_61 = tpu.memref_slice %arg9[%dma_start3A_57, %dma_start3A_59, %dma_start3A_60] : memref<2x125x128xf32, #tpu.memory_space<vmem>> -> memref<1x125x128xf32, #tpu.memory_space<vmem>>
      %dma_start3A_62 = tpu.memref_squeeze %dma_start3A_61 : memref<1x125x128xf32, #tpu.memory_space<vmem>> -> memref<125x128xf32, #tpu.memory_space<vmem>>
      %dma_start3A_63 = arith.constant 0 : i32
      %dma_start3A_64 = tpu.memref_slice %arg8[%rem3A_37, %dma_start3A_58, %dma_start3A_63] : memref<2x2x125xi32, #tpu.memory_space<vmem>> -> memref<1x1x125xi32, #tpu.memory_space<vmem>>
      %dma_start3A_65 = tpu.memref_squeeze %dma_start3A_64 : memref<1x1x125xi32, #tpu.memory_space<vmem>> -> memref<125xi32, #tpu.memory_space<vmem>>
      %dma_start3A_66 = arith.constant 0 : i32
      %dma_start3A_67 = arith.constant 0 : i32
      %dma_start3A_68 = tpu.memref_slice %arg10[%dma_start3A_66, %dma_start3A_67] : memref<10240x128xf32, #tpu.memory_space<vmem_shared>> -> memref<10240x128xf32, #tpu.memory_space<vmem_shared>>
      tpu.enqueue_indirect_dma source(%dma_start3A_62 : memref<125x128xf32, #tpu.memory_space<vmem>>) target(%dma_start3A_68 : memref<10240x128xf32, #tpu.memory_space<vmem_shared>>) offsets(%dma_start3A_65 : memref<125xi32, #tpu.memory_space<vmem>>) semaphore(%arg12 : memref<!tpu.dma_semaphore, #tpu.memory_space<semaphore_mem>>) {add = true}
      %dma_start3A_69 = arith.constant 1 : i32
      %dma_start3A_70 = arith.constant 1 : i32
      %dma_start3A_71 = arith.constant 0 : i32
      %dma_start3A_72 = arith.constant 0 : i32
      %dma_start3A_73 = tpu.memref_slice %arg9[%dma_start3A_70, %dma_start3A_71, %dma_start3A_72] : memref<2x125x128xf32, #tpu.memory_space<vmem>> -> memref<1x125x128xf32, #tpu.memory_space<vmem>>
      %dma_start3A_74 = tpu.memref_squeeze %dma_start3A_73 : memref<1x125x128xf32, #tpu.memory_space<vmem>> -> memref<125x128xf32, #tpu.memory_space<vmem>>
      %dma_start3A_75 = arith.constant 0 : i32
      %dma_start3A_76 = tpu.memref_slice %arg7[%rem3A_37, %dma_start3A_69, %dma_start3A_75] : memref<2x2x125xi32, #tpu.memory_space<vmem>> -> memref<1x1x125xi32, #tpu.memory_space<vmem>>
      %dma_start3A_77 = tpu.memref_squeeze %dma_start3A_76 : memref<1x1x125xi32, #tpu.memory_space<vmem>> -> memref<125xi32, #tpu.memory_space<vmem>>
      %dma_start3A_78 = arith.constant 0 : i32
      %dma_start3A_79 = arith.constant 0 : i32
      %dma_start3A_80 = tpu.memref_slice %arg2[%dma_start3A_78, %dma_start3A_79] : memref<10000x128xf32, #tpu.memory_space<hbm>> -> memref<10000x128xf32, #tpu.memory_space<hbm>>
      tpu.enqueue_indirect_dma source(%dma_start3A_80 : memref<10000x128xf32, #tpu.memory_space<hbm>>) target(%dma_start3A_74 : memref<125x128xf32, #tpu.memory_space<vmem>>) offsets(%dma_start3A_77 : memref<125xi32, #tpu.memory_space<vmem>>) semaphore(%arg11 : memref<!tpu.dma_semaphore, #tpu.memory_space<semaphore_mem>>)
      %dma_wait3A_81 = arith.constant 1 : i32
      %dma_wait3A_82 = arith.constant 1 : i32
      %dma_wait3A_83 = arith.constant 0 : i32
      %dma_wait3A_84 = arith.constant 0 : i32
      %dma_wait3A_85 = tpu.memref_slice %arg9[%dma_wait3A_82, %dma_wait3A_83, %dma_wait3A_84] : memref<2x125x128xf32, #tpu.memory_space<vmem>> -> memref<1x125x128xf32, #tpu.memory_space<vmem>>
      %dma_wait3A_86 = tpu.memref_squeeze %dma_wait3A_85 : memref<1x125x128xf32, #tpu.memory_space<vmem>> -> memref<125x128xf32, #tpu.memory_space<vmem>>
      %dma_wait3A_87 = arith.constant 0 : i32
      %dma_wait3A_88 = tpu.memref_slice %arg7[%rem3A_37, %dma_wait3A_81, %dma_wait3A_87] : memref<2x2x125xi32, #tpu.memory_space<vmem>> -> memref<1x1x125xi32, #tpu.memory_space<vmem>>
      %dma_wait3A_89 = tpu.memref_squeeze %dma_wait3A_88 : memref<1x1x125xi32, #tpu.memory_space<vmem>> -> memref<125xi32, #tpu.memory_space<vmem>>
      %dma_wait3A_90 = arith.constant 0 : i32
      %dma_wait3A_91 = arith.constant 0 : i32
      %dma_wait3A_92 = tpu.memref_slice %arg2[%dma_wait3A_90, %dma_wait3A_91] : memref<10000x128xf32, #tpu.memory_space<hbm>> -> memref<10000x128xf32, #tpu.memory_space<hbm>>
      tpu.wait_indirect_dma semaphore(%arg11 : memref<!tpu.dma_semaphore, #tpu.memory_space<semaphore_mem>>) src(%dma_wait3A_92 : memref<10000x128xf32, #tpu.memory_space<hbm>>) dst(%dma_wait3A_86 : memref<125x128xf32, #tpu.memory_space<vmem>>)
      %dma_wait3A_93 = arith.constant 0 : i32
      %dma_wait3A_94 = arith.constant 0 : i32
      %dma_wait3A_95 = arith.constant 0 : i32
      %dma_wait3A_96 = arith.constant 0 : i32
      %dma_wait3A_97 = tpu.memref_slice %arg9[%dma_wait3A_93, %dma_wait3A_95, %dma_wait3A_96] : memref<2x125x128xf32, #tpu.memory_space<vmem>> -> memref<1x125x128xf32, #tpu.memory_space<vmem>>
      %dma_wait3A_98 = tpu.memref_squeeze %dma_wait3A_97 : memref<1x125x128xf32, #tpu.memory_space<vmem>> -> memref<125x128xf32, #tpu.memory_space<vmem>>
      %dma_wait3A_99 = arith.constant 0 : i32
      %dma_wait3A_100 = tpu.memref_slice %arg8[%rem3A_37, %dma_wait3A_94, %dma_wait3A_99] : memref<2x2x125xi32, #tpu.memory_space<vmem>> -> memref<1x1x125xi32, #tpu.memory_space<vmem>>
      %dma_wait3A_101 = tpu.memref_squeeze %dma_wait3A_100 : memref<1x1x125xi32, #tpu.memory_space<vmem>> -> memref<125xi32, #tpu.memory_space<vmem>>
      %dma_wait3A_102 = arith.constant 0 : i32
      %dma_wait3A_103 = arith.constant 0 : i32
      %dma_wait3A_104 = tpu.memref_slice %arg10[%dma_wait3A_102, %dma_wait3A_103] : memref<10240x128xf32, #tpu.memory_space<vmem_shared>> -> memref<10240x128xf32, #tpu.memory_space<vmem_shared>>
      tpu.wait_indirect_dma semaphore(%arg12 : memref<!tpu.dma_semaphore, #tpu.memory_space<semaphore_mem>>) src(%dma_wait3A_98 : memref<125x128xf32, #tpu.memory_space<vmem>>) dst(%dma_wait3A_104 : memref<10240x128xf32, #tpu.memory_space<vmem_shared>>)
      %dma_start3A_105 = arith.constant 1 : i32
      %dma_start3A_106 = arith.constant 1 : i32
      %dma_start3A_107 = arith.constant 0 : i32
      %dma_start3A_108 = arith.constant 0 : i32
      %dma_start3A_109 = tpu.memref_slice %arg9[%dma_start3A_105, %dma_start3A_107, %dma_start3A_108] : memref<2x125x128xf32, #tpu.memory_space<vmem>> -> memref<1x125x128xf32, #tpu.memory_space<vmem>>
      %dma_start3A_110 = tpu.memref_squeeze %dma_start3A_109 : memref<1x125x128xf32, #tpu.memory_space<vmem>> -> memref<125x128xf32, #tpu.memory_space<vmem>>
      %dma_start3A_111 = arith.constant 0 : i32
      %dma_start3A_112 = tpu.memref_slice %arg8[%rem3A_37, %dma_start3A_106, %dma_start3A_111] : memref<2x2x125xi32, #tpu.memory_space<vmem>> -> memref<1x1x125xi32, #tpu.memory_space<vmem>>
      %dma_start3A_113 = tpu.memref_squeeze %dma_start3A_112 : memref<1x1x125xi32, #tpu.memory_space<vmem>> -> memref<125xi32, #tpu.memory_space<vmem>>
      %dma_start3A_114 = arith.constant 0 : i32
      %dma_start3A_115 = arith.constant 0 : i32
      %dma_start3A_116 = tpu.memref_slice %arg10[%dma_start3A_114, %dma_start3A_115] : memref<10240x128xf32, #tpu.memory_space<vmem_shared>> -> memref<10240x128xf32, #tpu.memory_space<vmem_shared>>
      tpu.enqueue_indirect_dma source(%dma_start3A_110 : memref<125x128xf32, #tpu.memory_space<vmem>>) target(%dma_start3A_116 : memref<10240x128xf32, #tpu.memory_space<vmem_shared>>) offsets(%dma_start3A_113 : memref<125xi32, #tpu.memory_space<vmem>>) semaphore(%arg12 : memref<!tpu.dma_semaphore, #tpu.memory_space<semaphore_mem>>) {add = true}
      %lt3A_117 = arith.constant 39 : i32
      %lt3A_118 = arith.cmpi slt, %scan3A_35, %lt3A_117 : i32
      %convert_element_type3A_119 = arith.extui %lt3A_118 : i1 to i32
      %cond3A_120 = arith.constant 0 : i32
      %cond3A_121 = arith.cmpi ne, %convert_element_type3A_119, %cond3A_120 : i32
      scf.if %cond3A_121 {
        %add3A_122 = arith.constant 1 : i32
        %add3A_123 = arith.addi %scan3A_35, %add3A_122 : i32
        %mul3A_124 = arith.constant 2 : i32
        %mul3A_125 = arith.muli %mul3A_124, %add3A_123 : i32
        %dma_wait3A_126 = arith.constant 0 : i32
        %dma_wait3A_127 = arith.constant 0 : i32
        %dma_wait3A_128 = tpu.memref_slice %arg7[%sub3A_38, %dma_wait3A_126, %dma_wait3A_127] : memref<2x2x125xi32, #tpu.memory_space<vmem>> -> memref<1x2x125xi32, #tpu.memory_space<vmem>>
        %dma_wait3A_129 = tpu.memref_squeeze %dma_wait3A_128 : memref<1x2x125xi32, #tpu.memory_space<vmem>> -> memref<2x125xi32, #tpu.memory_space<vmem>>
        %dma_wait3A_130 = arith.constant 0 : i32
        %dma_wait3A_131 = tpu.memref_slice %arg3[%add3A, %mul3A_125, %dma_wait3A_130] : memref<32x80x125xi32, #tpu.memory_space<hbm>> -> memref<1x2x125xi32, #tpu.memory_space<hbm>>
        %dma_wait3A_132 = tpu.memref_squeeze %dma_wait3A_131 : memref<1x2x125xi32, #tpu.memory_space<hbm>> -> memref<2x125xi32, #tpu.memory_space<hbm>>
        %dma_wait3A_133 = arith.constant 0 : i32
        %dma_wait3A_134 = arith.constant 0 : i32
        %dma_wait3A_135 = tpu.memref_slice %arg7[%sub3A_38, %dma_wait3A_133, %dma_wait3A_134] : memref<2x2x125xi32, #tpu.memory_space<vmem>> -> memref<1x2x125xi32, #tpu.memory_space<vmem>>
        %dma_wait3A_136 = tpu.memref_squeeze %dma_wait3A_135 : memref<1x2x125xi32, #tpu.memory_space<vmem>> -> memref<2x125xi32, #tpu.memory_space<vmem>>
        %dma_wait3A_137 = arith.constant 0 : i32
        %dma_wait3A_138 = tpu.memref_slice %arg3[%add3A, %mul3A_125, %dma_wait3A_137] : memref<32x80x125xi32, #tpu.memory_space<hbm>> -> memref<1x2x125xi32, #tpu.memory_space<hbm>>
        %dma_wait3A_139 = tpu.memref_squeeze %dma_wait3A_138 : memref<1x2x125xi32, #tpu.memory_space<hbm>> -> memref<2x125xi32, #tpu.memory_space<hbm>>
        tpu.wait_dma2 semaphore(%arg13 : memref<!tpu.dma_semaphore, #tpu.memory_space<semaphore_mem>>) src(%dma_wait3A_139 : memref<2x125xi32, #tpu.memory_space<hbm>>) dst(%dma_wait3A_136 : memref<2x125xi32, #tpu.memory_space<vmem>>)
        %mul3A_140 = arith.constant 2 : i32
        %mul3A_141 = arith.muli %mul3A_140, %add3A_123 : i32
        %dma_wait3A_142 = arith.constant 0 : i32
        %dma_wait3A_143 = arith.constant 0 : i32
        %dma_wait3A_144 = tpu.memref_slice %arg8[%sub3A_38, %dma_wait3A_142, %dma_wait3A_143] : memref<2x2x125xi32, #tpu.memory_space<vmem>> -> memref<1x2x125xi32, #tpu.memory_space<vmem>>
        %dma_wait3A_145 = tpu.memref_squeeze %dma_wait3A_144 : memref<1x2x125xi32, #tpu.memory_space<vmem>> -> memref<2x125xi32, #tpu.memory_space<vmem>>
        %dma_wait3A_146 = arith.constant 0 : i32
        %dma_wait3A_147 = tpu.memref_slice %arg4[%add3A, %mul3A_141, %dma_wait3A_146] : memref<32x80x125xi32, #tpu.memory_space<hbm>> -> memref<1x2x125xi32, #tpu.memory_space<hbm>>
        %dma_wait3A_148 = tpu.memref_squeeze %dma_wait3A_147 : memref<1x2x125xi32, #tpu.memory_space<hbm>> -> memref<2x125xi32, #tpu.memory_space<hbm>>
        %dma_wait3A_149 = arith.constant 0 : i32
        %dma_wait3A_150 = arith.constant 0 : i32
        %dma_wait3A_151 = tpu.memref_slice %arg8[%sub3A_38, %dma_wait3A_149, %dma_wait3A_150] : memref<2x2x125xi32, #tpu.memory_space<vmem>> -> memref<1x2x125xi32, #tpu.memory_space<vmem>>
        %dma_wait3A_152 = tpu.memref_squeeze %dma_wait3A_151 : memref<1x2x125xi32, #tpu.memory_space<vmem>> -> memref<2x125xi32, #tpu.memory_space<vmem>>
        %dma_wait3A_153 = arith.constant 0 : i32
        %dma_wait3A_154 = tpu.memref_slice %arg4[%add3A, %mul3A_141, %dma_wait3A_153] : memref<32x80x125xi32, #tpu.memory_space<hbm>> -> memref<1x2x125xi32, #tpu.memory_space<hbm>>
        %dma_wait3A_155 = tpu.memref_squeeze %dma_wait3A_154 : memref<1x2x125xi32, #tpu.memory_space<hbm>> -> memref<2x125xi32, #tpu.memory_space<hbm>>
        tpu.wait_dma2 semaphore(%arg13 : memref<!tpu.dma_semaphore, #tpu.memory_space<semaphore_mem>>) src(%dma_wait3A_155 : memref<2x125xi32, #tpu.memory_space<hbm>>) dst(%dma_wait3A_152 : memref<2x125xi32, #tpu.memory_space<vmem>>)
        %dma_start3A_156 = arith.constant 0 : i32
        %dma_start3A_157 = arith.constant 0 : i32
        %dma_start3A_158 = arith.constant 0 : i32
        %dma_start3A_159 = arith.constant 0 : i32
        %dma_start3A_160 = tpu.memref_slice %arg9[%dma_start3A_157, %dma_start3A_158, %dma_start3A_159] : memref<2x125x128xf32, #tpu.memory_space<vmem>> -> memref<1x125x128xf32, #tpu.memory_space<vmem>>
        %dma_start3A_161 = tpu.memref_squeeze %dma_start3A_160 : memref<1x125x128xf32, #tpu.memory_space<vmem>> -> memref<125x128xf32, #tpu.memory_space<vmem>>
        %dma_start3A_162 = arith.constant 0 : i32
        %dma_start3A_163 = tpu.memref_slice %arg7[%sub3A_38, %dma_start3A_156, %dma_start3A_162] : memref<2x2x125xi32, #tpu.memory_space<vmem>> -> memref<1x1x125xi32, #tpu.memory_space<vmem>>
        %dma_start3A_164 = tpu.memref_squeeze %dma_start3A_163 : memref<1x1x125xi32, #tpu.memory_space<vmem>> -> memref<125xi32, #tpu.memory_space<vmem>>
        %dma_start3A_165 = arith.constant 0 : i32
        %dma_start3A_166 = arith.constant 0 : i32
        %dma_start3A_167 = tpu.memref_slice %arg2[%dma_start3A_165, %dma_start3A_166] : memref<10000x128xf32, #tpu.memory_space<hbm>> -> memref<10000x128xf32, #tpu.memory_space<hbm>>
        tpu.enqueue_indirect_dma source(%dma_start3A_167 : memref<10000x128xf32, #tpu.memory_space<hbm>>) target(%dma_start3A_161 : memref<125x128xf32, #tpu.memory_space<vmem>>) offsets(%dma_start3A_164 : memref<125xi32, #tpu.memory_space<vmem>>) semaphore(%arg11 : memref<!tpu.dma_semaphore, #tpu.memory_space<semaphore_mem>>)
      } else {
      }
    }
    %scan3A_20 = arith.constant 40 : i32
    %rem3A = arith.constant 39 : i32
    %rem3A_21 = arith.constant 2 : i32
    %rem3A_22 = arith.remsi %rem3A, %rem3A_21 : i32
    %dma_wait3A = arith.constant 1 : i32
    %dma_wait3A_23 = arith.constant 1 : i32
    %dma_wait3A_24 = arith.constant 0 : i32
    %dma_wait3A_25 = arith.constant 0 : i32
    %dma_wait3A_26 = tpu.memref_slice %arg9[%dma_wait3A, %dma_wait3A_24, %dma_wait3A_25] : memref<2x125x128xf32, #tpu.memory_space<vmem>> -> memref<1x125x128xf32, #tpu.memory_space<vmem>>
    %dma_wait3A_27 = tpu.memref_squeeze %dma_wait3A_26 : memref<1x125x128xf32, #tpu.memory_space<vmem>> -> memref<125x128xf32, #tpu.memory_space<vmem>>
    %dma_wait3A_28 = arith.constant 0 : i32
    %dma_wait3A_29 = tpu.memref_slice %arg8[%rem3A_22, %dma_wait3A_23, %dma_wait3A_28] : memref<2x2x125xi32, #tpu.memory_space<vmem>> -> memref<1x1x125xi32, #tpu.memory_space<vmem>>
    %dma_wait3A_30 = tpu.memref_squeeze %dma_wait3A_29 : memref<1x1x125xi32, #tpu.memory_space<vmem>> -> memref<125xi32, #tpu.memory_space<vmem>>
    %dma_wait3A_31 = arith.constant 0 : i32
    %dma_wait3A_32 = arith.constant 0 : i32
    %dma_wait3A_33 = tpu.memref_slice %arg10[%dma_wait3A_31, %dma_wait3A_32] : memref<10240x128xf32, #tpu.memory_space<vmem_shared>> -> memref<10240x128xf32, #tpu.memory_space<vmem_shared>>
    tpu.wait_indirect_dma semaphore(%arg12 : memref<!tpu.dma_semaphore, #tpu.memory_space<semaphore_mem>>) src(%dma_wait3A_27 : memref<125x128xf32, #tpu.memory_space<vmem>>) dst(%dma_wait3A_33 : memref<10240x128xf32, #tpu.memory_space<vmem_shared>>)
    %barrier3A_34 = arith.constant 0 : index
    tpu.barrier barrier_id(%barrier3A_34)
    "tpu.region"() ({
      %run_scoped3A_35 = tpu.sem_alloc : memref<!tpu.dma_semaphore, #tpu.memory_space<semaphore_mem>>
      %dma_start3A_36 = arith.constant 0 : i32
      %dma_start3A_37 = tpu.memref_slice %arg6[%arg0, %mul3A_2, %dma_start3A_36] : memref<2x10240x128xf32, #tpu.memory_space<hbm>> -> memref<1x640x128xf32, #tpu.memory_space<hbm>>
      %dma_start3A_38 = tpu.memref_squeeze %dma_start3A_37 : memref<1x640x128xf32, #tpu.memory_space<hbm>> -> memref<640x128xf32, #tpu.memory_space<hbm>>
      %dma_start3A_39 = arith.constant 0 : i32
      %dma_start3A_40 = tpu.memref_slice %arg10[%mul3A_2, %dma_start3A_39] : memref<10240x128xf32, #tpu.memory_space<vmem_shared>> -> memref<640x128xf32, #tpu.memory_space<vmem_shared>>
      tpu.enqueue_dma source(%dma_start3A_40 : memref<640x128xf32, #tpu.memory_space<vmem_shared>>) target(%dma_start3A_38 : memref<640x128xf32, #tpu.memory_space<hbm>>) target_semaphore(%run_scoped3A_35 : memref<!tpu.dma_semaphore, #tpu.memory_space<semaphore_mem>>)
      %dma_wait3A_41 = arith.constant 0 : i32
      %dma_wait3A_42 = tpu.memref_slice %arg6[%arg0, %mul3A_2, %dma_wait3A_41] : memref<2x10240x128xf32, #tpu.memory_space<hbm>> -> memref<1x640x128xf32, #tpu.memory_space<hbm>>
      %dma_wait3A_43 = tpu.memref_squeeze %dma_wait3A_42 : memref<1x640x128xf32, #tpu.memory_space<hbm>> -> memref<640x128xf32, #tpu.memory_space<hbm>>
      %dma_wait3A_44 = arith.constant 0 : i32
      %dma_wait3A_45 = tpu.memref_slice %arg10[%mul3A_2, %dma_wait3A_44] : memref<10240x128xf32, #tpu.memory_space<vmem_shared>> -> memref<640x128xf32, #tpu.memory_space<vmem_shared>>
      tpu.wait_dma2 semaphore(%run_scoped3A_35 : memref<!tpu.dma_semaphore, #tpu.memory_space<semaphore_mem>>) src(%dma_wait3A_45 : memref<640x128xf32, #tpu.memory_space<vmem_shared>>) dst(%dma_wait3A_43 : memref<640x128xf32, #tpu.memory_space<hbm>>)
      tpu.yield
    }) : () -> ()
    return
  }
}

module attributes {stable_mosaic.version = 14 : i64} {
  func.func @_enc_tc_body(%arg0: i32, %arg1: memref<1000x128xf32, #tpu.memory_space<vmem>>, %arg2: memref<2x128x128xbf16, #tpu.memory_space<vmem>>, %arg3: memref<2x128x128xbf16, #tpu.memory_space<vmem>>, %arg4: memref<2x128x128xbf16, #tpu.memory_space<vmem>>, %arg5: memref<2x128x128xbf16, #tpu.memory_space<vmem>>, %arg6: memref<1x128xf32, #tpu.memory_space<vmem>>, %arg7: memref<1x128xf32, #tpu.memory_space<vmem>>, %arg8: memref<1x128xf32, #tpu.memory_space<vmem>>, %arg9: memref<1x128xf32, #tpu.memory_space<vmem>>, %arg10: memref<1x128xf32, #tpu.memory_space<vmem>>, %arg11: memref<1x128xf32, #tpu.memory_space<vmem>>, %arg12: memref<1000x128xf32, #tpu.memory_space<vmem>>) attributes {dimension_semantics = [#tpu.dimension_semantics<arbitrary>], iteration_bounds = array<i64: 10>, scalar_prefetch = 0 : i64, scratch_operands = 0 : i64, tpu.core_type = #tpu.core_type<tc>, window_params = [{transform_indices = @transform_0, window_bounds = array<i64: 1000, 128>}, {pipeline_mode = #tpu.pipeline_mode<synchronous>, transform_indices = @transform_1, window_bounds = array<i64: 2, 128, 128>}, {pipeline_mode = #tpu.pipeline_mode<synchronous>, transform_indices = @transform_2, window_bounds = array<i64: 2, 128, 128>}, {pipeline_mode = #tpu.pipeline_mode<synchronous>, transform_indices = @transform_3, window_bounds = array<i64: 2, 128, 128>}, {pipeline_mode = #tpu.pipeline_mode<synchronous>, transform_indices = @transform_4, window_bounds = array<i64: 2, 128, 128>}, {pipeline_mode = #tpu.pipeline_mode<synchronous>, transform_indices = @transform_5, window_bounds = array<i64: 1, 128>}, {pipeline_mode = #tpu.pipeline_mode<synchronous>, transform_indices = @transform_6, window_bounds = array<i64: 1, 128>}, {pipeline_mode = #tpu.pipeline_mode<synchronous>, transform_indices = @transform_7, window_bounds = array<i64: 1, 128>}, {pipeline_mode = #tpu.pipeline_mode<synchronous>, transform_indices = @transform_8, window_bounds = array<i64: 1, 128>}, {pipeline_mode = #tpu.pipeline_mode<synchronous>, transform_indices = @transform_9, window_bounds = array<i64: 1, 128>}, {pipeline_mode = #tpu.pipeline_mode<synchronous>, transform_indices = @transform_10, window_bounds = array<i64: 1, 128>}, {transform_indices = @transform_11, window_bounds = array<i64: 1000, 128>}]} {
    %get3A = arith.constant 0 : index
    %get3A_0 = arith.constant 0 : index
    %get3A_1 = vector.load %arg1[%get3A, %get3A_0] : memref<1000x128xf32, #tpu.memory_space<vmem>>, vector<1000x128xf32>
    %get3A_2 = arith.constant 0 : index
    %get3A_3 = arith.constant 0 : index
    %get3A_4 = arith.constant 0 : index
    %get3A_5 = vector.load %arg2[%get3A_2, %get3A_3, %get3A_4] : memref<2x128x128xbf16, #tpu.memory_space<vmem>>, vector<2x128x128xbf16>
    %convert_element_type3A = arith.truncf %get3A_1 : vector<1000x128xf32> to vector<1000x128xbf16>
    %convert_element_type3A_6 = arith.extf %convert_element_type3A : vector<1000x128xbf16> to vector<1000x128xf32>
    %sub3A = arith.subf %get3A_1, %convert_element_type3A_6 : vector<1000x128xf32>
    %convert_element_type3A_7 = arith.truncf %sub3A : vector<1000x128xf32> to vector<1000x128xbf16>
    %slice3A = vector.extract_strided_slice %get3A_5 {offsets = [0, 0, 0], sizes = [1, 128, 128], strides = [1, 1, 1]} : vector<2x128x128xbf16> to vector<1x128x128xbf16>
    %squeeze3A = vector.shape_cast %slice3A : vector<1x128x128xbf16> to vector<128x128xbf16>
    %dot_general3A = arith.constant dense<0.000000e+00> : vector<1000x128xf32>
    %dot_general3A_8 = tpu.matmul %convert_element_type3A, %squeeze3A, %dot_general3A {dimension_numbers = #tpu.dot_dimension_numbers<[1], [0], [0], [1], [0, 0, 1, 1], [], []>, transpose_lhs_hint = false} : vector<1000x128xbf16>, vector<128x128xbf16>, vector<1000x128xf32> -> vector<1000x128xf32>
    %slice3A_9 = vector.extract_strided_slice %get3A_5 {offsets = [0, 0, 0], sizes = [1, 128, 128], strides = [1, 1, 1]} : vector<2x128x128xbf16> to vector<1x128x128xbf16>
    %squeeze3A_10 = vector.shape_cast %slice3A_9 : vector<1x128x128xbf16> to vector<128x128xbf16>
    %dot_general3A_11 = arith.constant dense<0.000000e+00> : vector<1000x128xf32>
    %dot_general3A_12 = tpu.matmul %convert_element_type3A_7, %squeeze3A_10, %dot_general3A_11 {dimension_numbers = #tpu.dot_dimension_numbers<[1], [0], [0], [1], [0, 0, 1, 1], [], []>, transpose_lhs_hint = false} : vector<1000x128xbf16>, vector<128x128xbf16>, vector<1000x128xf32> -> vector<1000x128xf32>
    %add3A = arith.addf %dot_general3A_8, %dot_general3A_12 : vector<1000x128xf32>
    %slice3A_13 = vector.extract_strided_slice %get3A_5 {offsets = [1, 0, 0], sizes = [1, 128, 128], strides = [1, 1, 1]} : vector<2x128x128xbf16> to vector<1x128x128xbf16>
    %squeeze3A_14 = vector.shape_cast %slice3A_13 : vector<1x128x128xbf16> to vector<128x128xbf16>
    %dot_general3A_15 = arith.constant dense<0.000000e+00> : vector<1000x128xf32>
    %dot_general3A_16 = tpu.matmul %convert_element_type3A, %squeeze3A_14, %dot_general3A_15 {dimension_numbers = #tpu.dot_dimension_numbers<[1], [0], [0], [1], [0, 0, 1, 1], [], []>, transpose_lhs_hint = false} : vector<1000x128xbf16>, vector<128x128xbf16>, vector<1000x128xf32> -> vector<1000x128xf32>
    %add3A_17 = arith.addf %add3A, %dot_general3A_16 : vector<1000x128xf32>
    %get3A_18 = arith.constant 0 : index
    %get3A_19 = arith.constant 0 : index
    %get3A_20 = vector.load %arg6[%get3A_18, %get3A_19] : memref<1x128xf32, #tpu.memory_space<vmem>>, vector<1x128xf32>
    %add3A_21 = vector.broadcast %get3A_20 : vector<1x128xf32> to vector<1000x128xf32>
    %add3A_22 = arith.addf %add3A_17, %add3A_21 : vector<1000x128xf32>
    %max3A = arith.constant 0.000000e+00 : f32
    %max3A_23 = vector.broadcast %max3A : f32 to vector<1000x128xf32>
    %max3A_24 = arith.maximumf %add3A_22, %max3A_23 : vector<1000x128xf32>
    %get3A_25 = arith.constant 0 : index
    %get3A_26 = arith.constant 0 : index
    %get3A_27 = arith.constant 0 : index
    %get3A_28 = vector.load %arg3[%get3A_25, %get3A_26, %get3A_27] : memref<2x128x128xbf16, #tpu.memory_space<vmem>>, vector<2x128x128xbf16>
    %convert_element_type3A_29 = arith.truncf %max3A_24 : vector<1000x128xf32> to vector<1000x128xbf16>
    %convert_element_type3A_30 = arith.extf %convert_element_type3A_29 : vector<1000x128xbf16> to vector<1000x128xf32>
    %sub3A_31 = arith.subf %max3A_24, %convert_element_type3A_30 : vector<1000x128xf32>
    %convert_element_type3A_32 = arith.truncf %sub3A_31 : vector<1000x128xf32> to vector<1000x128xbf16>
    %slice3A_33 = vector.extract_strided_slice %get3A_28 {offsets = [0, 0, 0], sizes = [1, 128, 128], strides = [1, 1, 1]} : vector<2x128x128xbf16> to vector<1x128x128xbf16>
    %squeeze3A_34 = vector.shape_cast %slice3A_33 : vector<1x128x128xbf16> to vector<128x128xbf16>
    %dot_general3A_35 = arith.constant dense<0.000000e+00> : vector<1000x128xf32>
    %dot_general3A_36 = tpu.matmul %convert_element_type3A_29, %squeeze3A_34, %dot_general3A_35 {dimension_numbers = #tpu.dot_dimension_numbers<[1], [0], [0], [1], [0, 0, 1, 1], [], []>, transpose_lhs_hint = false} : vector<1000x128xbf16>, vector<128x128xbf16>, vector<1000x128xf32> -> vector<1000x128xf32>
    %slice3A_37 = vector.extract_strided_slice %get3A_28 {offsets = [0, 0, 0], sizes = [1, 128, 128], strides = [1, 1, 1]} : vector<2x128x128xbf16> to vector<1x128x128xbf16>
    %squeeze3A_38 = vector.shape_cast %slice3A_37 : vector<1x128x128xbf16> to vector<128x128xbf16>
    %dot_general3A_39 = arith.constant dense<0.000000e+00> : vector<1000x128xf32>
    %dot_general3A_40 = tpu.matmul %convert_element_type3A_32, %squeeze3A_38, %dot_general3A_39 {dimension_numbers = #tpu.dot_dimension_numbers<[1], [0], [0], [1], [0, 0, 1, 1], [], []>, transpose_lhs_hint = false} : vector<1000x128xbf16>, vector<128x128xbf16>, vector<1000x128xf32> -> vector<1000x128xf32>
    %add3A_41 = arith.addf %dot_general3A_36, %dot_general3A_40 : vector<1000x128xf32>
    %slice3A_42 = vector.extract_strided_slice %get3A_28 {offsets = [1, 0, 0], sizes = [1, 128, 128], strides = [1, 1, 1]} : vector<2x128x128xbf16> to vector<1x128x128xbf16>
    %squeeze3A_43 = vector.shape_cast %slice3A_42 : vector<1x128x128xbf16> to vector<128x128xbf16>
    %dot_general3A_44 = arith.constant dense<0.000000e+00> : vector<1000x128xf32>
    %dot_general3A_45 = tpu.matmul %convert_element_type3A_29, %squeeze3A_43, %dot_general3A_44 {dimension_numbers = #tpu.dot_dimension_numbers<[1], [0], [0], [1], [0, 0, 1, 1], [], []>, transpose_lhs_hint = false} : vector<1000x128xbf16>, vector<128x128xbf16>, vector<1000x128xf32> -> vector<1000x128xf32>
    %add3A_46 = arith.addf %add3A_41, %dot_general3A_45 : vector<1000x128xf32>
    %get3A_47 = arith.constant 0 : index
    %get3A_48 = arith.constant 0 : index
    %get3A_49 = vector.load %arg7[%get3A_47, %get3A_48] : memref<1x128xf32, #tpu.memory_space<vmem>>, vector<1x128xf32>
    %add3A_50 = vector.broadcast %get3A_49 : vector<1x128xf32> to vector<1000x128xf32>
    %add3A_51 = arith.addf %add3A_46, %add3A_50 : vector<1000x128xf32>
    %max3A_52 = arith.constant 0.000000e+00 : f32
    %max3A_53 = vector.broadcast %max3A_52 : f32 to vector<1000x128xf32>
    %max3A_54 = arith.maximumf %add3A_51, %max3A_53 : vector<1000x128xf32>
    %get3A_55 = arith.constant 0 : index
    %get3A_56 = arith.constant 0 : index
    %get3A_57 = arith.constant 0 : index
    %get3A_58 = vector.load %arg4[%get3A_55, %get3A_56, %get3A_57] : memref<2x128x128xbf16, #tpu.memory_space<vmem>>, vector<2x128x128xbf16>
    %convert_element_type3A_59 = arith.truncf %max3A_54 : vector<1000x128xf32> to vector<1000x128xbf16>
    %convert_element_type3A_60 = arith.extf %convert_element_type3A_59 : vector<1000x128xbf16> to vector<1000x128xf32>
    %sub3A_61 = arith.subf %max3A_54, %convert_element_type3A_60 : vector<1000x128xf32>
    %convert_element_type3A_62 = arith.truncf %sub3A_61 : vector<1000x128xf32> to vector<1000x128xbf16>
    %slice3A_63 = vector.extract_strided_slice %get3A_58 {offsets = [0, 0, 0], sizes = [1, 128, 128], strides = [1, 1, 1]} : vector<2x128x128xbf16> to vector<1x128x128xbf16>
    %squeeze3A_64 = vector.shape_cast %slice3A_63 : vector<1x128x128xbf16> to vector<128x128xbf16>
    %dot_general3A_65 = arith.constant dense<0.000000e+00> : vector<1000x128xf32>
    %dot_general3A_66 = tpu.matmul %convert_element_type3A_59, %squeeze3A_64, %dot_general3A_65 {dimension_numbers = #tpu.dot_dimension_numbers<[1], [0], [0], [1], [0, 0, 1, 1], [], []>, transpose_lhs_hint = false} : vector<1000x128xbf16>, vector<128x128xbf16>, vector<1000x128xf32> -> vector<1000x128xf32>
    %slice3A_67 = vector.extract_strided_slice %get3A_58 {offsets = [0, 0, 0], sizes = [1, 128, 128], strides = [1, 1, 1]} : vector<2x128x128xbf16> to vector<1x128x128xbf16>
    %squeeze3A_68 = vector.shape_cast %slice3A_67 : vector<1x128x128xbf16> to vector<128x128xbf16>
    %dot_general3A_69 = arith.constant dense<0.000000e+00> : vector<1000x128xf32>
    %dot_general3A_70 = tpu.matmul %convert_element_type3A_62, %squeeze3A_68, %dot_general3A_69 {dimension_numbers = #tpu.dot_dimension_numbers<[1], [0], [0], [1], [0, 0, 1, 1], [], []>, transpose_lhs_hint = false} : vector<1000x128xbf16>, vector<128x128xbf16>, vector<1000x128xf32> -> vector<1000x128xf32>
    %add3A_71 = arith.addf %dot_general3A_66, %dot_general3A_70 : vector<1000x128xf32>
    %slice3A_72 = vector.extract_strided_slice %get3A_58 {offsets = [1, 0, 0], sizes = [1, 128, 128], strides = [1, 1, 1]} : vector<2x128x128xbf16> to vector<1x128x128xbf16>
    %squeeze3A_73 = vector.shape_cast %slice3A_72 : vector<1x128x128xbf16> to vector<128x128xbf16>
    %dot_general3A_74 = arith.constant dense<0.000000e+00> : vector<1000x128xf32>
    %dot_general3A_75 = tpu.matmul %convert_element_type3A_59, %squeeze3A_73, %dot_general3A_74 {dimension_numbers = #tpu.dot_dimension_numbers<[1], [0], [0], [1], [0, 0, 1, 1], [], []>, transpose_lhs_hint = false} : vector<1000x128xbf16>, vector<128x128xbf16>, vector<1000x128xf32> -> vector<1000x128xf32>
    %add3A_76 = arith.addf %add3A_71, %dot_general3A_75 : vector<1000x128xf32>
    %get3A_77 = arith.constant 0 : index
    %get3A_78 = arith.constant 0 : index
    %get3A_79 = vector.load %arg8[%get3A_77, %get3A_78] : memref<1x128xf32, #tpu.memory_space<vmem>>, vector<1x128xf32>
    %add3A_80 = vector.broadcast %get3A_79 : vector<1x128xf32> to vector<1000x128xf32>
    %add3A_81 = arith.addf %add3A_76, %add3A_80 : vector<1000x128xf32>
    %max3A_82 = arith.constant 0.000000e+00 : f32
    %max3A_83 = vector.broadcast %max3A_82 : f32 to vector<1000x128xf32>
    %max3A_84 = arith.maximumf %add3A_81, %max3A_83 : vector<1000x128xf32>
    %get3A_85 = arith.constant 0 : index
    %get3A_86 = arith.constant 0 : index
    %get3A_87 = arith.constant 0 : index
    %get3A_88 = vector.load %arg5[%get3A_85, %get3A_86, %get3A_87] : memref<2x128x128xbf16, #tpu.memory_space<vmem>>, vector<2x128x128xbf16>
    %convert_element_type3A_89 = arith.truncf %max3A_84 : vector<1000x128xf32> to vector<1000x128xbf16>
    %convert_element_type3A_90 = arith.extf %convert_element_type3A_89 : vector<1000x128xbf16> to vector<1000x128xf32>
    %sub3A_91 = arith.subf %max3A_84, %convert_element_type3A_90 : vector<1000x128xf32>
    %convert_element_type3A_92 = arith.truncf %sub3A_91 : vector<1000x128xf32> to vector<1000x128xbf16>
    %slice3A_93 = vector.extract_strided_slice %get3A_88 {offsets = [0, 0, 0], sizes = [1, 128, 128], strides = [1, 1, 1]} : vector<2x128x128xbf16> to vector<1x128x128xbf16>
    %squeeze3A_94 = vector.shape_cast %slice3A_93 : vector<1x128x128xbf16> to vector<128x128xbf16>
    %dot_general3A_95 = arith.constant dense<0.000000e+00> : vector<1000x128xf32>
    %dot_general3A_96 = tpu.matmul %convert_element_type3A_89, %squeeze3A_94, %dot_general3A_95 {dimension_numbers = #tpu.dot_dimension_numbers<[1], [0], [0], [1], [0, 0, 1, 1], [], []>, transpose_lhs_hint = false} : vector<1000x128xbf16>, vector<128x128xbf16>, vector<1000x128xf32> -> vector<1000x128xf32>
    %slice3A_97 = vector.extract_strided_slice %get3A_88 {offsets = [0, 0, 0], sizes = [1, 128, 128], strides = [1, 1, 1]} : vector<2x128x128xbf16> to vector<1x128x128xbf16>
    %squeeze3A_98 = vector.shape_cast %slice3A_97 : vector<1x128x128xbf16> to vector<128x128xbf16>
    %dot_general3A_99 = arith.constant dense<0.000000e+00> : vector<1000x128xf32>
    %dot_general3A_100 = tpu.matmul %convert_element_type3A_92, %squeeze3A_98, %dot_general3A_99 {dimension_numbers = #tpu.dot_dimension_numbers<[1], [0], [0], [1], [0, 0, 1, 1], [], []>, transpose_lhs_hint = false} : vector<1000x128xbf16>, vector<128x128xbf16>, vector<1000x128xf32> -> vector<1000x128xf32>
    %add3A_101 = arith.addf %dot_general3A_96, %dot_general3A_100 : vector<1000x128xf32>
    %slice3A_102 = vector.extract_strided_slice %get3A_88 {offsets = [1, 0, 0], sizes = [1, 128, 128], strides = [1, 1, 1]} : vector<2x128x128xbf16> to vector<1x128x128xbf16>
    %squeeze3A_103 = vector.shape_cast %slice3A_102 : vector<1x128x128xbf16> to vector<128x128xbf16>
    %dot_general3A_104 = arith.constant dense<0.000000e+00> : vector<1000x128xf32>
    %dot_general3A_105 = tpu.matmul %convert_element_type3A_89, %squeeze3A_103, %dot_general3A_104 {dimension_numbers = #tpu.dot_dimension_numbers<[1], [0], [0], [1], [0, 0, 1, 1], [], []>, transpose_lhs_hint = false} : vector<1000x128xbf16>, vector<128x128xbf16>, vector<1000x128xf32> -> vector<1000x128xf32>
    %add3A_106 = arith.addf %add3A_101, %dot_general3A_105 : vector<1000x128xf32>
    %get3A_107 = arith.constant 0 : index
    %get3A_108 = arith.constant 0 : index
    %get3A_109 = vector.load %arg9[%get3A_107, %get3A_108] : memref<1x128xf32, #tpu.memory_space<vmem>>, vector<1x128xf32>
    %add3A_110 = vector.broadcast %get3A_109 : vector<1x128xf32> to vector<1000x128xf32>
    %add3A_111 = arith.addf %add3A_106, %add3A_110 : vector<1000x128xf32>
    %get3A_112 = arith.constant 0 : index
    %get3A_113 = arith.constant 0 : index
    %get3A_114 = vector.load %arg10[%get3A_112, %get3A_113] : memref<1x128xf32, #tpu.memory_space<vmem>>, vector<1x128xf32>
    %get3A_115 = arith.constant 0 : index
    %get3A_116 = arith.constant 0 : index
    %get3A_117 = vector.load %arg11[%get3A_115, %get3A_116] : memref<1x128xf32, #tpu.memory_space<vmem>>, vector<1x128xf32>
    %reduce_sum3A = arith.constant dense<0.000000e+00> : vector<1000xf32>
    %reduce_sum3A_118 = vector.multi_reduction <add>, %add3A_111, %reduce_sum3A [1] : vector<1000x128xf32> to vector<1000xf32>
    %broadcast_in_dim3A = vector.shape_cast %reduce_sum3A_118 : vector<1000xf32> to vector<1000x1xf32>
    %div3A = arith.constant 1.280000e+02 : f32
    %div3A_119 = vector.broadcast %div3A : f32 to vector<1000x1xf32>
    %div3A_120 = arith.divf %broadcast_in_dim3A, %div3A_119 : vector<1000x1xf32>
    %jit3A = arith.constant 0 : i32
    %reduce_sum3A_121 = arith.constant dense<0.000000e+00> : vector<1000xf32>
    %reduce_sum3A_122 = vector.multi_reduction <add>, %add3A_111, %reduce_sum3A_121 [1] : vector<1000x128xf32> to vector<1000xf32>
    %broadcast_in_dim3A_123 = vector.shape_cast %reduce_sum3A_122 : vector<1000xf32> to vector<1000x1xf32>
    %div3A_124 = arith.constant 1.280000e+02 : f32
    %div3A_125 = vector.broadcast %div3A_124 : f32 to vector<1000x1xf32>
    %div3A_126 = arith.divf %broadcast_in_dim3A_123, %div3A_125 : vector<1000x1xf32>
    %sub3A_127 = vector.broadcast %div3A_126 : vector<1000x1xf32> to vector<1000x128xf32>
    %sub3A_128 = arith.subf %add3A_111, %sub3A_127 : vector<1000x128xf32>
    %square3A = arith.mulf %sub3A_128, %sub3A_128 : vector<1000x128xf32>
    %convert_element_type3A_129 = arith.sitofp %jit3A : i32 to f32
    %sub3A_130 = arith.constant 1.280000e+02 : f32
    %sub3A_131 = arith.subf %sub3A_130, %convert_element_type3A_129 : f32
    %reduce_sum3A_132 = arith.constant dense<0.000000e+00> : vector<1000xf32>
    %reduce_sum3A_133 = vector.multi_reduction <add>, %square3A, %reduce_sum3A_132 [1] : vector<1000x128xf32> to vector<1000xf32>
    %broadcast_in_dim3A_134 = vector.shape_cast %reduce_sum3A_133 : vector<1000xf32> to vector<1000x1xf32>
    %div3A_135 = vector.broadcast %sub3A_131 : f32 to vector<1000x1xf32>
    %div3A_136 = arith.divf %broadcast_in_dim3A_134, %div3A_135 : vector<1000x1xf32>
    %gt3A = arith.constant 0.000000e+00 : f32
    %gt3A_137 = arith.cmpf ogt, %sub3A_131, %gt3A : f32
    %jit3A_138 = arith.constant 0x7FC00000 : f32
    %broadcast_in_dim3A_139 = vector.broadcast %jit3A_138 : f32 to vector<1000x1xf32>
    %select_n3A = arith.select %gt3A_137, %div3A_136, %broadcast_in_dim3A_139 : vector<1000x1xf32>
    %sub3A_140 = vector.broadcast %div3A_120 : vector<1000x1xf32> to vector<1000x128xf32>
    %sub3A_141 = arith.subf %add3A_111, %sub3A_140 : vector<1000x128xf32>
    %add3A_142 = arith.constant 9.99999974E-6 : f32
    %add3A_143 = vector.broadcast %add3A_142 : f32 to vector<1000x1xf32>
    %add3A_144 = arith.addf %select_n3A, %add3A_143 : vector<1000x1xf32>
    %sqrt3A = math.sqrt %add3A_144 : vector<1000x1xf32>
    %div3A_145 = vector.broadcast %sqrt3A : vector<1000x1xf32> to vector<1000x128xf32>
    %div3A_146 = arith.divf %sub3A_141, %div3A_145 : vector<1000x128xf32>
    %mul3A = vector.broadcast %get3A_114 : vector<1x128xf32> to vector<1000x128xf32>
    %mul3A_147 = arith.mulf %div3A_146, %mul3A : vector<1000x128xf32>
    %add3A_148 = vector.broadcast %get3A_117 : vector<1x128xf32> to vector<1000x128xf32>
    %add3A_149 = arith.addf %mul3A_147, %add3A_148 : vector<1000x128xf32>
    %swap3A = arith.constant 0 : index
    %swap3A_150 = arith.constant 0 : index
    %swap3A_151 = vector.load %arg12[%swap3A, %swap3A_150] : memref<1000x128xf32, #tpu.memory_space<vmem>>, vector<1000x128xf32>
    tpu.vector_store %arg12[%swap3A, %swap3A_150], %add3A_149 {strides = array<i32>} : memref<1000x128xf32, #tpu.memory_space<vmem>>, vector<1000x128xf32>,
    return
  }
  func.func @transform_0(%arg0: i32) -> (i32, i32) {
    %c0_i32 = arith.constant 0 : i32
    %c0_i32_0 = arith.constant 0 : i32
    return %arg0, %c0_i32 : i32, i32
  }
  func.func @transform_1(%arg0: i32) -> (i32, i32, i32) {
    %c0_i32 = arith.constant 0 : i32
    %c0_i32_0 = arith.constant 0 : i32
    %c0_i32_1 = arith.constant 0 : i32
    %c0_i32_2 = arith.constant 0 : i32
    return %c0_i32, %c0_i32_0, %c0_i32_1 : i32, i32, i32
  }
  func.func @transform_2(%arg0: i32) -> (i32, i32, i32) {
    %c0_i32 = arith.constant 0 : i32
    %c0_i32_0 = arith.constant 0 : i32
    %c0_i32_1 = arith.constant 0 : i32
    %c0_i32_2 = arith.constant 0 : i32
    return %c0_i32, %c0_i32_0, %c0_i32_1 : i32, i32, i32
  }
  func.func @transform_3(%arg0: i32) -> (i32, i32, i32) {
    %c0_i32 = arith.constant 0 : i32
    %c0_i32_0 = arith.constant 0 : i32
    %c0_i32_1 = arith.constant 0 : i32
    %c0_i32_2 = arith.constant 0 : i32
    return %c0_i32, %c0_i32_0, %c0_i32_1 : i32, i32, i32
  }
  func.func @transform_4(%arg0: i32) -> (i32, i32, i32) {
    %c0_i32 = arith.constant 0 : i32
    %c0_i32_0 = arith.constant 0 : i32
    %c0_i32_1 = arith.constant 0 : i32
    %c0_i32_2 = arith.constant 0 : i32
    return %c0_i32, %c0_i32_0, %c0_i32_1 : i32, i32, i32
  }
  func.func @transform_5(%arg0: i32) -> (i32, i32) {
    %c0_i32 = arith.constant 0 : i32
    %c0_i32_0 = arith.constant 0 : i32
    %c0_i32_1 = arith.constant 0 : i32
    return %c0_i32, %c0_i32_0 : i32, i32
  }
  func.func @transform_6(%arg0: i32) -> (i32, i32) {
    %c0_i32 = arith.constant 0 : i32
    %c0_i32_0 = arith.constant 0 : i32
    %c0_i32_1 = arith.constant 0 : i32
    return %c0_i32, %c0_i32_0 : i32, i32
  }
  func.func @transform_7(%arg0: i32) -> (i32, i32) {
    %c0_i32 = arith.constant 0 : i32
    %c0_i32_0 = arith.constant 0 : i32
    %c0_i32_1 = arith.constant 0 : i32
    return %c0_i32, %c0_i32_0 : i32, i32
  }
  func.func @transform_8(%arg0: i32) -> (i32, i32) {
    %c0_i32 = arith.constant 0 : i32
    %c0_i32_0 = arith.constant 0 : i32
    %c0_i32_1 = arith.constant 0 : i32
    return %c0_i32, %c0_i32_0 : i32, i32
  }
  func.func @transform_9(%arg0: i32) -> (i32, i32) {
    %c0_i32 = arith.constant 0 : i32
    %c0_i32_0 = arith.constant 0 : i32
    %c0_i32_1 = arith.constant 0 : i32
    return %c0_i32, %c0_i32_0 : i32, i32
  }
  func.func @transform_10(%arg0: i32) -> (i32, i32) {
    %c0_i32 = arith.constant 0 : i32
    %c0_i32_0 = arith.constant 0 : i32
    %c0_i32_1 = arith.constant 0 : i32
    return %c0_i32, %c0_i32_0 : i32, i32
  }
  func.func @transform_11(%arg0: i32) -> (i32, i32) {
    %c0_i32 = arith.constant 0 : i32
    %c0_i32_0 = arith.constant 0 : i32
    return %arg0, %c0_i32 : i32, i32
  }
}

module attributes {stable_mosaic.version = 14 : i64} {
  func.func @_mp_tc_body(%arg0: i32, %arg1: memref<1000x128xf32, #tpu.memory_space<vmem>>, %arg2: memref<2x1000x128xf32, #tpu.memory_space<vmem>>, %arg3: memref<2x128x128xbf16, #tpu.memory_space<vmem>>, %arg4: memref<2x128x128xbf16, #tpu.memory_space<vmem>>, %arg5: memref<2x128x128xbf16, #tpu.memory_space<vmem>>, %arg6: memref<2x128x128xbf16, #tpu.memory_space<vmem>>, %arg7: memref<2x128x128xbf16, #tpu.memory_space<vmem>>, %arg8: memref<1x128xf32, #tpu.memory_space<vmem>>, %arg9: memref<1x128xf32, #tpu.memory_space<vmem>>, %arg10: memref<1x128xf32, #tpu.memory_space<vmem>>, %arg11: memref<1x128xf32, #tpu.memory_space<vmem>>, %arg12: memref<1x128xf32, #tpu.memory_space<vmem>>, %arg13: memref<1x128xf32, #tpu.memory_space<vmem>>, %arg14: memref<1000x128xf32, #tpu.memory_space<vmem>>) attributes {dimension_semantics = [#tpu.dimension_semantics<arbitrary>], iteration_bounds = array<i64: 10>, scalar_prefetch = 0 : i64, scratch_operands = 0 : i64, tpu.core_type = #tpu.core_type<tc>, window_params = [{transform_indices = @transform_0, window_bounds = array<i64: 1000, 128>}, {transform_indices = @transform_1, window_bounds = array<i64: 2, 1000, 128>}, {pipeline_mode = #tpu.pipeline_mode<synchronous>, transform_indices = @transform_2, window_bounds = array<i64: 2, 128, 128>}, {pipeline_mode = #tpu.pipeline_mode<synchronous>, transform_indices = @transform_3, window_bounds = array<i64: 2, 128, 128>}, {pipeline_mode = #tpu.pipeline_mode<synchronous>, transform_indices = @transform_4, window_bounds = array<i64: 2, 128, 128>}, {pipeline_mode = #tpu.pipeline_mode<synchronous>, transform_indices = @transform_5, window_bounds = array<i64: 2, 128, 128>}, {pipeline_mode = #tpu.pipeline_mode<synchronous>, transform_indices = @transform_6, window_bounds = array<i64: 2, 128, 128>}, {pipeline_mode = #tpu.pipeline_mode<synchronous>, transform_indices = @transform_7, window_bounds = array<i64: 1, 128>}, {pipeline_mode = #tpu.pipeline_mode<synchronous>, transform_indices = @transform_8, window_bounds = array<i64: 1, 128>}, {pipeline_mode = #tpu.pipeline_mode<synchronous>, transform_indices = @transform_9, window_bounds = array<i64: 1, 128>}, {pipeline_mode = #tpu.pipeline_mode<synchronous>, transform_indices = @transform_10, window_bounds = array<i64: 1, 128>}, {pipeline_mode = #tpu.pipeline_mode<synchronous>, transform_indices = @transform_11, window_bounds = array<i64: 1, 128>}, {pipeline_mode = #tpu.pipeline_mode<synchronous>, transform_indices = @transform_12, window_bounds = array<i64: 1, 128>}, {transform_indices = @transform_13, window_bounds = array<i64: 1000, 128>}]} {
    %get3A = arith.constant 0 : index
    %get3A_0 = arith.constant 0 : index
    %get3A_1 = vector.load %arg1[%get3A, %get3A_0] : memref<1000x128xf32, #tpu.memory_space<vmem>>, vector<1000x128xf32>
    %get3A_2 = arith.constant 0 : index
    %get3A_3 = arith.constant 0 : index
    %get3A_4 = arith.constant 0 : index
    %get3A_5 = vector.load %arg2[%get3A_2, %get3A_3, %get3A_4] : memref<2x1000x128xf32, #tpu.memory_space<vmem>>, vector<1x1000x128xf32>
    %get3A_6 = vector.shape_cast %get3A_5 : vector<1x1000x128xf32> to vector<1000x128xf32>
    %get3A_7 = arith.constant 1 : index
    %get3A_8 = arith.constant 0 : index
    %get3A_9 = arith.constant 0 : index
    %get3A_10 = vector.load %arg2[%get3A_7, %get3A_8, %get3A_9] : memref<2x1000x128xf32, #tpu.memory_space<vmem>>, vector<1x1000x128xf32>
    %get3A_11 = vector.shape_cast %get3A_10 : vector<1x1000x128xf32> to vector<1000x128xf32>
    %add3A = arith.addf %get3A_6, %get3A_11 : vector<1000x128xf32>
    %get3A_12 = arith.constant 0 : index
    %get3A_13 = arith.constant 0 : index
    %get3A_14 = arith.constant 0 : index
    %get3A_15 = vector.load %arg3[%get3A_12, %get3A_13, %get3A_14] : memref<2x128x128xbf16, #tpu.memory_space<vmem>>, vector<2x128x128xbf16>
    %convert_element_type3A = arith.truncf %get3A_1 : vector<1000x128xf32> to vector<1000x128xbf16>
    %convert_element_type3A_16 = arith.extf %convert_element_type3A : vector<1000x128xbf16> to vector<1000x128xf32>
    %sub3A = arith.subf %get3A_1, %convert_element_type3A_16 : vector<1000x128xf32>
    %convert_element_type3A_17 = arith.truncf %sub3A : vector<1000x128xf32> to vector<1000x128xbf16>
    %slice3A = vector.extract_strided_slice %get3A_15 {offsets = [0, 0, 0], sizes = [1, 128, 128], strides = [1, 1, 1]} : vector<2x128x128xbf16> to vector<1x128x128xbf16>
    %squeeze3A = vector.shape_cast %slice3A : vector<1x128x128xbf16> to vector<128x128xbf16>
    %dot_general3A = arith.constant dense<0.000000e+00> : vector<1000x128xf32>
    %dot_general3A_18 = tpu.matmul %convert_element_type3A, %squeeze3A, %dot_general3A {dimension_numbers = #tpu.dot_dimension_numbers<[1], [0], [0], [1], [0, 0, 1, 1], [], []>, transpose_lhs_hint = false} : vector<1000x128xbf16>, vector<128x128xbf16>, vector<1000x128xf32> -> vector<1000x128xf32>
    %slice3A_19 = vector.extract_strided_slice %get3A_15 {offsets = [0, 0, 0], sizes = [1, 128, 128], strides = [1, 1, 1]} : vector<2x128x128xbf16> to vector<1x128x128xbf16>
    %squeeze3A_20 = vector.shape_cast %slice3A_19 : vector<1x128x128xbf16> to vector<128x128xbf16>
    %dot_general3A_21 = arith.constant dense<0.000000e+00> : vector<1000x128xf32>
    %dot_general3A_22 = tpu.matmul %convert_element_type3A_17, %squeeze3A_20, %dot_general3A_21 {dimension_numbers = #tpu.dot_dimension_numbers<[1], [0], [0], [1], [0, 0, 1, 1], [], []>, transpose_lhs_hint = false} : vector<1000x128xbf16>, vector<128x128xbf16>, vector<1000x128xf32> -> vector<1000x128xf32>
    %add3A_23 = arith.addf %dot_general3A_18, %dot_general3A_22 : vector<1000x128xf32>
    %slice3A_24 = vector.extract_strided_slice %get3A_15 {offsets = [1, 0, 0], sizes = [1, 128, 128], strides = [1, 1, 1]} : vector<2x128x128xbf16> to vector<1x128x128xbf16>
    %squeeze3A_25 = vector.shape_cast %slice3A_24 : vector<1x128x128xbf16> to vector<128x128xbf16>
    %dot_general3A_26 = arith.constant dense<0.000000e+00> : vector<1000x128xf32>
    %dot_general3A_27 = tpu.matmul %convert_element_type3A, %squeeze3A_25, %dot_general3A_26 {dimension_numbers = #tpu.dot_dimension_numbers<[1], [0], [0], [1], [0, 0, 1, 1], [], []>, transpose_lhs_hint = false} : vector<1000x128xbf16>, vector<128x128xbf16>, vector<1000x128xf32> -> vector<1000x128xf32>
    %add3A_28 = arith.addf %add3A_23, %dot_general3A_27 : vector<1000x128xf32>
    %get3A_29 = arith.constant 0 : index
    %get3A_30 = arith.constant 0 : index
    %get3A_31 = arith.constant 0 : index
    %get3A_32 = vector.load %arg4[%get3A_29, %get3A_30, %get3A_31] : memref<2x128x128xbf16, #tpu.memory_space<vmem>>, vector<2x128x128xbf16>
    %convert_element_type3A_33 = arith.truncf %add3A : vector<1000x128xf32> to vector<1000x128xbf16>
    %convert_element_type3A_34 = arith.extf %convert_element_type3A_33 : vector<1000x128xbf16> to vector<1000x128xf32>
    %sub3A_35 = arith.subf %add3A, %convert_element_type3A_34 : vector<1000x128xf32>
    %convert_element_type3A_36 = arith.truncf %sub3A_35 : vector<1000x128xf32> to vector<1000x128xbf16>
    %slice3A_37 = vector.extract_strided_slice %get3A_32 {offsets = [0, 0, 0], sizes = [1, 128, 128], strides = [1, 1, 1]} : vector<2x128x128xbf16> to vector<1x128x128xbf16>
    %squeeze3A_38 = vector.shape_cast %slice3A_37 : vector<1x128x128xbf16> to vector<128x128xbf16>
    %dot_general3A_39 = arith.constant dense<0.000000e+00> : vector<1000x128xf32>
    %dot_general3A_40 = tpu.matmul %convert_element_type3A_33, %squeeze3A_38, %dot_general3A_39 {dimension_numbers = #tpu.dot_dimension_numbers<[1], [0], [0], [1], [0, 0, 1, 1], [], []>, transpose_lhs_hint = false} : vector<1000x128xbf16>, vector<128x128xbf16>, vector<1000x128xf32> -> vector<1000x128xf32>
    %slice3A_41 = vector.extract_strided_slice %get3A_32 {offsets = [0, 0, 0], sizes = [1, 128, 128], strides = [1, 1, 1]} : vector<2x128x128xbf16> to vector<1x128x128xbf16>
    %squeeze3A_42 = vector.shape_cast %slice3A_41 : vector<1x128x128xbf16> to vector<128x128xbf16>
    %dot_general3A_43 = arith.constant dense<0.000000e+00> : vector<1000x128xf32>
    %dot_general3A_44 = tpu.matmul %convert_element_type3A_36, %squeeze3A_42, %dot_general3A_43 {dimension_numbers = #tpu.dot_dimension_numbers<[1], [0], [0], [1], [0, 0, 1, 1], [], []>, transpose_lhs_hint = false} : vector<1000x128xbf16>, vector<128x128xbf16>, vector<1000x128xf32> -> vector<1000x128xf32>
    %add3A_45 = arith.addf %dot_general3A_40, %dot_general3A_44 : vector<1000x128xf32>
    %slice3A_46 = vector.extract_strided_slice %get3A_32 {offsets = [1, 0, 0], sizes = [1, 128, 128], strides = [1, 1, 1]} : vector<2x128x128xbf16> to vector<1x128x128xbf16>
    %squeeze3A_47 = vector.shape_cast %slice3A_46 : vector<1x128x128xbf16> to vector<128x128xbf16>
    %dot_general3A_48 = arith.constant dense<0.000000e+00> : vector<1000x128xf32>
    %dot_general3A_49 = tpu.matmul %convert_element_type3A_33, %squeeze3A_47, %dot_general3A_48 {dimension_numbers = #tpu.dot_dimension_numbers<[1], [0], [0], [1], [0, 0, 1, 1], [], []>, transpose_lhs_hint = false} : vector<1000x128xbf16>, vector<128x128xbf16>, vector<1000x128xf32> -> vector<1000x128xf32>
    %add3A_50 = arith.addf %add3A_45, %dot_general3A_49 : vector<1000x128xf32>
    %add3A_51 = arith.addf %add3A_28, %add3A_50 : vector<1000x128xf32>
    %get3A_52 = arith.constant 0 : index
    %get3A_53 = arith.constant 0 : index
    %get3A_54 = vector.load %arg8[%get3A_52, %get3A_53] : memref<1x128xf32, #tpu.memory_space<vmem>>, vector<1x128xf32>
    %add3A_55 = vector.broadcast %get3A_54 : vector<1x128xf32> to vector<1000x128xf32>
    %add3A_56 = arith.addf %add3A_51, %add3A_55 : vector<1000x128xf32>
    %max3A = arith.constant 0.000000e+00 : f32
    %max3A_57 = vector.broadcast %max3A : f32 to vector<1000x128xf32>
    %max3A_58 = arith.maximumf %add3A_56, %max3A_57 : vector<1000x128xf32>
    %get3A_59 = arith.constant 0 : index
    %get3A_60 = arith.constant 0 : index
    %get3A_61 = arith.constant 0 : index
    %get3A_62 = vector.load %arg5[%get3A_59, %get3A_60, %get3A_61] : memref<2x128x128xbf16, #tpu.memory_space<vmem>>, vector<2x128x128xbf16>
    %convert_element_type3A_63 = arith.truncf %max3A_58 : vector<1000x128xf32> to vector<1000x128xbf16>
    %convert_element_type3A_64 = arith.extf %convert_element_type3A_63 : vector<1000x128xbf16> to vector<1000x128xf32>
    %sub3A_65 = arith.subf %max3A_58, %convert_element_type3A_64 : vector<1000x128xf32>
    %convert_element_type3A_66 = arith.truncf %sub3A_65 : vector<1000x128xf32> to vector<1000x128xbf16>
    %slice3A_67 = vector.extract_strided_slice %get3A_62 {offsets = [0, 0, 0], sizes = [1, 128, 128], strides = [1, 1, 1]} : vector<2x128x128xbf16> to vector<1x128x128xbf16>
    %squeeze3A_68 = vector.shape_cast %slice3A_67 : vector<1x128x128xbf16> to vector<128x128xbf16>
    %dot_general3A_69 = arith.constant dense<0.000000e+00> : vector<1000x128xf32>
    %dot_general3A_70 = tpu.matmul %convert_element_type3A_63, %squeeze3A_68, %dot_general3A_69 {dimension_numbers = #tpu.dot_dimension_numbers<[1], [0], [0], [1], [0, 0, 1, 1], [], []>, transpose_lhs_hint = false} : vector<1000x128xbf16>, vector<128x128xbf16>, vector<1000x128xf32> -> vector<1000x128xf32>
    %slice3A_71 = vector.extract_strided_slice %get3A_62 {offsets = [0, 0, 0], sizes = [1, 128, 128], strides = [1, 1, 1]} : vector<2x128x128xbf16> to vector<1x128x128xbf16>
    %squeeze3A_72 = vector.shape_cast %slice3A_71 : vector<1x128x128xbf16> to vector<128x128xbf16>
    %dot_general3A_73 = arith.constant dense<0.000000e+00> : vector<1000x128xf32>
    %dot_general3A_74 = tpu.matmul %convert_element_type3A_66, %squeeze3A_72, %dot_general3A_73 {dimension_numbers = #tpu.dot_dimension_numbers<[1], [0], [0], [1], [0, 0, 1, 1], [], []>, transpose_lhs_hint = false} : vector<1000x128xbf16>, vector<128x128xbf16>, vector<1000x128xf32> -> vector<1000x128xf32>
    %add3A_75 = arith.addf %dot_general3A_70, %dot_general3A_74 : vector<1000x128xf32>
    %slice3A_76 = vector.extract_strided_slice %get3A_62 {offsets = [1, 0, 0], sizes = [1, 128, 128], strides = [1, 1, 1]} : vector<2x128x128xbf16> to vector<1x128x128xbf16>
    %squeeze3A_77 = vector.shape_cast %slice3A_76 : vector<1x128x128xbf16> to vector<128x128xbf16>
    %dot_general3A_78 = arith.constant dense<0.000000e+00> : vector<1000x128xf32>
    %dot_general3A_79 = tpu.matmul %convert_element_type3A_63, %squeeze3A_77, %dot_general3A_78 {dimension_numbers = #tpu.dot_dimension_numbers<[1], [0], [0], [1], [0, 0, 1, 1], [], []>, transpose_lhs_hint = false} : vector<1000x128xbf16>, vector<128x128xbf16>, vector<1000x128xf32> -> vector<1000x128xf32>
    %add3A_80 = arith.addf %add3A_75, %dot_general3A_79 : vector<1000x128xf32>
    %get3A_81 = arith.constant 0 : index
    %get3A_82 = arith.constant 0 : index
    %get3A_83 = vector.load %arg9[%get3A_81, %get3A_82] : memref<1x128xf32, #tpu.memory_space<vmem>>, vector<1x128xf32>
    %add3A_84 = vector.broadcast %get3A_83 : vector<1x128xf32> to vector<1000x128xf32>
    %add3A_85 = arith.addf %add3A_80, %add3A_84 : vector<1000x128xf32>
    %max3A_86 = arith.constant 0.000000e+00 : f32
    %max3A_87 = vector.broadcast %max3A_86 : f32 to vector<1000x128xf32>
    %max3A_88 = arith.maximumf %add3A_85, %max3A_87 : vector<1000x128xf32>
    %get3A_89 = arith.constant 0 : index
    %get3A_90 = arith.constant 0 : index
    %get3A_91 = arith.constant 0 : index
    %get3A_92 = vector.load %arg6[%get3A_89, %get3A_90, %get3A_91] : memref<2x128x128xbf16, #tpu.memory_space<vmem>>, vector<2x128x128xbf16>
    %convert_element_type3A_93 = arith.truncf %max3A_88 : vector<1000x128xf32> to vector<1000x128xbf16>
    %convert_element_type3A_94 = arith.extf %convert_element_type3A_93 : vector<1000x128xbf16> to vector<1000x128xf32>
    %sub3A_95 = arith.subf %max3A_88, %convert_element_type3A_94 : vector<1000x128xf32>
    %convert_element_type3A_96 = arith.truncf %sub3A_95 : vector<1000x128xf32> to vector<1000x128xbf16>
    %slice3A_97 = vector.extract_strided_slice %get3A_92 {offsets = [0, 0, 0], sizes = [1, 128, 128], strides = [1, 1, 1]} : vector<2x128x128xbf16> to vector<1x128x128xbf16>
    %squeeze3A_98 = vector.shape_cast %slice3A_97 : vector<1x128x128xbf16> to vector<128x128xbf16>
    %dot_general3A_99 = arith.constant dense<0.000000e+00> : vector<1000x128xf32>
    %dot_general3A_100 = tpu.matmul %convert_element_type3A_93, %squeeze3A_98, %dot_general3A_99 {dimension_numbers = #tpu.dot_dimension_numbers<[1], [0], [0], [1], [0, 0, 1, 1], [], []>, transpose_lhs_hint = false} : vector<1000x128xbf16>, vector<128x128xbf16>, vector<1000x128xf32> -> vector<1000x128xf32>
    %slice3A_101 = vector.extract_strided_slice %get3A_92 {offsets = [0, 0, 0], sizes = [1, 128, 128], strides = [1, 1, 1]} : vector<2x128x128xbf16> to vector<1x128x128xbf16>
    %squeeze3A_102 = vector.shape_cast %slice3A_101 : vector<1x128x128xbf16> to vector<128x128xbf16>
    %dot_general3A_103 = arith.constant dense<0.000000e+00> : vector<1000x128xf32>
    %dot_general3A_104 = tpu.matmul %convert_element_type3A_96, %squeeze3A_102, %dot_general3A_103 {dimension_numbers = #tpu.dot_dimension_numbers<[1], [0], [0], [1], [0, 0, 1, 1], [], []>, transpose_lhs_hint = false} : vector<1000x128xbf16>, vector<128x128xbf16>, vector<1000x128xf32> -> vector<1000x128xf32>
    %add3A_105 = arith.addf %dot_general3A_100, %dot_general3A_104 : vector<1000x128xf32>
    %slice3A_106 = vector.extract_strided_slice %get3A_92 {offsets = [1, 0, 0], sizes = [1, 128, 128], strides = [1, 1, 1]} : vector<2x128x128xbf16> to vector<1x128x128xbf16>
    %squeeze3A_107 = vector.shape_cast %slice3A_106 : vector<1x128x128xbf16> to vector<128x128xbf16>
    %dot_general3A_108 = arith.constant dense<0.000000e+00> : vector<1000x128xf32>
    %dot_general3A_109 = tpu.matmul %convert_element_type3A_93, %squeeze3A_107, %dot_general3A_108 {dimension_numbers = #tpu.dot_dimension_numbers<[1], [0], [0], [1], [0, 0, 1, 1], [], []>, transpose_lhs_hint = false} : vector<1000x128xbf16>, vector<128x128xbf16>, vector<1000x128xf32> -> vector<1000x128xf32>
    %add3A_110 = arith.addf %add3A_105, %dot_general3A_109 : vector<1000x128xf32>
    %get3A_111 = arith.constant 0 : index
    %get3A_112 = arith.constant 0 : index
    %get3A_113 = vector.load %arg10[%get3A_111, %get3A_112] : memref<1x128xf32, #tpu.memory_space<vmem>>, vector<1x128xf32>
    %add3A_114 = vector.broadcast %get3A_113 : vector<1x128xf32> to vector<1000x128xf32>
    %add3A_115 = arith.addf %add3A_110, %add3A_114 : vector<1000x128xf32>
    %max3A_116 = arith.constant 0.000000e+00 : f32
    %max3A_117 = vector.broadcast %max3A_116 : f32 to vector<1000x128xf32>
    %max3A_118 = arith.maximumf %add3A_115, %max3A_117 : vector<1000x128xf32>
    %get3A_119 = arith.constant 0 : index
    %get3A_120 = arith.constant 0 : index
    %get3A_121 = arith.constant 0 : index
    %get3A_122 = vector.load %arg7[%get3A_119, %get3A_120, %get3A_121] : memref<2x128x128xbf16, #tpu.memory_space<vmem>>, vector<2x128x128xbf16>
    %convert_element_type3A_123 = arith.truncf %max3A_118 : vector<1000x128xf32> to vector<1000x128xbf16>
    %convert_element_type3A_124 = arith.extf %convert_element_type3A_123 : vector<1000x128xbf16> to vector<1000x128xf32>
    %sub3A_125 = arith.subf %max3A_118, %convert_element_type3A_124 : vector<1000x128xf32>
    %convert_element_type3A_126 = arith.truncf %sub3A_125 : vector<1000x128xf32> to vector<1000x128xbf16>
    %slice3A_127 = vector.extract_strided_slice %get3A_122 {offsets = [0, 0, 0], sizes = [1, 128, 128], strides = [1, 1, 1]} : vector<2x128x128xbf16> to vector<1x128x128xbf16>
    %squeeze3A_128 = vector.shape_cast %slice3A_127 : vector<1x128x128xbf16> to vector<128x128xbf16>
    %dot_general3A_129 = arith.constant dense<0.000000e+00> : vector<1000x128xf32>
    %dot_general3A_130 = tpu.matmul %convert_element_type3A_123, %squeeze3A_128, %dot_general3A_129 {dimension_numbers = #tpu.dot_dimension_numbers<[1], [0], [0], [1], [0, 0, 1, 1], [], []>, transpose_lhs_hint = false} : vector<1000x128xbf16>, vector<128x128xbf16>, vector<1000x128xf32> -> vector<1000x128xf32>
    %slice3A_131 = vector.extract_strided_slice %get3A_122 {offsets = [0, 0, 0], sizes = [1, 128, 128], strides = [1, 1, 1]} : vector<2x128x128xbf16> to vector<1x128x128xbf16>
    %squeeze3A_132 = vector.shape_cast %slice3A_131 : vector<1x128x128xbf16> to vector<128x128xbf16>
    %dot_general3A_133 = arith.constant dense<0.000000e+00> : vector<1000x128xf32>
    %dot_general3A_134 = tpu.matmul %convert_element_type3A_126, %squeeze3A_132, %dot_general3A_133 {dimension_numbers = #tpu.dot_dimension_numbers<[1], [0], [0], [1], [0, 0, 1, 1], [], []>, transpose_lhs_hint = false} : vector<1000x128xbf16>, vector<128x128xbf16>, vector<1000x128xf32> -> vector<1000x128xf32>
    %add3A_135 = arith.addf %dot_general3A_130, %dot_general3A_134 : vector<1000x128xf32>
    %slice3A_136 = vector.extract_strided_slice %get3A_122 {offsets = [1, 0, 0], sizes = [1, 128, 128], strides = [1, 1, 1]} : vector<2x128x128xbf16> to vector<1x128x128xbf16>
    %squeeze3A_137 = vector.shape_cast %slice3A_136 : vector<1x128x128xbf16> to vector<128x128xbf16>
    %dot_general3A_138 = arith.constant dense<0.000000e+00> : vector<1000x128xf32>
    %dot_general3A_139 = tpu.matmul %convert_element_type3A_123, %squeeze3A_137, %dot_general3A_138 {dimension_numbers = #tpu.dot_dimension_numbers<[1], [0], [0], [1], [0, 0, 1, 1], [], []>, transpose_lhs_hint = false} : vector<1000x128xbf16>, vector<128x128xbf16>, vector<1000x128xf32> -> vector<1000x128xf32>
    %add3A_140 = arith.addf %add3A_135, %dot_general3A_139 : vector<1000x128xf32>
    %get3A_141 = arith.constant 0 : index
    %get3A_142 = arith.constant 0 : index
    %get3A_143 = vector.load %arg11[%get3A_141, %get3A_142] : memref<1x128xf32, #tpu.memory_space<vmem>>, vector<1x128xf32>
    %add3A_144 = vector.broadcast %get3A_143 : vector<1x128xf32> to vector<1000x128xf32>
    %add3A_145 = arith.addf %add3A_140, %add3A_144 : vector<1000x128xf32>
    %get3A_146 = arith.constant 0 : index
    %get3A_147 = arith.constant 0 : index
    %get3A_148 = vector.load %arg12[%get3A_146, %get3A_147] : memref<1x128xf32, #tpu.memory_space<vmem>>, vector<1x128xf32>
    %get3A_149 = arith.constant 0 : index
    %get3A_150 = arith.constant 0 : index
    %get3A_151 = vector.load %arg13[%get3A_149, %get3A_150] : memref<1x128xf32, #tpu.memory_space<vmem>>, vector<1x128xf32>
    %reduce_sum3A = arith.constant dense<0.000000e+00> : vector<1000xf32>
    %reduce_sum3A_152 = vector.multi_reduction <add>, %add3A_145, %reduce_sum3A [1] : vector<1000x128xf32> to vector<1000xf32>
    %broadcast_in_dim3A = vector.shape_cast %reduce_sum3A_152 : vector<1000xf32> to vector<1000x1xf32>
    %div3A = arith.constant 1.280000e+02 : f32
    %div3A_153 = vector.broadcast %div3A : f32 to vector<1000x1xf32>
    %div3A_154 = arith.divf %broadcast_in_dim3A, %div3A_153 : vector<1000x1xf32>
    %jit3A = arith.constant 0 : i32
    %reduce_sum3A_155 = arith.constant dense<0.000000e+00> : vector<1000xf32>
    %reduce_sum3A_156 = vector.multi_reduction <add>, %add3A_145, %reduce_sum3A_155 [1] : vector<1000x128xf32> to vector<1000xf32>
    %broadcast_in_dim3A_157 = vector.shape_cast %reduce_sum3A_156 : vector<1000xf32> to vector<1000x1xf32>
    %div3A_158 = arith.constant 1.280000e+02 : f32
    %div3A_159 = vector.broadcast %div3A_158 : f32 to vector<1000x1xf32>
    %div3A_160 = arith.divf %broadcast_in_dim3A_157, %div3A_159 : vector<1000x1xf32>
    %sub3A_161 = vector.broadcast %div3A_160 : vector<1000x1xf32> to vector<1000x128xf32>
    %sub3A_162 = arith.subf %add3A_145, %sub3A_161 : vector<1000x128xf32>
    %square3A = arith.mulf %sub3A_162, %sub3A_162 : vector<1000x128xf32>
    %convert_element_type3A_163 = arith.sitofp %jit3A : i32 to f32
    %sub3A_164 = arith.constant 1.280000e+02 : f32
    %sub3A_165 = arith.subf %sub3A_164, %convert_element_type3A_163 : f32
    %reduce_sum3A_166 = arith.constant dense<0.000000e+00> : vector<1000xf32>
    %reduce_sum3A_167 = vector.multi_reduction <add>, %square3A, %reduce_sum3A_166 [1] : vector<1000x128xf32> to vector<1000xf32>
    %broadcast_in_dim3A_168 = vector.shape_cast %reduce_sum3A_167 : vector<1000xf32> to vector<1000x1xf32>
    %div3A_169 = vector.broadcast %sub3A_165 : f32 to vector<1000x1xf32>
    %div3A_170 = arith.divf %broadcast_in_dim3A_168, %div3A_169 : vector<1000x1xf32>
    %gt3A = arith.constant 0.000000e+00 : f32
    %gt3A_171 = arith.cmpf ogt, %sub3A_165, %gt3A : f32
    %jit3A_172 = arith.constant 0x7FC00000 : f32
    %broadcast_in_dim3A_173 = vector.broadcast %jit3A_172 : f32 to vector<1000x1xf32>
    %select_n3A = arith.select %gt3A_171, %div3A_170, %broadcast_in_dim3A_173 : vector<1000x1xf32>
    %sub3A_174 = vector.broadcast %div3A_154 : vector<1000x1xf32> to vector<1000x128xf32>
    %sub3A_175 = arith.subf %add3A_145, %sub3A_174 : vector<1000x128xf32>
    %add3A_176 = arith.constant 9.99999974E-6 : f32
    %add3A_177 = vector.broadcast %add3A_176 : f32 to vector<1000x1xf32>
    %add3A_178 = arith.addf %select_n3A, %add3A_177 : vector<1000x1xf32>
    %sqrt3A = math.sqrt %add3A_178 : vector<1000x1xf32>
    %div3A_179 = vector.broadcast %sqrt3A : vector<1000x1xf32> to vector<1000x128xf32>
    %div3A_180 = arith.divf %sub3A_175, %div3A_179 : vector<1000x128xf32>
    %mul3A = vector.broadcast %get3A_148 : vector<1x128xf32> to vector<1000x128xf32>
    %mul3A_181 = arith.mulf %div3A_180, %mul3A : vector<1000x128xf32>
    %add3A_182 = vector.broadcast %get3A_151 : vector<1x128xf32> to vector<1000x128xf32>
    %add3A_183 = arith.addf %mul3A_181, %add3A_182 : vector<1000x128xf32>
    %swap3A = arith.constant 0 : index
    %swap3A_184 = arith.constant 0 : index
    %swap3A_185 = vector.load %arg14[%swap3A, %swap3A_184] : memref<1000x128xf32, #tpu.memory_space<vmem>>, vector<1000x128xf32>
    tpu.vector_store %arg14[%swap3A, %swap3A_184], %add3A_183 {strides = array<i32>} : memref<1000x128xf32, #tpu.memory_space<vmem>>, vector<1000x128xf32>,
    return
  }
  func.func @transform_0(%arg0: i32) -> (i32, i32) {
    %c0_i32 = arith.constant 0 : i32
    %c0_i32_0 = arith.constant 0 : i32
    return %arg0, %c0_i32 : i32, i32
  }
  func.func @transform_1(%arg0: i32) -> (i32, i32, i32) {
    %c0_i32 = arith.constant 0 : i32
    %c0_i32_0 = arith.constant 0 : i32
    %c0_i32_1 = arith.constant 0 : i32
    return %c0_i32, %arg0, %c0_i32_0 : i32, i32, i32
  }
  func.func @transform_2(%arg0: i32) -> (i32, i32, i32) {
    %c0_i32 = arith.constant 0 : i32
    %c0_i32_0 = arith.constant 0 : i32
    %c0_i32_1 = arith.constant 0 : i32
    %c0_i32_2 = arith.constant 0 : i32
    return %c0_i32, %c0_i32_0, %c0_i32_1 : i32, i32, i32
  }
  func.func @transform_3(%arg0: i32) -> (i32, i32, i32) {
    %c0_i32 = arith.constant 0 : i32
    %c0_i32_0 = arith.constant 0 : i32
    %c0_i32_1 = arith.constant 0 : i32
    %c0_i32_2 = arith.constant 0 : i32
    return %c0_i32, %c0_i32_0, %c0_i32_1 : i32, i32, i32
  }
  func.func @transform_4(%arg0: i32) -> (i32, i32, i32) {
    %c0_i32 = arith.constant 0 : i32
    %c0_i32_0 = arith.constant 0 : i32
    %c0_i32_1 = arith.constant 0 : i32
    %c0_i32_2 = arith.constant 0 : i32
    return %c0_i32, %c0_i32_0, %c0_i32_1 : i32, i32, i32
  }
  func.func @transform_5(%arg0: i32) -> (i32, i32, i32) {
    %c0_i32 = arith.constant 0 : i32
    %c0_i32_0 = arith.constant 0 : i32
    %c0_i32_1 = arith.constant 0 : i32
    %c0_i32_2 = arith.constant 0 : i32
    return %c0_i32, %c0_i32_0, %c0_i32_1 : i32, i32, i32
  }
  func.func @transform_6(%arg0: i32) -> (i32, i32, i32) {
    %c0_i32 = arith.constant 0 : i32
    %c0_i32_0 = arith.constant 0 : i32
    %c0_i32_1 = arith.constant 0 : i32
    %c0_i32_2 = arith.constant 0 : i32
    return %c0_i32, %c0_i32_0, %c0_i32_1 : i32, i32, i32
  }
  func.func @transform_7(%arg0: i32) -> (i32, i32) {
    %c0_i32 = arith.constant 0 : i32
    %c0_i32_0 = arith.constant 0 : i32
    %c0_i32_1 = arith.constant 0 : i32
    return %c0_i32, %c0_i32_0 : i32, i32
  }
  func.func @transform_8(%arg0: i32) -> (i32, i32) {
    %c0_i32 = arith.constant 0 : i32
    %c0_i32_0 = arith.constant 0 : i32
    %c0_i32_1 = arith.constant 0 : i32
    return %c0_i32, %c0_i32_0 : i32, i32
  }
  func.func @transform_9(%arg0: i32) -> (i32, i32) {
    %c0_i32 = arith.constant 0 : i32
    %c0_i32_0 = arith.constant 0 : i32
    %c0_i32_1 = arith.constant 0 : i32
    return %c0_i32, %c0_i32_0 : i32, i32
  }
  func.func @transform_10(%arg0: i32) -> (i32, i32) {
    %c0_i32 = arith.constant 0 : i32
    %c0_i32_0 = arith.constant 0 : i32
    %c0_i32_1 = arith.constant 0 : i32
    return %c0_i32, %c0_i32_0 : i32, i32
  }
  func.func @transform_11(%arg0: i32) -> (i32, i32) {
    %c0_i32 = arith.constant 0 : i32
    %c0_i32_0 = arith.constant 0 : i32
    %c0_i32_1 = arith.constant 0 : i32
    return %c0_i32, %c0_i32_0 : i32, i32
  }
  func.func @transform_12(%arg0: i32) -> (i32, i32) {
    %c0_i32 = arith.constant 0 : i32
    %c0_i32_0 = arith.constant 0 : i32
    %c0_i32_1 = arith.constant 0 : i32
    return %c0_i32, %c0_i32_0 : i32, i32
  }
  func.func @transform_13(%arg0: i32) -> (i32, i32) {
    %c0_i32 = arith.constant 0 : i32
    %c0_i32_0 = arith.constant 0 : i32
    return %arg0, %c0_i32 : i32, i32
  }
}

module attributes {stable_mosaic.version = 14 : i64} {
  func.func @_dec_tc_body(%arg0: i32, %arg1: memref<1000x128xf32, #tpu.memory_space<vmem>>, %arg2: memref<2x128x128xbf16, #tpu.memory_space<vmem>>, %arg3: memref<2x128x128xbf16, #tpu.memory_space<vmem>>, %arg4: memref<2x128x128xbf16, #tpu.memory_space<vmem>>, %arg5: memref<2x128x128xbf16, #tpu.memory_space<vmem>>, %arg6: memref<1x128xf32, #tpu.memory_space<vmem>>, %arg7: memref<1x128xf32, #tpu.memory_space<vmem>>, %arg8: memref<1x128xf32, #tpu.memory_space<vmem>>, %arg9: memref<1x128xf32, #tpu.memory_space<vmem>>, %arg10: memref<1000x128xf32, #tpu.memory_space<vmem>>) attributes {dimension_semantics = [#tpu.dimension_semantics<arbitrary>], iteration_bounds = array<i64: 10>, scalar_prefetch = 0 : i64, scratch_operands = 0 : i64, tpu.core_type = #tpu.core_type<tc>, window_params = [{transform_indices = @transform_0, window_bounds = array<i64: 1000, 128>}, {pipeline_mode = #tpu.pipeline_mode<synchronous>, transform_indices = @transform_1, window_bounds = array<i64: 2, 128, 128>}, {pipeline_mode = #tpu.pipeline_mode<synchronous>, transform_indices = @transform_2, window_bounds = array<i64: 2, 128, 128>}, {pipeline_mode = #tpu.pipeline_mode<synchronous>, transform_indices = @transform_3, window_bounds = array<i64: 2, 128, 128>}, {pipeline_mode = #tpu.pipeline_mode<synchronous>, transform_indices = @transform_4, window_bounds = array<i64: 2, 128, 128>}, {pipeline_mode = #tpu.pipeline_mode<synchronous>, transform_indices = @transform_5, window_bounds = array<i64: 1, 128>}, {pipeline_mode = #tpu.pipeline_mode<synchronous>, transform_indices = @transform_6, window_bounds = array<i64: 1, 128>}, {pipeline_mode = #tpu.pipeline_mode<synchronous>, transform_indices = @transform_7, window_bounds = array<i64: 1, 128>}, {pipeline_mode = #tpu.pipeline_mode<synchronous>, transform_indices = @transform_8, window_bounds = array<i64: 1, 128>}, {transform_indices = @transform_9, window_bounds = array<i64: 1000, 128>}]} {
    %get3A = arith.constant 0 : index
    %get3A_0 = arith.constant 0 : index
    %get3A_1 = vector.load %arg1[%get3A, %get3A_0] : memref<1000x128xf32, #tpu.memory_space<vmem>>, vector<1000x128xf32>
    %get3A_2 = arith.constant 0 : index
    %get3A_3 = arith.constant 0 : index
    %get3A_4 = arith.constant 0 : index
    %get3A_5 = vector.load %arg2[%get3A_2, %get3A_3, %get3A_4] : memref<2x128x128xbf16, #tpu.memory_space<vmem>>, vector<2x128x128xbf16>
    %convert_element_type3A = arith.truncf %get3A_1 : vector<1000x128xf32> to vector<1000x128xbf16>
    %convert_element_type3A_6 = arith.extf %convert_element_type3A : vector<1000x128xbf16> to vector<1000x128xf32>
    %sub3A = arith.subf %get3A_1, %convert_element_type3A_6 : vector<1000x128xf32>
    %convert_element_type3A_7 = arith.truncf %sub3A : vector<1000x128xf32> to vector<1000x128xbf16>
    %slice3A = vector.extract_strided_slice %get3A_5 {offsets = [0, 0, 0], sizes = [1, 128, 128], strides = [1, 1, 1]} : vector<2x128x128xbf16> to vector<1x128x128xbf16>
    %squeeze3A = vector.shape_cast %slice3A : vector<1x128x128xbf16> to vector<128x128xbf16>
    %dot_general3A = arith.constant dense<0.000000e+00> : vector<1000x128xf32>
    %dot_general3A_8 = tpu.matmul %convert_element_type3A, %squeeze3A, %dot_general3A {dimension_numbers = #tpu.dot_dimension_numbers<[1], [0], [0], [1], [0, 0, 1, 1], [], []>, transpose_lhs_hint = false} : vector<1000x128xbf16>, vector<128x128xbf16>, vector<1000x128xf32> -> vector<1000x128xf32>
    %slice3A_9 = vector.extract_strided_slice %get3A_5 {offsets = [0, 0, 0], sizes = [1, 128, 128], strides = [1, 1, 1]} : vector<2x128x128xbf16> to vector<1x128x128xbf16>
    %squeeze3A_10 = vector.shape_cast %slice3A_9 : vector<1x128x128xbf16> to vector<128x128xbf16>
    %dot_general3A_11 = arith.constant dense<0.000000e+00> : vector<1000x128xf32>
    %dot_general3A_12 = tpu.matmul %convert_element_type3A_7, %squeeze3A_10, %dot_general3A_11 {dimension_numbers = #tpu.dot_dimension_numbers<[1], [0], [0], [1], [0, 0, 1, 1], [], []>, transpose_lhs_hint = false} : vector<1000x128xbf16>, vector<128x128xbf16>, vector<1000x128xf32> -> vector<1000x128xf32>
    %add3A = arith.addf %dot_general3A_8, %dot_general3A_12 : vector<1000x128xf32>
    %slice3A_13 = vector.extract_strided_slice %get3A_5 {offsets = [1, 0, 0], sizes = [1, 128, 128], strides = [1, 1, 1]} : vector<2x128x128xbf16> to vector<1x128x128xbf16>
    %squeeze3A_14 = vector.shape_cast %slice3A_13 : vector<1x128x128xbf16> to vector<128x128xbf16>
    %dot_general3A_15 = arith.constant dense<0.000000e+00> : vector<1000x128xf32>
    %dot_general3A_16 = tpu.matmul %convert_element_type3A, %squeeze3A_14, %dot_general3A_15 {dimension_numbers = #tpu.dot_dimension_numbers<[1], [0], [0], [1], [0, 0, 1, 1], [], []>, transpose_lhs_hint = false} : vector<1000x128xbf16>, vector<128x128xbf16>, vector<1000x128xf32> -> vector<1000x128xf32>
    %add3A_17 = arith.addf %add3A, %dot_general3A_16 : vector<1000x128xf32>
    %get3A_18 = arith.constant 0 : index
    %get3A_19 = arith.constant 0 : index
    %get3A_20 = vector.load %arg6[%get3A_18, %get3A_19] : memref<1x128xf32, #tpu.memory_space<vmem>>, vector<1x128xf32>
    %add3A_21 = vector.broadcast %get3A_20 : vector<1x128xf32> to vector<1000x128xf32>
    %add3A_22 = arith.addf %add3A_17, %add3A_21 : vector<1000x128xf32>
    %max3A = arith.constant 0.000000e+00 : f32
    %max3A_23 = vector.broadcast %max3A : f32 to vector<1000x128xf32>
    %max3A_24 = arith.maximumf %add3A_22, %max3A_23 : vector<1000x128xf32>
    %get3A_25 = arith.constant 0 : index
    %get3A_26 = arith.constant 0 : index
    %get3A_27 = arith.constant 0 : index
    %get3A_28 = vector.load %arg3[%get3A_25, %get3A_26, %get3A_27] : memref<2x128x128xbf16, #tpu.memory_space<vmem>>, vector<2x128x128xbf16>
    %convert_element_type3A_29 = arith.truncf %max3A_24 : vector<1000x128xf32> to vector<1000x128xbf16>
    %convert_element_type3A_30 = arith.extf %convert_element_type3A_29 : vector<1000x128xbf16> to vector<1000x128xf32>
    %sub3A_31 = arith.subf %max3A_24, %convert_element_type3A_30 : vector<1000x128xf32>
    %convert_element_type3A_32 = arith.truncf %sub3A_31 : vector<1000x128xf32> to vector<1000x128xbf16>
    %slice3A_33 = vector.extract_strided_slice %get3A_28 {offsets = [0, 0, 0], sizes = [1, 128, 128], strides = [1, 1, 1]} : vector<2x128x128xbf16> to vector<1x128x128xbf16>
    %squeeze3A_34 = vector.shape_cast %slice3A_33 : vector<1x128x128xbf16> to vector<128x128xbf16>
    %dot_general3A_35 = arith.constant dense<0.000000e+00> : vector<1000x128xf32>
    %dot_general3A_36 = tpu.matmul %convert_element_type3A_29, %squeeze3A_34, %dot_general3A_35 {dimension_numbers = #tpu.dot_dimension_numbers<[1], [0], [0], [1], [0, 0, 1, 1], [], []>, transpose_lhs_hint = false} : vector<1000x128xbf16>, vector<128x128xbf16>, vector<1000x128xf32> -> vector<1000x128xf32>
    %slice3A_37 = vector.extract_strided_slice %get3A_28 {offsets = [0, 0, 0], sizes = [1, 128, 128], strides = [1, 1, 1]} : vector<2x128x128xbf16> to vector<1x128x128xbf16>
    %squeeze3A_38 = vector.shape_cast %slice3A_37 : vector<1x128x128xbf16> to vector<128x128xbf16>
    %dot_general3A_39 = arith.constant dense<0.000000e+00> : vector<1000x128xf32>
    %dot_general3A_40 = tpu.matmul %convert_element_type3A_32, %squeeze3A_38, %dot_general3A_39 {dimension_numbers = #tpu.dot_dimension_numbers<[1], [0], [0], [1], [0, 0, 1, 1], [], []>, transpose_lhs_hint = false} : vector<1000x128xbf16>, vector<128x128xbf16>, vector<1000x128xf32> -> vector<1000x128xf32>
    %add3A_41 = arith.addf %dot_general3A_36, %dot_general3A_40 : vector<1000x128xf32>
    %slice3A_42 = vector.extract_strided_slice %get3A_28 {offsets = [1, 0, 0], sizes = [1, 128, 128], strides = [1, 1, 1]} : vector<2x128x128xbf16> to vector<1x128x128xbf16>
    %squeeze3A_43 = vector.shape_cast %slice3A_42 : vector<1x128x128xbf16> to vector<128x128xbf16>
    %dot_general3A_44 = arith.constant dense<0.000000e+00> : vector<1000x128xf32>
    %dot_general3A_45 = tpu.matmul %convert_element_type3A_29, %squeeze3A_43, %dot_general3A_44 {dimension_numbers = #tpu.dot_dimension_numbers<[1], [0], [0], [1], [0, 0, 1, 1], [], []>, transpose_lhs_hint = false} : vector<1000x128xbf16>, vector<128x128xbf16>, vector<1000x128xf32> -> vector<1000x128xf32>
    %add3A_46 = arith.addf %add3A_41, %dot_general3A_45 : vector<1000x128xf32>
    %get3A_47 = arith.constant 0 : index
    %get3A_48 = arith.constant 0 : index
    %get3A_49 = vector.load %arg7[%get3A_47, %get3A_48] : memref<1x128xf32, #tpu.memory_space<vmem>>, vector<1x128xf32>
    %add3A_50 = vector.broadcast %get3A_49 : vector<1x128xf32> to vector<1000x128xf32>
    %add3A_51 = arith.addf %add3A_46, %add3A_50 : vector<1000x128xf32>
    %max3A_52 = arith.constant 0.000000e+00 : f32
    %max3A_53 = vector.broadcast %max3A_52 : f32 to vector<1000x128xf32>
    %max3A_54 = arith.maximumf %add3A_51, %max3A_53 : vector<1000x128xf32>
    %get3A_55 = arith.constant 0 : index
    %get3A_56 = arith.constant 0 : index
    %get3A_57 = arith.constant 0 : index
    %get3A_58 = vector.load %arg4[%get3A_55, %get3A_56, %get3A_57] : memref<2x128x128xbf16, #tpu.memory_space<vmem>>, vector<2x128x128xbf16>
    %convert_element_type3A_59 = arith.truncf %max3A_54 : vector<1000x128xf32> to vector<1000x128xbf16>
    %convert_element_type3A_60 = arith.extf %convert_element_type3A_59 : vector<1000x128xbf16> to vector<1000x128xf32>
    %sub3A_61 = arith.subf %max3A_54, %convert_element_type3A_60 : vector<1000x128xf32>
    %convert_element_type3A_62 = arith.truncf %sub3A_61 : vector<1000x128xf32> to vector<1000x128xbf16>
    %slice3A_63 = vector.extract_strided_slice %get3A_58 {offsets = [0, 0, 0], sizes = [1, 128, 128], strides = [1, 1, 1]} : vector<2x128x128xbf16> to vector<1x128x128xbf16>
    %squeeze3A_64 = vector.shape_cast %slice3A_63 : vector<1x128x128xbf16> to vector<128x128xbf16>
    %dot_general3A_65 = arith.constant dense<0.000000e+00> : vector<1000x128xf32>
    %dot_general3A_66 = tpu.matmul %convert_element_type3A_59, %squeeze3A_64, %dot_general3A_65 {dimension_numbers = #tpu.dot_dimension_numbers<[1], [0], [0], [1], [0, 0, 1, 1], [], []>, transpose_lhs_hint = false} : vector<1000x128xbf16>, vector<128x128xbf16>, vector<1000x128xf32> -> vector<1000x128xf32>
    %slice3A_67 = vector.extract_strided_slice %get3A_58 {offsets = [0, 0, 0], sizes = [1, 128, 128], strides = [1, 1, 1]} : vector<2x128x128xbf16> to vector<1x128x128xbf16>
    %squeeze3A_68 = vector.shape_cast %slice3A_67 : vector<1x128x128xbf16> to vector<128x128xbf16>
    %dot_general3A_69 = arith.constant dense<0.000000e+00> : vector<1000x128xf32>
    %dot_general3A_70 = tpu.matmul %convert_element_type3A_62, %squeeze3A_68, %dot_general3A_69 {dimension_numbers = #tpu.dot_dimension_numbers<[1], [0], [0], [1], [0, 0, 1, 1], [], []>, transpose_lhs_hint = false} : vector<1000x128xbf16>, vector<128x128xbf16>, vector<1000x128xf32> -> vector<1000x128xf32>
    %add3A_71 = arith.addf %dot_general3A_66, %dot_general3A_70 : vector<1000x128xf32>
    %slice3A_72 = vector.extract_strided_slice %get3A_58 {offsets = [1, 0, 0], sizes = [1, 128, 128], strides = [1, 1, 1]} : vector<2x128x128xbf16> to vector<1x128x128xbf16>
    %squeeze3A_73 = vector.shape_cast %slice3A_72 : vector<1x128x128xbf16> to vector<128x128xbf16>
    %dot_general3A_74 = arith.constant dense<0.000000e+00> : vector<1000x128xf32>
    %dot_general3A_75 = tpu.matmul %convert_element_type3A_59, %squeeze3A_73, %dot_general3A_74 {dimension_numbers = #tpu.dot_dimension_numbers<[1], [0], [0], [1], [0, 0, 1, 1], [], []>, transpose_lhs_hint = false} : vector<1000x128xbf16>, vector<128x128xbf16>, vector<1000x128xf32> -> vector<1000x128xf32>
    %add3A_76 = arith.addf %add3A_71, %dot_general3A_75 : vector<1000x128xf32>
    %get3A_77 = arith.constant 0 : index
    %get3A_78 = arith.constant 0 : index
    %get3A_79 = vector.load %arg8[%get3A_77, %get3A_78] : memref<1x128xf32, #tpu.memory_space<vmem>>, vector<1x128xf32>
    %add3A_80 = vector.broadcast %get3A_79 : vector<1x128xf32> to vector<1000x128xf32>
    %add3A_81 = arith.addf %add3A_76, %add3A_80 : vector<1000x128xf32>
    %max3A_82 = arith.constant 0.000000e+00 : f32
    %max3A_83 = vector.broadcast %max3A_82 : f32 to vector<1000x128xf32>
    %max3A_84 = arith.maximumf %add3A_81, %max3A_83 : vector<1000x128xf32>
    %get3A_85 = arith.constant 0 : index
    %get3A_86 = arith.constant 0 : index
    %get3A_87 = arith.constant 0 : index
    %get3A_88 = vector.load %arg5[%get3A_85, %get3A_86, %get3A_87] : memref<2x128x128xbf16, #tpu.memory_space<vmem>>, vector<2x128x128xbf16>
    %convert_element_type3A_89 = arith.truncf %max3A_84 : vector<1000x128xf32> to vector<1000x128xbf16>
    %convert_element_type3A_90 = arith.extf %convert_element_type3A_89 : vector<1000x128xbf16> to vector<1000x128xf32>
    %sub3A_91 = arith.subf %max3A_84, %convert_element_type3A_90 : vector<1000x128xf32>
    %convert_element_type3A_92 = arith.truncf %sub3A_91 : vector<1000x128xf32> to vector<1000x128xbf16>
    %slice3A_93 = vector.extract_strided_slice %get3A_88 {offsets = [0, 0, 0], sizes = [1, 128, 128], strides = [1, 1, 1]} : vector<2x128x128xbf16> to vector<1x128x128xbf16>
    %squeeze3A_94 = vector.shape_cast %slice3A_93 : vector<1x128x128xbf16> to vector<128x128xbf16>
    %dot_general3A_95 = arith.constant dense<0.000000e+00> : vector<1000x128xf32>
    %dot_general3A_96 = tpu.matmul %convert_element_type3A_89, %squeeze3A_94, %dot_general3A_95 {dimension_numbers = #tpu.dot_dimension_numbers<[1], [0], [0], [1], [0, 0, 1, 1], [], []>, transpose_lhs_hint = false} : vector<1000x128xbf16>, vector<128x128xbf16>, vector<1000x128xf32> -> vector<1000x128xf32>
    %slice3A_97 = vector.extract_strided_slice %get3A_88 {offsets = [0, 0, 0], sizes = [1, 128, 128], strides = [1, 1, 1]} : vector<2x128x128xbf16> to vector<1x128x128xbf16>
    %squeeze3A_98 = vector.shape_cast %slice3A_97 : vector<1x128x128xbf16> to vector<128x128xbf16>
    %dot_general3A_99 = arith.constant dense<0.000000e+00> : vector<1000x128xf32>
    %dot_general3A_100 = tpu.matmul %convert_element_type3A_92, %squeeze3A_98, %dot_general3A_99 {dimension_numbers = #tpu.dot_dimension_numbers<[1], [0], [0], [1], [0, 0, 1, 1], [], []>, transpose_lhs_hint = false} : vector<1000x128xbf16>, vector<128x128xbf16>, vector<1000x128xf32> -> vector<1000x128xf32>
    %add3A_101 = arith.addf %dot_general3A_96, %dot_general3A_100 : vector<1000x128xf32>
    %slice3A_102 = vector.extract_strided_slice %get3A_88 {offsets = [1, 0, 0], sizes = [1, 128, 128], strides = [1, 1, 1]} : vector<2x128x128xbf16> to vector<1x128x128xbf16>
    %squeeze3A_103 = vector.shape_cast %slice3A_102 : vector<1x128x128xbf16> to vector<128x128xbf16>
    %dot_general3A_104 = arith.constant dense<0.000000e+00> : vector<1000x128xf32>
    %dot_general3A_105 = tpu.matmul %convert_element_type3A_89, %squeeze3A_103, %dot_general3A_104 {dimension_numbers = #tpu.dot_dimension_numbers<[1], [0], [0], [1], [0, 0, 1, 1], [], []>, transpose_lhs_hint = false} : vector<1000x128xbf16>, vector<128x128xbf16>, vector<1000x128xf32> -> vector<1000x128xf32>
    %add3A_106 = arith.addf %add3A_101, %dot_general3A_105 : vector<1000x128xf32>
    %get3A_107 = arith.constant 0 : index
    %get3A_108 = arith.constant 0 : index
    %get3A_109 = vector.load %arg9[%get3A_107, %get3A_108] : memref<1x128xf32, #tpu.memory_space<vmem>>, vector<1x128xf32>
    %add3A_110 = vector.broadcast %get3A_109 : vector<1x128xf32> to vector<1000x128xf32>
    %add3A_111 = arith.addf %add3A_106, %add3A_110 : vector<1000x128xf32>
    %swap3A = arith.constant 0 : index
    %swap3A_112 = arith.constant 0 : index
    %swap3A_113 = vector.load %arg10[%swap3A, %swap3A_112] : memref<1000x128xf32, #tpu.memory_space<vmem>>, vector<1000x128xf32>
    tpu.vector_store %arg10[%swap3A, %swap3A_112], %add3A_111 {strides = array<i32>} : memref<1000x128xf32, #tpu.memory_space<vmem>>, vector<1000x128xf32>,
    return
  }
  func.func @transform_0(%arg0: i32) -> (i32, i32) {
    %c0_i32 = arith.constant 0 : i32
    %c0_i32_0 = arith.constant 0 : i32
    return %arg0, %c0_i32 : i32, i32
  }
  func.func @transform_1(%arg0: i32) -> (i32, i32, i32) {
    %c0_i32 = arith.constant 0 : i32
    %c0_i32_0 = arith.constant 0 : i32
    %c0_i32_1 = arith.constant 0 : i32
    %c0_i32_2 = arith.constant 0 : i32
    return %c0_i32, %c0_i32_0, %c0_i32_1 : i32, i32, i32
  }
  func.func @transform_2(%arg0: i32) -> (i32, i32, i32) {
    %c0_i32 = arith.constant 0 : i32
    %c0_i32_0 = arith.constant 0 : i32
    %c0_i32_1 = arith.constant 0 : i32
    %c0_i32_2 = arith.constant 0 : i32
    return %c0_i32, %c0_i32_0, %c0_i32_1 : i32, i32, i32
  }
  func.func @transform_3(%arg0: i32) -> (i32, i32, i32) {
    %c0_i32 = arith.constant 0 : i32
    %c0_i32_0 = arith.constant 0 : i32
    %c0_i32_1 = arith.constant 0 : i32
    %c0_i32_2 = arith.constant 0 : i32
    return %c0_i32, %c0_i32_0, %c0_i32_1 : i32, i32, i32
  }
  func.func @transform_4(%arg0: i32) -> (i32, i32, i32) {
    %c0_i32 = arith.constant 0 : i32
    %c0_i32_0 = arith.constant 0 : i32
    %c0_i32_1 = arith.constant 0 : i32
    %c0_i32_2 = arith.constant 0 : i32
    return %c0_i32, %c0_i32_0, %c0_i32_1 : i32, i32, i32
  }
  func.func @transform_5(%arg0: i32) -> (i32, i32) {
    %c0_i32 = arith.constant 0 : i32
    %c0_i32_0 = arith.constant 0 : i32
    %c0_i32_1 = arith.constant 0 : i32
    return %c0_i32, %c0_i32_0 : i32, i32
  }
  func.func @transform_6(%arg0: i32) -> (i32, i32) {
    %c0_i32 = arith.constant 0 : i32
    %c0_i32_0 = arith.constant 0 : i32
    %c0_i32_1 = arith.constant 0 : i32
    return %c0_i32, %c0_i32_0 : i32, i32
  }
  func.func @transform_7(%arg0: i32) -> (i32, i32) {
    %c0_i32 = arith.constant 0 : i32
    %c0_i32_0 = arith.constant 0 : i32
    %c0_i32_1 = arith.constant 0 : i32
    return %c0_i32, %c0_i32_0 : i32, i32
  }
  func.func @transform_8(%arg0: i32) -> (i32, i32) {
    %c0_i32 = arith.constant 0 : i32
    %c0_i32_0 = arith.constant 0 : i32
    %c0_i32_1 = arith.constant 0 : i32
    return %c0_i32, %c0_i32_0 : i32, i32
  }
  func.func @transform_9(%arg0: i32) -> (i32, i32) {
    %c0_i32 = arith.constant 0 : i32
    %c0_i32_0 = arith.constant 0 : i32
    return %arg0, %c0_i32 : i32, i32
  }
}

</mosaic_0001>

<sc_bundles>
// kernel: kernel.14.cloned.1.call-start
scs
__scs_entry_jumppad:
0x0: {  	(pc) =	sbr.rel $0x88, $3  }
0x1: {  	(tag) =	ssettag $0x0;
	lr =	simm.s32 $0x1  }
0x2: {  	[smem:$0x3F5B] =	sst lr;
	_ =	strace $0xD0000000  }
0x3: {  	_ = 	snop  }
0x4: {  	_ = 	snop  }
0x5: {  	_ = 	snop  }
0x6: {  	_ = 	snop  }
0x7: {  	_ = 	snop  }
__scs_overlays_trampoline_lowered:
0x8: {  	[smem:$0x3F6A] =	sst s0  }
0x9: {  	[smem:$0x3F6B] =	sst s1  }
0xa: {  	[smem:$0x3F6C] =	sst s2  }
0xb: {  	[smem:$0x3F6D] =	sst s3  }
0xc: {  	[smem:$0x3F6E] =	sst s4  }
0xd: {  	[smem:$0x3F6F] =	sst s5  }
0xe: {  	[smem:$0x3F70] =	sst s6  }
0xf: {  	[smem:$0x3F71] =	sst s7  }
0x10: {  	[smem:$0x3F72] =	sst s8  }
0x11: {  	[smem:$0x3F73] =	sst s9;
	s0 =	simm.s32 @!p0 $0x0  }
0x12: {  	s1 =	sld [smem:$0x3F59];
	s0 =	simm.s32 @p0 $0x1  }
0x13: {  	[smem:$0x3F74] =	sst s0;
	s0 =	simm.s32 @!p1 $0x0  }
0x14: {  	s2 =	sld [smem:$0x3F58];
	s0 =	simm.s32 @p1 $0x1  }
0x15: {  	[smem:$0x3F75] =	sst s0;
	s0 =	simm.s32 @!p2 $0x0  }
0x16: {  	s3 =	sld [smem:$0x3FDB];
	s0 =	simm.s32 @p2 $0x1  }
0x17: {  	s4 =	simm.s32 $0x1BF5;
	[smem:$0x3F77] =	sst s0  }
0x18: {  	s0 =	sld [smem:$0x3F5A];
	_ =	swait.ge [sflag:s4], $0x0  }
0x19: {  	s7 =	sld [smem:$0x3F5B]  }
0x1a: {  	s8 =	sadd.s32 $0xFFFFE003, lr  }
0x1b: {  	s9 =	sadd.s32 $0xFFFFFEF7, lr;
	s5 =	simm.s32 $0xFFFFFFFF;
	p2 =	slt.u32 s8, $0xFFFFF086  }
0x1c: {  	p1 =	slt.u32 s9, $0xF7A;
	s5 =	simm.s32 @!p2 $0x0  }
0x1d: {  	s5 =	simm.s32 @p1 $0x1;
	p0 =	seq.s32 s7, s2  }
0x1e: {  	s7 =	smul.u32 @!p0 $0xF7A, s2;
	p2 =	seq.s32 @!p0 s5, $0x0  }
0x1f: {  	s9 =	smul.u32 $0xF7A, s1;
	s8 =	simm.s32 @!p0 $0x1BF5;
	p2 =	por !p2, p0  }
0x20: {  	[sflag:s8] =	ssyncset.s32 @!p0 $0xFFFFF086;
	s6 =	sadd.s32 @!p0 s3, s7;
	s7 =	simm.s32 @!p0 $0x108  }
0x21: {  	s3 =	sadd.s32 s3, s9;
	s6 =	sadd.s32 @!p0 $0x88, s6;
	s7 =	simm.s32 @p2 $0x1082  }
0x22: {  	[simem:s7], [sflag:s8] =	dma.local @!p0 [hbm:s6], $0xF7A  }
0x23: {  	s9 =	sor.u32 $0xD0000000, s2;
	s6 =	simm.s32 $0x108;
	_ =	swait.ge @!p0 [sflag:s8], $0x0  }
0x24: {  	s3 =	sadd.s32 $0x88, s3;
	s6 =	simm.s32 @!p1 $0x1082;
	[sflag:s4] =	ssyncset.s32 $0xFFFFF086  }
0x25: {  	[simem:s6], [sflag:s4] =	dma.local [hbm:s3], $0xF7A  }
0x26: {  	[smem:$0x3F5B] =	sst s1;
	(tag) =	ssettag s2;
	_ =	strace s9  }
0x27: {  	s1 =	sld [smem:$0x3F6B]  }
0x28: {  	s2 =	sld [smem:$0x3F6C]  }
0x29: {  	s4 =	sld [smem:$0x3F6E]  }
0x2a: {  	p0 =	seq.s32 s5, $0x0;
	s5 =	sld [smem:$0x3F6F]  }
0x2b: {  	s6 =	sld [smem:$0x3F70]  }
0x2c: {  	s7 =	sld [smem:$0x3F71]  }
0x2d: {  	s3 =	simm.s32 $0x108;
	s8 =	sld [smem:$0x3F72]  }
0x2e: {  	s3 =	simm.s32 @!p0 $0x1082;
	s9 =	sld [smem:$0x3F73]  }
0x2f: {  	lr =	sadd.s32 s0, s3;
	s0 =	sld [smem:$0x3F6A]  }
0x30: {  	s3 =	sld [smem:$0x3F6D]  }
0x31: {  	[smem:$0x3F76] =	sst s10  }
0x32: {  	s10 =	sld [smem:$0x3F74];
	_ =	sdelay $0x3  }
0x33: {  	p0 =	seq.s32 s10, $0x1;
	s10 =	sld [smem:$0x3F76];
	_ =	sdelay $0x3  }
0x34: {  	[smem:$0x3F76] =	sst s10  }
0x35: {  	s10 =	sld [smem:$0x3F75];
	_ =	sdelay $0x3  }
0x36: {  	p1 =	seq.s32 s10, $0x1;
	s10 =	sld [smem:$0x3F76];
	_ =	sdelay $0x3  }
0x37: {  	[smem:$0x3F76] =	sst s10  }
0x38: {  	s10 =	sld [smem:$0x3F77]  }
0x39: {  	_ = 	snop;
	(pc) =	sbr.ind lr, $3  }
0x3a: {  	_ = 	snop  }
0x3b: {  	_ = 	snop  }
0x3c: {  	p2 =	seq.s32 s10, $0x1;
	s10 =	sld [smem:$0x3F76]  }
0x3d: {  	_ =	shalt  }
0x3e: {  	_ =	shalt  }
0x3f: {  	_ =	shalt  }
0x40: {  	_ =	shalt  }
0x41: {  	_ =	shalt  }
0x42: {  	_ =	shalt  }
0x43: {  	_ =	shalt  }
0x44: {  	_ =	shalt  }
0x45: {  	_ =	shalt  }
0x46: {  	_ =	shalt  }
0x47: {  	_ =	shalt  }
0x48: {  	_ =	shalt  }
0x49: {  	_ =	shalt  }
0x4a: {  	_ =	shalt  }
0x4b: {  	_ =	shalt  }
0x4c: {  	_ =	shalt  }
0x4d: {  	_ =	shalt  }
0x4e: {  	_ =	shalt  }
0x4f: {  	_ =	shalt  }
0x50: {  	_ =	shalt  }
0x51: {  	_ =	shalt  }
0x52: {  	_ =	shalt  }
0x53: {  	_ =	shalt  }
0x54: {  	_ =	shalt  }
0x55: {  	_ =	shalt  }
0x56: {  	_ =	shalt  }
0x57: {  	_ =	shalt  }
0x58: {  	_ =	shalt  }
0x59: {  	_ =	shalt  }
0x5a: {  	_ =	shalt  }
0x5b: {  	_ =	shalt  }
0x5c: {  	_ =	shalt  }
0x5d: {  	_ =	shalt  }
0x5e: {  	_ =	shalt  }
0x5f: {  	_ =	shalt  }
0x60: {  	_ =	shalt  }
0x61: {  	_ =	shalt  }
0x62: {  	_ =	shalt  }
0x63: {  	_ =	shalt  }
0x64: {  	_ =	shalt  }
0x65: {  	_ =	shalt  }
0x66: {  	_ =	shalt  }
0x67: {  	_ =	shalt  }
0x68: {  	_ =	shalt  }
0x69: {  	_ =	shalt  }
0x6a: {  	_ =	shalt  }
0x6b: {  	_ =	shalt  }
0x6c: {  	_ =	shalt  }
0x6d: {  	_ =	shalt  }
0x6e: {  	_ =	shalt  }
0x6f: {  	_ =	shalt  }
0x70: {  	_ =	shalt  }
0x71: {  	_ =	shalt  }
0x72: {  	_ =	shalt  }
0x73: {  	_ =	shalt  }
0x74: {  	_ =	shalt  }
0x75: {  	_ =	shalt  }
0x76: {  	_ =	shalt  }
0x77: {  	_ =	shalt  }
0x78: {  	_ =	shalt  }
0x79: {  	_ =	shalt  }
0x7a: {  	_ =	shalt  }
0x7b: {  	_ =	shalt  }
0x7c: {  	_ =	shalt  }
0x7d: {  	_ =	shalt  }
0x7e: {  	_ =	shalt  }
0x7f: {  	_ =	shalt  }
0x80: {  	_ =	shalt  }
0x81: {  	_ =	shalt  }
0x82: {  	_ =	shalt  }
0x83: {  	_ =	shalt  }
0x84: {  	_ =	shalt  }
0x85: {  	_ =	shalt  }
0x86: {  	_ =	shalt  }
0x87: {  	_ =	shalt  }
.Lfunc_end0:
.L_simem_size_0:
called_computation_lowered:
.L_overlay_start_0:
0x88: {  	s2 =	sld [smem:$0x3FD9]  }
0x89: {  	s3 =	sld [smem:$0x3FFE];
	_ =	sdelay $0x1  }
0x8a: {  	s1 =	srdreg.scid  }
0x8b: {  	s0 =	sand.u32 $0x1, s1  }
0x8c: {  	s16 =	sshll.u32 s0, $0xA;
	s2 =	sadd.s32 s3, s2  }
0x8d: {  	s2 =	sadd.s32 s2, s16  }
0x8e: {  	[smem:$0x3F82] =	sst s2  }
0x8f: {  	_ = 	snop  }
0x90: {  	(tm) =	ssettm $0x1  }
0x91: {  	s17 =	sld [smem:$0x3FFB];
	_ =	sdelay $0x3  }
0x92: {  	_ =	strace s17  }
0x93: {  	s2 =	sld [smem:$0x3FFC];
	_ =	sdelay $0x3  }
0x94: {  	_ =	strace s2  }
0x95: {  	s2 =	sld [smem:$0x3FFD];
	_ =	sdelay $0x3  }
0x96: {  	_ =	strace s2  }
0x97: {  	_ =	strace $0x8FFFFFFF  }
0x98: {  	s18 =	sld [smem:$0x3FDB];
	_ =	sdelay $0x1  }
0x99: {  	s19 =	simm.s32 $_scs_section_size  }
0x9a: {  	s4 =	simm.s32 $_size__tile_overlayer_lowered;
	s5 =	simm.s32 $_tile_overlayer_lowered  }
0x9b: {  	s22 =	simm.s32 $0x1BFF;
	s21 =	sshll.u32 s5, $0x1;
	s2 =	sadd.s32 s19, s18  }
0x9c: {  	s6 =	simm.s32 $0x0;
	s20 =	sshll.u32 s4, $0x1;
	s4 =	sadd.s32 s21, s2  }
0x9d: {  	[timem:s6], [sflag:s22] =	dma.local [hbm:s4], s20  }
0x9e: {  	_ =	swait.ge [sflag:s22], s20  }
0x9f: {  	s3 =	ssub.s32 $0x0, s20;
	[sflag:s22] =	ssyncset.done $0x0  }
0xa0: {  	[sflag:s22] =	ssyncadd.s32 s3;
	_ =	sdelay $0x1  }
0xa1: {  	s23 =	simm.s32 $0x1B8B  }
0xa2: {  	_ =	swait.ge [sflag:s23], $0x1  }
0xa3: {  	[sflag:s23] =	ssyncset.done $0x0  }
0xa4: {  	s25 =	simm.s32 $0x1B8E;
	s24 =	sld [smem:$0x3FFE];
	[sflag:s23] =	ssyncadd.s32 $0xFFFFFFFF  }
0xa5: {  	s26 =	simm.s32 $execute0_lowered;
	[smem:$0x3FD2] =	sst s25  }
0xa6: {  	s4 =	sshll.u32 s26, $0x1;
	_ =	strace $0x80000046;
	[dreg:$0x1] =	wrdreg $0xFFFFFFFF  }
0xa7: {  	s28 =	simm.s32 $_size_execute0_lowered;
	s2 =	sadd.s32 s2, s4;
	[dreg:$0x0] =	wrdreg $0x0  }
0xa8: {  	s4 =	sshll.u32 s28, $0x1;
	[dreg:$0x2] =	wrdreg s2  }
0xa9: {  	[dreg:$0x3] =	wrdreg s4  }
0xaa: {  	[dreg:$0x4] =	wrdreg $0xC0  }
0xab: {  	_ =	task [dreg:s6], $0x5FFFF  }
0xac: {  	[dreg:$0x1] =	wrdreg $0xFFFFFFFF  }
0xad: {  	[dreg:$0x0] =	wrdreg $0x60  }
0xae: {  	[dreg:$0x2] =	wrdreg s24  }
0xaf: {  	[dreg:$0x3] =	wrdreg $0x84000  }
0xb0: {  	[dreg:$0x4] =	wrdreg $0x9  }
0xb1: {  	_ =	task.clear_ibuf [dreg:s6], $0x5FFFF;
	_ =	strace $0x90000046  }
0xb2: {  	s29 =	simm.s32 $0x9;
	_ =	strace $0x80000048  }
0xb3: {  	_ =	swait.ge [sflag:s29], $0x1  }
0xb4: {  	[sflag:s29] =	ssyncadd.s32 $0xFFFFFFFF  }
0xb5: {  	_ =	strace $0x90000048  }
0xb6: {  	_ =	sfence  }
0xb7: {  	s30 =	sld [smem:$0x0];
	_ =	sdelay $0x2  }
0xb8: {  	s31 =	sshll.u32 s1, $0xD;
	s1 =	sshrl.u32 s1, $0x2  }
0xb9: {  	s3 =	sand.u32 $0x4000, s31;
	s1 =	sadd.s32 s1, s30  }
0xba: {  	s0 =	sor.u32 s3, s0;
	s1 =	sshll.u32 s1, $0x11  }
0xbb: {  	s0 =	sor.u32 s1, s0  }
0xbc: {  	s0 =	sadd.s32 $0x8F2B, s0  }
0xbd: {  	[sflag:s0] =	ssyncadd.remote.s32 $0x1  }
0xbe: {  	_ =	sfence.sel $0xFFFF  }
0xbf: {  	[dreg:$0x0] =	wrdreg $0xFFFFFFFF;
	(pc) =	sbr.abs _section_cstart, $3  }
0xc0: {  	[dreg:$0x1] =	wrdreg $0xFFFFFFFF  }
0xc1: {  	_ =	task.clear_ibuf [dreg:s6], $0x2FFFF;
	_ =	strace $0x9FFFFFFF  }
0xc2: {  	(tm) =	ssettm $0x7FFFFFFF  }
0xc3: {  	_ =	shalt  }
tec
execute0_lowered:
.L_overlay_start_1:
0x0: {  	(tag) =	ssettag $0x1  }
0x1: {  	s0 =	rddreg [dreg:$0x0]  }
0x2: {  	s1 =	rddreg [dreg:$0x1];
	s3 =	simm.s32 $0x0  }
0x3: {  	s2 =	srdreg.scid;
	s22 =	stileid.u32;
	s17 =	simm.s32 $0x4  }
0x4: {  	s18 =	simm.s32 $0x7D;
	s19 =	simm.s32 $0x400;
	s20 =	simm.s32 $0x100  }
0x5: {  	s28 =	simm.s32 $0x1;
	s29 =	simm.s32 $0x0;
	[smem:$0x7FF] =	sst s3  }
0x6: {  	s8 =	sand.u32 $0x1, s2;
	s10 =	smul.u32 $0x14000, s22;
	s4 =	sadd.s32 $0x24A00, s0  }
0x7: {  	s5 =	sadd.s32 $0x10A00, s0;
	s6 =	sadd.s32 $0x1AA00, s0;
	s25 =	smul.u32 $0x50000, s22  }
0x8: {  	s7 =	sadd.s32 $0x4BC00, s0;
	s30 =	sshll.u32 s22, $0x6;
	s9 =	smul.u32 $0x140000, s8  }
0x9: {  	_ =	strace $0x80000047;
	s23 =	sshll.u32 s8, $0x4;
	s11 =	ssub.s32 $0x2, s8  }
0xa: {  	[dreg:$0x3] =	wrdreg s7;
	s24 =	sor.u32 s22, s23;
	s12 =	sshrl.u32 s11, $0x1  }
0xb: {  	s26 =	sshrl.u32 s25, $0x2;
	s23 =	simm.s32 $0x4400;
	s9 =	sadd.s32 s10, s9  }
0xc: {  	s8 =	smul.u32 $0x2800, s24;
	s13 =	ssub.s32 s11, s12;
	s16 =	sadd.s32 s26, s1  }
.Ltmp0:
0xd: {  	s24 =	simm.s32 $0x2;
	s26 =	simm.s32 $0x3;
	(pc) =	sbr.rel .LBB2_1-.Ltmp0, $4  }
0xe: {  	s9 =	sshrl.u32 s9, $0x3;
	s13 =	smax.u32 s13, $0x1;
	s16 =	sshrl.u32 s16, $0x3  }
0xf: {  	s0 =	sadd.s32 s9, s0;
	s14 =	sshrl.u32 s8, $0x3;
	s9 =	sor.u32 $0x1C04, s30  }
0x10: {  	s10 =	sadd.s32 s5, s14;
	s11 =	sadd.s32 s6, s14;
	s31 =	sor.u32 $0x20, s14  }
0x11: {  	s12 =	sadd.s32 $0x4E400, s0;
	s14 =	sadd.s32 s5, s31;
	s15 =	sadd.s32 s6, s31  }
.LBB2_4:
0x12: {  	_ =	swait.ge [sflag:s24], $0x3E80  }
0x13: {  	s29 =	sadd.s32 $0x1, s29;
	[sflag:s24] =	ssyncset.done $0x0  }
0x14: {  	p0 =	sne.s32 s29, s13;
	[sflag:s24] =	ssyncadd.s32 $0xFFFFC180  }
.Ltmp1:
0x15: {  	[bflag:$0x0] =	sbarrier.arrive $0xFFFF;
	(pc) =	sbr.rel @!p0 .LBB2_5-.Ltmp1, $4  }
0x16: {  	[hbm:s12], [sflag:s9] =	dma.local [spmem:s16], $0x2800  }
0x17: {  	_ =	swait.ge [sflag:s17], $0x2800  }
0x18: {  	[sflag:s17] =	ssyncset.done $0x0  }
0x19: {  	[sflag:s17] =	ssyncadd.s32 $0xFFFFD800  }
.LBB2_1:
0x1a: {  	s0 =	rddreg [dreg:$0x3]  }
0x1b: {  	[spmem:s16], [sflag:s9] =	dma.local [hbm:s0], $0x2800  }
0x1c: {  	_ =	swait.ge [sflag:s17], $0x2800  }
0x1d: {  	[sflag:s17] =	ssyncset.done $0x0  }
0x1e: {  	[sflag:s17] =	ssyncadd.s32 $0xFFFFD800  }
0x1f: {  	[tilespmem:s3], [sflag:$0x4] =	stream.linear.gather [hbm4b:s10+s3], $0x100, $0x38;
	[tilespmem:$0x1C400] =	vst v63  }
0x20: {  	_ =	swait.ge [sflag:s17], $0x100  }
0x21: {  	[sflag:s17] =	ssyncset.done $0x0  }
0x22: {  	s30 =	simm.s32 $0x200;
	[sflag:s17] =	ssyncadd.s32 $0xFFFFFF00  }
0x23: {  	[tilespmem:s30], [sflag:$0x4] =	stream.linear.gather [hbm4b:s11+s3], $0x100, $0x38;
	[tilespmem:$0x1C400] =	vst v63  }
0x24: {  	_ =	swait.ge [sflag:s17], $0x100  }
0x25: {  	[sflag:s17] =	ssyncset.done $0x0  }
0x26: {  	[sflag:s17] =	ssyncadd.s32 $0xFFFFFF00  }
0x27: {  	[bflag:$0x0] =	sbarrier.arrive $0xFFFF  }
0x28: {  	[tilespmem:s19], [sflag:$0x1] =	stream.indirect.gather [hbm4b:s4+s18], $0x80, s3, s18, $0xb8;
	[tilespmem:$0x1C400] =	vst v63  }
0x29: {  	_ =	swait.ge [sflag:s28], $0x3E80  }
0x2a: {  	[sflag:s28] =	ssyncset.done $0x0  }
0x2b: {  	[sflag:s28] =	ssyncadd.s32 $0xFFFFC180  }
0x2c: {  	[tilespmem:s20], [sflag:$0x3] =	stream.linear.gather [hbm4b:s14+s3], $0x100, $0x38;
	[tilespmem:$0x1C400] =	vst v63  }
0x2d: {  	s21 =	simm.s32 $0x300  }
0x2e: {  	[tilespmem:s21], [sflag:$0x3] =	stream.linear.gather [hbm4b:s15+s3], $0x100, $0x38;
	[tilespmem:$0x1C400] =	vst v63  }
0x2f: {  	_ = 	snop  }
0x30: {  	[spmem:s1] =	stream.indirect.scatter.add.f32 [tilespmem:s19], [sflag:$0x2], $0x80, s30, s18, $0xb8;
	[tilespmem:$0x1C400] =	vst v63  }
0x31: {  	s22 =	simm.s32 $0x80  }
0x32: {  	[tilespmem:s23], [sflag:$0x1] =	stream.indirect.gather [hbm4b:s4+s18], $0x80, s22, s18, $0xb8;
	[tilespmem:$0x1C400] =	vst v63  }
0x33: {  	_ =	swait.ge [sflag:s28], $0x3E80  }
0x34: {  	[sflag:s28] =	ssyncset.done $0x0  }
0x35: {  	[sflag:s28] =	ssyncadd.s32 $0xFFFFC180  }
0x36: {  	_ =	swait.ge [sflag:s24], $0x3E80  }
0x37: {  	[sflag:s24] =	ssyncset.done $0x0  }
0x38: {  	s25 =	simm.s32 $0x280;
	[sflag:s24] =	ssyncadd.s32 $0xFFFFC180  }
0x39: {  	[spmem:s1] =	stream.indirect.scatter.add.f32 [tilespmem:s23], [sflag:$0x2], $0x80, s25, s18, $0xb8;
	[tilespmem:$0x1C400] =	vst v63  }
0x3a: {  	_ =	swait.ge [sflag:s26], $0x100  }
0x3b: {  	[sflag:s26] =	ssyncset.done $0x0  }
0x3c: {  	[sflag:s26] =	ssyncadd.s32 $0xFFFFFF00  }
0x3d: {  	_ =	swait.ge [sflag:s26], $0x100  }
0x3e: {  	[sflag:s26] =	ssyncset.done $0x0  }
0x3f: {  	s31 =	simm.s32 $0x1;
	[sflag:s26] =	ssyncadd.s32 $0xFFFFFF00  }
0x40: {  	[tilespmem:s19], [sflag:$0x1] =	stream.indirect.gather [hbm4b:s4+s18], $0x80, s20, s18, $0xb8;
	[tilespmem:$0x1C400] =	vst v63  }
.LBB2_2:
0x41: {  	_ =	swait.ge [sflag:s28], $0x3E80;
	p0 =	seq.s32 s31, $0x27  }
0x42: {  	s21 =	sand.u32 $0x1, s31;
	[sflag:s28] =	ssyncset.done $0x0;
	s0 =	sand.u32 @!p0 $0x7C00, s30  }
0x43: {  	s2 =	sand.u32 @!p0 $0x300, s30;
	[sflag:s28] =	ssyncadd.s32 $0xFFFFC180;
	s0 =	sadd.s32 @!p0 s8, s0  }
0x44: {  	s7 =	simm.s32 @!p0 $0x0;
	_ =	swait.ge [sflag:s24], $0x3E80;
	s2 =	sor.u32 @!p0 s2, s0  }
0x45: {  	s0 =	sxor.u32 $0x1, s21;
	[sflag:s24] =	ssyncset.done $0x0;
	s2 =	sshrl.u32 @!p0 s2, $0x3  }
0x46: {  	s22 =	sshll.u32 @!p0 s0, $0x8;
	[sflag:s24] =	ssyncadd.s32 $0xFFFFC180;
	s25 =	sadd.s32 @!p0 s5, s2  }
0x47: {  	[tilespmem:s22], [sflag:$0x3] =	stream.linear.gather @!p0 [hbm4b:s25+s7], $0x100, $0x38;
	[tilespmem:$0x1C400] =	vst v63  }
0x48: {  	s21 =	sshll.u32 s21, $0x8;
	s2 =	sadd.s32 @!p0 s6, s2;
	s22 =	sor.u32 @!p0 $0x200, s22  }
0x49: {  	[tilespmem:s22], [sflag:$0x3] =	stream.linear.gather @!p0 [hbm4b:s2+s7], $0x100, $0x38;
	[tilespmem:$0x1C400] =	vst v63  }
0x4a: {  	s22 =	sor.u32 $0x200, s21  }
0x4b: {  	[spmem:s1] =	stream.indirect.scatter.add.f32 [tilespmem:s19], [sflag:$0x2], $0x80, s22, s18, $0xb8;
	[tilespmem:$0x1C400] =	vst v63  }
0x4c: {  	s25 =	sor.u32 $0x80, s21  }
0x4d: {  	[tilespmem:s23], [sflag:$0x1] =	stream.indirect.gather [hbm4b:s4+s18], $0x80, s25, s18, $0xb8;
	[tilespmem:$0x1C400] =	vst v63  }
0x4e: {  	_ =	swait.ge [sflag:s28], $0x3E80  }
0x4f: {  	[sflag:s28] =	ssyncset.done $0x0  }
.Ltmp2:
0x50: {  	[sflag:s28] =	ssyncadd.s32 $0xFFFFC180;
	(pc) =	sbr.rel @p0 .LBB2_4-.Ltmp2, $4  }
0x51: {  	_ =	swait.ge [sflag:s24], $0x3E80  }
0x52: {  	[sflag:s24] =	ssyncset.done $0x0  }
0x53: {  	s2 =	sor.u32 $0x280, s21;
	[sflag:s24] =	ssyncadd.s32 $0xFFFFC180  }
0x54: {  	[spmem:s1] =	stream.indirect.scatter.add.f32 [tilespmem:s23], [sflag:$0x2], $0x80, s2, s18, $0xb8;
	[tilespmem:$0x1C400] =	vst v63  }
0x55: {  	_ =	swait.ge [sflag:s26], $0x100  }
0x56: {  	[sflag:s26] =	ssyncset.done $0x0  }
.Ltmp3:
0x57: {  	[sflag:s26] =	ssyncadd.s32 $0xFFFFFF00;
	(pc) =	sbr.rel .LBB2_2-.Ltmp3, $4  }
0x58: {  	_ =	swait.ge [sflag:s26], $0x100  }
0x59: {  	s0 =	sshll.u32 s0, $0x8;
	[sflag:s26] =	ssyncset.done $0x0  }
0x5a: {  	s31 =	sadd.s32 $0x1, s31;
	s30 =	sadd.s32 $0x100, s30;
	[sflag:s26] =	ssyncadd.s32 $0xFFFFFF00  }
0x5b: {  	[tilespmem:s19], [sflag:$0x1] =	stream.indirect.gather [hbm4b:s4+s18], $0x80, s0, s18, $0xb8;
	[tilespmem:$0x1C400] =	vst v63  }
.LBB2_5:
0x5c: {  	_ =	sfence.sel $0x180000  }
0x5d: {  	[bflag:$0x0] =	sbarrier.arrive $0xFFFF  }
0x5e: {  	_ =	strace $0x90000047  }
0x5f: {  	s0 =	stileid.u32;
	[bflag:$0x2] =	sbarrier.arrive $0xFFFF  }
0x60: {  	p0 =	sne.s32 s0, $0x0;
	s0 =	rddreg [dreg:$0x2]  }
0x61: {  	s0 =	sadd.s32 @!p0 $0x100000, s0  }
0x62: {  	[sflag:s0] =	ssyncadd.tile.s32 @!p0 $0x1;
	_ =	shalt  }
.Lfunc_end2:
_tile_overlayer_lowered:
.L_overlay_start_2:
0x63: {  	(tag) =	ssettag $0x2  }
0x64: {  	s0 =	rddreg [dreg:$0x0];
	s2 =	stileid.u32  }
0x65: {  	s1 =	rddreg [dreg:$0x1];
	p0 =	sne.s32 s2, $0x0  }
0x66: {  	s3 =	rddreg [dreg:$0x2];
	[bflag:$0x3] =	sbarrier.arrive $0xFFFF;
	s2 =	simm.s32 @!p0 $0x1C04  }
0x67: {  	[timem:s3], [sflag:s2] =	dma.local @!p0 [hbm:s0], s1  }
0x68: {  	s0 =	simm.s32 @!p0 $0x4  }
0x69: {  	_ =	swait.ge @!p0 [sflag:s0], s1  }
0x6a: {  	s1 =	ssub.s32 @!p0 $0x0, s1;
	[sflag:s0] =	ssyncset.done @!p0 $0x0  }
0x6b: {  	[sflag:s0] =	ssyncadd.s32 @!p0 s1  }
0x6c: {  	[bflag:$0x3] =	sbarrier.arrive $0xFFFF  }
0x6d: {  	_ =	shalt  }

// kernel: kernel.17.cloned.1.call-start
scs
__scs_entry_jumppad:
0x0: {  	(pc) =	sbr.rel $0x88, $3  }
0x1: {  	(tag) =	ssettag $0x0;
	lr =	simm.s32 $0x1  }
0x2: {  	[smem:$0x3F5B] =	sst lr;
	_ =	strace $0xD0000000  }
0x3: {  	_ = 	snop  }
0x4: {  	_ = 	snop  }
0x5: {  	_ = 	snop  }
0x6: {  	_ = 	snop  }
0x7: {  	_ = 	snop  }
__scs_overlays_trampoline_lowered:
0x8: {  	[smem:$0x3F6A] =	sst s0  }
0x9: {  	[smem:$0x3F6B] =	sst s1  }
0xa: {  	[smem:$0x3F6C] =	sst s2  }
0xb: {  	[smem:$0x3F6D] =	sst s3  }
0xc: {  	[smem:$0x3F6E] =	sst s4  }
0xd: {  	[smem:$0x3F6F] =	sst s5  }
0xe: {  	[smem:$0x3F70] =	sst s6  }
0xf: {  	[smem:$0x3F71] =	sst s7  }
0x10: {  	[smem:$0x3F72] =	sst s8  }
0x11: {  	[smem:$0x3F73] =	sst s9;
	s0 =	simm.s32 @!p0 $0x0  }
0x12: {  	s1 =	sld [smem:$0x3F59];
	s0 =	simm.s32 @p0 $0x1  }
0x13: {  	[smem:$0x3F74] =	sst s0;
	s0 =	simm.s32 @!p1 $0x0  }
0x14: {  	s2 =	sld [smem:$0x3F58];
	s0 =	simm.s32 @p1 $0x1  }
0x15: {  	[smem:$0x3F75] =	sst s0;
	s0 =	simm.s32 @!p2 $0x0  }
0x16: {  	s3 =	sld [smem:$0x3FDB];
	s0 =	simm.s32 @p2 $0x1  }
0x17: {  	s4 =	simm.s32 $0x1BF5;
	[smem:$0x3F77] =	sst s0  }
0x18: {  	s0 =	sld [smem:$0x3F5A];
	_ =	swait.ge [sflag:s4], $0x0  }
0x19: {  	s7 =	sld [smem:$0x3F5B]  }
0x1a: {  	s8 =	sadd.s32 $0xFFFFE003, lr  }
0x1b: {  	s9 =	sadd.s32 $0xFFFFFEF7, lr;
	s5 =	simm.s32 $0xFFFFFFFF;
	p2 =	slt.u32 s8, $0xFFFFF086  }
0x1c: {  	p1 =	slt.u32 s9, $0xF7A;
	s5 =	simm.s32 @!p2 $0x0  }
0x1d: {  	s5 =	simm.s32 @p1 $0x1;
	p0 =	seq.s32 s7, s2  }
0x1e: {  	s7 =	smul.u32 @!p0 $0xF7A, s2;
	p2 =	seq.s32 @!p0 s5, $0x0  }
0x1f: {  	s9 =	smul.u32 $0xF7A, s1;
	s8 =	simm.s32 @!p0 $0x1BF5;
	p2 =	por !p2, p0  }
0x20: {  	[sflag:s8] =	ssyncset.s32 @!p0 $0xFFFFF086;
	s6 =	sadd.s32 @!p0 s3, s7;
	s7 =	simm.s32 @!p0 $0x108  }
0x21: {  	s3 =	sadd.s32 s3, s9;
	s6 =	sadd.s32 @!p0 $0x88, s6;
	s7 =	simm.s32 @p2 $0x1082  }
0x22: {  	[simem:s7], [sflag:s8] =	dma.local @!p0 [hbm:s6], $0xF7A  }
0x23: {  	s9 =	sor.u32 $0xD0000000, s2;
	s6 =	simm.s32 $0x108;
	_ =	swait.ge @!p0 [sflag:s8], $0x0  }
0x24: {  	s3 =	sadd.s32 $0x88, s3;
	s6 =	simm.s32 @!p1 $0x1082;
	[sflag:s4] =	ssyncset.s32 $0xFFFFF086  }
0x25: {  	[simem:s6], [sflag:s4] =	dma.local [hbm:s3], $0xF7A  }
0x26: {  	[smem:$0x3F5B] =	sst s1;
	(tag) =	ssettag s2;
	_ =	strace s9  }
0x27: {  	s1 =	sld [smem:$0x3F6B]  }
0x28: {  	s2 =	sld [smem:$0x3F6C]  }
0x29: {  	s4 =	sld [smem:$0x3F6E]  }
0x2a: {  	p0 =	seq.s32 s5, $0x0;
	s5 =	sld [smem:$0x3F6F]  }
0x2b: {  	s6 =	sld [smem:$0x3F70]  }
0x2c: {  	s7 =	sld [smem:$0x3F71]  }
0x2d: {  	s3 =	simm.s32 $0x108;
	s8 =	sld [smem:$0x3F72]  }
0x2e: {  	s3 =	simm.s32 @!p0 $0x1082;
	s9 =	sld [smem:$0x3F73]  }
0x2f: {  	lr =	sadd.s32 s0, s3;
	s0 =	sld [smem:$0x3F6A]  }
0x30: {  	s3 =	sld [smem:$0x3F6D]  }
0x31: {  	[smem:$0x3F76] =	sst s10  }
0x32: {  	s10 =	sld [smem:$0x3F74];
	_ =	sdelay $0x3  }
0x33: {  	p0 =	seq.s32 s10, $0x1;
	s10 =	sld [smem:$0x3F76];
	_ =	sdelay $0x3  }
0x34: {  	[smem:$0x3F76] =	sst s10  }
0x35: {  	s10 =	sld [smem:$0x3F75];
	_ =	sdelay $0x3  }
0x36: {  	p1 =	seq.s32 s10, $0x1;
	s10 =	sld [smem:$0x3F76];
	_ =	sdelay $0x3  }
0x37: {  	[smem:$0x3F76] =	sst s10  }
0x38: {  	s10 =	sld [smem:$0x3F77]  }
0x39: {  	_ = 	snop;
	(pc) =	sbr.ind lr, $3  }
0x3a: {  	_ = 	snop  }
0x3b: {  	_ = 	snop  }
0x3c: {  	p2 =	seq.s32 s10, $0x1;
	s10 =	sld [smem:$0x3F76]  }
0x3d: {  	_ =	shalt  }
0x3e: {  	_ =	shalt  }
0x3f: {  	_ =	shalt  }
0x40: {  	_ =	shalt  }
0x41: {  	_ =	shalt  }
0x42: {  	_ =	shalt  }
0x43: {  	_ =	shalt  }
0x44: {  	_ =	shalt  }
0x45: {  	_ =	shalt  }
0x46: {  	_ =	shalt  }
0x47: {  	_ =	shalt  }
0x48: {  	_ =	shalt  }
0x49: {  	_ =	shalt  }
0x4a: {  	_ =	shalt  }
0x4b: {  	_ =	shalt  }
0x4c: {  	_ =	shalt  }
0x4d: {  	_ =	shalt  }
0x4e: {  	_ =	shalt  }
0x4f: {  	_ =	shalt  }
0x50: {  	_ =	shalt  }
0x51: {  	_ =	shalt  }
0x52: {  	_ =	shalt  }
0x53: {  	_ =	shalt  }
0x54: {  	_ =	shalt  }
0x55: {  	_ =	shalt  }
0x56: {  	_ =	shalt  }
0x57: {  	_ =	shalt  }
0x58: {  	_ =	shalt  }
0x59: {  	_ =	shalt  }
0x5a: {  	_ =	shalt  }
0x5b: {  	_ =	shalt  }
0x5c: {  	_ =	shalt  }
0x5d: {  	_ =	shalt  }
0x5e: {  	_ =	shalt  }
0x5f: {  	_ =	shalt  }
0x60: {  	_ =	shalt  }
0x61: {  	_ =	shalt  }
0x62: {  	_ =	shalt  }
0x63: {  	_ =	shalt  }
0x64: {  	_ =	shalt  }
0x65: {  	_ =	shalt  }
0x66: {  	_ =	shalt  }
0x67: {  	_ =	shalt  }
0x68: {  	_ =	shalt  }
0x69: {  	_ =	shalt  }
0x6a: {  	_ =	shalt  }
0x6b: {  	_ =	shalt  }
0x6c: {  	_ =	shalt  }
0x6d: {  	_ =	shalt  }
0x6e: {  	_ =	shalt  }
0x6f: {  	_ =	shalt  }
0x70: {  	_ =	shalt  }
0x71: {  	_ =	shalt  }
0x72: {  	_ =	shalt  }
0x73: {  	_ =	shalt  }
0x74: {  	_ =	shalt  }
0x75: {  	_ =	shalt  }
0x76: {  	_ =	shalt  }
0x77: {  	_ =	shalt  }
0x78: {  	_ =	shalt  }
0x79: {  	_ =	shalt  }
0x7a: {  	_ =	shalt  }
0x7b: {  	_ =	shalt  }
0x7c: {  	_ =	shalt  }
0x7d: {  	_ =	shalt  }
0x7e: {  	_ =	shalt  }
0x7f: {  	_ =	shalt  }
0x80: {  	_ =	shalt  }
0x81: {  	_ =	shalt  }
0x82: {  	_ =	shalt  }
0x83: {  	_ =	shalt  }
0x84: {  	_ =	shalt  }
0x85: {  	_ =	shalt  }
0x86: {  	_ =	shalt  }
0x87: {  	_ =	shalt  }
.Lfunc_end0:
.L_simem_size_0:
called_computation.1_lowered:
.L_overlay_start_0:
0x88: {  	s2 =	sld [smem:$0x3FD9]  }
0x89: {  	s3 =	sld [smem:$0x3FFE];
	_ =	sdelay $0x1  }
0x8a: {  	s1 =	srdreg.scid  }
0x8b: {  	s0 =	sand.u32 $0x1, s1  }
0x8c: {  	s16 =	sshll.u32 s0, $0xA;
	s2 =	sadd.s32 s3, s2  }
0x8d: {  	s2 =	sadd.s32 s2, s16  }
0x8e: {  	[smem:$0x3F82] =	sst s2  }
0x8f: {  	_ = 	snop  }
0x90: {  	(tm) =	ssettm $0x1  }
0x91: {  	s17 =	sld [smem:$0x3FFB];
	_ =	sdelay $0x3  }
0x92: {  	_ =	strace s17  }
0x93: {  	s2 =	sld [smem:$0x3FFC];
	_ =	sdelay $0x3  }
0x94: {  	_ =	strace s2  }
0x95: {  	s2 =	sld [smem:$0x3FFD];
	_ =	sdelay $0x3  }
0x96: {  	_ =	strace s2  }
0x97: {  	_ =	strace $0x8FFFFFFF  }
0x98: {  	s18 =	sld [smem:$0x3FDB];
	_ =	sdelay $0x1  }
0x99: {  	s19 =	simm.s32 $_scs_section_size  }
0x9a: {  	s4 =	simm.s32 $_size__tile_overlayer_lowered;
	s5 =	simm.s32 $_tile_overlayer_lowered  }
0x9b: {  	s22 =	simm.s32 $0x1BFF;
	s21 =	sshll.u32 s5, $0x1;
	s2 =	sadd.s32 s19, s18  }
0x9c: {  	s6 =	simm.s32 $0x0;
	s20 =	sshll.u32 s4, $0x1;
	s4 =	sadd.s32 s21, s2  }
0x9d: {  	[timem:s6], [sflag:s22] =	dma.local [hbm:s4], s20  }
0x9e: {  	_ =	swait.ge [sflag:s22], s20  }
0x9f: {  	s3 =	ssub.s32 $0x0, s20;
	[sflag:s22] =	ssyncset.done $0x0  }
0xa0: {  	[sflag:s22] =	ssyncadd.s32 s3;
	_ =	sdelay $0x1  }
0xa1: {  	s23 =	simm.s32 $0x1B8B  }
0xa2: {  	_ =	swait.ge [sflag:s23], $0x1  }
0xa3: {  	[sflag:s23] =	ssyncset.done $0x0  }
0xa4: {  	s25 =	simm.s32 $0x1B8E;
	s24 =	sld [smem:$0x3FFE];
	[sflag:s23] =	ssyncadd.s32 $0xFFFFFFFF  }
0xa5: {  	s26 =	simm.s32 $execute0_lowered;
	[smem:$0x3FD2] =	sst s25  }
0xa6: {  	s4 =	sshll.u32 s26, $0x1;
	_ =	strace $0x80000049;
	[dreg:$0x1] =	wrdreg $0xFFFFFFFF  }
0xa7: {  	s28 =	simm.s32 $_size_execute0_lowered;
	s2 =	sadd.s32 s2, s4;
	[dreg:$0x0] =	wrdreg $0x0  }
0xa8: {  	s4 =	sshll.u32 s28, $0x1;
	[dreg:$0x2] =	wrdreg s2  }
0xa9: {  	[dreg:$0x3] =	wrdreg s4  }
0xaa: {  	[dreg:$0x4] =	wrdreg $0xC0  }
0xab: {  	_ =	task [dreg:s6], $0x5FFFF  }
0xac: {  	[dreg:$0x1] =	wrdreg $0xFFFFFFFF  }
0xad: {  	[dreg:$0x0] =	wrdreg $0x60  }
0xae: {  	[dreg:$0x2] =	wrdreg s24  }
0xaf: {  	[dreg:$0x3] =	wrdreg $0x84000  }
0xb0: {  	[dreg:$0x4] =	wrdreg $0x9  }
0xb1: {  	_ =	task.clear_ibuf [dreg:s6], $0x5FFFF;
	_ =	strace $0x90000049  }
0xb2: {  	s29 =	simm.s32 $0x9;
	_ =	strace $0x8000004B  }
0xb3: {  	_ =	swait.ge [sflag:s29], $0x1  }
0xb4: {  	[sflag:s29] =	ssyncadd.s32 $0xFFFFFFFF  }
0xb5: {  	_ =	strace $0x9000004B  }
0xb6: {  	_ =	sfence  }
0xb7: {  	s30 =	sld [smem:$0x0];
	_ =	sdelay $0x2  }
0xb8: {  	s31 =	sshll.u32 s1, $0xD;
	s1 =	sshrl.u32 s1, $0x2  }
0xb9: {  	s3 =	sand.u32 $0x4000, s31;
	s1 =	sadd.s32 s1, s30  }
0xba: {  	s0 =	sor.u32 s3, s0;
	s1 =	sshll.u32 s1, $0x11  }
0xbb: {  	s0 =	sor.u32 s1, s0  }
0xbc: {  	s0 =	sadd.s32 $0x8F2B, s0  }
0xbd: {  	[sflag:s0] =	ssyncadd.remote.s32 $0x1  }
0xbe: {  	_ =	sfence.sel $0xFFFF  }
0xbf: {  	[dreg:$0x0] =	wrdreg $0xFFFFFFFF;
	(pc) =	sbr.abs _section_cstart, $3  }
0xc0: {  	[dreg:$0x1] =	wrdreg $0xFFFFFFFF  }
0xc1: {  	_ =	task.clear_ibuf [dreg:s6], $0x2FFFF;
	_ =	strace $0x9FFFFFFF  }
0xc2: {  	(tm) =	ssettm $0x7FFFFFFF  }
0xc3: {  	_ =	shalt  }
tec
execute0_lowered:
.L_overlay_start_1:
0x0: {  	(tag) =	ssettag $0x1  }
0x1: {  	s0 =	rddreg [dreg:$0x0]  }
0x2: {  	s1 =	rddreg [dreg:$0x1];
	s3 =	simm.s32 $0x0  }
0x3: {  	s2 =	srdreg.scid;
	s22 =	stileid.u32;
	s17 =	simm.s32 $0x4  }
0x4: {  	s18 =	simm.s32 $0x7D;
	s19 =	simm.s32 $0x400;
	s20 =	simm.s32 $0x100  }
0x5: {  	s28 =	simm.s32 $0x1;
	s29 =	simm.s32 $0x0;
	[smem:$0x7FF] =	sst s3  }
0x6: {  	s8 =	sand.u32 $0x1, s2;
	s10 =	smul.u32 $0x14000, s22;
	s4 =	sadd.s32 $0x24A00, s0  }
0x7: {  	s5 =	sadd.s32 $0x10A00, s0;
	s6 =	sadd.s32 $0x1AA00, s0;
	s25 =	smul.u32 $0x50000, s22  }
0x8: {  	s7 =	sadd.s32 $0x4BC00, s0;
	s30 =	sshll.u32 s22, $0x6;
	s9 =	smul.u32 $0x140000, s8  }
0x9: {  	_ =	strace $0x8000004A;
	s23 =	sshll.u32 s8, $0x4;
	s11 =	ssub.s32 $0x2, s8  }
0xa: {  	[dreg:$0x3] =	wrdreg s7;
	s24 =	sor.u32 s22, s23;
	s12 =	sshrl.u32 s11, $0x1  }
0xb: {  	s26 =	sshrl.u32 s25, $0x2;
	s23 =	simm.s32 $0x4400;
	s9 =	sadd.s32 s10, s9  }
0xc: {  	s8 =	smul.u32 $0x2800, s24;
	s13 =	ssub.s32 s11, s12;
	s16 =	sadd.s32 s26, s1  }
.Ltmp0:
0xd: {  	s24 =	simm.s32 $0x2;
	s26 =	simm.s32 $0x3;
	(pc) =	sbr.rel .LBB2_1-.Ltmp0, $4  }
0xe: {  	s9 =	sshrl.u32 s9, $0x3;
	s13 =	smax.u32 s13, $0x1;
	s16 =	sshrl.u32 s16, $0x3  }
0xf: {  	s0 =	sadd.s32 s9, s0;
	s14 =	sshrl.u32 s8, $0x3;
	s9 =	sor.u32 $0x1C04, s30  }
0x10: {  	s10 =	sadd.s32 s5, s14;
	s11 =	sadd.s32 s6, s14;
	s31 =	sor.u32 $0x20, s14  }
0x11: {  	s12 =	sadd.s32 $0x4E400, s0;
	s14 =	sadd.s32 s5, s31;
	s15 =	sadd.s32 s6, s31  }
.LBB2_4:
0x12: {  	_ =	swait.ge [sflag:s24], $0x3E80  }
0x13: {  	s29 =	sadd.s32 $0x1, s29;
	[sflag:s24] =	ssyncset.done $0x0  }
0x14: {  	p0 =	sne.s32 s29, s13;
	[sflag:s24] =	ssyncadd.s32 $0xFFFFC180  }
.Ltmp1:
0x15: {  	[bflag:$0x0] =	sbarrier.arrive $0xFFFF;
	(pc) =	sbr.rel @!p0 .LBB2_5-.Ltmp1, $4  }
0x16: {  	[hbm:s12], [sflag:s9] =	dma.local [spmem:s16], $0x2800  }
0x17: {  	_ =	swait.ge [sflag:s17], $0x2800  }
0x18: {  	[sflag:s17] =	ssyncset.done $0x0  }
0x19: {  	[sflag:s17] =	ssyncadd.s32 $0xFFFFD800  }
.LBB2_1:
0x1a: {  	s0 =	rddreg [dreg:$0x3]  }
0x1b: {  	[spmem:s16], [sflag:s9] =	dma.local [hbm:s0], $0x2800  }
0x1c: {  	_ =	swait.ge [sflag:s17], $0x2800  }
0x1d: {  	[sflag:s17] =	ssyncset.done $0x0  }
0x1e: {  	[sflag:s17] =	ssyncadd.s32 $0xFFFFD800  }
0x1f: {  	[tilespmem:s3], [sflag:$0x4] =	stream.linear.gather [hbm4b:s10+s3], $0x100, $0x38;
	[tilespmem:$0x1C400] =	vst v63  }
0x20: {  	_ =	swait.ge [sflag:s17], $0x100  }
0x21: {  	[sflag:s17] =	ssyncset.done $0x0  }
0x22: {  	s30 =	simm.s32 $0x200;
	[sflag:s17] =	ssyncadd.s32 $0xFFFFFF00  }
0x23: {  	[tilespmem:s30], [sflag:$0x4] =	stream.linear.gather [hbm4b:s11+s3], $0x100, $0x38;
	[tilespmem:$0x1C400] =	vst v63  }
0x24: {  	_ =	swait.ge [sflag:s17], $0x100  }
0x25: {  	[sflag:s17] =	ssyncset.done $0x0  }
0x26: {  	[sflag:s17] =	ssyncadd.s32 $0xFFFFFF00  }
0x27: {  	[bflag:$0x0] =	sbarrier.arrive $0xFFFF  }
0x28: {  	[tilespmem:s19], [sflag:$0x1] =	stream.indirect.gather [hbm4b:s4+s18], $0x80, s3, s18, $0xb8;
	[tilespmem:$0x1C400] =	vst v63  }
0x29: {  	_ =	swait.ge [sflag:s28], $0x3E80  }
0x2a: {  	[sflag:s28] =	ssyncset.done $0x0  }
0x2b: {  	[sflag:s28] =	ssyncadd.s32 $0xFFFFC180  }
0x2c: {  	[tilespmem:s20], [sflag:$0x3] =	stream.linear.gather [hbm4b:s14+s3], $0x100, $0x38;
	[tilespmem:$0x1C400] =	vst v63  }
0x2d: {  	s21 =	simm.s32 $0x300  }
0x2e: {  	[tilespmem:s21], [sflag:$0x3] =	stream.linear.gather [hbm4b:s15+s3], $0x100, $0x38;
	[tilespmem:$0x1C400] =	vst v63  }
0x2f: {  	_ = 	snop  }
0x30: {  	[spmem:s1] =	stream.indirect.scatter.add.f32 [tilespmem:s19], [sflag:$0x2], $0x80, s30, s18, $0xb8;
	[tilespmem:$0x1C400] =	vst v63  }
0x31: {  	s22 =	simm.s32 $0x80  }
0x32: {  	[tilespmem:s23], [sflag:$0x1] =	stream.indirect.gather [hbm4b:s4+s18], $0x80, s22, s18, $0xb8;
	[tilespmem:$0x1C400] =	vst v63  }
0x33: {  	_ =	swait.ge [sflag:s28], $0x3E80  }
0x34: {  	[sflag:s28] =	ssyncset.done $0x0  }
0x35: {  	[sflag:s28] =	ssyncadd.s32 $0xFFFFC180  }
0x36: {  	_ =	swait.ge [sflag:s24], $0x3E80  }
0x37: {  	[sflag:s24] =	ssyncset.done $0x0  }
0x38: {  	s25 =	simm.s32 $0x280;
	[sflag:s24] =	ssyncadd.s32 $0xFFFFC180  }
0x39: {  	[spmem:s1] =	stream.indirect.scatter.add.f32 [tilespmem:s23], [sflag:$0x2], $0x80, s25, s18, $0xb8;
	[tilespmem:$0x1C400] =	vst v63  }
0x3a: {  	_ =	swait.ge [sflag:s26], $0x100  }
0x3b: {  	[sflag:s26] =	ssyncset.done $0x0  }
0x3c: {  	[sflag:s26] =	ssyncadd.s32 $0xFFFFFF00  }
0x3d: {  	_ =	swait.ge [sflag:s26], $0x100  }
0x3e: {  	[sflag:s26] =	ssyncset.done $0x0  }
0x3f: {  	s31 =	simm.s32 $0x1;
	[sflag:s26] =	ssyncadd.s32 $0xFFFFFF00  }
0x40: {  	[tilespmem:s19], [sflag:$0x1] =	stream.indirect.gather [hbm4b:s4+s18], $0x80, s20, s18, $0xb8;
	[tilespmem:$0x1C400] =	vst v63  }
.LBB2_2:
0x41: {  	_ =	swait.ge [sflag:s28], $0x3E80;
	p0 =	seq.s32 s31, $0x27  }
0x42: {  	s21 =	sand.u32 $0x1, s31;
	[sflag:s28] =	ssyncset.done $0x0;
	s0 =	sand.u32 @!p0 $0x7C00, s30  }
0x43: {  	s2 =	sand.u32 @!p0 $0x300, s30;
	[sflag:s28] =	ssyncadd.s32 $0xFFFFC180;
	s0 =	sadd.s32 @!p0 s8, s0  }
0x44: {  	s7 =	simm.s32 @!p0 $0x0;
	_ =	swait.ge [sflag:s24], $0x3E80;
	s2 =	sor.u32 @!p0 s2, s0  }
0x45: {  	s0 =	sxor.u32 $0x1, s21;
	[sflag:s24] =	ssyncset.done $0x0;
	s2 =	sshrl.u32 @!p0 s2, $0x3  }
0x46: {  	s22 =	sshll.u32 @!p0 s0, $0x8;
	[sflag:s24] =	ssyncadd.s32 $0xFFFFC180;
	s25 =	sadd.s32 @!p0 s5, s2  }
0x47: {  	[tilespmem:s22], [sflag:$0x3] =	stream.linear.gather @!p0 [hbm4b:s25+s7], $0x100, $0x38;
	[tilespmem:$0x1C400] =	vst v63  }
0x48: {  	s21 =	sshll.u32 s21, $0x8;
	s2 =	sadd.s32 @!p0 s6, s2;
	s22 =	sor.u32 @!p0 $0x200, s22  }
0x49: {  	[tilespmem:s22], [sflag:$0x3] =	stream.linear.gather @!p0 [hbm4b:s2+s7], $0x100, $0x38;
	[tilespmem:$0x1C400] =	vst v63  }
0x4a: {  	s22 =	sor.u32 $0x200, s21  }
0x4b: {  	[spmem:s1] =	stream.indirect.scatter.add.f32 [tilespmem:s19], [sflag:$0x2], $0x80, s22, s18, $0xb8;
	[tilespmem:$0x1C400] =	vst v63  }
0x4c: {  	s25 =	sor.u32 $0x80, s21  }
0x4d: {  	[tilespmem:s23], [sflag:$0x1] =	stream.indirect.gather [hbm4b:s4+s18], $0x80, s25, s18, $0xb8;
	[tilespmem:$0x1C400] =	vst v63  }
0x4e: {  	_ =	swait.ge [sflag:s28], $0x3E80  }
0x4f: {  	[sflag:s28] =	ssyncset.done $0x0  }
.Ltmp2:
0x50: {  	[sflag:s28] =	ssyncadd.s32 $0xFFFFC180;
	(pc) =	sbr.rel @p0 .LBB2_4-.Ltmp2, $4  }
0x51: {  	_ =	swait.ge [sflag:s24], $0x3E80  }
0x52: {  	[sflag:s24] =	ssyncset.done $0x0  }
0x53: {  	s2 =	sor.u32 $0x280, s21;
	[sflag:s24] =	ssyncadd.s32 $0xFFFFC180  }
0x54: {  	[spmem:s1] =	stream.indirect.scatter.add.f32 [tilespmem:s23], [sflag:$0x2], $0x80, s2, s18, $0xb8;
	[tilespmem:$0x1C400] =	vst v63  }
0x55: {  	_ =	swait.ge [sflag:s26], $0x100  }
0x56: {  	[sflag:s26] =	ssyncset.done $0x0  }
.Ltmp3:
0x57: {  	[sflag:s26] =	ssyncadd.s32 $0xFFFFFF00;
	(pc) =	sbr.rel .LBB2_2-.Ltmp3, $4  }
0x58: {  	_ =	swait.ge [sflag:s26], $0x100  }
0x59: {  	s0 =	sshll.u32 s0, $0x8;
	[sflag:s26] =	ssyncset.done $0x0  }
0x5a: {  	s31 =	sadd.s32 $0x1, s31;
	s30 =	sadd.s32 $0x100, s30;
	[sflag:s26] =	ssyncadd.s32 $0xFFFFFF00  }
0x5b: {  	[tilespmem:s19], [sflag:$0x1] =	stream.indirect.gather [hbm4b:s4+s18], $0x80, s0, s18, $0xb8;
	[tilespmem:$0x1C400] =	vst v63  }
.LBB2_5:
0x5c: {  	_ =	sfence.sel $0x180000  }
0x5d: {  	[bflag:$0x0] =	sbarrier.arrive $0xFFFF  }
0x5e: {  	_ =	strace $0x9000004A  }
0x5f: {  	s0 =	stileid.u32;
	[bflag:$0x2] =	sbarrier.arrive $0xFFFF  }
0x60: {  	p0 =	sne.s32 s0, $0x0;
	s0 =	rddreg [dreg:$0x2]  }
0x61: {  	s0 =	sadd.s32 @!p0 $0x100000, s0  }
0x62: {  	[sflag:s0] =	ssyncadd.tile.s32 @!p0 $0x1;
	_ =	shalt  }
.Lfunc_end2:
_tile_overlayer_lowered:
.L_overlay_start_2:
0x63: {  	(tag) =	ssettag $0x2  }
0x64: {  	s0 =	rddreg [dreg:$0x0];
	s2 =	stileid.u32  }
0x65: {  	s1 =	rddreg [dreg:$0x1];
	p0 =	sne.s32 s2, $0x0  }
0x66: {  	s3 =	rddreg [dreg:$0x2];
	[bflag:$0x3] =	sbarrier.arrive $0xFFFF;
	s2 =	simm.s32 @!p0 $0x1C04  }
0x67: {  	[timem:s3], [sflag:s2] =	dma.local @!p0 [hbm:s0], s1  }
0x68: {  	s0 =	simm.s32 @!p0 $0x4  }
0x69: {  	_ =	swait.ge @!p0 [sflag:s0], s1  }
0x6a: {  	s1 =	ssub.s32 @!p0 $0x0, s1;
	[sflag:s0] =	ssyncset.done @!p0 $0x0  }
0x6b: {  	[sflag:s0] =	ssyncadd.s32 @!p0 s1  }
0x6c: {  	[bflag:$0x3] =	sbarrier.arrive $0xFFFF  }
0x6d: {  	_ =	shalt  }

// kernel: kernel.20.cloned.1.call-start
scs
__scs_entry_jumppad:
0x0: {  	(pc) =	sbr.rel $0x88, $3  }
0x1: {  	(tag) =	ssettag $0x0;
	lr =	simm.s32 $0x1  }
0x2: {  	[smem:$0x3F5B] =	sst lr;
	_ =	strace $0xD0000000  }
0x3: {  	_ = 	snop  }
0x4: {  	_ = 	snop  }
0x5: {  	_ = 	snop  }
0x6: {  	_ = 	snop  }
0x7: {  	_ = 	snop  }
__scs_overlays_trampoline_lowered:
0x8: {  	[smem:$0x3F6A] =	sst s0  }
0x9: {  	[smem:$0x3F6B] =	sst s1  }
0xa: {  	[smem:$0x3F6C] =	sst s2  }
0xb: {  	[smem:$0x3F6D] =	sst s3  }
0xc: {  	[smem:$0x3F6E] =	sst s4  }
0xd: {  	[smem:$0x3F6F] =	sst s5  }
0xe: {  	[smem:$0x3F70] =	sst s6  }
0xf: {  	[smem:$0x3F71] =	sst s7  }
0x10: {  	[smem:$0x3F72] =	sst s8  }
0x11: {  	[smem:$0x3F73] =	sst s9;
	s0 =	simm.s32 @!p0 $0x0  }
0x12: {  	s1 =	sld [smem:$0x3F59];
	s0 =	simm.s32 @p0 $0x1  }
0x13: {  	[smem:$0x3F74] =	sst s0;
	s0 =	simm.s32 @!p1 $0x0  }
0x14: {  	s2 =	sld [smem:$0x3F58];
	s0 =	simm.s32 @p1 $0x1  }
0x15: {  	[smem:$0x3F75] =	sst s0;
	s0 =	simm.s32 @!p2 $0x0  }
0x16: {  	s3 =	sld [smem:$0x3FDB];
	s0 =	simm.s32 @p2 $0x1  }
0x17: {  	s4 =	simm.s32 $0x1BF5;
	[smem:$0x3F77] =	sst s0  }
0x18: {  	s0 =	sld [smem:$0x3F5A];
	_ =	swait.ge [sflag:s4], $0x0  }
0x19: {  	s7 =	sld [smem:$0x3F5B]  }
0x1a: {  	s8 =	sadd.s32 $0xFFFFE003, lr  }
0x1b: {  	s9 =	sadd.s32 $0xFFFFFEF7, lr;
	s5 =	simm.s32 $0xFFFFFFFF;
	p2 =	slt.u32 s8, $0xFFFFF086  }
0x1c: {  	p1 =	slt.u32 s9, $0xF7A;
	s5 =	simm.s32 @!p2 $0x0  }
0x1d: {  	s5 =	simm.s32 @p1 $0x1;
	p0 =	seq.s32 s7, s2  }
0x1e: {  	s7 =	smul.u32 @!p0 $0xF7A, s2;
	p2 =	seq.s32 @!p0 s5, $0x0  }
0x1f: {  	s9 =	smul.u32 $0xF7A, s1;
	s8 =	simm.s32 @!p0 $0x1BF5;
	p2 =	por !p2, p0  }
0x20: {  	[sflag:s8] =	ssyncset.s32 @!p0 $0xFFFFF086;
	s6 =	sadd.s32 @!p0 s3, s7;
	s7 =	simm.s32 @!p0 $0x108  }
0x21: {  	s3 =	sadd.s32 s3, s9;
	s6 =	sadd.s32 @!p0 $0x88, s6;
	s7 =	simm.s32 @p2 $0x1082  }
0x22: {  	[simem:s7], [sflag:s8] =	dma.local @!p0 [hbm:s6], $0xF7A  }
0x23: {  	s9 =	sor.u32 $0xD0000000, s2;
	s6 =	simm.s32 $0x108;
	_ =	swait.ge @!p0 [sflag:s8], $0x0  }
0x24: {  	s3 =	sadd.s32 $0x88, s3;
	s6 =	simm.s32 @!p1 $0x1082;
	[sflag:s4] =	ssyncset.s32 $0xFFFFF086  }
0x25: {  	[simem:s6], [sflag:s4] =	dma.local [hbm:s3], $0xF7A  }
0x26: {  	[smem:$0x3F5B] =	sst s1;
	(tag) =	ssettag s2;
	_ =	strace s9  }
0x27: {  	s1 =	sld [smem:$0x3F6B]  }
0x28: {  	s2 =	sld [smem:$0x3F6C]  }
0x29: {  	s4 =	sld [smem:$0x3F6E]  }
0x2a: {  	p0 =	seq.s32 s5, $0x0;
	s5 =	sld [smem:$0x3F6F]  }
0x2b: {  	s6 =	sld [smem:$0x3F70]  }
0x2c: {  	s7 =	sld [smem:$0x3F71]  }
0x2d: {  	s3 =	simm.s32 $0x108;
	s8 =	sld [smem:$0x3F72]  }
0x2e: {  	s3 =	simm.s32 @!p0 $0x1082;
	s9 =	sld [smem:$0x3F73]  }
0x2f: {  	lr =	sadd.s32 s0, s3;
	s0 =	sld [smem:$0x3F6A]  }
0x30: {  	s3 =	sld [smem:$0x3F6D]  }
0x31: {  	[smem:$0x3F76] =	sst s10  }
0x32: {  	s10 =	sld [smem:$0x3F74];
	_ =	sdelay $0x3  }
0x33: {  	p0 =	seq.s32 s10, $0x1;
	s10 =	sld [smem:$0x3F76];
	_ =	sdelay $0x3  }
0x34: {  	[smem:$0x3F76] =	sst s10  }
0x35: {  	s10 =	sld [smem:$0x3F75];
	_ =	sdelay $0x3  }
0x36: {  	p1 =	seq.s32 s10, $0x1;
	s10 =	sld [smem:$0x3F76];
	_ =	sdelay $0x3  }
0x37: {  	[smem:$0x3F76] =	sst s10  }
0x38: {  	s10 =	sld [smem:$0x3F77]  }
0x39: {  	_ = 	snop;
	(pc) =	sbr.ind lr, $3  }
0x3a: {  	_ = 	snop  }
0x3b: {  	_ = 	snop  }
0x3c: {  	p2 =	seq.s32 s10, $0x1;
	s10 =	sld [smem:$0x3F76]  }
0x3d: {  	_ =	shalt  }
0x3e: {  	_ =	shalt  }
0x3f: {  	_ =	shalt  }
0x40: {  	_ =	shalt  }
0x41: {  	_ =	shalt  }
0x42: {  	_ =	shalt  }
0x43: {  	_ =	shalt  }
0x44: {  	_ =	shalt  }
0x45: {  	_ =	shalt  }
0x46: {  	_ =	shalt  }
0x47: {  	_ =	shalt  }
0x48: {  	_ =	shalt  }
0x49: {  	_ =	shalt  }
0x4a: {  	_ =	shalt  }
0x4b: {  	_ =	shalt  }
0x4c: {  	_ =	shalt  }
0x4d: {  	_ =	shalt  }
0x4e: {  	_ =	shalt  }
0x4f: {  	_ =	shalt  }
0x50: {  	_ =	shalt  }
0x51: {  	_ =	shalt  }
0x52: {  	_ =	shalt  }
0x53: {  	_ =	shalt  }
0x54: {  	_ =	shalt  }
0x55: {  	_ =	shalt  }
0x56: {  	_ =	shalt  }
0x57: {  	_ =	shalt  }
0x58: {  	_ =	shalt  }
0x59: {  	_ =	shalt  }
0x5a: {  	_ =	shalt  }
0x5b: {  	_ =	shalt  }
0x5c: {  	_ =	shalt  }
0x5d: {  	_ =	shalt  }
0x5e: {  	_ =	shalt  }
0x5f: {  	_ =	shalt  }
0x60: {  	_ =	shalt  }
0x61: {  	_ =	shalt  }
0x62: {  	_ =	shalt  }
0x63: {  	_ =	shalt  }
0x64: {  	_ =	shalt  }
0x65: {  	_ =	shalt  }
0x66: {  	_ =	shalt  }
0x67: {  	_ =	shalt  }
0x68: {  	_ =	shalt  }
0x69: {  	_ =	shalt  }
0x6a: {  	_ =	shalt  }
0x6b: {  	_ =	shalt  }
0x6c: {  	_ =	shalt  }
0x6d: {  	_ =	shalt  }
0x6e: {  	_ =	shalt  }
0x6f: {  	_ =	shalt  }
0x70: {  	_ =	shalt  }
0x71: {  	_ =	shalt  }
0x72: {  	_ =	shalt  }
0x73: {  	_ =	shalt  }
0x74: {  	_ =	shalt  }
0x75: {  	_ =	shalt  }
0x76: {  	_ =	shalt  }
0x77: {  	_ =	shalt  }
0x78: {  	_ =	shalt  }
0x79: {  	_ =	shalt  }
0x7a: {  	_ =	shalt  }
0x7b: {  	_ =	shalt  }
0x7c: {  	_ =	shalt  }
0x7d: {  	_ =	shalt  }
0x7e: {  	_ =	shalt  }
0x7f: {  	_ =	shalt  }
0x80: {  	_ =	shalt  }
0x81: {  	_ =	shalt  }
0x82: {  	_ =	shalt  }
0x83: {  	_ =	shalt  }
0x84: {  	_ =	shalt  }
0x85: {  	_ =	shalt  }
0x86: {  	_ =	shalt  }
0x87: {  	_ =	shalt  }
.Lfunc_end0:
.L_simem_size_0:
called_computation.2_lowered:
.L_overlay_start_0:
0x88: {  	s2 =	sld [smem:$0x3FD9]  }
0x89: {  	s3 =	sld [smem:$0x3FFE];
	_ =	sdelay $0x1  }
0x8a: {  	s1 =	srdreg.scid  }
0x8b: {  	s0 =	sand.u32 $0x1, s1  }
0x8c: {  	s16 =	sshll.u32 s0, $0xA;
	s2 =	sadd.s32 s3, s2  }
0x8d: {  	s2 =	sadd.s32 s2, s16  }
0x8e: {  	[smem:$0x3F82] =	sst s2  }
0x8f: {  	_ = 	snop  }
0x90: {  	(tm) =	ssettm $0x1  }
0x91: {  	s17 =	sld [smem:$0x3FFB];
	_ =	sdelay $0x3  }
0x92: {  	_ =	strace s17  }
0x93: {  	s2 =	sld [smem:$0x3FFC];
	_ =	sdelay $0x3  }
0x94: {  	_ =	strace s2  }
0x95: {  	s2 =	sld [smem:$0x3FFD];
	_ =	sdelay $0x3  }
0x96: {  	_ =	strace s2  }
0x97: {  	_ =	strace $0x8FFFFFFF  }
0x98: {  	s18 =	sld [smem:$0x3FDB];
	_ =	sdelay $0x1  }
0x99: {  	s19 =	simm.s32 $_scs_section_size  }
0x9a: {  	s4 =	simm.s32 $_size__tile_overlayer_lowered;
	s5 =	simm.s32 $_tile_overlayer_lowered  }
0x9b: {  	s22 =	simm.s32 $0x1BFF;
	s21 =	sshll.u32 s5, $0x1;
	s2 =	sadd.s32 s19, s18  }
0x9c: {  	s6 =	simm.s32 $0x0;
	s20 =	sshll.u32 s4, $0x1;
	s4 =	sadd.s32 s21, s2  }
0x9d: {  	[timem:s6], [sflag:s22] =	dma.local [hbm:s4], s20  }
0x9e: {  	_ =	swait.ge [sflag:s22], s20  }
0x9f: {  	s3 =	ssub.s32 $0x0, s20;
	[sflag:s22] =	ssyncset.done $0x0  }
0xa0: {  	[sflag:s22] =	ssyncadd.s32 s3;
	_ =	sdelay $0x1  }
0xa1: {  	s23 =	simm.s32 $0x1B8B  }
0xa2: {  	_ =	swait.ge [sflag:s23], $0x1  }
0xa3: {  	[sflag:s23] =	ssyncset.done $0x0  }
0xa4: {  	s25 =	simm.s32 $0x1B8E;
	s24 =	sld [smem:$0x3FFE];
	[sflag:s23] =	ssyncadd.s32 $0xFFFFFFFF  }
0xa5: {  	s26 =	simm.s32 $execute0_lowered;
	[smem:$0x3FD2] =	sst s25  }
0xa6: {  	s4 =	sshll.u32 s26, $0x1;
	_ =	strace $0x8000004C;
	[dreg:$0x1] =	wrdreg $0xFFFFFFFF  }
0xa7: {  	s28 =	simm.s32 $_size_execute0_lowered;
	s2 =	sadd.s32 s2, s4;
	[dreg:$0x0] =	wrdreg $0x0  }
0xa8: {  	s4 =	sshll.u32 s28, $0x1;
	[dreg:$0x2] =	wrdreg s2  }
0xa9: {  	[dreg:$0x3] =	wrdreg s4  }
0xaa: {  	[dreg:$0x4] =	wrdreg $0xC0  }
0xab: {  	_ =	task [dreg:s6], $0x5FFFF  }
0xac: {  	[dreg:$0x1] =	wrdreg $0xFFFFFFFF  }
0xad: {  	[dreg:$0x0] =	wrdreg $0x60  }
0xae: {  	[dreg:$0x2] =	wrdreg s24  }
0xaf: {  	[dreg:$0x3] =	wrdreg $0x84000  }
0xb0: {  	[dreg:$0x4] =	wrdreg $0x9  }
0xb1: {  	_ =	task.clear_ibuf [dreg:s6], $0x5FFFF;
	_ =	strace $0x9000004C  }
0xb2: {  	s29 =	simm.s32 $0x9;
	_ =	strace $0x8000004E  }
0xb3: {  	_ =	swait.ge [sflag:s29], $0x1  }
0xb4: {  	[sflag:s29] =	ssyncadd.s32 $0xFFFFFFFF  }
0xb5: {  	_ =	strace $0x9000004E  }
0xb6: {  	_ =	sfence  }
0xb7: {  	s30 =	sld [smem:$0x0];
	_ =	sdelay $0x2  }
0xb8: {  	s31 =	sshll.u32 s1, $0xD;
	s1 =	sshrl.u32 s1, $0x2  }
0xb9: {  	s3 =	sand.u32 $0x4000, s31;
	s1 =	sadd.s32 s1, s30  }
0xba: {  	s0 =	sor.u32 s3, s0;
	s1 =	sshll.u32 s1, $0x11  }
0xbb: {  	s0 =	sor.u32 s1, s0  }
0xbc: {  	s0 =	sadd.s32 $0x8F2B, s0  }
0xbd: {  	[sflag:s0] =	ssyncadd.remote.s32 $0x1  }
0xbe: {  	_ =	sfence.sel $0xFFFF  }
0xbf: {  	[dreg:$0x0] =	wrdreg $0xFFFFFFFF;
	(pc) =	sbr.abs _section_cstart, $3  }
0xc0: {  	[dreg:$0x1] =	wrdreg $0xFFFFFFFF  }
0xc1: {  	_ =	task.clear_ibuf [dreg:s6], $0x2FFFF;
	_ =	strace $0x9FFFFFFF  }
0xc2: {  	(tm) =	ssettm $0x7FFFFFFF  }
0xc3: {  	_ =	shalt  }
tec
execute0_lowered:
.L_overlay_start_1:
0x0: {  	(tag) =	ssettag $0x1  }
0x1: {  	s0 =	rddreg [dreg:$0x0]  }
0x2: {  	s1 =	rddreg [dreg:$0x1];
	s3 =	simm.s32 $0x0  }
0x3: {  	s2 =	srdreg.scid;
	s22 =	stileid.u32;
	s17 =	simm.s32 $0x4  }
0x4: {  	s18 =	simm.s32 $0x7D;
	s19 =	simm.s32 $0x400;
	s20 =	simm.s32 $0x100  }
0x5: {  	s28 =	simm.s32 $0x1;
	s29 =	simm.s32 $0x0;
	[smem:$0x7FF] =	sst s3  }
0x6: {  	s8 =	sand.u32 $0x1, s2;
	s10 =	smul.u32 $0x14000, s22;
	s4 =	sadd.s32 $0x24A00, s0  }
0x7: {  	s5 =	sadd.s32 $0x10A00, s0;
	s6 =	sadd.s32 $0x1AA00, s0;
	s25 =	smul.u32 $0x50000, s22  }
0x8: {  	s7 =	sadd.s32 $0x4BC00, s0;
	s30 =	sshll.u32 s22, $0x6;
	s9 =	smul.u32 $0x140000, s8  }
0x9: {  	_ =	strace $0x8000004D;
	s23 =	sshll.u32 s8, $0x4;
	s11 =	ssub.s32 $0x2, s8  }
0xa: {  	[dreg:$0x3] =	wrdreg s7;
	s24 =	sor.u32 s22, s23;
	s12 =	sshrl.u32 s11, $0x1  }
0xb: {  	s26 =	sshrl.u32 s25, $0x2;
	s23 =	simm.s32 $0x4400;
	s9 =	sadd.s32 s10, s9  }
0xc: {  	s8 =	smul.u32 $0x2800, s24;
	s13 =	ssub.s32 s11, s12;
	s16 =	sadd.s32 s26, s1  }
.Ltmp0:
0xd: {  	s24 =	simm.s32 $0x2;
	s26 =	simm.s32 $0x3;
	(pc) =	sbr.rel .LBB2_1-.Ltmp0, $4  }
0xe: {  	s9 =	sshrl.u32 s9, $0x3;
	s13 =	smax.u32 s13, $0x1;
	s16 =	sshrl.u32 s16, $0x3  }
0xf: {  	s0 =	sadd.s32 s9, s0;
	s14 =	sshrl.u32 s8, $0x3;
	s9 =	sor.u32 $0x1C04, s30  }
0x10: {  	s10 =	sadd.s32 s5, s14;
	s11 =	sadd.s32 s6, s14;
	s31 =	sor.u32 $0x20, s14  }
0x11: {  	s12 =	sadd.s32 $0x4E400, s0;
	s14 =	sadd.s32 s5, s31;
	s15 =	sadd.s32 s6, s31  }
.LBB2_4:
0x12: {  	_ =	swait.ge [sflag:s24], $0x3E80  }
0x13: {  	s29 =	sadd.s32 $0x1, s29;
	[sflag:s24] =	ssyncset.done $0x0  }
0x14: {  	p0 =	sne.s32 s29, s13;
	[sflag:s24] =	ssyncadd.s32 $0xFFFFC180  }
.Ltmp1:
0x15: {  	[bflag:$0x0] =	sbarrier.arrive $0xFFFF;
	(pc) =	sbr.rel @!p0 .LBB2_5-.Ltmp1, $4  }
0x16: {  	[hbm:s12], [sflag:s9] =	dma.local [spmem:s16], $0x2800  }
0x17: {  	_ =	swait.ge [sflag:s17], $0x2800  }
0x18: {  	[sflag:s17] =	ssyncset.done $0x0  }
0x19: {  	[sflag:s17] =	ssyncadd.s32 $0xFFFFD800  }
.LBB2_1:
0x1a: {  	s0 =	rddreg [dreg:$0x3]  }
0x1b: {  	[spmem:s16], [sflag:s9] =	dma.local [hbm:s0], $0x2800  }
0x1c: {  	_ =	swait.ge [sflag:s17], $0x2800  }
0x1d: {  	[sflag:s17] =	ssyncset.done $0x0  }
0x1e: {  	[sflag:s17] =	ssyncadd.s32 $0xFFFFD800  }
0x1f: {  	[tilespmem:s3], [sflag:$0x4] =	stream.linear.gather [hbm4b:s10+s3], $0x100, $0x38;
	[tilespmem:$0x1C400] =	vst v63  }
0x20: {  	_ =	swait.ge [sflag:s17], $0x100  }
0x21: {  	[sflag:s17] =	ssyncset.done $0x0  }
0x22: {  	s30 =	simm.s32 $0x200;
	[sflag:s17] =	ssyncadd.s32 $0xFFFFFF00  }
0x23: {  	[tilespmem:s30], [sflag:$0x4] =	stream.linear.gather [hbm4b:s11+s3], $0x100, $0x38;
	[tilespmem:$0x1C400] =	vst v63  }
0x24: {  	_ =	swait.ge [sflag:s17], $0x100  }
0x25: {  	[sflag:s17] =	ssyncset.done $0x0  }
0x26: {  	[sflag:s17] =	ssyncadd.s32 $0xFFFFFF00  }
0x27: {  	[bflag:$0x0] =	sbarrier.arrive $0xFFFF  }
0x28: {  	[tilespmem:s19], [sflag:$0x1] =	stream.indirect.gather [hbm4b:s4+s18], $0x80, s3, s18, $0xb8;
	[tilespmem:$0x1C400] =	vst v63  }
0x29: {  	_ =	swait.ge [sflag:s28], $0x3E80  }
0x2a: {  	[sflag:s28] =	ssyncset.done $0x0  }
0x2b: {  	[sflag:s28] =	ssyncadd.s32 $0xFFFFC180  }
0x2c: {  	[tilespmem:s20], [sflag:$0x3] =	stream.linear.gather [hbm4b:s14+s3], $0x100, $0x38;
	[tilespmem:$0x1C400] =	vst v63  }
0x2d: {  	s21 =	simm.s32 $0x300  }
0x2e: {  	[tilespmem:s21], [sflag:$0x3] =	stream.linear.gather [hbm4b:s15+s3], $0x100, $0x38;
	[tilespmem:$0x1C400] =	vst v63  }
0x2f: {  	_ = 	snop  }
0x30: {  	[spmem:s1] =	stream.indirect.scatter.add.f32 [tilespmem:s19], [sflag:$0x2], $0x80, s30, s18, $0xb8;
	[tilespmem:$0x1C400] =	vst v63  }
0x31: {  	s22 =	simm.s32 $0x80  }
0x32: {  	[tilespmem:s23], [sflag:$0x1] =	stream.indirect.gather [hbm4b:s4+s18], $0x80, s22, s18, $0xb8;
	[tilespmem:$0x1C400] =	vst v63  }
0x33: {  	_ =	swait.ge [sflag:s28], $0x3E80  }
0x34: {  	[sflag:s28] =	ssyncset.done $0x0  }
0x35: {  	[sflag:s28] =	ssyncadd.s32 $0xFFFFC180  }
0x36: {  	_ =	swait.ge [sflag:s24], $0x3E80  }
0x37: {  	[sflag:s24] =	ssyncset.done $0x0  }
0x38: {  	s25 =	simm.s32 $0x280;
	[sflag:s24] =	ssyncadd.s32 $0xFFFFC180  }
0x39: {  	[spmem:s1] =	stream.indirect.scatter.add.f32 [tilespmem:s23], [sflag:$0x2], $0x80, s25, s18, $0xb8;
	[tilespmem:$0x1C400] =	vst v63  }
0x3a: {  	_ =	swait.ge [sflag:s26], $0x100  }
0x3b: {  	[sflag:s26] =	ssyncset.done $0x0  }
0x3c: {  	[sflag:s26] =	ssyncadd.s32 $0xFFFFFF00  }
0x3d: {  	_ =	swait.ge [sflag:s26], $0x100  }
0x3e: {  	[sflag:s26] =	ssyncset.done $0x0  }
0x3f: {  	s31 =	simm.s32 $0x1;
	[sflag:s26] =	ssyncadd.s32 $0xFFFFFF00  }
0x40: {  	[tilespmem:s19], [sflag:$0x1] =	stream.indirect.gather [hbm4b:s4+s18], $0x80, s20, s18, $0xb8;
	[tilespmem:$0x1C400] =	vst v63  }
.LBB2_2:
0x41: {  	_ =	swait.ge [sflag:s28], $0x3E80;
	p0 =	seq.s32 s31, $0x27  }
0x42: {  	s21 =	sand.u32 $0x1, s31;
	[sflag:s28] =	ssyncset.done $0x0;
	s0 =	sand.u32 @!p0 $0x7C00, s30  }
0x43: {  	s2 =	sand.u32 @!p0 $0x300, s30;
	[sflag:s28] =	ssyncadd.s32 $0xFFFFC180;
	s0 =	sadd.s32 @!p0 s8, s0  }
0x44: {  	s7 =	simm.s32 @!p0 $0x0;
	_ =	swait.ge [sflag:s24], $0x3E80;
	s2 =	sor.u32 @!p0 s2, s0  }
0x45: {  	s0 =	sxor.u32 $0x1, s21;
	[sflag:s24] =	ssyncset.done $0x0;
	s2 =	sshrl.u32 @!p0 s2, $0x3  }
0x46: {  	s22 =	sshll.u32 @!p0 s0, $0x8;
	[sflag:s24] =	ssyncadd.s32 $0xFFFFC180;
	s25 =	sadd.s32 @!p0 s5, s2  }
0x47: {  	[tilespmem:s22], [sflag:$0x3] =	stream.linear.gather @!p0 [hbm4b:s25+s7], $0x100, $0x38;
	[tilespmem:$0x1C400] =	vst v63  }
0x48: {  	s21 =	sshll.u32 s21, $0x8;
	s2 =	sadd.s32 @!p0 s6, s2;
	s22 =	sor.u32 @!p0 $0x200, s22  }
0x49: {  	[tilespmem:s22], [sflag:$0x3] =	stream.linear.gather @!p0 [hbm4b:s2+s7], $0x100, $0x38;
	[tilespmem:$0x1C400] =	vst v63  }
0x4a: {  	s22 =	sor.u32 $0x200, s21  }
0x4b: {  	[spmem:s1] =	stream.indirect.scatter.add.f32 [tilespmem:s19], [sflag:$0x2], $0x80, s22, s18, $0xb8;
	[tilespmem:$0x1C400] =	vst v63  }
0x4c: {  	s25 =	sor.u32 $0x80, s21  }
0x4d: {  	[tilespmem:s23], [sflag:$0x1] =	stream.indirect.gather [hbm4b:s4+s18], $0x80, s25, s18, $0xb8;
	[tilespmem:$0x1C400] =	vst v63  }
0x4e: {  	_ =	swait.ge [sflag:s28], $0x3E80  }
0x4f: {  	[sflag:s28] =	ssyncset.done $0x0  }
.Ltmp2:
0x50: {  	[sflag:s28] =	ssyncadd.s32 $0xFFFFC180;
	(pc) =	sbr.rel @p0 .LBB2_4-.Ltmp2, $4  }
0x51: {  	_ =	swait.ge [sflag:s24], $0x3E80  }
0x52: {  	[sflag:s24] =	ssyncset.done $0x0  }
0x53: {  	s2 =	sor.u32 $0x280, s21;
	[sflag:s24] =	ssyncadd.s32 $0xFFFFC180  }
0x54: {  	[spmem:s1] =	stream.indirect.scatter.add.f32 [tilespmem:s23], [sflag:$0x2], $0x80, s2, s18, $0xb8;
	[tilespmem:$0x1C400] =	vst v63  }
0x55: {  	_ =	swait.ge [sflag:s26], $0x100  }
0x56: {  	[sflag:s26] =	ssyncset.done $0x0  }
.Ltmp3:
0x57: {  	[sflag:s26] =	ssyncadd.s32 $0xFFFFFF00;
	(pc) =	sbr.rel .LBB2_2-.Ltmp3, $4  }
0x58: {  	_ =	swait.ge [sflag:s26], $0x100  }
0x59: {  	s0 =	sshll.u32 s0, $0x8;
	[sflag:s26] =	ssyncset.done $0x0  }
0x5a: {  	s31 =	sadd.s32 $0x1, s31;
	s30 =	sadd.s32 $0x100, s30;
	[sflag:s26] =	ssyncadd.s32 $0xFFFFFF00  }
0x5b: {  	[tilespmem:s19], [sflag:$0x1] =	stream.indirect.gather [hbm4b:s4+s18], $0x80, s0, s18, $0xb8;
	[tilespmem:$0x1C400] =	vst v63  }
.LBB2_5:
0x5c: {  	_ =	sfence.sel $0x180000  }
0x5d: {  	[bflag:$0x0] =	sbarrier.arrive $0xFFFF  }
0x5e: {  	_ =	strace $0x9000004D  }
0x5f: {  	s0 =	stileid.u32;
	[bflag:$0x2] =	sbarrier.arrive $0xFFFF  }
0x60: {  	p0 =	sne.s32 s0, $0x0;
	s0 =	rddreg [dreg:$0x2]  }
0x61: {  	s0 =	sadd.s32 @!p0 $0x100000, s0  }
0x62: {  	[sflag:s0] =	ssyncadd.tile.s32 @!p0 $0x1;
	_ =	shalt  }
.Lfunc_end2:
_tile_overlayer_lowered:
.L_overlay_start_2:
0x63: {  	(tag) =	ssettag $0x2  }
0x64: {  	s0 =	rddreg [dreg:$0x0];
	s2 =	stileid.u32  }
0x65: {  	s1 =	rddreg [dreg:$0x1];
	p0 =	sne.s32 s2, $0x0  }
0x66: {  	s3 =	rddreg [dreg:$0x2];
	[bflag:$0x3] =	sbarrier.arrive $0xFFFF;
	s2 =	simm.s32 @!p0 $0x1C04  }
0x67: {  	[timem:s3], [sflag:s2] =	dma.local @!p0 [hbm:s0], s1  }
0x68: {  	s0 =	simm.s32 @!p0 $0x4  }
0x69: {  	_ =	swait.ge @!p0 [sflag:s0], s1  }
0x6a: {  	s1 =	ssub.s32 @!p0 $0x0, s1;
	[sflag:s0] =	ssyncset.done @!p0 $0x0  }
0x6b: {  	[sflag:s0] =	ssyncadd.s32 @!p0 s1  }
0x6c: {  	[bflag:$0x3] =	sbarrier.arrive $0xFFFF  }
0x6d: {  	_ =	shalt  }

// kernel: kernel.23.cloned.1.call-start
scs
__scs_entry_jumppad:
0x0: {  	(pc) =	sbr.rel $0x88, $3  }
0x1: {  	(tag) =	ssettag $0x0;
	lr =	simm.s32 $0x1  }
0x2: {  	[smem:$0x3F5B] =	sst lr;
	_ =	strace $0xD0000000  }
0x3: {  	_ = 	snop  }
0x4: {  	_ = 	snop  }
0x5: {  	_ = 	snop  }
0x6: {  	_ = 	snop  }
0x7: {  	_ = 	snop  }
__scs_overlays_trampoline_lowered:
0x8: {  	[smem:$0x3F6A] =	sst s0  }
0x9: {  	[smem:$0x3F6B] =	sst s1  }
0xa: {  	[smem:$0x3F6C] =	sst s2  }
0xb: {  	[smem:$0x3F6D] =	sst s3  }
0xc: {  	[smem:$0x3F6E] =	sst s4  }
0xd: {  	[smem:$0x3F6F] =	sst s5  }
0xe: {  	[smem:$0x3F70] =	sst s6  }
0xf: {  	[smem:$0x3F71] =	sst s7  }
0x10: {  	[smem:$0x3F72] =	sst s8  }
0x11: {  	[smem:$0x3F73] =	sst s9;
	s0 =	simm.s32 @!p0 $0x0  }
0x12: {  	s1 =	sld [smem:$0x3F59];
	s0 =	simm.s32 @p0 $0x1  }
0x13: {  	[smem:$0x3F74] =	sst s0;
	s0 =	simm.s32 @!p1 $0x0  }
0x14: {  	s2 =	sld [smem:$0x3F58];
	s0 =	simm.s32 @p1 $0x1  }
0x15: {  	[smem:$0x3F75] =	sst s0;
	s0 =	simm.s32 @!p2 $0x0  }
0x16: {  	s3 =	sld [smem:$0x3FDB];
	s0 =	simm.s32 @p2 $0x1  }
0x17: {  	s4 =	simm.s32 $0x1BF5;
	[smem:$0x3F77] =	sst s0  }
0x18: {  	s0 =	sld [smem:$0x3F5A];
	_ =	swait.ge [sflag:s4], $0x0  }
0x19: {  	s7 =	sld [smem:$0x3F5B]  }
0x1a: {  	s8 =	sadd.s32 $0xFFFFE003, lr  }
0x1b: {  	s9 =	sadd.s32 $0xFFFFFEF7, lr;
	s5 =	simm.s32 $0xFFFFFFFF;
	p2 =	slt.u32 s8, $0xFFFFF086  }
0x1c: {  	p1 =	slt.u32 s9, $0xF7A;
	s5 =	simm.s32 @!p2 $0x0  }
0x1d: {  	s5 =	simm.s32 @p1 $0x1;
	p0 =	seq.s32 s7, s2  }
0x1e: {  	s7 =	smul.u32 @!p0 $0xF7A, s2;
	p2 =	seq.s32 @!p0 s5, $0x0  }
0x1f: {  	s9 =	smul.u32 $0xF7A, s1;
	s8 =	simm.s32 @!p0 $0x1BF5;
	p2 =	por !p2, p0  }
0x20: {  	[sflag:s8] =	ssyncset.s32 @!p0 $0xFFFFF086;
	s6 =	sadd.s32 @!p0 s3, s7;
	s7 =	simm.s32 @!p0 $0x108  }
0x21: {  	s3 =	sadd.s32 s3, s9;
	s6 =	sadd.s32 @!p0 $0x88, s6;
	s7 =	simm.s32 @p2 $0x1082  }
0x22: {  	[simem:s7], [sflag:s8] =	dma.local @!p0 [hbm:s6], $0xF7A  }
0x23: {  	s9 =	sor.u32 $0xD0000000, s2;
	s6 =	simm.s32 $0x108;
	_ =	swait.ge @!p0 [sflag:s8], $0x0  }
0x24: {  	s3 =	sadd.s32 $0x88, s3;
	s6 =	simm.s32 @!p1 $0x1082;
	[sflag:s4] =	ssyncset.s32 $0xFFFFF086  }
0x25: {  	[simem:s6], [sflag:s4] =	dma.local [hbm:s3], $0xF7A  }
0x26: {  	[smem:$0x3F5B] =	sst s1;
	(tag) =	ssettag s2;
	_ =	strace s9  }
0x27: {  	s1 =	sld [smem:$0x3F6B]  }
0x28: {  	s2 =	sld [smem:$0x3F6C]  }
0x29: {  	s4 =	sld [smem:$0x3F6E]  }
0x2a: {  	p0 =	seq.s32 s5, $0x0;
	s5 =	sld [smem:$0x3F6F]  }
0x2b: {  	s6 =	sld [smem:$0x3F70]  }
0x2c: {  	s7 =	sld [smem:$0x3F71]  }
0x2d: {  	s3 =	simm.s32 $0x108;
	s8 =	sld [smem:$0x3F72]  }
0x2e: {  	s3 =	simm.s32 @!p0 $0x1082;
	s9 =	sld [smem:$0x3F73]  }
0x2f: {  	lr =	sadd.s32 s0, s3;
	s0 =	sld [smem:$0x3F6A]  }
0x30: {  	s3 =	sld [smem:$0x3F6D]  }
0x31: {  	[smem:$0x3F76] =	sst s10  }
0x32: {  	s10 =	sld [smem:$0x3F74];
	_ =	sdelay $0x3  }
0x33: {  	p0 =	seq.s32 s10, $0x1;
	s10 =	sld [smem:$0x3F76];
	_ =	sdelay $0x3  }
0x34: {  	[smem:$0x3F76] =	sst s10  }
0x35: {  	s10 =	sld [smem:$0x3F75];
	_ =	sdelay $0x3  }
0x36: {  	p1 =	seq.s32 s10, $0x1;
	s10 =	sld [smem:$0x3F76];
	_ =	sdelay $0x3  }
0x37: {  	[smem:$0x3F76] =	sst s10  }
0x38: {  	s10 =	sld [smem:$0x3F77]  }
0x39: {  	_ = 	snop;
	(pc) =	sbr.ind lr, $3  }
0x3a: {  	_ = 	snop  }
0x3b: {  	_ = 	snop  }
0x3c: {  	p2 =	seq.s32 s10, $0x1;
	s10 =	sld [smem:$0x3F76]  }
0x3d: {  	_ =	shalt  }
0x3e: {  	_ =	shalt  }
0x3f: {  	_ =	shalt  }
0x40: {  	_ =	shalt  }
0x41: {  	_ =	shalt  }
0x42: {  	_ =	shalt  }
0x43: {  	_ =	shalt  }
0x44: {  	_ =	shalt  }
0x45: {  	_ =	shalt  }
0x46: {  	_ =	shalt  }
0x47: {  	_ =	shalt  }
0x48: {  	_ =	shalt  }
0x49: {  	_ =	shalt  }
0x4a: {  	_ =	shalt  }
0x4b: {  	_ =	shalt  }
0x4c: {  	_ =	shalt  }
0x4d: {  	_ =	shalt  }
0x4e: {  	_ =	shalt  }
0x4f: {  	_ =	shalt  }
0x50: {  	_ =	shalt  }
0x51: {  	_ =	shalt  }
0x52: {  	_ =	shalt  }
0x53: {  	_ =	shalt  }
0x54: {  	_ =	shalt  }
0x55: {  	_ =	shalt  }
0x56: {  	_ =	shalt  }
0x57: {  	_ =	shalt  }
0x58: {  	_ =	shalt  }
0x59: {  	_ =	shalt  }
0x5a: {  	_ =	shalt  }
0x5b: {  	_ =	shalt  }
0x5c: {  	_ =	shalt  }
0x5d: {  	_ =	shalt  }
0x5e: {  	_ =	shalt  }
0x5f: {  	_ =	shalt  }
0x60: {  	_ =	shalt  }
0x61: {  	_ =	shalt  }
0x62: {  	_ =	shalt  }
0x63: {  	_ =	shalt  }
0x64: {  	_ =	shalt  }
0x65: {  	_ =	shalt  }
0x66: {  	_ =	shalt  }
0x67: {  	_ =	shalt  }
0x68: {  	_ =	shalt  }
0x69: {  	_ =	shalt  }
0x6a: {  	_ =	shalt  }
0x6b: {  	_ =	shalt  }
0x6c: {  	_ =	shalt  }
0x6d: {  	_ =	shalt  }
0x6e: {  	_ =	shalt  }
0x6f: {  	_ =	shalt  }
0x70: {  	_ =	shalt  }
0x71: {  	_ =	shalt  }
0x72: {  	_ =	shalt  }
0x73: {  	_ =	shalt  }
0x74: {  	_ =	shalt  }
0x75: {  	_ =	shalt  }
0x76: {  	_ =	shalt  }
0x77: {  	_ =	shalt  }
0x78: {  	_ =	shalt  }
0x79: {  	_ =	shalt  }
0x7a: {  	_ =	shalt  }
0x7b: {  	_ =	shalt  }
0x7c: {  	_ =	shalt  }
0x7d: {  	_ =	shalt  }
0x7e: {  	_ =	shalt  }
0x7f: {  	_ =	shalt  }
0x80: {  	_ =	shalt  }
0x81: {  	_ =	shalt  }
0x82: {  	_ =	shalt  }
0x83: {  	_ =	shalt  }
0x84: {  	_ =	shalt  }
0x85: {  	_ =	shalt  }
0x86: {  	_ =	shalt  }
0x87: {  	_ =	shalt  }
.Lfunc_end0:
.L_simem_size_0:
called_computation.3_lowered:
.L_overlay_start_0:
0x88: {  	s2 =	sld [smem:$0x3FD9]  }
0x89: {  	s3 =	sld [smem:$0x3FFE];
	_ =	sdelay $0x1  }
0x8a: {  	s1 =	srdreg.scid  }
0x8b: {  	s0 =	sand.u32 $0x1, s1  }
0x8c: {  	s16 =	sshll.u32 s0, $0xA;
	s2 =	sadd.s32 s3, s2  }
0x8d: {  	s2 =	sadd.s32 s2, s16  }
0x8e: {  	[smem:$0x3F82] =	sst s2  }
0x8f: {  	_ = 	snop  }
0x90: {  	(tm) =	ssettm $0x1  }
0x91: {  	s17 =	sld [smem:$0x3FFB];
	_ =	sdelay $0x3  }
0x92: {  	_ =	strace s17  }
0x93: {  	s2 =	sld [smem:$0x3FFC];
	_ =	sdelay $0x3  }
0x94: {  	_ =	strace s2  }
0x95: {  	s2 =	sld [smem:$0x3FFD];
	_ =	sdelay $0x3  }
0x96: {  	_ =	strace s2  }
0x97: {  	_ =	strace $0x8FFFFFFF  }
0x98: {  	s18 =	sld [smem:$0x3FDB];
	_ =	sdelay $0x1  }
0x99: {  	s19 =	simm.s32 $_scs_section_size  }
0x9a: {  	s4 =	simm.s32 $_size__tile_overlayer_lowered;
	s5 =	simm.s32 $_tile_overlayer_lowered  }
0x9b: {  	s22 =	simm.s32 $0x1BFF;
	s21 =	sshll.u32 s5, $0x1;
	s2 =	sadd.s32 s19, s18  }
0x9c: {  	s6 =	simm.s32 $0x0;
	s20 =	sshll.u32 s4, $0x1;
	s4 =	sadd.s32 s21, s2  }
0x9d: {  	[timem:s6], [sflag:s22] =	dma.local [hbm:s4], s20  }
0x9e: {  	_ =	swait.ge [sflag:s22], s20  }
0x9f: {  	s3 =	ssub.s32 $0x0, s20;
	[sflag:s22] =	ssyncset.done $0x0  }
0xa0: {  	[sflag:s22] =	ssyncadd.s32 s3;
	_ =	sdelay $0x1  }
0xa1: {  	s23 =	simm.s32 $0x1B8B  }
0xa2: {  	_ =	swait.ge [sflag:s23], $0x1  }
0xa3: {  	[sflag:s23] =	ssyncset.done $0x0  }
0xa4: {  	s25 =	simm.s32 $0x1B8E;
	s24 =	sld [smem:$0x3FFE];
	[sflag:s23] =	ssyncadd.s32 $0xFFFFFFFF  }
0xa5: {  	s26 =	simm.s32 $execute0_lowered;
	[smem:$0x3FD2] =	sst s25  }
0xa6: {  	s4 =	sshll.u32 s26, $0x1;
	_ =	strace $0x8000004F;
	[dreg:$0x1] =	wrdreg $0xFFFFFFFF  }
0xa7: {  	s28 =	simm.s32 $_size_execute0_lowered;
	s2 =	sadd.s32 s2, s4;
	[dreg:$0x0] =	wrdreg $0x0  }
0xa8: {  	s4 =	sshll.u32 s28, $0x1;
	[dreg:$0x2] =	wrdreg s2  }
0xa9: {  	[dreg:$0x3] =	wrdreg s4  }
0xaa: {  	[dreg:$0x4] =	wrdreg $0xC0  }
0xab: {  	_ =	task [dreg:s6], $0x5FFFF  }
0xac: {  	[dreg:$0x1] =	wrdreg $0xFFFFFFFF  }
0xad: {  	[dreg:$0x0] =	wrdreg $0x60  }
0xae: {  	[dreg:$0x2] =	wrdreg s24  }
0xaf: {  	[dreg:$0x3] =	wrdreg $0x84000  }
0xb0: {  	[dreg:$0x4] =	wrdreg $0x9  }
0xb1: {  	_ =	task.clear_ibuf [dreg:s6], $0x5FFFF;
	_ =	strace $0x9000004F  }
0xb2: {  	s29 =	simm.s32 $0x9;
	_ =	strace $0x80000051  }
0xb3: {  	_ =	swait.ge [sflag:s29], $0x1  }
0xb4: {  	[sflag:s29] =	ssyncadd.s32 $0xFFFFFFFF  }
0xb5: {  	_ =	strace $0x90000051  }
0xb6: {  	_ =	sfence  }
0xb7: {  	s30 =	sld [smem:$0x0];
	_ =	sdelay $0x2  }
0xb8: {  	s31 =	sshll.u32 s1, $0xD;
	s1 =	sshrl.u32 s1, $0x2  }
0xb9: {  	s3 =	sand.u32 $0x4000, s31;
	s1 =	sadd.s32 s1, s30  }
0xba: {  	s0 =	sor.u32 s3, s0;
	s1 =	sshll.u32 s1, $0x11  }
0xbb: {  	s0 =	sor.u32 s1, s0  }
0xbc: {  	s0 =	sadd.s32 $0x8F2B, s0  }
0xbd: {  	[sflag:s0] =	ssyncadd.remote.s32 $0x1  }
0xbe: {  	_ =	sfence.sel $0xFFFF  }
0xbf: {  	[dreg:$0x0] =	wrdreg $0xFFFFFFFF;
	(pc) =	sbr.abs _section_cstart, $3  }
0xc0: {  	[dreg:$0x1] =	wrdreg $0xFFFFFFFF  }
0xc1: {  	_ =	task.clear_ibuf [dreg:s6], $0x2FFFF;
	_ =	strace $0x9FFFFFFF  }
0xc2: {  	(tm) =	ssettm $0x7FFFFFFF  }
0xc3: {  	_ =	shalt  }
tec
execute0_lowered:
.L_overlay_start_1:
0x0: {  	(tag) =	ssettag $0x1  }
0x1: {  	s0 =	rddreg [dreg:$0x0]  }
0x2: {  	s1 =	rddreg [dreg:$0x1];
	s3 =	simm.s32 $0x0  }
0x3: {  	s2 =	srdreg.scid;
	s22 =	stileid.u32;
	s17 =	simm.s32 $0x4  }
0x4: {  	s18 =	simm.s32 $0x7D;
	s19 =	simm.s32 $0x400;
	s20 =	simm.s32 $0x100  }
0x5: {  	s28 =	simm.s32 $0x1;
	s29 =	simm.s32 $0x0;
	[smem:$0x7FF] =	sst s3  }
0x6: {  	s8 =	sand.u32 $0x1, s2;
	s10 =	smul.u32 $0x14000, s22;
	s4 =	sadd.s32 $0x24A00, s0  }
0x7: {  	s5 =	sadd.s32 $0x10A00, s0;
	s6 =	sadd.s32 $0x1AA00, s0;
	s25 =	smul.u32 $0x50000, s22  }
0x8: {  	s7 =	sadd.s32 $0x4BC00, s0;
	s30 =	sshll.u32 s22, $0x6;
	s9 =	smul.u32 $0x140000, s8  }
0x9: {  	_ =	strace $0x80000050;
	s23 =	sshll.u32 s8, $0x4;
	s11 =	ssub.s32 $0x2, s8  }
0xa: {  	[dreg:$0x3] =	wrdreg s7;
	s24 =	sor.u32 s22, s23;
	s12 =	sshrl.u32 s11, $0x1  }
0xb: {  	s26 =	sshrl.u32 s25, $0x2;
	s23 =	simm.s32 $0x4400;
	s9 =	sadd.s32 s10, s9  }
0xc: {  	s8 =	smul.u32 $0x2800, s24;
	s13 =	ssub.s32 s11, s12;
	s16 =	sadd.s32 s26, s1  }
.Ltmp0:
0xd: {  	s24 =	simm.s32 $0x2;
	s26 =	simm.s32 $0x3;
	(pc) =	sbr.rel .LBB2_1-.Ltmp0, $4  }
0xe: {  	s9 =	sshrl.u32 s9, $0x3;
	s13 =	smax.u32 s13, $0x1;
	s16 =	sshrl.u32 s16, $0x3  }
0xf: {  	s0 =	sadd.s32 s9, s0;
	s14 =	sshrl.u32 s8, $0x3;
	s9 =	sor.u32 $0x1C04, s30  }
0x10: {  	s10 =	sadd.s32 s5, s14;
	s11 =	sadd.s32 s6, s14;
	s31 =	sor.u32 $0x20, s14  }
0x11: {  	s12 =	sadd.s32 $0x4E400, s0;
	s14 =	sadd.s32 s5, s31;
	s15 =	sadd.s32 s6, s31  }
.LBB2_4:
0x12: {  	_ =	swait.ge [sflag:s24], $0x3E80  }
0x13: {  	s29 =	sadd.s32 $0x1, s29;
	[sflag:s24] =	ssyncset.done $0x0  }
0x14: {  	p0 =	sne.s32 s29, s13;
	[sflag:s24] =	ssyncadd.s32 $0xFFFFC180  }
.Ltmp1:
0x15: {  	[bflag:$0x0] =	sbarrier.arrive $0xFFFF;
	(pc) =	sbr.rel @!p0 .LBB2_5-.Ltmp1, $4  }
0x16: {  	[hbm:s12], [sflag:s9] =	dma.local [spmem:s16], $0x2800  }
0x17: {  	_ =	swait.ge [sflag:s17], $0x2800  }
0x18: {  	[sflag:s17] =	ssyncset.done $0x0  }
0x19: {  	[sflag:s17] =	ssyncadd.s32 $0xFFFFD800  }
.LBB2_1:
0x1a: {  	s0 =	rddreg [dreg:$0x3]  }
0x1b: {  	[spmem:s16], [sflag:s9] =	dma.local [hbm:s0], $0x2800  }
0x1c: {  	_ =	swait.ge [sflag:s17], $0x2800  }
0x1d: {  	[sflag:s17] =	ssyncset.done $0x0  }
0x1e: {  	[sflag:s17] =	ssyncadd.s32 $0xFFFFD800  }
0x1f: {  	[tilespmem:s3], [sflag:$0x4] =	stream.linear.gather [hbm4b:s10+s3], $0x100, $0x38;
	[tilespmem:$0x1C400] =	vst v63  }
0x20: {  	_ =	swait.ge [sflag:s17], $0x100  }
0x21: {  	[sflag:s17] =	ssyncset.done $0x0  }
0x22: {  	s30 =	simm.s32 $0x200;
	[sflag:s17] =	ssyncadd.s32 $0xFFFFFF00  }
0x23: {  	[tilespmem:s30], [sflag:$0x4] =	stream.linear.gather [hbm4b:s11+s3], $0x100, $0x38;
	[tilespmem:$0x1C400] =	vst v63  }
0x24: {  	_ =	swait.ge [sflag:s17], $0x100  }
0x25: {  	[sflag:s17] =	ssyncset.done $0x0  }
0x26: {  	[sflag:s17] =	ssyncadd.s32 $0xFFFFFF00  }
0x27: {  	[bflag:$0x0] =	sbarrier.arrive $0xFFFF  }
0x28: {  	[tilespmem:s19], [sflag:$0x1] =	stream.indirect.gather [hbm4b:s4+s18], $0x80, s3, s18, $0xb8;
	[tilespmem:$0x1C400] =	vst v63  }
0x29: {  	_ =	swait.ge [sflag:s28], $0x3E80  }
0x2a: {  	[sflag:s28] =	ssyncset.done $0x0  }
0x2b: {  	[sflag:s28] =	ssyncadd.s32 $0xFFFFC180  }
0x2c: {  	[tilespmem:s20], [sflag:$0x3] =	stream.linear.gather [hbm4b:s14+s3], $0x100, $0x38;
	[tilespmem:$0x1C400] =	vst v63  }
0x2d: {  	s21 =	simm.s32 $0x300  }
0x2e: {  	[tilespmem:s21], [sflag:$0x3] =	stream.linear.gather [hbm4b:s15+s3], $0x100, $0x38;
	[tilespmem:$0x1C400] =	vst v63  }
0x2f: {  	_ = 	snop  }
0x30: {  	[spmem:s1] =	stream.indirect.scatter.add.f32 [tilespmem:s19], [sflag:$0x2], $0x80, s30, s18, $0xb8;
	[tilespmem:$0x1C400] =	vst v63  }
0x31: {  	s22 =	simm.s32 $0x80  }
0x32: {  	[tilespmem:s23], [sflag:$0x1] =	stream.indirect.gather [hbm4b:s4+s18], $0x80, s22, s18, $0xb8;
	[tilespmem:$0x1C400] =	vst v63  }
0x33: {  	_ =	swait.ge [sflag:s28], $0x3E80  }
0x34: {  	[sflag:s28] =	ssyncset.done $0x0  }
0x35: {  	[sflag:s28] =	ssyncadd.s32 $0xFFFFC180  }
0x36: {  	_ =	swait.ge [sflag:s24], $0x3E80  }
0x37: {  	[sflag:s24] =	ssyncset.done $0x0  }
0x38: {  	s25 =	simm.s32 $0x280;
	[sflag:s24] =	ssyncadd.s32 $0xFFFFC180  }
0x39: {  	[spmem:s1] =	stream.indirect.scatter.add.f32 [tilespmem:s23], [sflag:$0x2], $0x80, s25, s18, $0xb8;
	[tilespmem:$0x1C400] =	vst v63  }
0x3a: {  	_ =	swait.ge [sflag:s26], $0x100  }
0x3b: {  	[sflag:s26] =	ssyncset.done $0x0  }
0x3c: {  	[sflag:s26] =	ssyncadd.s32 $0xFFFFFF00  }
0x3d: {  	_ =	swait.ge [sflag:s26], $0x100  }
0x3e: {  	[sflag:s26] =	ssyncset.done $0x0  }
0x3f: {  	s31 =	simm.s32 $0x1;
	[sflag:s26] =	ssyncadd.s32 $0xFFFFFF00  }
0x40: {  	[tilespmem:s19], [sflag:$0x1] =	stream.indirect.gather [hbm4b:s4+s18], $0x80, s20, s18, $0xb8;
	[tilespmem:$0x1C400] =	vst v63  }
.LBB2_2:
0x41: {  	_ =	swait.ge [sflag:s28], $0x3E80;
	p0 =	seq.s32 s31, $0x27  }
0x42: {  	s21 =	sand.u32 $0x1, s31;
	[sflag:s28] =	ssyncset.done $0x0;
	s0 =	sand.u32 @!p0 $0x7C00, s30  }
0x43: {  	s2 =	sand.u32 @!p0 $0x300, s30;
	[sflag:s28] =	ssyncadd.s32 $0xFFFFC180;
	s0 =	sadd.s32 @!p0 s8, s0  }
0x44: {  	s7 =	simm.s32 @!p0 $0x0;
	_ =	swait.ge [sflag:s24], $0x3E80;
	s2 =	sor.u32 @!p0 s2, s0  }
0x45: {  	s0 =	sxor.u32 $0x1, s21;
	[sflag:s24] =	ssyncset.done $0x0;
	s2 =	sshrl.u32 @!p0 s2, $0x3  }
0x46: {  	s22 =	sshll.u32 @!p0 s0, $0x8;
	[sflag:s24] =	ssyncadd.s32 $0xFFFFC180;
	s25 =	sadd.s32 @!p0 s5, s2  }
0x47: {  	[tilespmem:s22], [sflag:$0x3] =	stream.linear.gather @!p0 [hbm4b:s25+s7], $0x100, $0x38;
	[tilespmem:$0x1C400] =	vst v63  }
0x48: {  	s21 =	sshll.u32 s21, $0x8;
	s2 =	sadd.s32 @!p0 s6, s2;
	s22 =	sor.u32 @!p0 $0x200, s22  }
0x49: {  	[tilespmem:s22], [sflag:$0x3] =	stream.linear.gather @!p0 [hbm4b:s2+s7], $0x100, $0x38;
	[tilespmem:$0x1C400] =	vst v63  }
0x4a: {  	s22 =	sor.u32 $0x200, s21  }
0x4b: {  	[spmem:s1] =	stream.indirect.scatter.add.f32 [tilespmem:s19], [sflag:$0x2], $0x80, s22, s18, $0xb8;
	[tilespmem:$0x1C400] =	vst v63  }
0x4c: {  	s25 =	sor.u32 $0x80, s21  }
0x4d: {  	[tilespmem:s23], [sflag:$0x1] =	stream.indirect.gather [hbm4b:s4+s18], $0x80, s25, s18, $0xb8;
	[tilespmem:$0x1C400] =	vst v63  }
0x4e: {  	_ =	swait.ge [sflag:s28], $0x3E80  }
0x4f: {  	[sflag:s28] =	ssyncset.done $0x0  }
.Ltmp2:
0x50: {  	[sflag:s28] =	ssyncadd.s32 $0xFFFFC180;
	(pc) =	sbr.rel @p0 .LBB2_4-.Ltmp2, $4  }
0x51: {  	_ =	swait.ge [sflag:s24], $0x3E80  }
0x52: {  	[sflag:s24] =	ssyncset.done $0x0  }
0x53: {  	s2 =	sor.u32 $0x280, s21;
	[sflag:s24] =	ssyncadd.s32 $0xFFFFC180  }
0x54: {  	[spmem:s1] =	stream.indirect.scatter.add.f32 [tilespmem:s23], [sflag:$0x2], $0x80, s2, s18, $0xb8;
	[tilespmem:$0x1C400] =	vst v63  }
0x55: {  	_ =	swait.ge [sflag:s26], $0x100  }
0x56: {  	[sflag:s26] =	ssyncset.done $0x0  }
.Ltmp3:
0x57: {  	[sflag:s26] =	ssyncadd.s32 $0xFFFFFF00;
	(pc) =	sbr.rel .LBB2_2-.Ltmp3, $4  }
0x58: {  	_ =	swait.ge [sflag:s26], $0x100  }
0x59: {  	s0 =	sshll.u32 s0, $0x8;
	[sflag:s26] =	ssyncset.done $0x0  }
0x5a: {  	s31 =	sadd.s32 $0x1, s31;
	s30 =	sadd.s32 $0x100, s30;
	[sflag:s26] =	ssyncadd.s32 $0xFFFFFF00  }
0x5b: {  	[tilespmem:s19], [sflag:$0x1] =	stream.indirect.gather [hbm4b:s4+s18], $0x80, s0, s18, $0xb8;
	[tilespmem:$0x1C400] =	vst v63  }
.LBB2_5:
0x5c: {  	_ =	sfence.sel $0x180000  }
0x5d: {  	[bflag:$0x0] =	sbarrier.arrive $0xFFFF  }
0x5e: {  	_ =	strace $0x90000050  }
0x5f: {  	s0 =	stileid.u32;
	[bflag:$0x2] =	sbarrier.arrive $0xFFFF  }
0x60: {  	p0 =	sne.s32 s0, $0x0;
	s0 =	rddreg [dreg:$0x2]  }
0x61: {  	s0 =	sadd.s32 @!p0 $0x100000, s0  }
0x62: {  	[sflag:s0] =	ssyncadd.tile.s32 @!p0 $0x1;
	_ =	shalt  }
.Lfunc_end2:
_tile_overlayer_lowered:
.L_overlay_start_2:
0x63: {  	(tag) =	ssettag $0x2  }
0x64: {  	s0 =	rddreg [dreg:$0x0];
	s2 =	stileid.u32  }
0x65: {  	s1 =	rddreg [dreg:$0x1];
	p0 =	sne.s32 s2, $0x0  }
0x66: {  	s3 =	rddreg [dreg:$0x2];
	[bflag:$0x3] =	sbarrier.arrive $0xFFFF;
	s2 =	simm.s32 @!p0 $0x1C04  }
0x67: {  	[timem:s3], [sflag:s2] =	dma.local @!p0 [hbm:s0], s1  }
0x68: {  	s0 =	simm.s32 @!p0 $0x4  }
0x69: {  	_ =	swait.ge @!p0 [sflag:s0], s1  }
0x6a: {  	s1 =	ssub.s32 @!p0 $0x0, s1;
	[sflag:s0] =	ssyncset.done @!p0 $0x0  }
0x6b: {  	[sflag:s0] =	ssyncadd.s32 @!p0 s1  }
0x6c: {  	[bflag:$0x3] =	sbarrier.arrive $0xFFFF  }
0x6d: {  	_ =	shalt  }

// kernel: kernel.26.cloned.1.call-start
scs
__scs_entry_jumppad:
0x0: {  	(pc) =	sbr.rel $0x88, $3  }
0x1: {  	(tag) =	ssettag $0x0;
	lr =	simm.s32 $0x1  }
0x2: {  	[smem:$0x3F5B] =	sst lr;
	_ =	strace $0xD0000000  }
0x3: {  	_ = 	snop  }
0x4: {  	_ = 	snop  }
0x5: {  	_ = 	snop  }
0x6: {  	_ = 	snop  }
0x7: {  	_ = 	snop  }
__scs_overlays_trampoline_lowered:
0x8: {  	[smem:$0x3F6A] =	sst s0  }
0x9: {  	[smem:$0x3F6B] =	sst s1  }
0xa: {  	[smem:$0x3F6C] =	sst s2  }
0xb: {  	[smem:$0x3F6D] =	sst s3  }
0xc: {  	[smem:$0x3F6E] =	sst s4  }
0xd: {  	[smem:$0x3F6F] =	sst s5  }
0xe: {  	[smem:$0x3F70] =	sst s6  }
0xf: {  	[smem:$0x3F71] =	sst s7  }
0x10: {  	[smem:$0x3F72] =	sst s8  }
0x11: {  	[smem:$0x3F73] =	sst s9;
	s0 =	simm.s32 @!p0 $0x0  }
0x12: {  	s1 =	sld [smem:$0x3F59];
	s0 =	simm.s32 @p0 $0x1  }
0x13: {  	[smem:$0x3F74] =	sst s0;
	s0 =	simm.s32 @!p1 $0x0  }
0x14: {  	s2 =	sld [smem:$0x3F58];
	s0 =	simm.s32 @p1 $0x1  }
0x15: {  	[smem:$0x3F75] =	sst s0;
	s0 =	simm.s32 @!p2 $0x0  }
0x16: {  	s3 =	sld [smem:$0x3FDB];
	s0 =	simm.s32 @p2 $0x1  }
0x17: {  	s4 =	simm.s32 $0x1BF5;
	[smem:$0x3F77] =	sst s0  }
0x18: {  	s0 =	sld [smem:$0x3F5A];
	_ =	swait.ge [sflag:s4], $0x0  }
0x19: {  	s7 =	sld [smem:$0x3F5B]  }
0x1a: {  	s8 =	sadd.s32 $0xFFFFE003, lr  }
0x1b: {  	s9 =	sadd.s32 $0xFFFFFEF7, lr;
	s5 =	simm.s32 $0xFFFFFFFF;
	p2 =	slt.u32 s8, $0xFFFFF086  }
0x1c: {  	p1 =	slt.u32 s9, $0xF7A;
	s5 =	simm.s32 @!p2 $0x0  }
0x1d: {  	s5 =	simm.s32 @p1 $0x1;
	p0 =	seq.s32 s7, s2  }
0x1e: {  	s7 =	smul.u32 @!p0 $0xF7A, s2;
	p2 =	seq.s32 @!p0 s5, $0x0  }
0x1f: {  	s9 =	smul.u32 $0xF7A, s1;
	s8 =	simm.s32 @!p0 $0x1BF5;
	p2 =	por !p2, p0  }
0x20: {  	[sflag:s8] =	ssyncset.s32 @!p0 $0xFFFFF086;
	s6 =	sadd.s32 @!p0 s3, s7;
	s7 =	simm.s32 @!p0 $0x108  }
0x21: {  	s3 =	sadd.s32 s3, s9;
	s6 =	sadd.s32 @!p0 $0x88, s6;
	s7 =	simm.s32 @p2 $0x1082  }
0x22: {  	[simem:s7], [sflag:s8] =	dma.local @!p0 [hbm:s6], $0xF7A  }
0x23: {  	s9 =	sor.u32 $0xD0000000, s2;
	s6 =	simm.s32 $0x108;
	_ =	swait.ge @!p0 [sflag:s8], $0x0  }
0x24: {  	s3 =	sadd.s32 $0x88, s3;
	s6 =	simm.s32 @!p1 $0x1082;
	[sflag:s4] =	ssyncset.s32 $0xFFFFF086  }
0x25: {  	[simem:s6], [sflag:s4] =	dma.local [hbm:s3], $0xF7A  }
0x26: {  	[smem:$0x3F5B] =	sst s1;
	(tag) =	ssettag s2;
	_ =	strace s9  }
0x27: {  	s1 =	sld [smem:$0x3F6B]  }
0x28: {  	s2 =	sld [smem:$0x3F6C]  }
0x29: {  	s4 =	sld [smem:$0x3F6E]  }
0x2a: {  	p0 =	seq.s32 s5, $0x0;
	s5 =	sld [smem:$0x3F6F]  }
0x2b: {  	s6 =	sld [smem:$0x3F70]  }
0x2c: {  	s7 =	sld [smem:$0x3F71]  }
0x2d: {  	s3 =	simm.s32 $0x108;
	s8 =	sld [smem:$0x3F72]  }
0x2e: {  	s3 =	simm.s32 @!p0 $0x1082;
	s9 =	sld [smem:$0x3F73]  }
0x2f: {  	lr =	sadd.s32 s0, s3;
	s0 =	sld [smem:$0x3F6A]  }
0x30: {  	s3 =	sld [smem:$0x3F6D]  }
0x31: {  	[smem:$0x3F76] =	sst s10  }
0x32: {  	s10 =	sld [smem:$0x3F74];
	_ =	sdelay $0x3  }
0x33: {  	p0 =	seq.s32 s10, $0x1;
	s10 =	sld [smem:$0x3F76];
	_ =	sdelay $0x3  }
0x34: {  	[smem:$0x3F76] =	sst s10  }
0x35: {  	s10 =	sld [smem:$0x3F75];
	_ =	sdelay $0x3  }
0x36: {  	p1 =	seq.s32 s10, $0x1;
	s10 =	sld [smem:$0x3F76];
	_ =	sdelay $0x3  }
0x37: {  	[smem:$0x3F76] =	sst s10  }
0x38: {  	s10 =	sld [smem:$0x3F77]  }
0x39: {  	_ = 	snop;
	(pc) =	sbr.ind lr, $3  }
0x3a: {  	_ = 	snop  }
0x3b: {  	_ = 	snop  }
0x3c: {  	p2 =	seq.s32 s10, $0x1;
	s10 =	sld [smem:$0x3F76]  }
0x3d: {  	_ =	shalt  }
0x3e: {  	_ =	shalt  }
0x3f: {  	_ =	shalt  }
0x40: {  	_ =	shalt  }
0x41: {  	_ =	shalt  }
0x42: {  	_ =	shalt  }
0x43: {  	_ =	shalt  }
0x44: {  	_ =	shalt  }
0x45: {  	_ =	shalt  }
0x46: {  	_ =	shalt  }
0x47: {  	_ =	shalt  }
0x48: {  	_ =	shalt  }
0x49: {  	_ =	shalt  }
0x4a: {  	_ =	shalt  }
0x4b: {  	_ =	shalt  }
0x4c: {  	_ =	shalt  }
0x4d: {  	_ =	shalt  }
0x4e: {  	_ =	shalt  }
0x4f: {  	_ =	shalt  }
0x50: {  	_ =	shalt  }
0x51: {  	_ =	shalt  }
0x52: {  	_ =	shalt  }
0x53: {  	_ =	shalt  }
0x54: {  	_ =	shalt  }
0x55: {  	_ =	shalt  }
0x56: {  	_ =	shalt  }
0x57: {  	_ =	shalt  }
0x58: {  	_ =	shalt  }
0x59: {  	_ =	shalt  }
0x5a: {  	_ =	shalt  }
0x5b: {  	_ =	shalt  }
0x5c: {  	_ =	shalt  }
0x5d: {  	_ =	shalt  }
0x5e: {  	_ =	shalt  }
0x5f: {  	_ =	shalt  }
0x60: {  	_ =	shalt  }
0x61: {  	_ =	shalt  }
0x62: {  	_ =	shalt  }
0x63: {  	_ =	shalt  }
0x64: {  	_ =	shalt  }
0x65: {  	_ =	shalt  }
0x66: {  	_ =	shalt  }
0x67: {  	_ =	shalt  }
0x68: {  	_ =	shalt  }
0x69: {  	_ =	shalt  }
0x6a: {  	_ =	shalt  }
0x6b: {  	_ =	shalt  }
0x6c: {  	_ =	shalt  }
0x6d: {  	_ =	shalt  }
0x6e: {  	_ =	shalt  }
0x6f: {  	_ =	shalt  }
0x70: {  	_ =	shalt  }
0x71: {  	_ =	shalt  }
0x72: {  	_ =	shalt  }
0x73: {  	_ =	shalt  }
0x74: {  	_ =	shalt  }
0x75: {  	_ =	shalt  }
0x76: {  	_ =	shalt  }
0x77: {  	_ =	shalt  }
0x78: {  	_ =	shalt  }
0x79: {  	_ =	shalt  }
0x7a: {  	_ =	shalt  }
0x7b: {  	_ =	shalt  }
0x7c: {  	_ =	shalt  }
0x7d: {  	_ =	shalt  }
0x7e: {  	_ =	shalt  }
0x7f: {  	_ =	shalt  }
0x80: {  	_ =	shalt  }
0x81: {  	_ =	shalt  }
0x82: {  	_ =	shalt  }
0x83: {  	_ =	shalt  }
0x84: {  	_ =	shalt  }
0x85: {  	_ =	shalt  }
0x86: {  	_ =	shalt  }
0x87: {  	_ =	shalt  }
.Lfunc_end0:
.L_simem_size_0:
called_computation.4_lowered:
.L_overlay_start_0:
0x88: {  	s2 =	sld [smem:$0x3FD9]  }
0x89: {  	s3 =	sld [smem:$0x3FFE];
	_ =	sdelay $0x1  }
0x8a: {  	s1 =	srdreg.scid  }
0x8b: {  	s0 =	sand.u32 $0x1, s1  }
0x8c: {  	s16 =	sshll.u32 s0, $0xA;
	s2 =	sadd.s32 s3, s2  }
0x8d: {  	s2 =	sadd.s32 s2, s16  }
0x8e: {  	[smem:$0x3F82] =	sst s2  }
0x8f: {  	_ = 	snop  }
0x90: {  	(tm) =	ssettm $0x1  }
0x91: {  	s17 =	sld [smem:$0x3FFB];
	_ =	sdelay $0x3  }
0x92: {  	_ =	strace s17  }
0x93: {  	s2 =	sld [smem:$0x3FFC];
	_ =	sdelay $0x3  }
0x94: {  	_ =	strace s2  }
0x95: {  	s2 =	sld [smem:$0x3FFD];
	_ =	sdelay $0x3  }
0x96: {  	_ =	strace s2  }
0x97: {  	_ =	strace $0x8FFFFFFF  }
0x98: {  	s18 =	sld [smem:$0x3FDB];
	_ =	sdelay $0x1  }
0x99: {  	s19 =	simm.s32 $_scs_section_size  }
0x9a: {  	s4 =	simm.s32 $_size__tile_overlayer_lowered;
	s5 =	simm.s32 $_tile_overlayer_lowered  }
0x9b: {  	s22 =	simm.s32 $0x1BFF;
	s21 =	sshll.u32 s5, $0x1;
	s2 =	sadd.s32 s19, s18  }
0x9c: {  	s6 =	simm.s32 $0x0;
	s20 =	sshll.u32 s4, $0x1;
	s4 =	sadd.s32 s21, s2  }
0x9d: {  	[timem:s6], [sflag:s22] =	dma.local [hbm:s4], s20  }
0x9e: {  	_ =	swait.ge [sflag:s22], s20  }
0x9f: {  	s3 =	ssub.s32 $0x0, s20;
	[sflag:s22] =	ssyncset.done $0x0  }
0xa0: {  	[sflag:s22] =	ssyncadd.s32 s3;
	_ =	sdelay $0x1  }
0xa1: {  	s23 =	simm.s32 $0x1B8B  }
0xa2: {  	_ =	swait.ge [sflag:s23], $0x1  }
0xa3: {  	[sflag:s23] =	ssyncset.done $0x0  }
0xa4: {  	s25 =	simm.s32 $0x1B8E;
	s24 =	sld [smem:$0x3FFE];
	[sflag:s23] =	ssyncadd.s32 $0xFFFFFFFF  }
0xa5: {  	s26 =	simm.s32 $execute0_lowered;
	[smem:$0x3FD2] =	sst s25  }
0xa6: {  	s4 =	sshll.u32 s26, $0x1;
	_ =	strace $0x80000052;
	[dreg:$0x1] =	wrdreg $0xFFFFFFFF  }
0xa7: {  	s28 =	simm.s32 $_size_execute0_lowered;
	s2 =	sadd.s32 s2, s4;
	[dreg:$0x0] =	wrdreg $0x0  }
0xa8: {  	s4 =	sshll.u32 s28, $0x1;
	[dreg:$0x2] =	wrdreg s2  }
0xa9: {  	[dreg:$0x3] =	wrdreg s4  }
0xaa: {  	[dreg:$0x4] =	wrdreg $0xC0  }
0xab: {  	_ =	task [dreg:s6], $0x5FFFF  }
0xac: {  	[dreg:$0x1] =	wrdreg $0xFFFFFFFF  }
0xad: {  	[dreg:$0x0] =	wrdreg $0x60  }
0xae: {  	[dreg:$0x2] =	wrdreg s24  }
0xaf: {  	[dreg:$0x3] =	wrdreg $0x84000  }
0xb0: {  	[dreg:$0x4] =	wrdreg $0x9  }
0xb1: {  	_ =	task.clear_ibuf [dreg:s6], $0x5FFFF;
	_ =	strace $0x90000052  }
0xb2: {  	s29 =	simm.s32 $0x9;
	_ =	strace $0x80000054  }
0xb3: {  	_ =	swait.ge [sflag:s29], $0x1  }
0xb4: {  	[sflag:s29] =	ssyncadd.s32 $0xFFFFFFFF  }
0xb5: {  	_ =	strace $0x90000054  }
0xb6: {  	_ =	sfence  }
0xb7: {  	s30 =	sld [smem:$0x0];
	_ =	sdelay $0x2  }
0xb8: {  	s31 =	sshll.u32 s1, $0xD;
	s1 =	sshrl.u32 s1, $0x2  }
0xb9: {  	s3 =	sand.u32 $0x4000, s31;
	s1 =	sadd.s32 s1, s30  }
0xba: {  	s0 =	sor.u32 s3, s0;
	s1 =	sshll.u32 s1, $0x11  }
0xbb: {  	s0 =	sor.u32 s1, s0  }
0xbc: {  	s0 =	sadd.s32 $0x8F2B, s0  }
0xbd: {  	[sflag:s0] =	ssyncadd.remote.s32 $0x1  }
0xbe: {  	_ =	sfence.sel $0xFFFF  }
0xbf: {  	[dreg:$0x0] =	wrdreg $0xFFFFFFFF;
	(pc) =	sbr.abs _section_cstart, $3  }
0xc0: {  	[dreg:$0x1] =	wrdreg $0xFFFFFFFF  }
0xc1: {  	_ =	task.clear_ibuf [dreg:s6], $0x2FFFF;
	_ =	strace $0x9FFFFFFF  }
0xc2: {  	(tm) =	ssettm $0x7FFFFFFF  }
0xc3: {  	_ =	shalt  }
tec
execute0_lowered:
.L_overlay_start_1:
0x0: {  	(tag) =	ssettag $0x1  }
0x1: {  	s0 =	rddreg [dreg:$0x0]  }
0x2: {  	s1 =	rddreg [dreg:$0x1];
	s3 =	simm.s32 $0x0  }
0x3: {  	s2 =	srdreg.scid;
	s22 =	stileid.u32;
	s17 =	simm.s32 $0x4  }
0x4: {  	s18 =	simm.s32 $0x7D;
	s19 =	simm.s32 $0x400;
	s20 =	simm.s32 $0x100  }
0x5: {  	s28 =	simm.s32 $0x1;
	s29 =	simm.s32 $0x0;
	[smem:$0x7FF] =	sst s3  }
0x6: {  	s8 =	sand.u32 $0x1, s2;
	s10 =	smul.u32 $0x14000, s22;
	s4 =	sadd.s32 $0x24A00, s0  }
0x7: {  	s5 =	sadd.s32 $0x10A00, s0;
	s6 =	sadd.s32 $0x1AA00, s0;
	s25 =	smul.u32 $0x50000, s22  }
0x8: {  	s7 =	sadd.s32 $0x4BC00, s0;
	s30 =	sshll.u32 s22, $0x6;
	s9 =	smul.u32 $0x140000, s8  }
0x9: {  	_ =	strace $0x80000053;
	s23 =	sshll.u32 s8, $0x4;
	s11 =	ssub.s32 $0x2, s8  }
0xa: {  	[dreg:$0x3] =	wrdreg s7;
	s24 =	sor.u32 s22, s23;
	s12 =	sshrl.u32 s11, $0x1  }
0xb: {  	s26 =	sshrl.u32 s25, $0x2;
	s23 =	simm.s32 $0x4400;
	s9 =	sadd.s32 s10, s9  }
0xc: {  	s8 =	smul.u32 $0x2800, s24;
	s13 =	ssub.s32 s11, s12;
	s16 =	sadd.s32 s26, s1  }
.Ltmp0:
0xd: {  	s24 =	simm.s32 $0x2;
	s26 =	simm.s32 $0x3;
	(pc) =	sbr.rel .LBB2_1-.Ltmp0, $4  }
0xe: {  	s9 =	sshrl.u32 s9, $0x3;
	s13 =	smax.u32 s13, $0x1;
	s16 =	sshrl.u32 s16, $0x3  }
0xf: {  	s0 =	sadd.s32 s9, s0;
	s14 =	sshrl.u32 s8, $0x3;
	s9 =	sor.u32 $0x1C04, s30  }
0x10: {  	s10 =	sadd.s32 s5, s14;
	s11 =	sadd.s32 s6, s14;
	s31 =	sor.u32 $0x20, s14  }
0x11: {  	s12 =	sadd.s32 $0x4E400, s0;
	s14 =	sadd.s32 s5, s31;
	s15 =	sadd.s32 s6, s31  }
.LBB2_4:
0x12: {  	_ =	swait.ge [sflag:s24], $0x3E80  }
0x13: {  	s29 =	sadd.s32 $0x1, s29;
	[sflag:s24] =	ssyncset.done $0x0  }
0x14: {  	p0 =	sne.s32 s29, s13;
	[sflag:s24] =	ssyncadd.s32 $0xFFFFC180  }
.Ltmp1:
0x15: {  	[bflag:$0x0] =	sbarrier.arrive $0xFFFF;
	(pc) =	sbr.rel @!p0 .LBB2_5-.Ltmp1, $4  }
0x16: {  	[hbm:s12], [sflag:s9] =	dma.local [spmem:s16], $0x2800  }
0x17: {  	_ =	swait.ge [sflag:s17], $0x2800  }
0x18: {  	[sflag:s17] =	ssyncset.done $0x0  }
0x19: {  	[sflag:s17] =	ssyncadd.s32 $0xFFFFD800  }
.LBB2_1:
0x1a: {  	s0 =	rddreg [dreg:$0x3]  }
0x1b: {  	[spmem:s16], [sflag:s9] =	dma.local [hbm:s0], $0x2800  }
0x1c: {  	_ =	swait.ge [sflag:s17], $0x2800  }
0x1d: {  	[sflag:s17] =	ssyncset.done $0x0  }
0x1e: {  	[sflag:s17] =	ssyncadd.s32 $0xFFFFD800  }
0x1f: {  	[tilespmem:s3], [sflag:$0x4] =	stream.linear.gather [hbm4b:s10+s3], $0x100, $0x38;
	[tilespmem:$0x1C400] =	vst v63  }
0x20: {  	_ =	swait.ge [sflag:s17], $0x100  }
0x21: {  	[sflag:s17] =	ssyncset.done $0x0  }
0x22: {  	s30 =	simm.s32 $0x200;
	[sflag:s17] =	ssyncadd.s32 $0xFFFFFF00  }
0x23: {  	[tilespmem:s30], [sflag:$0x4] =	stream.linear.gather [hbm4b:s11+s3], $0x100, $0x38;
	[tilespmem:$0x1C400] =	vst v63  }
0x24: {  	_ =	swait.ge [sflag:s17], $0x100  }
0x25: {  	[sflag:s17] =	ssyncset.done $0x0  }
0x26: {  	[sflag:s17] =	ssyncadd.s32 $0xFFFFFF00  }
0x27: {  	[bflag:$0x0] =	sbarrier.arrive $0xFFFF  }
0x28: {  	[tilespmem:s19], [sflag:$0x1] =	stream.indirect.gather [hbm4b:s4+s18], $0x80, s3, s18, $0xb8;
	[tilespmem:$0x1C400] =	vst v63  }
0x29: {  	_ =	swait.ge [sflag:s28], $0x3E80  }
0x2a: {  	[sflag:s28] =	ssyncset.done $0x0  }
0x2b: {  	[sflag:s28] =	ssyncadd.s32 $0xFFFFC180  }
0x2c: {  	[tilespmem:s20], [sflag:$0x3] =	stream.linear.gather [hbm4b:s14+s3], $0x100, $0x38;
	[tilespmem:$0x1C400] =	vst v63  }
0x2d: {  	s21 =	simm.s32 $0x300  }
0x2e: {  	[tilespmem:s21], [sflag:$0x3] =	stream.linear.gather [hbm4b:s15+s3], $0x100, $0x38;
	[tilespmem:$0x1C400] =	vst v63  }
0x2f: {  	_ = 	snop  }
0x30: {  	[spmem:s1] =	stream.indirect.scatter.add.f32 [tilespmem:s19], [sflag:$0x2], $0x80, s30, s18, $0xb8;
	[tilespmem:$0x1C400] =	vst v63  }
0x31: {  	s22 =	simm.s32 $0x80  }
0x32: {  	[tilespmem:s23], [sflag:$0x1] =	stream.indirect.gather [hbm4b:s4+s18], $0x80, s22, s18, $0xb8;
	[tilespmem:$0x1C400] =	vst v63  }
0x33: {  	_ =	swait.ge [sflag:s28], $0x3E80  }
0x34: {  	[sflag:s28] =	ssyncset.done $0x0  }
0x35: {  	[sflag:s28] =	ssyncadd.s32 $0xFFFFC180  }
0x36: {  	_ =	swait.ge [sflag:s24], $0x3E80  }
0x37: {  	[sflag:s24] =	ssyncset.done $0x0  }
0x38: {  	s25 =	simm.s32 $0x280;
	[sflag:s24] =	ssyncadd.s32 $0xFFFFC180  }
0x39: {  	[spmem:s1] =	stream.indirect.scatter.add.f32 [tilespmem:s23], [sflag:$0x2], $0x80, s25, s18, $0xb8;
	[tilespmem:$0x1C400] =	vst v63  }
0x3a: {  	_ =	swait.ge [sflag:s26], $0x100  }
0x3b: {  	[sflag:s26] =	ssyncset.done $0x0  }
0x3c: {  	[sflag:s26] =	ssyncadd.s32 $0xFFFFFF00  }
0x3d: {  	_ =	swait.ge [sflag:s26], $0x100  }
0x3e: {  	[sflag:s26] =	ssyncset.done $0x0  }
0x3f: {  	s31 =	simm.s32 $0x1;
	[sflag:s26] =	ssyncadd.s32 $0xFFFFFF00  }
0x40: {  	[tilespmem:s19], [sflag:$0x1] =	stream.indirect.gather [hbm4b:s4+s18], $0x80, s20, s18, $0xb8;
	[tilespmem:$0x1C400] =	vst v63  }
.LBB2_2:
0x41: {  	_ =	swait.ge [sflag:s28], $0x3E80;
	p0 =	seq.s32 s31, $0x27  }
0x42: {  	s21 =	sand.u32 $0x1, s31;
	[sflag:s28] =	ssyncset.done $0x0;
	s0 =	sand.u32 @!p0 $0x7C00, s30  }
0x43: {  	s2 =	sand.u32 @!p0 $0x300, s30;
	[sflag:s28] =	ssyncadd.s32 $0xFFFFC180;
	s0 =	sadd.s32 @!p0 s8, s0  }
0x44: {  	s7 =	simm.s32 @!p0 $0x0;
	_ =	swait.ge [sflag:s24], $0x3E80;
	s2 =	sor.u32 @!p0 s2, s0  }
0x45: {  	s0 =	sxor.u32 $0x1, s21;
	[sflag:s24] =	ssyncset.done $0x0;
	s2 =	sshrl.u32 @!p0 s2, $0x3  }
0x46: {  	s22 =	sshll.u32 @!p0 s0, $0x8;
	[sflag:s24] =	ssyncadd.s32 $0xFFFFC180;
	s25 =	sadd.s32 @!p0 s5, s2  }
0x47: {  	[tilespmem:s22], [sflag:$0x3] =	stream.linear.gather @!p0 [hbm4b:s25+s7], $0x100, $0x38;
	[tilespmem:$0x1C400] =	vst v63  }
0x48: {  	s21 =	sshll.u32 s21, $0x8;
	s2 =	sadd.s32 @!p0 s6, s2;
	s22 =	sor.u32 @!p0 $0x200, s22  }
0x49: {  	[tilespmem:s22], [sflag:$0x3] =	stream.linear.gather @!p0 [hbm4b:s2+s7], $0x100, $0x38;
	[tilespmem:$0x1C400] =	vst v63  }
0x4a: {  	s22 =	sor.u32 $0x200, s21  }
0x4b: {  	[spmem:s1] =	stream.indirect.scatter.add.f32 [tilespmem:s19], [sflag:$0x2], $0x80, s22, s18, $0xb8;
	[tilespmem:$0x1C400] =	vst v63  }
0x4c: {  	s25 =	sor.u32 $0x80, s21  }
0x4d: {  	[tilespmem:s23], [sflag:$0x1] =	stream.indirect.gather [hbm4b:s4+s18], $0x80, s25, s18, $0xb8;
	[tilespmem:$0x1C400] =	vst v63  }
0x4e: {  	_ =	swait.ge [sflag:s28], $0x3E80  }
0x4f: {  	[sflag:s28] =	ssyncset.done $0x0  }
.Ltmp2:
0x50: {  	[sflag:s28] =	ssyncadd.s32 $0xFFFFC180;
	(pc) =	sbr.rel @p0 .LBB2_4-.Ltmp2, $4  }
0x51: {  	_ =	swait.ge [sflag:s24], $0x3E80  }
0x52: {  	[sflag:s24] =	ssyncset.done $0x0  }
0x53: {  	s2 =	sor.u32 $0x280, s21;
	[sflag:s24] =	ssyncadd.s32 $0xFFFFC180  }
0x54: {  	[spmem:s1] =	stream.indirect.scatter.add.f32 [tilespmem:s23], [sflag:$0x2], $0x80, s2, s18, $0xb8;
	[tilespmem:$0x1C400] =	vst v63  }
0x55: {  	_ =	swait.ge [sflag:s26], $0x100  }
0x56: {  	[sflag:s26] =	ssyncset.done $0x0  }
.Ltmp3:
0x57: {  	[sflag:s26] =	ssyncadd.s32 $0xFFFFFF00;
	(pc) =	sbr.rel .LBB2_2-.Ltmp3, $4  }
0x58: {  	_ =	swait.ge [sflag:s26], $0x100  }
0x59: {  	s0 =	sshll.u32 s0, $0x8;
	[sflag:s26] =	ssyncset.done $0x0  }
0x5a: {  	s31 =	sadd.s32 $0x1, s31;
	s30 =	sadd.s32 $0x100, s30;
	[sflag:s26] =	ssyncadd.s32 $0xFFFFFF00  }
0x5b: {  	[tilespmem:s19], [sflag:$0x1] =	stream.indirect.gather [hbm4b:s4+s18], $0x80, s0, s18, $0xb8;
	[tilespmem:$0x1C400] =	vst v63  }
.LBB2_5:
0x5c: {  	_ =	sfence.sel $0x180000  }
0x5d: {  	[bflag:$0x0] =	sbarrier.arrive $0xFFFF  }
0x5e: {  	_ =	strace $0x90000053  }
0x5f: {  	s0 =	stileid.u32;
	[bflag:$0x2] =	sbarrier.arrive $0xFFFF  }
0x60: {  	p0 =	sne.s32 s0, $0x0;
	s0 =	rddreg [dreg:$0x2]  }
0x61: {  	s0 =	sadd.s32 @!p0 $0x100000, s0  }
0x62: {  	[sflag:s0] =	ssyncadd.tile.s32 @!p0 $0x1;
	_ =	shalt  }
.Lfunc_end2:
_tile_overlayer_lowered:
.L_overlay_start_2:
0x63: {  	(tag) =	ssettag $0x2  }
0x64: {  	s0 =	rddreg [dreg:$0x0];
	s2 =	stileid.u32  }
0x65: {  	s1 =	rddreg [dreg:$0x1];
	p0 =	sne.s32 s2, $0x0  }
0x66: {  	s3 =	rddreg [dreg:$0x2];
	[bflag:$0x3] =	sbarrier.arrive $0xFFFF;
	s2 =	simm.s32 @!p0 $0x1C04  }
0x67: {  	[timem:s3], [sflag:s2] =	dma.local @!p0 [hbm:s0], s1  }
0x68: {  	s0 =	simm.s32 @!p0 $0x4  }
0x69: {  	_ =	swait.ge @!p0 [sflag:s0], s1  }
0x6a: {  	s1 =	ssub.s32 @!p0 $0x0, s1;
	[sflag:s0] =	ssyncset.done @!p0 $0x0  }
0x6b: {  	[sflag:s0] =	ssyncadd.s32 @!p0 s1  }
0x6c: {  	[bflag:$0x3] =	sbarrier.arrive $0xFFFF  }
0x6d: {  	_ =	shalt  }

</sc_bundles>
